<compile_context>
chip_gen: v7x
topology: tpu7x:2x2x1
jax: 0.10.2.dev20260603
libtpu: 0.0.44.dev20260713+nightly
codegen_flags: <defaults>
</compile_context>

<pallas_src>
import jax
import jax.numpy as jnp
from jax import lax
from jax.experimental import pallas as pl
from jax.experimental.pallas import tpu as pltpu
from jax.experimental.pallas import tpu_sc as plsc

B = 16384
D = 32
NG = 20
NO = 21

NC = 2
NS = 16
NW = NC * NS
BW = B // NW
NCHUNK = 4
CH = BW // NCHUNK
GROUPS = BW // 16


def _small_body(uid_hbm, iid_hbm, occ_hbm, genre_hbm,
                ubias_hbm, ibias_hbm, obias_hbm, gemb_hbm, gbias_hbm,
                p_hbm, gsc_hbm,
                uidx_v, iidx_v, occ_v, genre_v,
                ubias_v, ibias_v, obias_v, gemb_v, gbias_v,
                p_v, gsc_v, sem):
  wid = lax.axis_index("s") * NC + lax.axis_index("c")
  base = wid * BW

  pltpu.sync_copy(uid_hbm.at[wid], uidx_v)
  pltpu.sync_copy(iid_hbm.at[wid], iidx_v)
  pltpu.sync_copy(occ_hbm.at[pl.ds(base, BW)], occ_v)
  pltpu.sync_copy(genre_hbm.at[wid], genre_v)
  pltpu.sync_copy(obias_hbm, obias_v)
  pltpu.sync_copy(gemb_hbm, gemb_v)
  pltpu.sync_copy(gbias_hbm, gbias_v)

  copies = []
  for j in range(NCHUNK):
    sl = pl.ds(j * CH, CH)
    copies.append(pltpu.async_copy(ubias_hbm.at[uidx_v.at[j]], ubias_v.at[sl], sem))
    copies.append(pltpu.async_copy(ibias_hbm.at[iidx_v.at[j]], ibias_v.at[sl], sem))

  iota = lax.iota(jnp.int32, 16)

  glo = iota
  ghi = jnp.minimum(iota + 16, NG - 1)
  rs_lo = jnp.zeros((16,), jnp.float32)
  rs_hi = jnp.zeros((16,), jnp.float32)
  for d in range(D):
    dfull = jnp.full((16,), d, jnp.int32)
    rs_lo = rs_lo + plsc.load_gather(gemb_v, [glo, dfull])
    rs_hi = rs_hi + plsc.load_gather(gemb_v, [ghi, dfull])
  rb_lo = gbias_v[0:16]
  rb_hi = gbias_v[16:32]

  zero = jnp.zeros((16,), jnp.float32)
  rs_s = []
  rb_s = []
  for g in range(NG):
    src_rs = rs_lo if g < 16 else rs_hi
    src_rb = rb_lo if g < 16 else rb_hi
    sel = iota == (g % 16)
    rs_s.append(jnp.sum(jnp.where(sel, src_rs, zero)))
    rb_s.append(jnp.sum(jnp.where(sel, src_rb, zero)))

  for c in copies:
    c.wait()

  inv_d = jnp.float32(1.0 / D)

  def group(i, carry):
    bidx = i * 16 + iota
    occ_ids = plsc.load_gather(occ_v, [bidx])
    cnt = jnp.zeros((16,), jnp.float32)
    tot = jnp.zeros((16,), jnp.float32)
    totb = jnp.zeros((16,), jnp.float32)
    for g in range(NG):
      gfull = jnp.full((16,), g, jnp.int32)
      m = plsc.load_gather(genre_v, [bidx, gfull]).astype(jnp.float32)
      cnt = cnt + m
      tot = tot + m * rs_s[g]
      totb = totb + m * rb_s[g]
    bq = plsc.load_gather(ubias_v, [bidx])
    bi = plsc.load_gather(ibias_v, [bidx])
    bo = plsc.load_gather(obias_v, [occ_ids])
    inv = 1.0 / cnt
    plsc.store_scatter(gsc_v, [bidx], (tot * inv) * inv_d)
    plsc.store_scatter(p_v, [bidx], bq + bi + bo + totb * inv)
    return carry

  lax.fori_loop(0, GROUPS, group, 0)
  pltpu.sync_copy(p_v, p_hbm.at[pl.ds(base, BW)])
  pltpu.sync_copy(gsc_v, gsc_hbm.at[pl.ds(base, BW)])


HB = BW // 2
HCH = HB // CH


def _emb_body(uid_hbm, iid_hbm, occ_hbm, u4_hbm, i4_hbm, oemb_hbm,
              p_hbm, gsc_hbm, out_hbm,
              uidx_v, iidx_v, uraw_v, iraw_v, occ_v,
              urows_v, irows_v, oemb_v, p_v, gsc_v, out_v, sem):
  wid = lax.axis_index("s") * NC + lax.axis_index("c")
  base = wid * BW

  for j in range(NCHUNK):
    sl = pl.ds(j * CH, CH)
    pltpu.sync_copy(uid_hbm.at[pl.ds(base + j * CH, CH)], uraw_v.at[sl])
    pltpu.sync_copy(iid_hbm.at[pl.ds(base + j * CH, CH)], iraw_v.at[sl])
  pltpu.sync_copy(occ_hbm.at[pl.ds(base, BW)], occ_v)
  pltpu.sync_copy(oemb_hbm, oemb_v)
  pltpu.sync_copy(p_hbm.at[pl.ds(base, BW)], p_v)
  pltpu.sync_copy(gsc_hbm.at[pl.ds(base, BW)], gsc_v)

  iota = lax.iota(jnp.int32, 16)

  for h in range(2):
    hb = h * HB
    for j in range(HCH):
      for k in range(CH // 16):
        sl16 = pl.ds(hb + j * CH + k * 16, 16)
        dst = pl.ds(k * 16, 16)
        uidx_v[j, dst] = jnp.right_shift(uraw_v[sl16], 2)
        iidx_v[j, dst] = jnp.right_shift(iraw_v[sl16], 2)
    copies = []
    for j in range(HCH):
      sl = pl.ds(j * CH, CH)
      copies.append(pltpu.async_copy(u4_hbm.at[uidx_v.at[j]], urows_v.at[sl], sem))
      copies.append(pltpu.async_copy(i4_hbm.at[iidx_v.at[j]], irows_v.at[sl], sem))
    for c in copies:
      c.wait()

    def group(i, carry):
      lbidx = hb + i * 16 + iota
      hidx = i * 16 + iota
      occ_ids = plsc.load_gather(occ_v, [lbidx])
      oix = occ_ids * D
      ucol = (plsc.load_gather(uraw_v, [lbidx]) & 3) * D
      icol = (plsc.load_gather(iraw_v, [lbidx]) & 3) * D
      acc = jnp.zeros((16,), jnp.float32)
      isum = jnp.zeros((16,), jnp.float32)
      for d in range(D):
        qv = plsc.load_gather(urows_v, [hidx, ucol + d])
        iv = plsc.load_gather(irows_v, [hidx, icol + d])
        ov = plsc.load_gather(oemb_v, [oix + d])
        acc = acc + qv * (iv + ov)
        isum = isum + iv
      gsc = plsc.load_gather(gsc_v, [lbidx])
      pv = plsc.load_gather(p_v, [lbidx])
      plsc.store_scatter(out_v, [lbidx], acc + gsc * isum + pv)
      return carry

    lax.fori_loop(0, GROUPS // 2, group, 0)

  pltpu.sync_copy(out_v, out_hbm.at[pl.ds(base, BW)])


def kernel(user_id, item_id, occupation, genre,
           user_emb, user_bias, item_emb, item_bias,
           occ_emb, occ_bias, genre_emb, genre_bias_emb):
  mesh = plsc.VectorSubcoreMesh(core_axis_name="c", subcore_axis_name="s")
  f32 = jnp.float32
  i32 = jnp.int32

  small = pl.kernel(
      _small_body,
      mesh=mesh,
      compiler_params=pltpu.CompilerParams(
          needs_layout_passes=False, use_tc_tiling_on_sc=False),
      out_type=(jax.ShapeDtypeStruct((B,), f32),
                jax.ShapeDtypeStruct((B,), f32)),
      scratch_types=[
          pltpu.VMEM((NCHUNK, CH), i32),
          pltpu.VMEM((NCHUNK, CH), i32),
          pltpu.VMEM((BW,), i32),
          pltpu.VMEM((BW, NG), i32),
          pltpu.VMEM((BW,), f32),
          pltpu.VMEM((BW,), f32),
          pltpu.VMEM((NO,), f32),
          pltpu.VMEM((NG, D), f32),
          pltpu.VMEM((32,), f32),
          pltpu.VMEM((BW,), f32),
          pltpu.VMEM((BW,), f32),
          pltpu.SemaphoreType.DMA,
      ],
  )
  gbias_pad = jnp.pad(genre_bias_emb.reshape(-1), (0, 32 - NG))
  p_vec, gsc_vec = small(
      user_id.reshape(NW, NCHUNK, CH),
      item_id.reshape(NW, NCHUNK, CH),
      occupation,
      genre.reshape(NW, BW, NG),
      user_bias.reshape(-1), item_bias.reshape(-1),
      occ_bias.reshape(-1), genre_emb, gbias_pad)

  emb = pl.kernel(
      _emb_body,
      mesh=mesh,
      compiler_params=pltpu.CompilerParams(
          needs_layout_passes=False, use_tc_tiling_on_sc=True),
      out_type=jax.ShapeDtypeStruct((B,), f32),
      scratch_types=[
          pltpu.VMEM((HCH, CH), i32),
          pltpu.VMEM((HCH, CH), i32),
          pltpu.VMEM((BW,), i32),
          pltpu.VMEM((BW,), i32),
          pltpu.VMEM((BW,), i32),
          pltpu.VMEM((HB, 128), f32),
          pltpu.VMEM((HB, 128), f32),
          pltpu.VMEM((NO * D,), f32),
          pltpu.VMEM((BW,), f32),
          pltpu.VMEM((BW,), f32),
          pltpu.VMEM((BW,), f32),
          pltpu.SemaphoreType.DMA,
      ],
  )
  return emb(user_id, item_id, occupation,
             user_emb.reshape(-1, 128), item_emb.reshape(-1, 128),
             occ_emb.reshape(-1), p_vec, gsc_vec)

# --- scband reference (transcript-rebuilt; emitter-appended) ---
"""Pipeline reference for scband-matrix-factorization-76630806495462 (READ-ONLY COPY).

The authoritative reference and input builder live on the scoring server;
editing this copy changes nothing except your own understanding.
"""

import jax, jax.numpy as jnp
import numpy as np

B = 16384
NU = 1000000
NI = 100000
NO = 21
NG = 20
D = 32


def setup_inputs(seed: int = 0) -> dict:
    key = jax.random.key(seed)
    ks = jax.random.split(key, 12)
    user_id = jax.random.randint(ks[0], (B,), 0, NU)
    item_id = jax.random.randint(ks[1], (B,), 0, NI)
    occupation = jax.random.randint(ks[2], (B,), 0, NO)
    genre = jax.random.randint(ks[3], (B, NG), 0, 2)
    # guard against pathological all-zero multi-hot rows (torch would error on empty stack)
    genre = genre.at[:, 0].set(jnp.where(genre.sum(axis=-1) == 0, 1, genre[:, 0]))
    user_emb = jax.random.normal(ks[4], (NU, D), dtype=jnp.float32) * 0.01
    user_bias = jax.random.normal(ks[5], (NU, 1), dtype=jnp.float32) * 0.01
    item_emb = jax.random.normal(ks[6], (NI, D), dtype=jnp.float32) * 0.01
    item_bias = jax.random.normal(ks[7], (NI, 1), dtype=jnp.float32) * 0.01
    occ_emb = jax.random.normal(ks[8], (NO, D), dtype=jnp.float32) * 0.01
    occ_bias = jax.random.normal(ks[9], (NO, 1), dtype=jnp.float32) * 0.01
    genre_emb = jax.random.normal(ks[10], (NG, D), dtype=jnp.float32) * 0.01
    genre_bias_emb = jax.random.normal(ks[11], (NG, 1), dtype=jnp.float32) * 0.01
    return {
        'user_id': user_id, 'item_id': item_id, 'occupation': occupation, 'genre': genre,
        'user_emb': user_emb, 'user_bias': user_bias,
        'item_emb': item_emb, 'item_bias': item_bias,
        'occ_emb': occ_emb, 'occ_bias': occ_bias,
        'genre_emb': genre_emb, 'genre_bias_emb': genre_bias_emb,
    }


def _multi_embed_mean_scalar(mask_f, table):
    # Faithful to EmbeddingMulti: torch.mean(torch.stack(embeddings)) is a SCALAR mean over
    # all elements of the stacked (k, dim) embeddings of the active (nonzero) genres,
    # broadcast to the whole output row. scalar_i = sum_elems(active rows) / (k_i * dim).
    counts = mask_f.sum(axis=-1)
    row_sums = table.sum(axis=-1)  # (NG,) sum of each embedding row's elements
    total = mask_f @ row_sums      # (B,)
    return total / (counts * table.shape[1])


def reference(user_id, item_id, occupation, genre, user_emb, user_bias, item_emb, item_bias, occ_emb, occ_bias, genre_emb, genre_bias_emb):
    Q = jnp.take(user_emb, user_id, axis=0)
    bq = jnp.take(user_bias, user_id, axis=0).reshape(-1)
    I = jnp.take(item_emb, item_id, axis=0)
    bi = jnp.take(item_bias, item_id, axis=0).reshape(-1)
    O = jnp.take(occ_emb, occupation, axis=0)
    bo = jnp.take(occ_bias, occupation, axis=0).reshape(-1)
    mask_f = genre.astype(jnp.float32)
    g_scalar = _multi_embed_mean_scalar(mask_f, genre_emb)  # (B,)
    G = jnp.broadcast_to(g_scalar[:, None], Q.shape)        # (B, D)
    bg = _multi_embed_mean_scalar(mask_f, genre_bias_emb)   # (B,) == flatten of (B,1)
    return (Q * I).sum(-1) + (O * Q).sum(-1) + (I * G).sum(-1) + bq + bi + bo + bg

if __name__ == "__main__":
    import jax
    _d = setup_inputs()
    print(jax.jit(kernel)(*tuple(_d.values())))

</pallas_src>

<mosaic_0001>
#map = affine_map<(d0, d1) -> (0, 0, 0)>
#map1 = affine_map<(d0, d1) -> (0)>
#map2 = affine_map<(d0, d1) -> (0, 0)>
module attributes {stable_mosaic.version = 14 : i64} {
  func.func @_small_body(%arg0: i32, %arg1: i32, %arg2: memref<32x4x128xi32, #tpu.memory_space<hbm>>, %arg3: memref<32x4x128xi32, #tpu.memory_space<hbm>>, %arg4: memref<16384xi32, #tpu.memory_space<hbm>>, %arg5: memref<32x512x20xi32, #tpu.memory_space<hbm>>, %arg6: memref<1000000xf32, #tpu.memory_space<hbm>>, %arg7: memref<100000xf32, #tpu.memory_space<hbm>>, %arg8: memref<21xf32, #tpu.memory_space<hbm>>, %arg9: memref<20x32xf32, #tpu.memory_space<hbm>>, %arg10: memref<32xf32, #tpu.memory_space<hbm>>, %arg11: memref<16384xf32, #tpu.memory_space<hbm>>, %arg12: memref<16384xf32, #tpu.memory_space<hbm>>, %arg13: memref<4x128xi32, #tpu.memory_space<vmem>>, %arg14: memref<4x128xi32, #tpu.memory_space<vmem>>, %arg15: memref<512xi32, #tpu.memory_space<vmem>>, %arg16: memref<512x20xi32, #tpu.memory_space<vmem>>, %arg17: memref<512xf32, #tpu.memory_space<vmem>>, %arg18: memref<512xf32, #tpu.memory_space<vmem>>, %arg19: memref<21xf32, #tpu.memory_space<vmem>>, %arg20: memref<20x32xf32, #tpu.memory_space<vmem>>, %arg21: memref<32xf32, #tpu.memory_space<vmem>>, %arg22: memref<512xf32, #tpu.memory_space<vmem>>, %arg23: memref<512xf32, #tpu.memory_space<vmem>>, %arg24: memref<!tpu.dma_semaphore, #tpu.memory_space<semaphore_mem>>) attributes {dimension_semantics = [#tpu.dimension_semantics<core_parallel>, #tpu.dimension_semantics<subcore_parallel>], iteration_bounds = array<i64: 2, 16>, scalar_prefetch = 0 : i64, scratch_operands = 12 : i64, tpu.core_type = #tpu.core_type<sc_vector_subcore>, window_params = [{transform_indices = #map}, {transform_indices = #map}, {transform_indices = #map1}, {transform_indices = #map}, {transform_indices = #map1}, {transform_indices = #map1}, {transform_indices = #map1}, {transform_indices = #map2}, {transform_indices = #map1}, {transform_indices = #map1}, {transform_indices = #map1}]} {
    %mul3A = arith.constant 2 : i32
    %mul3A_0 = arith.muli %arg1, %mul3A : i32
    %add3A = arith.addi %mul3A_0, %arg0 : i32
    %mul3A_1 = arith.constant 512 : i32
    %mul3A_2 = arith.muli %add3A, %mul3A_1 : i32
    "tpu.region"() ({
      %run_scoped3A = tpu.sem_alloc : memref<!tpu.dma_semaphore, #tpu.memory_space<semaphore_mem>>
      %dma_start3A_596 = arith.constant 0 : i32
      %dma_start3A_597 = arith.constant 0 : i32
      %dma_start3A_598 = tpu.memref_slice %arg2[%add3A, %dma_start3A_596, %dma_start3A_597] : memref<32x4x128xi32, #tpu.memory_space<hbm>> -> memref<1x4x128xi32, #tpu.memory_space<hbm>>
      %dma_start3A_599 = tpu.memref_squeeze %dma_start3A_598 : memref<1x4x128xi32, #tpu.memory_space<hbm>> -> memref<4x128xi32, #tpu.memory_space<hbm>>
      %dma_start3A_600 = arith.constant 0 : i32
      %dma_start3A_601 = arith.constant 0 : i32
      %dma_start3A_602 = tpu.memref_slice %arg2[%add3A, %dma_start3A_600, %dma_start3A_601] : memref<32x4x128xi32, #tpu.memory_space<hbm>> -> memref<1x4x128xi32, #tpu.memory_space<hbm>>
      %dma_start3A_603 = tpu.memref_squeeze %dma_start3A_602 : memref<1x4x128xi32, #tpu.memory_space<hbm>> -> memref<4x128xi32, #tpu.memory_space<hbm>>
      tpu.enqueue_dma source(%dma_start3A_603 : memref<4x128xi32, #tpu.memory_space<hbm>>) target(%arg13 : memref<4x128xi32, #tpu.memory_space<vmem>>) target_semaphore(%run_scoped3A : memref<!tpu.dma_semaphore, #tpu.memory_space<semaphore_mem>>)
      %dma_wait3A_604 = arith.constant 0 : i32
      %dma_wait3A_605 = arith.constant 0 : i32
      %dma_wait3A_606 = tpu.memref_slice %arg2[%add3A, %dma_wait3A_604, %dma_wait3A_605] : memref<32x4x128xi32, #tpu.memory_space<hbm>> -> memref<1x4x128xi32, #tpu.memory_space<hbm>>
      %dma_wait3A_607 = tpu.memref_squeeze %dma_wait3A_606 : memref<1x4x128xi32, #tpu.memory_space<hbm>> -> memref<4x128xi32, #tpu.memory_space<hbm>>
      %dma_wait3A_608 = arith.constant 0 : i32
      %dma_wait3A_609 = arith.constant 0 : i32
      %dma_wait3A_610 = tpu.memref_slice %arg2[%add3A, %dma_wait3A_608, %dma_wait3A_609] : memref<32x4x128xi32, #tpu.memory_space<hbm>> -> memref<1x4x128xi32, #tpu.memory_space<hbm>>
      %dma_wait3A_611 = tpu.memref_squeeze %dma_wait3A_610 : memref<1x4x128xi32, #tpu.memory_space<hbm>> -> memref<4x128xi32, #tpu.memory_space<hbm>>
      tpu.wait_dma2 semaphore(%run_scoped3A : memref<!tpu.dma_semaphore, #tpu.memory_space<semaphore_mem>>) src(%dma_wait3A_611 : memref<4x128xi32, #tpu.memory_space<hbm>>) dst(%arg13 : memref<4x128xi32, #tpu.memory_space<vmem>>)
      tpu.yield
    }) : () -> ()
    "tpu.region"() ({
      %run_scoped3A = tpu.sem_alloc : memref<!tpu.dma_semaphore, #tpu.memory_space<semaphore_mem>>
      %dma_start3A_596 = arith.constant 0 : i32
      %dma_start3A_597 = arith.constant 0 : i32
      %dma_start3A_598 = tpu.memref_slice %arg3[%add3A, %dma_start3A_596, %dma_start3A_597] : memref<32x4x128xi32, #tpu.memory_space<hbm>> -> memref<1x4x128xi32, #tpu.memory_space<hbm>>
      %dma_start3A_599 = tpu.memref_squeeze %dma_start3A_598 : memref<1x4x128xi32, #tpu.memory_space<hbm>> -> memref<4x128xi32, #tpu.memory_space<hbm>>
      %dma_start3A_600 = arith.constant 0 : i32
      %dma_start3A_601 = arith.constant 0 : i32
      %dma_start3A_602 = tpu.memref_slice %arg3[%add3A, %dma_start3A_600, %dma_start3A_601] : memref<32x4x128xi32, #tpu.memory_space<hbm>> -> memref<1x4x128xi32, #tpu.memory_space<hbm>>
      %dma_start3A_603 = tpu.memref_squeeze %dma_start3A_602 : memref<1x4x128xi32, #tpu.memory_space<hbm>> -> memref<4x128xi32, #tpu.memory_space<hbm>>
      tpu.enqueue_dma source(%dma_start3A_603 : memref<4x128xi32, #tpu.memory_space<hbm>>) target(%arg14 : memref<4x128xi32, #tpu.memory_space<vmem>>) target_semaphore(%run_scoped3A : memref<!tpu.dma_semaphore, #tpu.memory_space<semaphore_mem>>)
      %dma_wait3A_604 = arith.constant 0 : i32
      %dma_wait3A_605 = arith.constant 0 : i32
      %dma_wait3A_606 = tpu.memref_slice %arg3[%add3A, %dma_wait3A_604, %dma_wait3A_605] : memref<32x4x128xi32, #tpu.memory_space<hbm>> -> memref<1x4x128xi32, #tpu.memory_space<hbm>>
      %dma_wait3A_607 = tpu.memref_squeeze %dma_wait3A_606 : memref<1x4x128xi32, #tpu.memory_space<hbm>> -> memref<4x128xi32, #tpu.memory_space<hbm>>
      %dma_wait3A_608 = arith.constant 0 : i32
      %dma_wait3A_609 = arith.constant 0 : i32
      %dma_wait3A_610 = tpu.memref_slice %arg3[%add3A, %dma_wait3A_608, %dma_wait3A_609] : memref<32x4x128xi32, #tpu.memory_space<hbm>> -> memref<1x4x128xi32, #tpu.memory_space<hbm>>
      %dma_wait3A_611 = tpu.memref_squeeze %dma_wait3A_610 : memref<1x4x128xi32, #tpu.memory_space<hbm>> -> memref<4x128xi32, #tpu.memory_space<hbm>>
      tpu.wait_dma2 semaphore(%run_scoped3A : memref<!tpu.dma_semaphore, #tpu.memory_space<semaphore_mem>>) src(%dma_wait3A_611 : memref<4x128xi32, #tpu.memory_space<hbm>>) dst(%arg14 : memref<4x128xi32, #tpu.memory_space<vmem>>)
      tpu.yield
    }) : () -> ()
    "tpu.region"() ({
      %run_scoped3A = tpu.sem_alloc : memref<!tpu.dma_semaphore, #tpu.memory_space<semaphore_mem>>
      %dma_start3A_596 = tpu.memref_slice %arg4[%mul3A_2] : memref<16384xi32, #tpu.memory_space<hbm>> -> memref<512xi32, #tpu.memory_space<hbm>>
      %dma_start3A_597 = tpu.memref_slice %arg4[%mul3A_2] : memref<16384xi32, #tpu.memory_space<hbm>> -> memref<512xi32, #tpu.memory_space<hbm>>
      tpu.enqueue_dma source(%dma_start3A_597 : memref<512xi32, #tpu.memory_space<hbm>>) target(%arg15 : memref<512xi32, #tpu.memory_space<vmem>>) target_semaphore(%run_scoped3A : memref<!tpu.dma_semaphore, #tpu.memory_space<semaphore_mem>>)
      %dma_wait3A_598 = tpu.memref_slice %arg4[%mul3A_2] : memref<16384xi32, #tpu.memory_space<hbm>> -> memref<512xi32, #tpu.memory_space<hbm>>
      %dma_wait3A_599 = tpu.memref_slice %arg4[%mul3A_2] : memref<16384xi32, #tpu.memory_space<hbm>> -> memref<512xi32, #tpu.memory_space<hbm>>
      tpu.wait_dma2 semaphore(%run_scoped3A : memref<!tpu.dma_semaphore, #tpu.memory_space<semaphore_mem>>) src(%dma_wait3A_599 : memref<512xi32, #tpu.memory_space<hbm>>) dst(%arg15 : memref<512xi32, #tpu.memory_space<vmem>>)
      tpu.yield
    }) : () -> ()
    "tpu.region"() ({
      %run_scoped3A = tpu.sem_alloc : memref<!tpu.dma_semaphore, #tpu.memory_space<semaphore_mem>>
      %dma_start3A_596 = arith.constant 0 : i32
      %dma_start3A_597 = arith.constant 0 : i32
      %dma_start3A_598 = tpu.memref_slice %arg5[%add3A, %dma_start3A_596, %dma_start3A_597] : memref<32x512x20xi32, #tpu.memory_space<hbm>> -> memref<1x512x20xi32, #tpu.memory_space<hbm>>
      %dma_start3A_599 = tpu.memref_squeeze %dma_start3A_598 : memref<1x512x20xi32, #tpu.memory_space<hbm>> -> memref<512x20xi32, #tpu.memory_space<hbm>>
      %dma_start3A_600 = arith.constant 0 : i32
      %dma_start3A_601 = arith.constant 0 : i32
      %dma_start3A_602 = tpu.memref_slice %arg5[%add3A, %dma_start3A_600, %dma_start3A_601] : memref<32x512x20xi32, #tpu.memory_space<hbm>> -> memref<1x512x20xi32, #tpu.memory_space<hbm>>
      %dma_start3A_603 = tpu.memref_squeeze %dma_start3A_602 : memref<1x512x20xi32, #tpu.memory_space<hbm>> -> memref<512x20xi32, #tpu.memory_space<hbm>>
      tpu.enqueue_dma source(%dma_start3A_603 : memref<512x20xi32, #tpu.memory_space<hbm>>) target(%arg16 : memref<512x20xi32, #tpu.memory_space<vmem>>) target_semaphore(%run_scoped3A : memref<!tpu.dma_semaphore, #tpu.memory_space<semaphore_mem>>)
      %dma_wait3A_604 = arith.constant 0 : i32
      %dma_wait3A_605 = arith.constant 0 : i32
      %dma_wait3A_606 = tpu.memref_slice %arg5[%add3A, %dma_wait3A_604, %dma_wait3A_605] : memref<32x512x20xi32, #tpu.memory_space<hbm>> -> memref<1x512x20xi32, #tpu.memory_space<hbm>>
      %dma_wait3A_607 = tpu.memref_squeeze %dma_wait3A_606 : memref<1x512x20xi32, #tpu.memory_space<hbm>> -> memref<512x20xi32, #tpu.memory_space<hbm>>
      %dma_wait3A_608 = arith.constant 0 : i32
      %dma_wait3A_609 = arith.constant 0 : i32
      %dma_wait3A_610 = tpu.memref_slice %arg5[%add3A, %dma_wait3A_608, %dma_wait3A_609] : memref<32x512x20xi32, #tpu.memory_space<hbm>> -> memref<1x512x20xi32, #tpu.memory_space<hbm>>
      %dma_wait3A_611 = tpu.memref_squeeze %dma_wait3A_610 : memref<1x512x20xi32, #tpu.memory_space<hbm>> -> memref<512x20xi32, #tpu.memory_space<hbm>>
      tpu.wait_dma2 semaphore(%run_scoped3A : memref<!tpu.dma_semaphore, #tpu.memory_space<semaphore_mem>>) src(%dma_wait3A_611 : memref<512x20xi32, #tpu.memory_space<hbm>>) dst(%arg16 : memref<512x20xi32, #tpu.memory_space<vmem>>)
      tpu.yield
    }) : () -> ()
    "tpu.region"() ({
      %run_scoped3A = tpu.sem_alloc : memref<!tpu.dma_semaphore, #tpu.memory_space<semaphore_mem>>
      tpu.enqueue_dma source(%arg8 : memref<21xf32, #tpu.memory_space<hbm>>) target(%arg19 : memref<21xf32, #tpu.memory_space<vmem>>) target_semaphore(%run_scoped3A : memref<!tpu.dma_semaphore, #tpu.memory_space<semaphore_mem>>)
      tpu.wait_dma2 semaphore(%run_scoped3A : memref<!tpu.dma_semaphore, #tpu.memory_space<semaphore_mem>>) src(%arg8 : memref<21xf32, #tpu.memory_space<hbm>>) dst(%arg19 : memref<21xf32, #tpu.memory_space<vmem>>)
      tpu.yield
    }) : () -> ()
    "tpu.region"() ({
      %run_scoped3A = tpu.sem_alloc : memref<!tpu.dma_semaphore, #tpu.memory_space<semaphore_mem>>
      tpu.enqueue_dma source(%arg9 : memref<20x32xf32, #tpu.memory_space<hbm>>) target(%arg20 : memref<20x32xf32, #tpu.memory_space<vmem>>) target_semaphore(%run_scoped3A : memref<!tpu.dma_semaphore, #tpu.memory_space<semaphore_mem>>)
      tpu.wait_dma2 semaphore(%run_scoped3A : memref<!tpu.dma_semaphore, #tpu.memory_space<semaphore_mem>>) src(%arg9 : memref<20x32xf32, #tpu.memory_space<hbm>>) dst(%arg20 : memref<20x32xf32, #tpu.memory_space<vmem>>)
      tpu.yield
    }) : () -> ()
    "tpu.region"() ({
      %run_scoped3A = tpu.sem_alloc : memref<!tpu.dma_semaphore, #tpu.memory_space<semaphore_mem>>
      tpu.enqueue_dma source(%arg10 : memref<32xf32, #tpu.memory_space<hbm>>) target(%arg21 : memref<32xf32, #tpu.memory_space<vmem>>) target_semaphore(%run_scoped3A : memref<!tpu.dma_semaphore, #tpu.memory_space<semaphore_mem>>)
      tpu.wait_dma2 semaphore(%run_scoped3A : memref<!tpu.dma_semaphore, #tpu.memory_space<semaphore_mem>>) src(%arg10 : memref<32xf32, #tpu.memory_space<hbm>>) dst(%arg21 : memref<32xf32, #tpu.memory_space<vmem>>)
      tpu.yield
    }) : () -> ()
    %dma_start3A = arith.constant 0 : i32
    %dma_start3A_3 = arith.constant 0 : i32
    %dma_start3A_4 = tpu.memref_slice %arg17[%dma_start3A_3] : memref<512xf32, #tpu.memory_space<vmem>> -> memref<128xf32, #tpu.memory_space<vmem>>
    %dma_start3A_5 = arith.constant 0 : i32
    %dma_start3A_6 = tpu.memref_slice %arg13[%dma_start3A, %dma_start3A_5] : memref<4x128xi32, #tpu.memory_space<vmem>> -> memref<1x128xi32, #tpu.memory_space<vmem>>
    %dma_start3A_7 = tpu.memref_squeeze %dma_start3A_6 : memref<1x128xi32, #tpu.memory_space<vmem>> -> memref<128xi32, #tpu.memory_space<vmem>>
    %dma_start3A_8 = arith.constant 0 : i32
    %dma_start3A_9 = tpu.memref_slice %arg6[%dma_start3A_8] : memref<1000000xf32, #tpu.memory_space<hbm>> -> memref<1000000xf32, #tpu.memory_space<hbm>>
    tpu.enqueue_indirect_dma source(%dma_start3A_9 : memref<1000000xf32, #tpu.memory_space<hbm>>) target(%dma_start3A_4 : memref<128xf32, #tpu.memory_space<vmem>>) offsets(%dma_start3A_7 : memref<128xi32, #tpu.memory_space<vmem>>) semaphore(%arg24 : memref<!tpu.dma_semaphore, #tpu.memory_space<semaphore_mem>>)
    %dma_start3A_10 = arith.constant 0 : i32
    %dma_start3A_11 = arith.constant 0 : i32
    %dma_start3A_12 = tpu.memref_slice %arg18[%dma_start3A_11] : memref<512xf32, #tpu.memory_space<vmem>> -> memref<128xf32, #tpu.memory_space<vmem>>
    %dma_start3A_13 = arith.constant 0 : i32
    %dma_start3A_14 = tpu.memref_slice %arg14[%dma_start3A_10, %dma_start3A_13] : memref<4x128xi32, #tpu.memory_space<vmem>> -> memref<1x128xi32, #tpu.memory_space<vmem>>
    %dma_start3A_15 = tpu.memref_squeeze %dma_start3A_14 : memref<1x128xi32, #tpu.memory_space<vmem>> -> memref<128xi32, #tpu.memory_space<vmem>>
    %dma_start3A_16 = arith.constant 0 : i32
    %dma_start3A_17 = tpu.memref_slice %arg7[%dma_start3A_16] : memref<100000xf32, #tpu.memory_space<hbm>> -> memref<100000xf32, #tpu.memory_space<hbm>>
    tpu.enqueue_indirect_dma source(%dma_start3A_17 : memref<100000xf32, #tpu.memory_space<hbm>>) target(%dma_start3A_12 : memref<128xf32, #tpu.memory_space<vmem>>) offsets(%dma_start3A_15 : memref<128xi32, #tpu.memory_space<vmem>>) semaphore(%arg24 : memref<!tpu.dma_semaphore, #tpu.memory_space<semaphore_mem>>)
    %dma_start3A_18 = arith.constant 1 : i32
    %dma_start3A_19 = arith.constant 128 : i32
    %dma_start3A_20 = tpu.memref_slice %arg17[%dma_start3A_19] : memref<512xf32, #tpu.memory_space<vmem>> -> memref<128xf32, #tpu.memory_space<vmem>>
    %dma_start3A_21 = arith.constant 0 : i32
    %dma_start3A_22 = tpu.memref_slice %arg13[%dma_start3A_18, %dma_start3A_21] : memref<4x128xi32, #tpu.memory_space<vmem>> -> memref<1x128xi32, #tpu.memory_space<vmem>>
    %dma_start3A_23 = tpu.memref_squeeze %dma_start3A_22 : memref<1x128xi32, #tpu.memory_space<vmem>> -> memref<128xi32, #tpu.memory_space<vmem>>
    %dma_start3A_24 = arith.constant 0 : i32
    %dma_start3A_25 = tpu.memref_slice %arg6[%dma_start3A_24] : memref<1000000xf32, #tpu.memory_space<hbm>> -> memref<1000000xf32, #tpu.memory_space<hbm>>
    tpu.enqueue_indirect_dma source(%dma_start3A_25 : memref<1000000xf32, #tpu.memory_space<hbm>>) target(%dma_start3A_20 : memref<128xf32, #tpu.memory_space<vmem>>) offsets(%dma_start3A_23 : memref<128xi32, #tpu.memory_space<vmem>>) semaphore(%arg24 : memref<!tpu.dma_semaphore, #tpu.memory_space<semaphore_mem>>)
    %dma_start3A_26 = arith.constant 1 : i32
    %dma_start3A_27 = arith.constant 128 : i32
    %dma_start3A_28 = tpu.memref_slice %arg18[%dma_start3A_27] : memref<512xf32, #tpu.memory_space<vmem>> -> memref<128xf32, #tpu.memory_space<vmem>>
    %dma_start3A_29 = arith.constant 0 : i32
    %dma_start3A_30 = tpu.memref_slice %arg14[%dma_start3A_26, %dma_start3A_29] : memref<4x128xi32, #tpu.memory_space<vmem>> -> memref<1x128xi32, #tpu.memory_space<vmem>>
    %dma_start3A_31 = tpu.memref_squeeze %dma_start3A_30 : memref<1x128xi32, #tpu.memory_space<vmem>> -> memref<128xi32, #tpu.memory_space<vmem>>
    %dma_start3A_32 = arith.constant 0 : i32
    %dma_start3A_33 = tpu.memref_slice %arg7[%dma_start3A_32] : memref<100000xf32, #tpu.memory_space<hbm>> -> memref<100000xf32, #tpu.memory_space<hbm>>
    tpu.enqueue_indirect_dma source(%dma_start3A_33 : memref<100000xf32, #tpu.memory_space<hbm>>) target(%dma_start3A_28 : memref<128xf32, #tpu.memory_space<vmem>>) offsets(%dma_start3A_31 : memref<128xi32, #tpu.memory_space<vmem>>) semaphore(%arg24 : memref<!tpu.dma_semaphore, #tpu.memory_space<semaphore_mem>>)
    %dma_start3A_34 = arith.constant 2 : i32
    %dma_start3A_35 = arith.constant 256 : i32
    %dma_start3A_36 = tpu.memref_slice %arg17[%dma_start3A_35] : memref<512xf32, #tpu.memory_space<vmem>> -> memref<128xf32, #tpu.memory_space<vmem>>
    %dma_start3A_37 = arith.constant 0 : i32
    %dma_start3A_38 = tpu.memref_slice %arg13[%dma_start3A_34, %dma_start3A_37] : memref<4x128xi32, #tpu.memory_space<vmem>> -> memref<1x128xi32, #tpu.memory_space<vmem>>
    %dma_start3A_39 = tpu.memref_squeeze %dma_start3A_38 : memref<1x128xi32, #tpu.memory_space<vmem>> -> memref<128xi32, #tpu.memory_space<vmem>>
    %dma_start3A_40 = arith.constant 0 : i32
    %dma_start3A_41 = tpu.memref_slice %arg6[%dma_start3A_40] : memref<1000000xf32, #tpu.memory_space<hbm>> -> memref<1000000xf32, #tpu.memory_space<hbm>>
    tpu.enqueue_indirect_dma source(%dma_start3A_41 : memref<1000000xf32, #tpu.memory_space<hbm>>) target(%dma_start3A_36 : memref<128xf32, #tpu.memory_space<vmem>>) offsets(%dma_start3A_39 : memref<128xi32, #tpu.memory_space<vmem>>) semaphore(%arg24 : memref<!tpu.dma_semaphore, #tpu.memory_space<semaphore_mem>>)
    %dma_start3A_42 = arith.constant 2 : i32
    %dma_start3A_43 = arith.constant 256 : i32
    %dma_start3A_44 = tpu.memref_slice %arg18[%dma_start3A_43] : memref<512xf32, #tpu.memory_space<vmem>> -> memref<128xf32, #tpu.memory_space<vmem>>
    %dma_start3A_45 = arith.constant 0 : i32
    %dma_start3A_46 = tpu.memref_slice %arg14[%dma_start3A_42, %dma_start3A_45] : memref<4x128xi32, #tpu.memory_space<vmem>> -> memref<1x128xi32, #tpu.memory_space<vmem>>
    %dma_start3A_47 = tpu.memref_squeeze %dma_start3A_46 : memref<1x128xi32, #tpu.memory_space<vmem>> -> memref<128xi32, #tpu.memory_space<vmem>>
    %dma_start3A_48 = arith.constant 0 : i32
    %dma_start3A_49 = tpu.memref_slice %arg7[%dma_start3A_48] : memref<100000xf32, #tpu.memory_space<hbm>> -> memref<100000xf32, #tpu.memory_space<hbm>>
    tpu.enqueue_indirect_dma source(%dma_start3A_49 : memref<100000xf32, #tpu.memory_space<hbm>>) target(%dma_start3A_44 : memref<128xf32, #tpu.memory_space<vmem>>) offsets(%dma_start3A_47 : memref<128xi32, #tpu.memory_space<vmem>>) semaphore(%arg24 : memref<!tpu.dma_semaphore, #tpu.memory_space<semaphore_mem>>)
    %dma_start3A_50 = arith.constant 3 : i32
    %dma_start3A_51 = arith.constant 384 : i32
    %dma_start3A_52 = tpu.memref_slice %arg17[%dma_start3A_51] : memref<512xf32, #tpu.memory_space<vmem>> -> memref<128xf32, #tpu.memory_space<vmem>>
    %dma_start3A_53 = arith.constant 0 : i32
    %dma_start3A_54 = tpu.memref_slice %arg13[%dma_start3A_50, %dma_start3A_53] : memref<4x128xi32, #tpu.memory_space<vmem>> -> memref<1x128xi32, #tpu.memory_space<vmem>>
    %dma_start3A_55 = tpu.memref_squeeze %dma_start3A_54 : memref<1x128xi32, #tpu.memory_space<vmem>> -> memref<128xi32, #tpu.memory_space<vmem>>
    %dma_start3A_56 = arith.constant 0 : i32
    %dma_start3A_57 = tpu.memref_slice %arg6[%dma_start3A_56] : memref<1000000xf32, #tpu.memory_space<hbm>> -> memref<1000000xf32, #tpu.memory_space<hbm>>
    tpu.enqueue_indirect_dma source(%dma_start3A_57 : memref<1000000xf32, #tpu.memory_space<hbm>>) target(%dma_start3A_52 : memref<128xf32, #tpu.memory_space<vmem>>) offsets(%dma_start3A_55 : memref<128xi32, #tpu.memory_space<vmem>>) semaphore(%arg24 : memref<!tpu.dma_semaphore, #tpu.memory_space<semaphore_mem>>)
    %dma_start3A_58 = arith.constant 3 : i32
    %dma_start3A_59 = arith.constant 384 : i32
    %dma_start3A_60 = tpu.memref_slice %arg18[%dma_start3A_59] : memref<512xf32, #tpu.memory_space<vmem>> -> memref<128xf32, #tpu.memory_space<vmem>>
    %dma_start3A_61 = arith.constant 0 : i32
    %dma_start3A_62 = tpu.memref_slice %arg14[%dma_start3A_58, %dma_start3A_61] : memref<4x128xi32, #tpu.memory_space<vmem>> -> memref<1x128xi32, #tpu.memory_space<vmem>>
    %dma_start3A_63 = tpu.memref_squeeze %dma_start3A_62 : memref<1x128xi32, #tpu.memory_space<vmem>> -> memref<128xi32, #tpu.memory_space<vmem>>
    %dma_start3A_64 = arith.constant 0 : i32
    %dma_start3A_65 = tpu.memref_slice %arg7[%dma_start3A_64] : memref<100000xf32, #tpu.memory_space<hbm>> -> memref<100000xf32, #tpu.memory_space<hbm>>
    tpu.enqueue_indirect_dma source(%dma_start3A_65 : memref<100000xf32, #tpu.memory_space<hbm>>) target(%dma_start3A_60 : memref<128xf32, #tpu.memory_space<vmem>>) offsets(%dma_start3A_63 : memref<128xi32, #tpu.memory_space<vmem>>) semaphore(%arg24 : memref<!tpu.dma_semaphore, #tpu.memory_space<semaphore_mem>>)
    %iota3A = tpu.iota {dimensions = array<i32: 0>} : vector<16xi32>
    %add3A_66 = arith.constant 16 : i32
    %add3A_67 = vector.broadcast %add3A_66 : i32 to vector<16xi32>
    %add3A_68 = arith.addi %iota3A, %add3A_67 : vector<16xi32>
    %min3A = arith.constant 19 : i32
    %min3A_69 = vector.broadcast %min3A : i32 to vector<16xi32>
    %min3A_70 = arith.minsi %add3A_68, %min3A_69 : vector<16xi32>
    %broadcast_in_dim3A = arith.constant 0.000000e+00 : f32
    %broadcast_in_dim3A_71 = vector.broadcast %broadcast_in_dim3A : f32 to vector<16xf32>
    %broadcast_in_dim3A_72 = arith.constant 0.000000e+00 : f32
    %broadcast_in_dim3A_73 = vector.broadcast %broadcast_in_dim3A_72 : f32 to vector<16xf32>
    %broadcast_in_dim3A_74 = arith.constant 0 : i32
    %broadcast_in_dim3A_75 = vector.broadcast %broadcast_in_dim3A_74 : i32 to vector<16xi32>
    %gather3A = tpu.vector_load_idx %arg20[%iota3A, %broadcast_in_dim3A_75] : memref<20x32xf32, #tpu.memory_space<vmem>>[vector<16xi32>, vector<16xi32>], vector<16xf32>,
    %add3A_76 = arith.addf %broadcast_in_dim3A_71, %gather3A : vector<16xf32>
    %gather3A_77 = tpu.vector_load_idx %arg20[%min3A_70, %broadcast_in_dim3A_75] : memref<20x32xf32, #tpu.memory_space<vmem>>[vector<16xi32>, vector<16xi32>], vector<16xf32>,
    %add3A_78 = arith.addf %broadcast_in_dim3A_73, %gather3A_77 : vector<16xf32>
    %broadcast_in_dim3A_79 = arith.constant 1 : i32
    %broadcast_in_dim3A_80 = vector.broadcast %broadcast_in_dim3A_79 : i32 to vector<16xi32>
    %gather3A_81 = tpu.vector_load_idx %arg20[%iota3A, %broadcast_in_dim3A_80] : memref<20x32xf32, #tpu.memory_space<vmem>>[vector<16xi32>, vector<16xi32>], vector<16xf32>,
    %add3A_82 = arith.addf %add3A_76, %gather3A_81 : vector<16xf32>
    %gather3A_83 = tpu.vector_load_idx %arg20[%min3A_70, %broadcast_in_dim3A_80] : memref<20x32xf32, #tpu.memory_space<vmem>>[vector<16xi32>, vector<16xi32>], vector<16xf32>,
    %add3A_84 = arith.addf %add3A_78, %gather3A_83 : vector<16xf32>
    %broadcast_in_dim3A_85 = arith.constant 2 : i32
    %broadcast_in_dim3A_86 = vector.broadcast %broadcast_in_dim3A_85 : i32 to vector<16xi32>
    %gather3A_87 = tpu.vector_load_idx %arg20[%iota3A, %broadcast_in_dim3A_86] : memref<20x32xf32, #tpu.memory_space<vmem>>[vector<16xi32>, vector<16xi32>], vector<16xf32>,
    %add3A_88 = arith.addf %add3A_82, %gather3A_87 : vector<16xf32>
    %gather3A_89 = tpu.vector_load_idx %arg20[%min3A_70, %broadcast_in_dim3A_86] : memref<20x32xf32, #tpu.memory_space<vmem>>[vector<16xi32>, vector<16xi32>], vector<16xf32>,
    %add3A_90 = arith.addf %add3A_84, %gather3A_89 : vector<16xf32>
    %broadcast_in_dim3A_91 = arith.constant 3 : i32
    %broadcast_in_dim3A_92 = vector.broadcast %broadcast_in_dim3A_91 : i32 to vector<16xi32>
    %gather3A_93 = tpu.vector_load_idx %arg20[%iota3A, %broadcast_in_dim3A_92] : memref<20x32xf32, #tpu.memory_space<vmem>>[vector<16xi32>, vector<16xi32>], vector<16xf32>,
    %add3A_94 = arith.addf %add3A_88, %gather3A_93 : vector<16xf32>
    %gather3A_95 = tpu.vector_load_idx %arg20[%min3A_70, %broadcast_in_dim3A_92] : memref<20x32xf32, #tpu.memory_space<vmem>>[vector<16xi32>, vector<16xi32>], vector<16xf32>,
    %add3A_96 = arith.addf %add3A_90, %gather3A_95 : vector<16xf32>
    %broadcast_in_dim3A_97 = arith.constant 4 : i32
    %broadcast_in_dim3A_98 = vector.broadcast %broadcast_in_dim3A_97 : i32 to vector<16xi32>
    %gather3A_99 = tpu.vector_load_idx %arg20[%iota3A, %broadcast_in_dim3A_98] : memref<20x32xf32, #tpu.memory_space<vmem>>[vector<16xi32>, vector<16xi32>], vector<16xf32>,
    %add3A_100 = arith.addf %add3A_94, %gather3A_99 : vector<16xf32>
    %gather3A_101 = tpu.vector_load_idx %arg20[%min3A_70, %broadcast_in_dim3A_98] : memref<20x32xf32, #tpu.memory_space<vmem>>[vector<16xi32>, vector<16xi32>], vector<16xf32>,
    %add3A_102 = arith.addf %add3A_96, %gather3A_101 : vector<16xf32>
    %broadcast_in_dim3A_103 = arith.constant 5 : i32
    %broadcast_in_dim3A_104 = vector.broadcast %broadcast_in_dim3A_103 : i32 to vector<16xi32>
    %gather3A_105 = tpu.vector_load_idx %arg20[%iota3A, %broadcast_in_dim3A_104] : memref<20x32xf32, #tpu.memory_space<vmem>>[vector<16xi32>, vector<16xi32>], vector<16xf32>,
    %add3A_106 = arith.addf %add3A_100, %gather3A_105 : vector<16xf32>
    %gather3A_107 = tpu.vector_load_idx %arg20[%min3A_70, %broadcast_in_dim3A_104] : memref<20x32xf32, #tpu.memory_space<vmem>>[vector<16xi32>, vector<16xi32>], vector<16xf32>,
    %add3A_108 = arith.addf %add3A_102, %gather3A_107 : vector<16xf32>
    %broadcast_in_dim3A_109 = arith.constant 6 : i32
    %broadcast_in_dim3A_110 = vector.broadcast %broadcast_in_dim3A_109 : i32 to vector<16xi32>
    %gather3A_111 = tpu.vector_load_idx %arg20[%iota3A, %broadcast_in_dim3A_110] : memref<20x32xf32, #tpu.memory_space<vmem>>[vector<16xi32>, vector<16xi32>], vector<16xf32>,
    %add3A_112 = arith.addf %add3A_106, %gather3A_111 : vector<16xf32>
    %gather3A_113 = tpu.vector_load_idx %arg20[%min3A_70, %broadcast_in_dim3A_110] : memref<20x32xf32, #tpu.memory_space<vmem>>[vector<16xi32>, vector<16xi32>], vector<16xf32>,
    %add3A_114 = arith.addf %add3A_108, %gather3A_113 : vector<16xf32>
    %broadcast_in_dim3A_115 = arith.constant 7 : i32
    %broadcast_in_dim3A_116 = vector.broadcast %broadcast_in_dim3A_115 : i32 to vector<16xi32>
    %gather3A_117 = tpu.vector_load_idx %arg20[%iota3A, %broadcast_in_dim3A_116] : memref<20x32xf32, #tpu.memory_space<vmem>>[vector<16xi32>, vector<16xi32>], vector<16xf32>,
    %add3A_118 = arith.addf %add3A_112, %gather3A_117 : vector<16xf32>
    %gather3A_119 = tpu.vector_load_idx %arg20[%min3A_70, %broadcast_in_dim3A_116] : memref<20x32xf32, #tpu.memory_space<vmem>>[vector<16xi32>, vector<16xi32>], vector<16xf32>,
    %add3A_120 = arith.addf %add3A_114, %gather3A_119 : vector<16xf32>
    %broadcast_in_dim3A_121 = arith.constant 8 : i32
    %broadcast_in_dim3A_122 = vector.broadcast %broadcast_in_dim3A_121 : i32 to vector<16xi32>
    %gather3A_123 = tpu.vector_load_idx %arg20[%iota3A, %broadcast_in_dim3A_122] : memref<20x32xf32, #tpu.memory_space<vmem>>[vector<16xi32>, vector<16xi32>], vector<16xf32>,
    %add3A_124 = arith.addf %add3A_118, %gather3A_123 : vector<16xf32>
    %gather3A_125 = tpu.vector_load_idx %arg20[%min3A_70, %broadcast_in_dim3A_122] : memref<20x32xf32, #tpu.memory_space<vmem>>[vector<16xi32>, vector<16xi32>], vector<16xf32>,
    %add3A_126 = arith.addf %add3A_120, %gather3A_125 : vector<16xf32>
    %broadcast_in_dim3A_127 = arith.constant 9 : i32
    %broadcast_in_dim3A_128 = vector.broadcast %broadcast_in_dim3A_127 : i32 to vector<16xi32>
    %gather3A_129 = tpu.vector_load_idx %arg20[%iota3A, %broadcast_in_dim3A_128] : memref<20x32xf32, #tpu.memory_space<vmem>>[vector<16xi32>, vector<16xi32>], vector<16xf32>,
    %add3A_130 = arith.addf %add3A_124, %gather3A_129 : vector<16xf32>
    %gather3A_131 = tpu.vector_load_idx %arg20[%min3A_70, %broadcast_in_dim3A_128] : memref<20x32xf32, #tpu.memory_space<vmem>>[vector<16xi32>, vector<16xi32>], vector<16xf32>,
    %add3A_132 = arith.addf %add3A_126, %gather3A_131 : vector<16xf32>
    %broadcast_in_dim3A_133 = arith.constant 10 : i32
    %broadcast_in_dim3A_134 = vector.broadcast %broadcast_in_dim3A_133 : i32 to vector<16xi32>
    %gather3A_135 = tpu.vector_load_idx %arg20[%iota3A, %broadcast_in_dim3A_134] : memref<20x32xf32, #tpu.memory_space<vmem>>[vector<16xi32>, vector<16xi32>], vector<16xf32>,
    %add3A_136 = arith.addf %add3A_130, %gather3A_135 : vector<16xf32>
    %gather3A_137 = tpu.vector_load_idx %arg20[%min3A_70, %broadcast_in_dim3A_134] : memref<20x32xf32, #tpu.memory_space<vmem>>[vector<16xi32>, vector<16xi32>], vector<16xf32>,
    %add3A_138 = arith.addf %add3A_132, %gather3A_137 : vector<16xf32>
    %broadcast_in_dim3A_139 = arith.constant 11 : i32
    %broadcast_in_dim3A_140 = vector.broadcast %broadcast_in_dim3A_139 : i32 to vector<16xi32>
    %gather3A_141 = tpu.vector_load_idx %arg20[%iota3A, %broadcast_in_dim3A_140] : memref<20x32xf32, #tpu.memory_space<vmem>>[vector<16xi32>, vector<16xi32>], vector<16xf32>,
    %add3A_142 = arith.addf %add3A_136, %gather3A_141 : vector<16xf32>
    %gather3A_143 = tpu.vector_load_idx %arg20[%min3A_70, %broadcast_in_dim3A_140] : memref<20x32xf32, #tpu.memory_space<vmem>>[vector<16xi32>, vector<16xi32>], vector<16xf32>,
    %add3A_144 = arith.addf %add3A_138, %gather3A_143 : vector<16xf32>
    %broadcast_in_dim3A_145 = arith.constant 12 : i32
    %broadcast_in_dim3A_146 = vector.broadcast %broadcast_in_dim3A_145 : i32 to vector<16xi32>
    %gather3A_147 = tpu.vector_load_idx %arg20[%iota3A, %broadcast_in_dim3A_146] : memref<20x32xf32, #tpu.memory_space<vmem>>[vector<16xi32>, vector<16xi32>], vector<16xf32>,
    %add3A_148 = arith.addf %add3A_142, %gather3A_147 : vector<16xf32>
    %gather3A_149 = tpu.vector_load_idx %arg20[%min3A_70, %broadcast_in_dim3A_146] : memref<20x32xf32, #tpu.memory_space<vmem>>[vector<16xi32>, vector<16xi32>], vector<16xf32>,
    %add3A_150 = arith.addf %add3A_144, %gather3A_149 : vector<16xf32>
    %broadcast_in_dim3A_151 = arith.constant 13 : i32
    %broadcast_in_dim3A_152 = vector.broadcast %broadcast_in_dim3A_151 : i32 to vector<16xi32>
    %gather3A_153 = tpu.vector_load_idx %arg20[%iota3A, %broadcast_in_dim3A_152] : memref<20x32xf32, #tpu.memory_space<vmem>>[vector<16xi32>, vector<16xi32>], vector<16xf32>,
    %add3A_154 = arith.addf %add3A_148, %gather3A_153 : vector<16xf32>
    %gather3A_155 = tpu.vector_load_idx %arg20[%min3A_70, %broadcast_in_dim3A_152] : memref<20x32xf32, #tpu.memory_space<vmem>>[vector<16xi32>, vector<16xi32>], vector<16xf32>,
    %add3A_156 = arith.addf %add3A_150, %gather3A_155 : vector<16xf32>
    %broadcast_in_dim3A_157 = arith.constant 14 : i32
    %broadcast_in_dim3A_158 = vector.broadcast %broadcast_in_dim3A_157 : i32 to vector<16xi32>
    %gather3A_159 = tpu.vector_load_idx %arg20[%iota3A, %broadcast_in_dim3A_158] : memref<20x32xf32, #tpu.memory_space<vmem>>[vector<16xi32>, vector<16xi32>], vector<16xf32>,
    %add3A_160 = arith.addf %add3A_154, %gather3A_159 : vector<16xf32>
    %gather3A_161 = tpu.vector_load_idx %arg20[%min3A_70, %broadcast_in_dim3A_158] : memref<20x32xf32, #tpu.memory_space<vmem>>[vector<16xi32>, vector<16xi32>], vector<16xf32>,
    %add3A_162 = arith.addf %add3A_156, %gather3A_161 : vector<16xf32>
    %broadcast_in_dim3A_163 = arith.constant 15 : i32
    %broadcast_in_dim3A_164 = vector.broadcast %broadcast_in_dim3A_163 : i32 to vector<16xi32>
    %gather3A_165 = tpu.vector_load_idx %arg20[%iota3A, %broadcast_in_dim3A_164] : memref<20x32xf32, #tpu.memory_space<vmem>>[vector<16xi32>, vector<16xi32>], vector<16xf32>,
    %add3A_166 = arith.addf %add3A_160, %gather3A_165 : vector<16xf32>
    %gather3A_167 = tpu.vector_load_idx %arg20[%min3A_70, %broadcast_in_dim3A_164] : memref<20x32xf32, #tpu.memory_space<vmem>>[vector<16xi32>, vector<16xi32>], vector<16xf32>,
    %add3A_168 = arith.addf %add3A_162, %gather3A_167 : vector<16xf32>
    %broadcast_in_dim3A_169 = arith.constant 16 : i32
    %broadcast_in_dim3A_170 = vector.broadcast %broadcast_in_dim3A_169 : i32 to vector<16xi32>
    %gather3A_171 = tpu.vector_load_idx %arg20[%iota3A, %broadcast_in_dim3A_170] : memref<20x32xf32, #tpu.memory_space<vmem>>[vector<16xi32>, vector<16xi32>], vector<16xf32>,
    %add3A_172 = arith.addf %add3A_166, %gather3A_171 : vector<16xf32>
    %gather3A_173 = tpu.vector_load_idx %arg20[%min3A_70, %broadcast_in_dim3A_170] : memref<20x32xf32, #tpu.memory_space<vmem>>[vector<16xi32>, vector<16xi32>], vector<16xf32>,
    %add3A_174 = arith.addf %add3A_168, %gather3A_173 : vector<16xf32>
    %broadcast_in_dim3A_175 = arith.constant 17 : i32
    %broadcast_in_dim3A_176 = vector.broadcast %broadcast_in_dim3A_175 : i32 to vector<16xi32>
    %gather3A_177 = tpu.vector_load_idx %arg20[%iota3A, %broadcast_in_dim3A_176] : memref<20x32xf32, #tpu.memory_space<vmem>>[vector<16xi32>, vector<16xi32>], vector<16xf32>,
    %add3A_178 = arith.addf %add3A_172, %gather3A_177 : vector<16xf32>
    %gather3A_179 = tpu.vector_load_idx %arg20[%min3A_70, %broadcast_in_dim3A_176] : memref<20x32xf32, #tpu.memory_space<vmem>>[vector<16xi32>, vector<16xi32>], vector<16xf32>,
    %add3A_180 = arith.addf %add3A_174, %gather3A_179 : vector<16xf32>
    %broadcast_in_dim3A_181 = arith.constant 18 : i32
    %broadcast_in_dim3A_182 = vector.broadcast %broadcast_in_dim3A_181 : i32 to vector<16xi32>
    %gather3A_183 = tpu.vector_load_idx %arg20[%iota3A, %broadcast_in_dim3A_182] : memref<20x32xf32, #tpu.memory_space<vmem>>[vector<16xi32>, vector<16xi32>], vector<16xf32>,
    %add3A_184 = arith.addf %add3A_178, %gather3A_183 : vector<16xf32>
    %gather3A_185 = tpu.vector_load_idx %arg20[%min3A_70, %broadcast_in_dim3A_182] : memref<20x32xf32, #tpu.memory_space<vmem>>[vector<16xi32>, vector<16xi32>], vector<16xf32>,
    %add3A_186 = arith.addf %add3A_180, %gather3A_185 : vector<16xf32>
    %broadcast_in_dim3A_187 = arith.constant 19 : i32
    %broadcast_in_dim3A_188 = vector.broadcast %broadcast_in_dim3A_187 : i32 to vector<16xi32>
    %gather3A_189 = tpu.vector_load_idx %arg20[%iota3A, %broadcast_in_dim3A_188] : memref<20x32xf32, #tpu.memory_space<vmem>>[vector<16xi32>, vector<16xi32>], vector<16xf32>,
    %add3A_190 = arith.addf %add3A_184, %gather3A_189 : vector<16xf32>
    %gather3A_191 = tpu.vector_load_idx %arg20[%min3A_70, %broadcast_in_dim3A_188] : memref<20x32xf32, #tpu.memory_space<vmem>>[vector<16xi32>, vector<16xi32>], vector<16xf32>,
    %add3A_192 = arith.addf %add3A_186, %gather3A_191 : vector<16xf32>
    %broadcast_in_dim3A_193 = arith.constant 20 : i32
    %broadcast_in_dim3A_194 = vector.broadcast %broadcast_in_dim3A_193 : i32 to vector<16xi32>
    %gather3A_195 = tpu.vector_load_idx %arg20[%iota3A, %broadcast_in_dim3A_194] : memref<20x32xf32, #tpu.memory_space<vmem>>[vector<16xi32>, vector<16xi32>], vector<16xf32>,
    %add3A_196 = arith.addf %add3A_190, %gather3A_195 : vector<16xf32>
    %gather3A_197 = tpu.vector_load_idx %arg20[%min3A_70, %broadcast_in_dim3A_194] : memref<20x32xf32, #tpu.memory_space<vmem>>[vector<16xi32>, vector<16xi32>], vector<16xf32>,
    %add3A_198 = arith.addf %add3A_192, %gather3A_197 : vector<16xf32>
    %broadcast_in_dim3A_199 = arith.constant 21 : i32
    %broadcast_in_dim3A_200 = vector.broadcast %broadcast_in_dim3A_199 : i32 to vector<16xi32>
    %gather3A_201 = tpu.vector_load_idx %arg20[%iota3A, %broadcast_in_dim3A_200] : memref<20x32xf32, #tpu.memory_space<vmem>>[vector<16xi32>, vector<16xi32>], vector<16xf32>,
    %add3A_202 = arith.addf %add3A_196, %gather3A_201 : vector<16xf32>
    %gather3A_203 = tpu.vector_load_idx %arg20[%min3A_70, %broadcast_in_dim3A_200] : memref<20x32xf32, #tpu.memory_space<vmem>>[vector<16xi32>, vector<16xi32>], vector<16xf32>,
    %add3A_204 = arith.addf %add3A_198, %gather3A_203 : vector<16xf32>
    %broadcast_in_dim3A_205 = arith.constant 22 : i32
    %broadcast_in_dim3A_206 = vector.broadcast %broadcast_in_dim3A_205 : i32 to vector<16xi32>
    %gather3A_207 = tpu.vector_load_idx %arg20[%iota3A, %broadcast_in_dim3A_206] : memref<20x32xf32, #tpu.memory_space<vmem>>[vector<16xi32>, vector<16xi32>], vector<16xf32>,
    %add3A_208 = arith.addf %add3A_202, %gather3A_207 : vector<16xf32>
    %gather3A_209 = tpu.vector_load_idx %arg20[%min3A_70, %broadcast_in_dim3A_206] : memref<20x32xf32, #tpu.memory_space<vmem>>[vector<16xi32>, vector<16xi32>], vector<16xf32>,
    %add3A_210 = arith.addf %add3A_204, %gather3A_209 : vector<16xf32>
    %broadcast_in_dim3A_211 = arith.constant 23 : i32
    %broadcast_in_dim3A_212 = vector.broadcast %broadcast_in_dim3A_211 : i32 to vector<16xi32>
    %gather3A_213 = tpu.vector_load_idx %arg20[%iota3A, %broadcast_in_dim3A_212] : memref<20x32xf32, #tpu.memory_space<vmem>>[vector<16xi32>, vector<16xi32>], vector<16xf32>,
    %add3A_214 = arith.addf %add3A_208, %gather3A_213 : vector<16xf32>
    %gather3A_215 = tpu.vector_load_idx %arg20[%min3A_70, %broadcast_in_dim3A_212] : memref<20x32xf32, #tpu.memory_space<vmem>>[vector<16xi32>, vector<16xi32>], vector<16xf32>,
    %add3A_216 = arith.addf %add3A_210, %gather3A_215 : vector<16xf32>
    %broadcast_in_dim3A_217 = arith.constant 24 : i32
    %broadcast_in_dim3A_218 = vector.broadcast %broadcast_in_dim3A_217 : i32 to vector<16xi32>
    %gather3A_219 = tpu.vector_load_idx %arg20[%iota3A, %broadcast_in_dim3A_218] : memref<20x32xf32, #tpu.memory_space<vmem>>[vector<16xi32>, vector<16xi32>], vector<16xf32>,
    %add3A_220 = arith.addf %add3A_214, %gather3A_219 : vector<16xf32>
    %gather3A_221 = tpu.vector_load_idx %arg20[%min3A_70, %broadcast_in_dim3A_218] : memref<20x32xf32, #tpu.memory_space<vmem>>[vector<16xi32>, vector<16xi32>], vector<16xf32>,
    %add3A_222 = arith.addf %add3A_216, %gather3A_221 : vector<16xf32>
    %broadcast_in_dim3A_223 = arith.constant 25 : i32
    %broadcast_in_dim3A_224 = vector.broadcast %broadcast_in_dim3A_223 : i32 to vector<16xi32>
    %gather3A_225 = tpu.vector_load_idx %arg20[%iota3A, %broadcast_in_dim3A_224] : memref<20x32xf32, #tpu.memory_space<vmem>>[vector<16xi32>, vector<16xi32>], vector<16xf32>,
    %add3A_226 = arith.addf %add3A_220, %gather3A_225 : vector<16xf32>
    %gather3A_227 = tpu.vector_load_idx %arg20[%min3A_70, %broadcast_in_dim3A_224] : memref<20x32xf32, #tpu.memory_space<vmem>>[vector<16xi32>, vector<16xi32>], vector<16xf32>,
    %add3A_228 = arith.addf %add3A_222, %gather3A_227 : vector<16xf32>
    %broadcast_in_dim3A_229 = arith.constant 26 : i32
    %broadcast_in_dim3A_230 = vector.broadcast %broadcast_in_dim3A_229 : i32 to vector<16xi32>
    %gather3A_231 = tpu.vector_load_idx %arg20[%iota3A, %broadcast_in_dim3A_230] : memref<20x32xf32, #tpu.memory_space<vmem>>[vector<16xi32>, vector<16xi32>], vector<16xf32>,
    %add3A_232 = arith.addf %add3A_226, %gather3A_231 : vector<16xf32>
    %gather3A_233 = tpu.vector_load_idx %arg20[%min3A_70, %broadcast_in_dim3A_230] : memref<20x32xf32, #tpu.memory_space<vmem>>[vector<16xi32>, vector<16xi32>], vector<16xf32>,
    %add3A_234 = arith.addf %add3A_228, %gather3A_233 : vector<16xf32>
    %broadcast_in_dim3A_235 = arith.constant 27 : i32
    %broadcast_in_dim3A_236 = vector.broadcast %broadcast_in_dim3A_235 : i32 to vector<16xi32>
    %gather3A_237 = tpu.vector_load_idx %arg20[%iota3A, %broadcast_in_dim3A_236] : memref<20x32xf32, #tpu.memory_space<vmem>>[vector<16xi32>, vector<16xi32>], vector<16xf32>,
    %add3A_238 = arith.addf %add3A_232, %gather3A_237 : vector<16xf32>
    %gather3A_239 = tpu.vector_load_idx %arg20[%min3A_70, %broadcast_in_dim3A_236] : memref<20x32xf32, #tpu.memory_space<vmem>>[vector<16xi32>, vector<16xi32>], vector<16xf32>,
    %add3A_240 = arith.addf %add3A_234, %gather3A_239 : vector<16xf32>
    %broadcast_in_dim3A_241 = arith.constant 28 : i32
    %broadcast_in_dim3A_242 = vector.broadcast %broadcast_in_dim3A_241 : i32 to vector<16xi32>
    %gather3A_243 = tpu.vector_load_idx %arg20[%iota3A, %broadcast_in_dim3A_242] : memref<20x32xf32, #tpu.memory_space<vmem>>[vector<16xi32>, vector<16xi32>], vector<16xf32>,
    %add3A_244 = arith.addf %add3A_238, %gather3A_243 : vector<16xf32>
    %gather3A_245 = tpu.vector_load_idx %arg20[%min3A_70, %broadcast_in_dim3A_242] : memref<20x32xf32, #tpu.memory_space<vmem>>[vector<16xi32>, vector<16xi32>], vector<16xf32>,
    %add3A_246 = arith.addf %add3A_240, %gather3A_245 : vector<16xf32>
    %broadcast_in_dim3A_247 = arith.constant 29 : i32
    %broadcast_in_dim3A_248 = vector.broadcast %broadcast_in_dim3A_247 : i32 to vector<16xi32>
    %gather3A_249 = tpu.vector_load_idx %arg20[%iota3A, %broadcast_in_dim3A_248] : memref<20x32xf32, #tpu.memory_space<vmem>>[vector<16xi32>, vector<16xi32>], vector<16xf32>,
    %add3A_250 = arith.addf %add3A_244, %gather3A_249 : vector<16xf32>
    %gather3A_251 = tpu.vector_load_idx %arg20[%min3A_70, %broadcast_in_dim3A_248] : memref<20x32xf32, #tpu.memory_space<vmem>>[vector<16xi32>, vector<16xi32>], vector<16xf32>,
    %add3A_252 = arith.addf %add3A_246, %gather3A_251 : vector<16xf32>
    %broadcast_in_dim3A_253 = arith.constant 30 : i32
    %broadcast_in_dim3A_254 = vector.broadcast %broadcast_in_dim3A_253 : i32 to vector<16xi32>
    %gather3A_255 = tpu.vector_load_idx %arg20[%iota3A, %broadcast_in_dim3A_254] : memref<20x32xf32, #tpu.memory_space<vmem>>[vector<16xi32>, vector<16xi32>], vector<16xf32>,
    %add3A_256 = arith.addf %add3A_250, %gather3A_255 : vector<16xf32>
    %gather3A_257 = tpu.vector_load_idx %arg20[%min3A_70, %broadcast_in_dim3A_254] : memref<20x32xf32, #tpu.memory_space<vmem>>[vector<16xi32>, vector<16xi32>], vector<16xf32>,
    %add3A_258 = arith.addf %add3A_252, %gather3A_257 : vector<16xf32>
    %broadcast_in_dim3A_259 = arith.constant 31 : i32
    %broadcast_in_dim3A_260 = vector.broadcast %broadcast_in_dim3A_259 : i32 to vector<16xi32>
    %gather3A_261 = tpu.vector_load_idx %arg20[%iota3A, %broadcast_in_dim3A_260] : memref<20x32xf32, #tpu.memory_space<vmem>>[vector<16xi32>, vector<16xi32>], vector<16xf32>,
    %add3A_262 = arith.addf %add3A_256, %gather3A_261 : vector<16xf32>
    %gather3A_263 = tpu.vector_load_idx %arg20[%min3A_70, %broadcast_in_dim3A_260] : memref<20x32xf32, #tpu.memory_space<vmem>>[vector<16xi32>, vector<16xi32>], vector<16xf32>,
    %add3A_264 = arith.addf %add3A_258, %gather3A_263 : vector<16xf32>
    %get3A = arith.constant 0 : index
    %get3A_265 = tpu.vector_load %arg21[%get3A] {strides = array<i32>} : memref<32xf32, #tpu.memory_space<vmem>>, vector<16xf32>,
    %get3A_266 = arith.constant 16 : index
    %get3A_267 = tpu.vector_load %arg21[%get3A_266] {strides = array<i32>} : memref<32xf32, #tpu.memory_space<vmem>>, vector<16xf32>,
    %broadcast_in_dim3A_268 = arith.constant 0.000000e+00 : f32
    %broadcast_in_dim3A_269 = vector.broadcast %broadcast_in_dim3A_268 : f32 to vector<16xf32>
    %eq3A = arith.constant 0 : i32
    %eq3A_270 = vector.broadcast %eq3A : i32 to vector<16xi32>
    %eq3A_271 = arith.cmpi eq, %iota3A, %eq3A_270 : vector<16xi32>
    %select_n3A = arith.select %eq3A_271, %add3A_262, %broadcast_in_dim3A_269 : vector<16xi1>, vector<16xf32>
    %reduce_sum3A = arith.constant true
    %reduce_sum3A_272 = vector.broadcast %reduce_sum3A : i1 to vector<16xi1>
    %reduce_sum3A_273 = tpu.scan <sum>, %select_n3A masked %reduce_sum3A_272 : vector<16xf32>, vector<16xi1> -> vector<16xf32>
    %reduce_sum3A_274 = vector.extract %reduce_sum3A_273[15] : f32 from vector<16xf32>
    %select_n3A_275 = arith.select %eq3A_271, %get3A_265, %broadcast_in_dim3A_269 : vector<16xi1>, vector<16xf32>
    %reduce_sum3A_276 = arith.constant true
    %reduce_sum3A_277 = vector.broadcast %reduce_sum3A_276 : i1 to vector<16xi1>
    %reduce_sum3A_278 = tpu.scan <sum>, %select_n3A_275 masked %reduce_sum3A_277 : vector<16xf32>, vector<16xi1> -> vector<16xf32>
    %reduce_sum3A_279 = vector.extract %reduce_sum3A_278[15] : f32 from vector<16xf32>
    %eq3A_280 = arith.constant 1 : i32
    %eq3A_281 = vector.broadcast %eq3A_280 : i32 to vector<16xi32>
    %eq3A_282 = arith.cmpi eq, %iota3A, %eq3A_281 : vector<16xi32>
    %select_n3A_283 = arith.select %eq3A_282, %add3A_262, %broadcast_in_dim3A_269 : vector<16xi1>, vector<16xf32>
    %reduce_sum3A_284 = arith.constant true
    %reduce_sum3A_285 = vector.broadcast %reduce_sum3A_284 : i1 to vector<16xi1>
    %reduce_sum3A_286 = tpu.scan <sum>, %select_n3A_283 masked %reduce_sum3A_285 : vector<16xf32>, vector<16xi1> -> vector<16xf32>
    %reduce_sum3A_287 = vector.extract %reduce_sum3A_286[15] : f32 from vector<16xf32>
    %select_n3A_288 = arith.select %eq3A_282, %get3A_265, %broadcast_in_dim3A_269 : vector<16xi1>, vector<16xf32>
    %reduce_sum3A_289 = arith.constant true
    %reduce_sum3A_290 = vector.broadcast %reduce_sum3A_289 : i1 to vector<16xi1>
    %reduce_sum3A_291 = tpu.scan <sum>, %select_n3A_288 masked %reduce_sum3A_290 : vector<16xf32>, vector<16xi1> -> vector<16xf32>
    %reduce_sum3A_292 = vector.extract %reduce_sum3A_291[15] : f32 from vector<16xf32>
    %eq3A_293 = arith.constant 2 : i32
    %eq3A_294 = vector.broadcast %eq3A_293 : i32 to vector<16xi32>
    %eq3A_295 = arith.cmpi eq, %iota3A, %eq3A_294 : vector<16xi32>
    %select_n3A_296 = arith.select %eq3A_295, %add3A_262, %broadcast_in_dim3A_269 : vector<16xi1>, vector<16xf32>
    %reduce_sum3A_297 = arith.constant true
    %reduce_sum3A_298 = vector.broadcast %reduce_sum3A_297 : i1 to vector<16xi1>
    %reduce_sum3A_299 = tpu.scan <sum>, %select_n3A_296 masked %reduce_sum3A_298 : vector<16xf32>, vector<16xi1> -> vector<16xf32>
    %reduce_sum3A_300 = vector.extract %reduce_sum3A_299[15] : f32 from vector<16xf32>
    %select_n3A_301 = arith.select %eq3A_295, %get3A_265, %broadcast_in_dim3A_269 : vector<16xi1>, vector<16xf32>
    %reduce_sum3A_302 = arith.constant true
    %reduce_sum3A_303 = vector.broadcast %reduce_sum3A_302 : i1 to vector<16xi1>
    %reduce_sum3A_304 = tpu.scan <sum>, %select_n3A_301 masked %reduce_sum3A_303 : vector<16xf32>, vector<16xi1> -> vector<16xf32>
    %reduce_sum3A_305 = vector.extract %reduce_sum3A_304[15] : f32 from vector<16xf32>
    %eq3A_306 = arith.constant 3 : i32
    %eq3A_307 = vector.broadcast %eq3A_306 : i32 to vector<16xi32>
    %eq3A_308 = arith.cmpi eq, %iota3A, %eq3A_307 : vector<16xi32>
    %select_n3A_309 = arith.select %eq3A_308, %add3A_262, %broadcast_in_dim3A_269 : vector<16xi1>, vector<16xf32>
    %reduce_sum3A_310 = arith.constant true
    %reduce_sum3A_311 = vector.broadcast %reduce_sum3A_310 : i1 to vector<16xi1>
    %reduce_sum3A_312 = tpu.scan <sum>, %select_n3A_309 masked %reduce_sum3A_311 : vector<16xf32>, vector<16xi1> -> vector<16xf32>
    %reduce_sum3A_313 = vector.extract %reduce_sum3A_312[15] : f32 from vector<16xf32>
    %select_n3A_314 = arith.select %eq3A_308, %get3A_265, %broadcast_in_dim3A_269 : vector<16xi1>, vector<16xf32>
    %reduce_sum3A_315 = arith.constant true
    %reduce_sum3A_316 = vector.broadcast %reduce_sum3A_315 : i1 to vector<16xi1>
    %reduce_sum3A_317 = tpu.scan <sum>, %select_n3A_314 masked %reduce_sum3A_316 : vector<16xf32>, vector<16xi1> -> vector<16xf32>
    %reduce_sum3A_318 = vector.extract %reduce_sum3A_317[15] : f32 from vector<16xf32>
    %eq3A_319 = arith.constant 4 : i32
    %eq3A_320 = vector.broadcast %eq3A_319 : i32 to vector<16xi32>
    %eq3A_321 = arith.cmpi eq, %iota3A, %eq3A_320 : vector<16xi32>
    %select_n3A_322 = arith.select %eq3A_321, %add3A_262, %broadcast_in_dim3A_269 : vector<16xi1>, vector<16xf32>
    %reduce_sum3A_323 = arith.constant true
    %reduce_sum3A_324 = vector.broadcast %reduce_sum3A_323 : i1 to vector<16xi1>
    %reduce_sum3A_325 = tpu.scan <sum>, %select_n3A_322 masked %reduce_sum3A_324 : vector<16xf32>, vector<16xi1> -> vector<16xf32>
    %reduce_sum3A_326 = vector.extract %reduce_sum3A_325[15] : f32 from vector<16xf32>
    %select_n3A_327 = arith.select %eq3A_321, %get3A_265, %broadcast_in_dim3A_269 : vector<16xi1>, vector<16xf32>
    %reduce_sum3A_328 = arith.constant true
    %reduce_sum3A_329 = vector.broadcast %reduce_sum3A_328 : i1 to vector<16xi1>
    %reduce_sum3A_330 = tpu.scan <sum>, %select_n3A_327 masked %reduce_sum3A_329 : vector<16xf32>, vector<16xi1> -> vector<16xf32>
    %reduce_sum3A_331 = vector.extract %reduce_sum3A_330[15] : f32 from vector<16xf32>
    %eq3A_332 = arith.constant 5 : i32
    %eq3A_333 = vector.broadcast %eq3A_332 : i32 to vector<16xi32>
    %eq3A_334 = arith.cmpi eq, %iota3A, %eq3A_333 : vector<16xi32>
    %select_n3A_335 = arith.select %eq3A_334, %add3A_262, %broadcast_in_dim3A_269 : vector<16xi1>, vector<16xf32>
    %reduce_sum3A_336 = arith.constant true
    %reduce_sum3A_337 = vector.broadcast %reduce_sum3A_336 : i1 to vector<16xi1>
    %reduce_sum3A_338 = tpu.scan <sum>, %select_n3A_335 masked %reduce_sum3A_337 : vector<16xf32>, vector<16xi1> -> vector<16xf32>
    %reduce_sum3A_339 = vector.extract %reduce_sum3A_338[15] : f32 from vector<16xf32>
    %select_n3A_340 = arith.select %eq3A_334, %get3A_265, %broadcast_in_dim3A_269 : vector<16xi1>, vector<16xf32>
    %reduce_sum3A_341 = arith.constant true
    %reduce_sum3A_342 = vector.broadcast %reduce_sum3A_341 : i1 to vector<16xi1>
    %reduce_sum3A_343 = tpu.scan <sum>, %select_n3A_340 masked %reduce_sum3A_342 : vector<16xf32>, vector<16xi1> -> vector<16xf32>
    %reduce_sum3A_344 = vector.extract %reduce_sum3A_343[15] : f32 from vector<16xf32>
    %eq3A_345 = arith.constant 6 : i32
    %eq3A_346 = vector.broadcast %eq3A_345 : i32 to vector<16xi32>
    %eq3A_347 = arith.cmpi eq, %iota3A, %eq3A_346 : vector<16xi32>
    %select_n3A_348 = arith.select %eq3A_347, %add3A_262, %broadcast_in_dim3A_269 : vector<16xi1>, vector<16xf32>
    %reduce_sum3A_349 = arith.constant true
    %reduce_sum3A_350 = vector.broadcast %reduce_sum3A_349 : i1 to vector<16xi1>
    %reduce_sum3A_351 = tpu.scan <sum>, %select_n3A_348 masked %reduce_sum3A_350 : vector<16xf32>, vector<16xi1> -> vector<16xf32>
    %reduce_sum3A_352 = vector.extract %reduce_sum3A_351[15] : f32 from vector<16xf32>
    %select_n3A_353 = arith.select %eq3A_347, %get3A_265, %broadcast_in_dim3A_269 : vector<16xi1>, vector<16xf32>
    %reduce_sum3A_354 = arith.constant true
    %reduce_sum3A_355 = vector.broadcast %reduce_sum3A_354 : i1 to vector<16xi1>
    %reduce_sum3A_356 = tpu.scan <sum>, %select_n3A_353 masked %reduce_sum3A_355 : vector<16xf32>, vector<16xi1> -> vector<16xf32>
    %reduce_sum3A_357 = vector.extract %reduce_sum3A_356[15] : f32 from vector<16xf32>
    %eq3A_358 = arith.constant 7 : i32
    %eq3A_359 = vector.broadcast %eq3A_358 : i32 to vector<16xi32>
    %eq3A_360 = arith.cmpi eq, %iota3A, %eq3A_359 : vector<16xi32>
    %select_n3A_361 = arith.select %eq3A_360, %add3A_262, %broadcast_in_dim3A_269 : vector<16xi1>, vector<16xf32>
    %reduce_sum3A_362 = arith.constant true
    %reduce_sum3A_363 = vector.broadcast %reduce_sum3A_362 : i1 to vector<16xi1>
    %reduce_sum3A_364 = tpu.scan <sum>, %select_n3A_361 masked %reduce_sum3A_363 : vector<16xf32>, vector<16xi1> -> vector<16xf32>
    %reduce_sum3A_365 = vector.extract %reduce_sum3A_364[15] : f32 from vector<16xf32>
    %select_n3A_366 = arith.select %eq3A_360, %get3A_265, %broadcast_in_dim3A_269 : vector<16xi1>, vector<16xf32>
    %reduce_sum3A_367 = arith.constant true
    %reduce_sum3A_368 = vector.broadcast %reduce_sum3A_367 : i1 to vector<16xi1>
    %reduce_sum3A_369 = tpu.scan <sum>, %select_n3A_366 masked %reduce_sum3A_368 : vector<16xf32>, vector<16xi1> -> vector<16xf32>
    %reduce_sum3A_370 = vector.extract %reduce_sum3A_369[15] : f32 from vector<16xf32>
    %eq3A_371 = arith.constant 8 : i32
    %eq3A_372 = vector.broadcast %eq3A_371 : i32 to vector<16xi32>
    %eq3A_373 = arith.cmpi eq, %iota3A, %eq3A_372 : vector<16xi32>
    %select_n3A_374 = arith.select %eq3A_373, %add3A_262, %broadcast_in_dim3A_269 : vector<16xi1>, vector<16xf32>
    %reduce_sum3A_375 = arith.constant true
    %reduce_sum3A_376 = vector.broadcast %reduce_sum3A_375 : i1 to vector<16xi1>
    %reduce_sum3A_377 = tpu.scan <sum>, %select_n3A_374 masked %reduce_sum3A_376 : vector<16xf32>, vector<16xi1> -> vector<16xf32>
    %reduce_sum3A_378 = vector.extract %reduce_sum3A_377[15] : f32 from vector<16xf32>
    %select_n3A_379 = arith.select %eq3A_373, %get3A_265, %broadcast_in_dim3A_269 : vector<16xi1>, vector<16xf32>
    %reduce_sum3A_380 = arith.constant true
    %reduce_sum3A_381 = vector.broadcast %reduce_sum3A_380 : i1 to vector<16xi1>
    %reduce_sum3A_382 = tpu.scan <sum>, %select_n3A_379 masked %reduce_sum3A_381 : vector<16xf32>, vector<16xi1> -> vector<16xf32>
    %reduce_sum3A_383 = vector.extract %reduce_sum3A_382[15] : f32 from vector<16xf32>
    %eq3A_384 = arith.constant 9 : i32
    %eq3A_385 = vector.broadcast %eq3A_384 : i32 to vector<16xi32>
    %eq3A_386 = arith.cmpi eq, %iota3A, %eq3A_385 : vector<16xi32>
    %select_n3A_387 = arith.select %eq3A_386, %add3A_262, %broadcast_in_dim3A_269 : vector<16xi1>, vector<16xf32>
    %reduce_sum3A_388 = arith.constant true
    %reduce_sum3A_389 = vector.broadcast %reduce_sum3A_388 : i1 to vector<16xi1>
    %reduce_sum3A_390 = tpu.scan <sum>, %select_n3A_387 masked %reduce_sum3A_389 : vector<16xf32>, vector<16xi1> -> vector<16xf32>
    %reduce_sum3A_391 = vector.extract %reduce_sum3A_390[15] : f32 from vector<16xf32>
    %select_n3A_392 = arith.select %eq3A_386, %get3A_265, %broadcast_in_dim3A_269 : vector<16xi1>, vector<16xf32>
    %reduce_sum3A_393 = arith.constant true
    %reduce_sum3A_394 = vector.broadcast %reduce_sum3A_393 : i1 to vector<16xi1>
    %reduce_sum3A_395 = tpu.scan <sum>, %select_n3A_392 masked %reduce_sum3A_394 : vector<16xf32>, vector<16xi1> -> vector<16xf32>
    %reduce_sum3A_396 = vector.extract %reduce_sum3A_395[15] : f32 from vector<16xf32>
    %eq3A_397 = arith.constant 10 : i32
    %eq3A_398 = vector.broadcast %eq3A_397 : i32 to vector<16xi32>
    %eq3A_399 = arith.cmpi eq, %iota3A, %eq3A_398 : vector<16xi32>
    %select_n3A_400 = arith.select %eq3A_399, %add3A_262, %broadcast_in_dim3A_269 : vector<16xi1>, vector<16xf32>
    %reduce_sum3A_401 = arith.constant true
    %reduce_sum3A_402 = vector.broadcast %reduce_sum3A_401 : i1 to vector<16xi1>
    %reduce_sum3A_403 = tpu.scan <sum>, %select_n3A_400 masked %reduce_sum3A_402 : vector<16xf32>, vector<16xi1> -> vector<16xf32>
    %reduce_sum3A_404 = vector.extract %reduce_sum3A_403[15] : f32 from vector<16xf32>
    %select_n3A_405 = arith.select %eq3A_399, %get3A_265, %broadcast_in_dim3A_269 : vector<16xi1>, vector<16xf32>
    %reduce_sum3A_406 = arith.constant true
    %reduce_sum3A_407 = vector.broadcast %reduce_sum3A_406 : i1 to vector<16xi1>
    %reduce_sum3A_408 = tpu.scan <sum>, %select_n3A_405 masked %reduce_sum3A_407 : vector<16xf32>, vector<16xi1> -> vector<16xf32>
    %reduce_sum3A_409 = vector.extract %reduce_sum3A_408[15] : f32 from vector<16xf32>
    %eq3A_410 = arith.constant 11 : i32
    %eq3A_411 = vector.broadcast %eq3A_410 : i32 to vector<16xi32>
    %eq3A_412 = arith.cmpi eq, %iota3A, %eq3A_411 : vector<16xi32>
    %select_n3A_413 = arith.select %eq3A_412, %add3A_262, %broadcast_in_dim3A_269 : vector<16xi1>, vector<16xf32>
    %reduce_sum3A_414 = arith.constant true
    %reduce_sum3A_415 = vector.broadcast %reduce_sum3A_414 : i1 to vector<16xi1>
    %reduce_sum3A_416 = tpu.scan <sum>, %select_n3A_413 masked %reduce_sum3A_415 : vector<16xf32>, vector<16xi1> -> vector<16xf32>
    %reduce_sum3A_417 = vector.extract %reduce_sum3A_416[15] : f32 from vector<16xf32>
    %select_n3A_418 = arith.select %eq3A_412, %get3A_265, %broadcast_in_dim3A_269 : vector<16xi1>, vector<16xf32>
    %reduce_sum3A_419 = arith.constant true
    %reduce_sum3A_420 = vector.broadcast %reduce_sum3A_419 : i1 to vector<16xi1>
    %reduce_sum3A_421 = tpu.scan <sum>, %select_n3A_418 masked %reduce_sum3A_420 : vector<16xf32>, vector<16xi1> -> vector<16xf32>
    %reduce_sum3A_422 = vector.extract %reduce_sum3A_421[15] : f32 from vector<16xf32>
    %eq3A_423 = arith.constant 12 : i32
    %eq3A_424 = vector.broadcast %eq3A_423 : i32 to vector<16xi32>
    %eq3A_425 = arith.cmpi eq, %iota3A, %eq3A_424 : vector<16xi32>
    %select_n3A_426 = arith.select %eq3A_425, %add3A_262, %broadcast_in_dim3A_269 : vector<16xi1>, vector<16xf32>
    %reduce_sum3A_427 = arith.constant true
    %reduce_sum3A_428 = vector.broadcast %reduce_sum3A_427 : i1 to vector<16xi1>
    %reduce_sum3A_429 = tpu.scan <sum>, %select_n3A_426 masked %reduce_sum3A_428 : vector<16xf32>, vector<16xi1> -> vector<16xf32>
    %reduce_sum3A_430 = vector.extract %reduce_sum3A_429[15] : f32 from vector<16xf32>
    %select_n3A_431 = arith.select %eq3A_425, %get3A_265, %broadcast_in_dim3A_269 : vector<16xi1>, vector<16xf32>
    %reduce_sum3A_432 = arith.constant true
    %reduce_sum3A_433 = vector.broadcast %reduce_sum3A_432 : i1 to vector<16xi1>
    %reduce_sum3A_434 = tpu.scan <sum>, %select_n3A_431 masked %reduce_sum3A_433 : vector<16xf32>, vector<16xi1> -> vector<16xf32>
    %reduce_sum3A_435 = vector.extract %reduce_sum3A_434[15] : f32 from vector<16xf32>
    %eq3A_436 = arith.constant 13 : i32
    %eq3A_437 = vector.broadcast %eq3A_436 : i32 to vector<16xi32>
    %eq3A_438 = arith.cmpi eq, %iota3A, %eq3A_437 : vector<16xi32>
    %select_n3A_439 = arith.select %eq3A_438, %add3A_262, %broadcast_in_dim3A_269 : vector<16xi1>, vector<16xf32>
    %reduce_sum3A_440 = arith.constant true
    %reduce_sum3A_441 = vector.broadcast %reduce_sum3A_440 : i1 to vector<16xi1>
    %reduce_sum3A_442 = tpu.scan <sum>, %select_n3A_439 masked %reduce_sum3A_441 : vector<16xf32>, vector<16xi1> -> vector<16xf32>
    %reduce_sum3A_443 = vector.extract %reduce_sum3A_442[15] : f32 from vector<16xf32>
    %select_n3A_444 = arith.select %eq3A_438, %get3A_265, %broadcast_in_dim3A_269 : vector<16xi1>, vector<16xf32>
    %reduce_sum3A_445 = arith.constant true
    %reduce_sum3A_446 = vector.broadcast %reduce_sum3A_445 : i1 to vector<16xi1>
    %reduce_sum3A_447 = tpu.scan <sum>, %select_n3A_444 masked %reduce_sum3A_446 : vector<16xf32>, vector<16xi1> -> vector<16xf32>
    %reduce_sum3A_448 = vector.extract %reduce_sum3A_447[15] : f32 from vector<16xf32>
    %eq3A_449 = arith.constant 14 : i32
    %eq3A_450 = vector.broadcast %eq3A_449 : i32 to vector<16xi32>
    %eq3A_451 = arith.cmpi eq, %iota3A, %eq3A_450 : vector<16xi32>
    %select_n3A_452 = arith.select %eq3A_451, %add3A_262, %broadcast_in_dim3A_269 : vector<16xi1>, vector<16xf32>
    %reduce_sum3A_453 = arith.constant true
    %reduce_sum3A_454 = vector.broadcast %reduce_sum3A_453 : i1 to vector<16xi1>
    %reduce_sum3A_455 = tpu.scan <sum>, %select_n3A_452 masked %reduce_sum3A_454 : vector<16xf32>, vector<16xi1> -> vector<16xf32>
    %reduce_sum3A_456 = vector.extract %reduce_sum3A_455[15] : f32 from vector<16xf32>
    %select_n3A_457 = arith.select %eq3A_451, %get3A_265, %broadcast_in_dim3A_269 : vector<16xi1>, vector<16xf32>
    %reduce_sum3A_458 = arith.constant true
    %reduce_sum3A_459 = vector.broadcast %reduce_sum3A_458 : i1 to vector<16xi1>
    %reduce_sum3A_460 = tpu.scan <sum>, %select_n3A_457 masked %reduce_sum3A_459 : vector<16xf32>, vector<16xi1> -> vector<16xf32>
    %reduce_sum3A_461 = vector.extract %reduce_sum3A_460[15] : f32 from vector<16xf32>
    %eq3A_462 = arith.constant 15 : i32
    %eq3A_463 = vector.broadcast %eq3A_462 : i32 to vector<16xi32>
    %eq3A_464 = arith.cmpi eq, %iota3A, %eq3A_463 : vector<16xi32>
    %select_n3A_465 = arith.select %eq3A_464, %add3A_262, %broadcast_in_dim3A_269 : vector<16xi1>, vector<16xf32>
    %reduce_sum3A_466 = arith.constant true
    %reduce_sum3A_467 = vector.broadcast %reduce_sum3A_466 : i1 to vector<16xi1>
    %reduce_sum3A_468 = tpu.scan <sum>, %select_n3A_465 masked %reduce_sum3A_467 : vector<16xf32>, vector<16xi1> -> vector<16xf32>
    %reduce_sum3A_469 = vector.extract %reduce_sum3A_468[15] : f32 from vector<16xf32>
    %select_n3A_470 = arith.select %eq3A_464, %get3A_265, %broadcast_in_dim3A_269 : vector<16xi1>, vector<16xf32>
    %reduce_sum3A_471 = arith.constant true
    %reduce_sum3A_472 = vector.broadcast %reduce_sum3A_471 : i1 to vector<16xi1>
    %reduce_sum3A_473 = tpu.scan <sum>, %select_n3A_470 masked %reduce_sum3A_472 : vector<16xf32>, vector<16xi1> -> vector<16xf32>
    %reduce_sum3A_474 = vector.extract %reduce_sum3A_473[15] : f32 from vector<16xf32>
    %eq3A_475 = arith.constant 0 : i32
    %eq3A_476 = vector.broadcast %eq3A_475 : i32 to vector<16xi32>
    %eq3A_477 = arith.cmpi eq, %iota3A, %eq3A_476 : vector<16xi32>
    %select_n3A_478 = arith.select %eq3A_477, %add3A_264, %broadcast_in_dim3A_269 : vector<16xi1>, vector<16xf32>
    %reduce_sum3A_479 = arith.constant true
    %reduce_sum3A_480 = vector.broadcast %reduce_sum3A_479 : i1 to vector<16xi1>
    %reduce_sum3A_481 = tpu.scan <sum>, %select_n3A_478 masked %reduce_sum3A_480 : vector<16xf32>, vector<16xi1> -> vector<16xf32>
    %reduce_sum3A_482 = vector.extract %reduce_sum3A_481[15] : f32 from vector<16xf32>
    %select_n3A_483 = arith.select %eq3A_477, %get3A_267, %broadcast_in_dim3A_269 : vector<16xi1>, vector<16xf32>
    %reduce_sum3A_484 = arith.constant true
    %reduce_sum3A_485 = vector.broadcast %reduce_sum3A_484 : i1 to vector<16xi1>
    %reduce_sum3A_486 = tpu.scan <sum>, %select_n3A_483 masked %reduce_sum3A_485 : vector<16xf32>, vector<16xi1> -> vector<16xf32>
    %reduce_sum3A_487 = vector.extract %reduce_sum3A_486[15] : f32 from vector<16xf32>
    %eq3A_488 = arith.constant 1 : i32
    %eq3A_489 = vector.broadcast %eq3A_488 : i32 to vector<16xi32>
    %eq3A_490 = arith.cmpi eq, %iota3A, %eq3A_489 : vector<16xi32>
    %select_n3A_491 = arith.select %eq3A_490, %add3A_264, %broadcast_in_dim3A_269 : vector<16xi1>, vector<16xf32>
    %reduce_sum3A_492 = arith.constant true
    %reduce_sum3A_493 = vector.broadcast %reduce_sum3A_492 : i1 to vector<16xi1>
    %reduce_sum3A_494 = tpu.scan <sum>, %select_n3A_491 masked %reduce_sum3A_493 : vector<16xf32>, vector<16xi1> -> vector<16xf32>
    %reduce_sum3A_495 = vector.extract %reduce_sum3A_494[15] : f32 from vector<16xf32>
    %select_n3A_496 = arith.select %eq3A_490, %get3A_267, %broadcast_in_dim3A_269 : vector<16xi1>, vector<16xf32>
    %reduce_sum3A_497 = arith.constant true
    %reduce_sum3A_498 = vector.broadcast %reduce_sum3A_497 : i1 to vector<16xi1>
    %reduce_sum3A_499 = tpu.scan <sum>, %select_n3A_496 masked %reduce_sum3A_498 : vector<16xf32>, vector<16xi1> -> vector<16xf32>
    %reduce_sum3A_500 = vector.extract %reduce_sum3A_499[15] : f32 from vector<16xf32>
    %eq3A_501 = arith.constant 2 : i32
    %eq3A_502 = vector.broadcast %eq3A_501 : i32 to vector<16xi32>
    %eq3A_503 = arith.cmpi eq, %iota3A, %eq3A_502 : vector<16xi32>
    %select_n3A_504 = arith.select %eq3A_503, %add3A_264, %broadcast_in_dim3A_269 : vector<16xi1>, vector<16xf32>
    %reduce_sum3A_505 = arith.constant true
    %reduce_sum3A_506 = vector.broadcast %reduce_sum3A_505 : i1 to vector<16xi1>
    %reduce_sum3A_507 = tpu.scan <sum>, %select_n3A_504 masked %reduce_sum3A_506 : vector<16xf32>, vector<16xi1> -> vector<16xf32>
    %reduce_sum3A_508 = vector.extract %reduce_sum3A_507[15] : f32 from vector<16xf32>
    %select_n3A_509 = arith.select %eq3A_503, %get3A_267, %broadcast_in_dim3A_269 : vector<16xi1>, vector<16xf32>
    %reduce_sum3A_510 = arith.constant true
    %reduce_sum3A_511 = vector.broadcast %reduce_sum3A_510 : i1 to vector<16xi1>
    %reduce_sum3A_512 = tpu.scan <sum>, %select_n3A_509 masked %reduce_sum3A_511 : vector<16xf32>, vector<16xi1> -> vector<16xf32>
    %reduce_sum3A_513 = vector.extract %reduce_sum3A_512[15] : f32 from vector<16xf32>
    %eq3A_514 = arith.constant 3 : i32
    %eq3A_515 = vector.broadcast %eq3A_514 : i32 to vector<16xi32>
    %eq3A_516 = arith.cmpi eq, %iota3A, %eq3A_515 : vector<16xi32>
    %select_n3A_517 = arith.select %eq3A_516, %add3A_264, %broadcast_in_dim3A_269 : vector<16xi1>, vector<16xf32>
    %reduce_sum3A_518 = arith.constant true
    %reduce_sum3A_519 = vector.broadcast %reduce_sum3A_518 : i1 to vector<16xi1>
    %reduce_sum3A_520 = tpu.scan <sum>, %select_n3A_517 masked %reduce_sum3A_519 : vector<16xf32>, vector<16xi1> -> vector<16xf32>
    %reduce_sum3A_521 = vector.extract %reduce_sum3A_520[15] : f32 from vector<16xf32>
    %select_n3A_522 = arith.select %eq3A_516, %get3A_267, %broadcast_in_dim3A_269 : vector<16xi1>, vector<16xf32>
    %reduce_sum3A_523 = arith.constant true
    %reduce_sum3A_524 = vector.broadcast %reduce_sum3A_523 : i1 to vector<16xi1>
    %reduce_sum3A_525 = tpu.scan <sum>, %select_n3A_522 masked %reduce_sum3A_524 : vector<16xf32>, vector<16xi1> -> vector<16xf32>
    %reduce_sum3A_526 = vector.extract %reduce_sum3A_525[15] : f32 from vector<16xf32>
    %dma_wait3A = arith.constant 0 : i32
    %dma_wait3A_527 = arith.constant 0 : i32
    %dma_wait3A_528 = tpu.memref_slice %arg17[%dma_wait3A_527] : memref<512xf32, #tpu.memory_space<vmem>> -> memref<128xf32, #tpu.memory_space<vmem>>
    %dma_wait3A_529 = arith.constant 0 : i32
    %dma_wait3A_530 = tpu.memref_slice %arg13[%dma_wait3A, %dma_wait3A_529] : memref<4x128xi32, #tpu.memory_space<vmem>> -> memref<1x128xi32, #tpu.memory_space<vmem>>
    %dma_wait3A_531 = tpu.memref_squeeze %dma_wait3A_530 : memref<1x128xi32, #tpu.memory_space<vmem>> -> memref<128xi32, #tpu.memory_space<vmem>>
    %dma_wait3A_532 = arith.constant 0 : i32
    %dma_wait3A_533 = tpu.memref_slice %arg6[%dma_wait3A_532] : memref<1000000xf32, #tpu.memory_space<hbm>> -> memref<1000000xf32, #tpu.memory_space<hbm>>
    tpu.wait_indirect_dma semaphore(%arg24 : memref<!tpu.dma_semaphore, #tpu.memory_space<semaphore_mem>>) src(%dma_wait3A_533 : memref<1000000xf32, #tpu.memory_space<hbm>>) dst(%dma_wait3A_528 : memref<128xf32, #tpu.memory_space<vmem>>)
    %dma_wait3A_534 = arith.constant 0 : i32
    %dma_wait3A_535 = arith.constant 0 : i32
    %dma_wait3A_536 = tpu.memref_slice %arg18[%dma_wait3A_535] : memref<512xf32, #tpu.memory_space<vmem>> -> memref<128xf32, #tpu.memory_space<vmem>>
    %dma_wait3A_537 = arith.constant 0 : i32
    %dma_wait3A_538 = tpu.memref_slice %arg14[%dma_wait3A_534, %dma_wait3A_537] : memref<4x128xi32, #tpu.memory_space<vmem>> -> memref<1x128xi32, #tpu.memory_space<vmem>>
    %dma_wait3A_539 = tpu.memref_squeeze %dma_wait3A_538 : memref<1x128xi32, #tpu.memory_space<vmem>> -> memref<128xi32, #tpu.memory_space<vmem>>
    %dma_wait3A_540 = arith.constant 0 : i32
    %dma_wait3A_541 = tpu.memref_slice %arg7[%dma_wait3A_540] : memref<100000xf32, #tpu.memory_space<hbm>> -> memref<100000xf32, #tpu.memory_space<hbm>>
    tpu.wait_indirect_dma semaphore(%arg24 : memref<!tpu.dma_semaphore, #tpu.memory_space<semaphore_mem>>) src(%dma_wait3A_541 : memref<100000xf32, #tpu.memory_space<hbm>>) dst(%dma_wait3A_536 : memref<128xf32, #tpu.memory_space<vmem>>)
    %dma_wait3A_542 = arith.constant 1 : i32
    %dma_wait3A_543 = arith.constant 128 : i32
    %dma_wait3A_544 = tpu.memref_slice %arg17[%dma_wait3A_543] : memref<512xf32, #tpu.memory_space<vmem>> -> memref<128xf32, #tpu.memory_space<vmem>>
    %dma_wait3A_545 = arith.constant 0 : i32
    %dma_wait3A_546 = tpu.memref_slice %arg13[%dma_wait3A_542, %dma_wait3A_545] : memref<4x128xi32, #tpu.memory_space<vmem>> -> memref<1x128xi32, #tpu.memory_space<vmem>>
    %dma_wait3A_547 = tpu.memref_squeeze %dma_wait3A_546 : memref<1x128xi32, #tpu.memory_space<vmem>> -> memref<128xi32, #tpu.memory_space<vmem>>
    %dma_wait3A_548 = arith.constant 0 : i32
    %dma_wait3A_549 = tpu.memref_slice %arg6[%dma_wait3A_548] : memref<1000000xf32, #tpu.memory_space<hbm>> -> memref<1000000xf32, #tpu.memory_space<hbm>>
    tpu.wait_indirect_dma semaphore(%arg24 : memref<!tpu.dma_semaphore, #tpu.memory_space<semaphore_mem>>) src(%dma_wait3A_549 : memref<1000000xf32, #tpu.memory_space<hbm>>) dst(%dma_wait3A_544 : memref<128xf32, #tpu.memory_space<vmem>>)
    %dma_wait3A_550 = arith.constant 1 : i32
    %dma_wait3A_551 = arith.constant 128 : i32
    %dma_wait3A_552 = tpu.memref_slice %arg18[%dma_wait3A_551] : memref<512xf32, #tpu.memory_space<vmem>> -> memref<128xf32, #tpu.memory_space<vmem>>
    %dma_wait3A_553 = arith.constant 0 : i32
    %dma_wait3A_554 = tpu.memref_slice %arg14[%dma_wait3A_550, %dma_wait3A_553] : memref<4x128xi32, #tpu.memory_space<vmem>> -> memref<1x128xi32, #tpu.memory_space<vmem>>
    %dma_wait3A_555 = tpu.memref_squeeze %dma_wait3A_554 : memref<1x128xi32, #tpu.memory_space<vmem>> -> memref<128xi32, #tpu.memory_space<vmem>>
    %dma_wait3A_556 = arith.constant 0 : i32
    %dma_wait3A_557 = tpu.memref_slice %arg7[%dma_wait3A_556] : memref<100000xf32, #tpu.memory_space<hbm>> -> memref<100000xf32, #tpu.memory_space<hbm>>
    tpu.wait_indirect_dma semaphore(%arg24 : memref<!tpu.dma_semaphore, #tpu.memory_space<semaphore_mem>>) src(%dma_wait3A_557 : memref<100000xf32, #tpu.memory_space<hbm>>) dst(%dma_wait3A_552 : memref<128xf32, #tpu.memory_space<vmem>>)
    %dma_wait3A_558 = arith.constant 2 : i32
    %dma_wait3A_559 = arith.constant 256 : i32
    %dma_wait3A_560 = tpu.memref_slice %arg17[%dma_wait3A_559] : memref<512xf32, #tpu.memory_space<vmem>> -> memref<128xf32, #tpu.memory_space<vmem>>
    %dma_wait3A_561 = arith.constant 0 : i32
    %dma_wait3A_562 = tpu.memref_slice %arg13[%dma_wait3A_558, %dma_wait3A_561] : memref<4x128xi32, #tpu.memory_space<vmem>> -> memref<1x128xi32, #tpu.memory_space<vmem>>
    %dma_wait3A_563 = tpu.memref_squeeze %dma_wait3A_562 : memref<1x128xi32, #tpu.memory_space<vmem>> -> memref<128xi32, #tpu.memory_space<vmem>>
    %dma_wait3A_564 = arith.constant 0 : i32
    %dma_wait3A_565 = tpu.memref_slice %arg6[%dma_wait3A_564] : memref<1000000xf32, #tpu.memory_space<hbm>> -> memref<1000000xf32, #tpu.memory_space<hbm>>
    tpu.wait_indirect_dma semaphore(%arg24 : memref<!tpu.dma_semaphore, #tpu.memory_space<semaphore_mem>>) src(%dma_wait3A_565 : memref<1000000xf32, #tpu.memory_space<hbm>>) dst(%dma_wait3A_560 : memref<128xf32, #tpu.memory_space<vmem>>)
    %dma_wait3A_566 = arith.constant 2 : i32
    %dma_wait3A_567 = arith.constant 256 : i32
    %dma_wait3A_568 = tpu.memref_slice %arg18[%dma_wait3A_567] : memref<512xf32, #tpu.memory_space<vmem>> -> memref<128xf32, #tpu.memory_space<vmem>>
    %dma_wait3A_569 = arith.constant 0 : i32
    %dma_wait3A_570 = tpu.memref_slice %arg14[%dma_wait3A_566, %dma_wait3A_569] : memref<4x128xi32, #tpu.memory_space<vmem>> -> memref<1x128xi32, #tpu.memory_space<vmem>>
    %dma_wait3A_571 = tpu.memref_squeeze %dma_wait3A_570 : memref<1x128xi32, #tpu.memory_space<vmem>> -> memref<128xi32, #tpu.memory_space<vmem>>
    %dma_wait3A_572 = arith.constant 0 : i32
    %dma_wait3A_573 = tpu.memref_slice %arg7[%dma_wait3A_572] : memref<100000xf32, #tpu.memory_space<hbm>> -> memref<100000xf32, #tpu.memory_space<hbm>>
    tpu.wait_indirect_dma semaphore(%arg24 : memref<!tpu.dma_semaphore, #tpu.memory_space<semaphore_mem>>) src(%dma_wait3A_573 : memref<100000xf32, #tpu.memory_space<hbm>>) dst(%dma_wait3A_568 : memref<128xf32, #tpu.memory_space<vmem>>)
    %dma_wait3A_574 = arith.constant 3 : i32
    %dma_wait3A_575 = arith.constant 384 : i32
    %dma_wait3A_576 = tpu.memref_slice %arg17[%dma_wait3A_575] : memref<512xf32, #tpu.memory_space<vmem>> -> memref<128xf32, #tpu.memory_space<vmem>>
    %dma_wait3A_577 = arith.constant 0 : i32
    %dma_wait3A_578 = tpu.memref_slice %arg13[%dma_wait3A_574, %dma_wait3A_577] : memref<4x128xi32, #tpu.memory_space<vmem>> -> memref<1x128xi32, #tpu.memory_space<vmem>>
    %dma_wait3A_579 = tpu.memref_squeeze %dma_wait3A_578 : memref<1x128xi32, #tpu.memory_space<vmem>> -> memref<128xi32, #tpu.memory_space<vmem>>
    %dma_wait3A_580 = arith.constant 0 : i32
    %dma_wait3A_581 = tpu.memref_slice %arg6[%dma_wait3A_580] : memref<1000000xf32, #tpu.memory_space<hbm>> -> memref<1000000xf32, #tpu.memory_space<hbm>>
    tpu.wait_indirect_dma semaphore(%arg24 : memref<!tpu.dma_semaphore, #tpu.memory_space<semaphore_mem>>) src(%dma_wait3A_581 : memref<1000000xf32, #tpu.memory_space<hbm>>) dst(%dma_wait3A_576 : memref<128xf32, #tpu.memory_space<vmem>>)
    %dma_wait3A_582 = arith.constant 3 : i32
    %dma_wait3A_583 = arith.constant 384 : i32
    %dma_wait3A_584 = tpu.memref_slice %arg18[%dma_wait3A_583] : memref<512xf32, #tpu.memory_space<vmem>> -> memref<128xf32, #tpu.memory_space<vmem>>
    %dma_wait3A_585 = arith.constant 0 : i32
    %dma_wait3A_586 = tpu.memref_slice %arg14[%dma_wait3A_582, %dma_wait3A_585] : memref<4x128xi32, #tpu.memory_space<vmem>> -> memref<1x128xi32, #tpu.memory_space<vmem>>
    %dma_wait3A_587 = tpu.memref_squeeze %dma_wait3A_586 : memref<1x128xi32, #tpu.memory_space<vmem>> -> memref<128xi32, #tpu.memory_space<vmem>>
    %dma_wait3A_588 = arith.constant 0 : i32
    %dma_wait3A_589 = tpu.memref_slice %arg7[%dma_wait3A_588] : memref<100000xf32, #tpu.memory_space<hbm>> -> memref<100000xf32, #tpu.memory_space<hbm>>
    tpu.wait_indirect_dma semaphore(%arg24 : memref<!tpu.dma_semaphore, #tpu.memory_space<semaphore_mem>>) src(%dma_wait3A_589 : memref<100000xf32, #tpu.memory_space<hbm>>) dst(%dma_wait3A_584 : memref<128xf32, #tpu.memory_space<vmem>>)
    %scan3A = arith.constant 0 : i32
    %scan3A_590 = arith.constant 3.125000e-02 : f32
    %scan3A_591 = arith.constant 0 : i32
    %scan3A_592 = arith.constant 32 : i32
    %scan3A_593 = arith.addi %scan3A_591, %scan3A_592 : i32
    %scan3A_594 = arith.constant 1 : i32
    scf.for %scan3A_596 = %scan3A_591 to %scan3A_593 step %scan3A_594  : i32 {
      %mul3A_597 = arith.constant 16 : i32
      %mul3A_598 = arith.muli %scan3A_596, %mul3A_597 : i32
      %add3A_599 = vector.broadcast %mul3A_598 : i32 to vector<16xi32>
      %add3A_600 = arith.addi %add3A_599, %iota3A : vector<16xi32>
      %gather3A_601 = tpu.vector_load_idx %arg15[%add3A_600] : memref<512xi32, #tpu.memory_space<vmem>>[vector<16xi32>], vector<16xi32>,
      %broadcast_in_dim3A_602 = arith.constant 0.000000e+00 : f32
      %broadcast_in_dim3A_603 = vector.broadcast %broadcast_in_dim3A_602 : f32 to vector<16xf32>
      %broadcast_in_dim3A_604 = arith.constant 0.000000e+00 : f32
      %broadcast_in_dim3A_605 = vector.broadcast %broadcast_in_dim3A_604 : f32 to vector<16xf32>
      %broadcast_in_dim3A_606 = arith.constant 0.000000e+00 : f32
      %broadcast_in_dim3A_607 = vector.broadcast %broadcast_in_dim3A_606 : f32 to vector<16xf32>
      %broadcast_in_dim3A_608 = arith.constant 0 : i32
      %broadcast_in_dim3A_609 = vector.broadcast %broadcast_in_dim3A_608 : i32 to vector<16xi32>
      %gather3A_610 = tpu.vector_load_idx %arg16[%add3A_600, %broadcast_in_dim3A_609] : memref<512x20xi32, #tpu.memory_space<vmem>>[vector<16xi32>, vector<16xi32>], vector<16xi32>,
      %convert_element_type3A = arith.sitofp %gather3A_610 : vector<16xi32> to vector<16xf32>
      %add3A_611 = arith.addf %broadcast_in_dim3A_603, %convert_element_type3A : vector<16xf32>
      %mul3A_612 = vector.broadcast %reduce_sum3A_274 : f32 to vector<16xf32>
      %mul3A_613 = arith.mulf %convert_element_type3A, %mul3A_612 : vector<16xf32>
      %add3A_614 = arith.addf %broadcast_in_dim3A_605, %mul3A_613 : vector<16xf32>
      %mul3A_615 = vector.broadcast %reduce_sum3A_279 : f32 to vector<16xf32>
      %mul3A_616 = arith.mulf %convert_element_type3A, %mul3A_615 : vector<16xf32>
      %add3A_617 = arith.addf %broadcast_in_dim3A_607, %mul3A_616 : vector<16xf32>
      %broadcast_in_dim3A_618 = arith.constant 1 : i32
      %broadcast_in_dim3A_619 = vector.broadcast %broadcast_in_dim3A_618 : i32 to vector<16xi32>
      %gather3A_620 = tpu.vector_load_idx %arg16[%add3A_600, %broadcast_in_dim3A_619] : memref<512x20xi32, #tpu.memory_space<vmem>>[vector<16xi32>, vector<16xi32>], vector<16xi32>,
      %convert_element_type3A_621 = arith.sitofp %gather3A_620 : vector<16xi32> to vector<16xf32>
      %add3A_622 = arith.addf %add3A_611, %convert_element_type3A_621 : vector<16xf32>
      %mul3A_623 = vector.broadcast %reduce_sum3A_287 : f32 to vector<16xf32>
      %mul3A_624 = arith.mulf %convert_element_type3A_621, %mul3A_623 : vector<16xf32>
      %add3A_625 = arith.addf %add3A_614, %mul3A_624 : vector<16xf32>
      %mul3A_626 = vector.broadcast %reduce_sum3A_292 : f32 to vector<16xf32>
      %mul3A_627 = arith.mulf %convert_element_type3A_621, %mul3A_626 : vector<16xf32>
      %add3A_628 = arith.addf %add3A_617, %mul3A_627 : vector<16xf32>
      %broadcast_in_dim3A_629 = arith.constant 2 : i32
      %broadcast_in_dim3A_630 = vector.broadcast %broadcast_in_dim3A_629 : i32 to vector<16xi32>
      %gather3A_631 = tpu.vector_load_idx %arg16[%add3A_600, %broadcast_in_dim3A_630] : memref<512x20xi32, #tpu.memory_space<vmem>>[vector<16xi32>, vector<16xi32>], vector<16xi32>,
      %convert_element_type3A_632 = arith.sitofp %gather3A_631 : vector<16xi32> to vector<16xf32>
      %add3A_633 = arith.addf %add3A_622, %convert_element_type3A_632 : vector<16xf32>
      %mul3A_634 = vector.broadcast %reduce_sum3A_300 : f32 to vector<16xf32>
      %mul3A_635 = arith.mulf %convert_element_type3A_632, %mul3A_634 : vector<16xf32>
      %add3A_636 = arith.addf %add3A_625, %mul3A_635 : vector<16xf32>
      %mul3A_637 = vector.broadcast %reduce_sum3A_305 : f32 to vector<16xf32>
      %mul3A_638 = arith.mulf %convert_element_type3A_632, %mul3A_637 : vector<16xf32>
      %add3A_639 = arith.addf %add3A_628, %mul3A_638 : vector<16xf32>
      %broadcast_in_dim3A_640 = arith.constant 3 : i32
      %broadcast_in_dim3A_641 = vector.broadcast %broadcast_in_dim3A_640 : i32 to vector<16xi32>
      %gather3A_642 = tpu.vector_load_idx %arg16[%add3A_600, %broadcast_in_dim3A_641] : memref<512x20xi32, #tpu.memory_space<vmem>>[vector<16xi32>, vector<16xi32>], vector<16xi32>,
      %convert_element_type3A_643 = arith.sitofp %gather3A_642 : vector<16xi32> to vector<16xf32>
      %add3A_644 = arith.addf %add3A_633, %convert_element_type3A_643 : vector<16xf32>
      %mul3A_645 = vector.broadcast %reduce_sum3A_313 : f32 to vector<16xf32>
      %mul3A_646 = arith.mulf %convert_element_type3A_643, %mul3A_645 : vector<16xf32>
      %add3A_647 = arith.addf %add3A_636, %mul3A_646 : vector<16xf32>
      %mul3A_648 = vector.broadcast %reduce_sum3A_318 : f32 to vector<16xf32>
      %mul3A_649 = arith.mulf %convert_element_type3A_643, %mul3A_648 : vector<16xf32>
      %add3A_650 = arith.addf %add3A_639, %mul3A_649 : vector<16xf32>
      %broadcast_in_dim3A_651 = arith.constant 4 : i32
      %broadcast_in_dim3A_652 = vector.broadcast %broadcast_in_dim3A_651 : i32 to vector<16xi32>
      %gather3A_653 = tpu.vector_load_idx %arg16[%add3A_600, %broadcast_in_dim3A_652] : memref<512x20xi32, #tpu.memory_space<vmem>>[vector<16xi32>, vector<16xi32>], vector<16xi32>,
      %convert_element_type3A_654 = arith.sitofp %gather3A_653 : vector<16xi32> to vector<16xf32>
      %add3A_655 = arith.addf %add3A_644, %convert_element_type3A_654 : vector<16xf32>
      %mul3A_656 = vector.broadcast %reduce_sum3A_326 : f32 to vector<16xf32>
      %mul3A_657 = arith.mulf %convert_element_type3A_654, %mul3A_656 : vector<16xf32>
      %add3A_658 = arith.addf %add3A_647, %mul3A_657 : vector<16xf32>
      %mul3A_659 = vector.broadcast %reduce_sum3A_331 : f32 to vector<16xf32>
      %mul3A_660 = arith.mulf %convert_element_type3A_654, %mul3A_659 : vector<16xf32>
      %add3A_661 = arith.addf %add3A_650, %mul3A_660 : vector<16xf32>
      %broadcast_in_dim3A_662 = arith.constant 5 : i32
      %broadcast_in_dim3A_663 = vector.broadcast %broadcast_in_dim3A_662 : i32 to vector<16xi32>
      %gather3A_664 = tpu.vector_load_idx %arg16[%add3A_600, %broadcast_in_dim3A_663] : memref<512x20xi32, #tpu.memory_space<vmem>>[vector<16xi32>, vector<16xi32>], vector<16xi32>,
      %convert_element_type3A_665 = arith.sitofp %gather3A_664 : vector<16xi32> to vector<16xf32>
      %add3A_666 = arith.addf %add3A_655, %convert_element_type3A_665 : vector<16xf32>
      %mul3A_667 = vector.broadcast %reduce_sum3A_339 : f32 to vector<16xf32>
      %mul3A_668 = arith.mulf %convert_element_type3A_665, %mul3A_667 : vector<16xf32>
      %add3A_669 = arith.addf %add3A_658, %mul3A_668 : vector<16xf32>
      %mul3A_670 = vector.broadcast %reduce_sum3A_344 : f32 to vector<16xf32>
      %mul3A_671 = arith.mulf %convert_element_type3A_665, %mul3A_670 : vector<16xf32>
      %add3A_672 = arith.addf %add3A_661, %mul3A_671 : vector<16xf32>
      %broadcast_in_dim3A_673 = arith.constant 6 : i32
      %broadcast_in_dim3A_674 = vector.broadcast %broadcast_in_dim3A_673 : i32 to vector<16xi32>
      %gather3A_675 = tpu.vector_load_idx %arg16[%add3A_600, %broadcast_in_dim3A_674] : memref<512x20xi32, #tpu.memory_space<vmem>>[vector<16xi32>, vector<16xi32>], vector<16xi32>,
      %convert_element_type3A_676 = arith.sitofp %gather3A_675 : vector<16xi32> to vector<16xf32>
      %add3A_677 = arith.addf %add3A_666, %convert_element_type3A_676 : vector<16xf32>
      %mul3A_678 = vector.broadcast %reduce_sum3A_352 : f32 to vector<16xf32>
      %mul3A_679 = arith.mulf %convert_element_type3A_676, %mul3A_678 : vector<16xf32>
      %add3A_680 = arith.addf %add3A_669, %mul3A_679 : vector<16xf32>
      %mul3A_681 = vector.broadcast %reduce_sum3A_357 : f32 to vector<16xf32>
      %mul3A_682 = arith.mulf %convert_element_type3A_676, %mul3A_681 : vector<16xf32>
      %add3A_683 = arith.addf %add3A_672, %mul3A_682 : vector<16xf32>
      %broadcast_in_dim3A_684 = arith.constant 7 : i32
      %broadcast_in_dim3A_685 = vector.broadcast %broadcast_in_dim3A_684 : i32 to vector<16xi32>
      %gather3A_686 = tpu.vector_load_idx %arg16[%add3A_600, %broadcast_in_dim3A_685] : memref<512x20xi32, #tpu.memory_space<vmem>>[vector<16xi32>, vector<16xi32>], vector<16xi32>,
      %convert_element_type3A_687 = arith.sitofp %gather3A_686 : vector<16xi32> to vector<16xf32>
      %add3A_688 = arith.addf %add3A_677, %convert_element_type3A_687 : vector<16xf32>
      %mul3A_689 = vector.broadcast %reduce_sum3A_365 : f32 to vector<16xf32>
      %mul3A_690 = arith.mulf %convert_element_type3A_687, %mul3A_689 : vector<16xf32>
      %add3A_691 = arith.addf %add3A_680, %mul3A_690 : vector<16xf32>
      %mul3A_692 = vector.broadcast %reduce_sum3A_370 : f32 to vector<16xf32>
      %mul3A_693 = arith.mulf %convert_element_type3A_687, %mul3A_692 : vector<16xf32>
      %add3A_694 = arith.addf %add3A_683, %mul3A_693 : vector<16xf32>
      %broadcast_in_dim3A_695 = arith.constant 8 : i32
      %broadcast_in_dim3A_696 = vector.broadcast %broadcast_in_dim3A_695 : i32 to vector<16xi32>
      %gather3A_697 = tpu.vector_load_idx %arg16[%add3A_600, %broadcast_in_dim3A_696] : memref<512x20xi32, #tpu.memory_space<vmem>>[vector<16xi32>, vector<16xi32>], vector<16xi32>,
      %convert_element_type3A_698 = arith.sitofp %gather3A_697 : vector<16xi32> to vector<16xf32>
      %add3A_699 = arith.addf %add3A_688, %convert_element_type3A_698 : vector<16xf32>
      %mul3A_700 = vector.broadcast %reduce_sum3A_378 : f32 to vector<16xf32>
      %mul3A_701 = arith.mulf %convert_element_type3A_698, %mul3A_700 : vector<16xf32>
      %add3A_702 = arith.addf %add3A_691, %mul3A_701 : vector<16xf32>
      %mul3A_703 = vector.broadcast %reduce_sum3A_383 : f32 to vector<16xf32>
      %mul3A_704 = arith.mulf %convert_element_type3A_698, %mul3A_703 : vector<16xf32>
      %add3A_705 = arith.addf %add3A_694, %mul3A_704 : vector<16xf32>
      %broadcast_in_dim3A_706 = arith.constant 9 : i32
      %broadcast_in_dim3A_707 = vector.broadcast %broadcast_in_dim3A_706 : i32 to vector<16xi32>
      %gather3A_708 = tpu.vector_load_idx %arg16[%add3A_600, %broadcast_in_dim3A_707] : memref<512x20xi32, #tpu.memory_space<vmem>>[vector<16xi32>, vector<16xi32>], vector<16xi32>,
      %convert_element_type3A_709 = arith.sitofp %gather3A_708 : vector<16xi32> to vector<16xf32>
      %add3A_710 = arith.addf %add3A_699, %convert_element_type3A_709 : vector<16xf32>
      %mul3A_711 = vector.broadcast %reduce_sum3A_391 : f32 to vector<16xf32>
      %mul3A_712 = arith.mulf %convert_element_type3A_709, %mul3A_711 : vector<16xf32>
      %add3A_713 = arith.addf %add3A_702, %mul3A_712 : vector<16xf32>
      %mul3A_714 = vector.broadcast %reduce_sum3A_396 : f32 to vector<16xf32>
      %mul3A_715 = arith.mulf %convert_element_type3A_709, %mul3A_714 : vector<16xf32>
      %add3A_716 = arith.addf %add3A_705, %mul3A_715 : vector<16xf32>
      %broadcast_in_dim3A_717 = arith.constant 10 : i32
      %broadcast_in_dim3A_718 = vector.broadcast %broadcast_in_dim3A_717 : i32 to vector<16xi32>
      %gather3A_719 = tpu.vector_load_idx %arg16[%add3A_600, %broadcast_in_dim3A_718] : memref<512x20xi32, #tpu.memory_space<vmem>>[vector<16xi32>, vector<16xi32>], vector<16xi32>,
      %convert_element_type3A_720 = arith.sitofp %gather3A_719 : vector<16xi32> to vector<16xf32>
      %add3A_721 = arith.addf %add3A_710, %convert_element_type3A_720 : vector<16xf32>
      %mul3A_722 = vector.broadcast %reduce_sum3A_404 : f32 to vector<16xf32>
      %mul3A_723 = arith.mulf %convert_element_type3A_720, %mul3A_722 : vector<16xf32>
      %add3A_724 = arith.addf %add3A_713, %mul3A_723 : vector<16xf32>
      %mul3A_725 = vector.broadcast %reduce_sum3A_409 : f32 to vector<16xf32>
      %mul3A_726 = arith.mulf %convert_element_type3A_720, %mul3A_725 : vector<16xf32>
      %add3A_727 = arith.addf %add3A_716, %mul3A_726 : vector<16xf32>
      %broadcast_in_dim3A_728 = arith.constant 11 : i32
      %broadcast_in_dim3A_729 = vector.broadcast %broadcast_in_dim3A_728 : i32 to vector<16xi32>
      %gather3A_730 = tpu.vector_load_idx %arg16[%add3A_600, %broadcast_in_dim3A_729] : memref<512x20xi32, #tpu.memory_space<vmem>>[vector<16xi32>, vector<16xi32>], vector<16xi32>,
      %convert_element_type3A_731 = arith.sitofp %gather3A_730 : vector<16xi32> to vector<16xf32>
      %add3A_732 = arith.addf %add3A_721, %convert_element_type3A_731 : vector<16xf32>
      %mul3A_733 = vector.broadcast %reduce_sum3A_417 : f32 to vector<16xf32>
      %mul3A_734 = arith.mulf %convert_element_type3A_731, %mul3A_733 : vector<16xf32>
      %add3A_735 = arith.addf %add3A_724, %mul3A_734 : vector<16xf32>
      %mul3A_736 = vector.broadcast %reduce_sum3A_422 : f32 to vector<16xf32>
      %mul3A_737 = arith.mulf %convert_element_type3A_731, %mul3A_736 : vector<16xf32>
      %add3A_738 = arith.addf %add3A_727, %mul3A_737 : vector<16xf32>
      %broadcast_in_dim3A_739 = arith.constant 12 : i32
      %broadcast_in_dim3A_740 = vector.broadcast %broadcast_in_dim3A_739 : i32 to vector<16xi32>
      %gather3A_741 = tpu.vector_load_idx %arg16[%add3A_600, %broadcast_in_dim3A_740] : memref<512x20xi32, #tpu.memory_space<vmem>>[vector<16xi32>, vector<16xi32>], vector<16xi32>,
      %convert_element_type3A_742 = arith.sitofp %gather3A_741 : vector<16xi32> to vector<16xf32>
      %add3A_743 = arith.addf %add3A_732, %convert_element_type3A_742 : vector<16xf32>
      %mul3A_744 = vector.broadcast %reduce_sum3A_430 : f32 to vector<16xf32>
      %mul3A_745 = arith.mulf %convert_element_type3A_742, %mul3A_744 : vector<16xf32>
      %add3A_746 = arith.addf %add3A_735, %mul3A_745 : vector<16xf32>
      %mul3A_747 = vector.broadcast %reduce_sum3A_435 : f32 to vector<16xf32>
      %mul3A_748 = arith.mulf %convert_element_type3A_742, %mul3A_747 : vector<16xf32>
      %add3A_749 = arith.addf %add3A_738, %mul3A_748 : vector<16xf32>
      %broadcast_in_dim3A_750 = arith.constant 13 : i32
      %broadcast_in_dim3A_751 = vector.broadcast %broadcast_in_dim3A_750 : i32 to vector<16xi32>
      %gather3A_752 = tpu.vector_load_idx %arg16[%add3A_600, %broadcast_in_dim3A_751] : memref<512x20xi32, #tpu.memory_space<vmem>>[vector<16xi32>, vector<16xi32>], vector<16xi32>,
      %convert_element_type3A_753 = arith.sitofp %gather3A_752 : vector<16xi32> to vector<16xf32>
      %add3A_754 = arith.addf %add3A_743, %convert_element_type3A_753 : vector<16xf32>
      %mul3A_755 = vector.broadcast %reduce_sum3A_443 : f32 to vector<16xf32>
      %mul3A_756 = arith.mulf %convert_element_type3A_753, %mul3A_755 : vector<16xf32>
      %add3A_757 = arith.addf %add3A_746, %mul3A_756 : vector<16xf32>
      %mul3A_758 = vector.broadcast %reduce_sum3A_448 : f32 to vector<16xf32>
      %mul3A_759 = arith.mulf %convert_element_type3A_753, %mul3A_758 : vector<16xf32>
      %add3A_760 = arith.addf %add3A_749, %mul3A_759 : vector<16xf32>
      %broadcast_in_dim3A_761 = arith.constant 14 : i32
      %broadcast_in_dim3A_762 = vector.broadcast %broadcast_in_dim3A_761 : i32 to vector<16xi32>
      %gather3A_763 = tpu.vector_load_idx %arg16[%add3A_600, %broadcast_in_dim3A_762] : memref<512x20xi32, #tpu.memory_space<vmem>>[vector<16xi32>, vector<16xi32>], vector<16xi32>,
      %convert_element_type3A_764 = arith.sitofp %gather3A_763 : vector<16xi32> to vector<16xf32>
      %add3A_765 = arith.addf %add3A_754, %convert_element_type3A_764 : vector<16xf32>
      %mul3A_766 = vector.broadcast %reduce_sum3A_456 : f32 to vector<16xf32>
      %mul3A_767 = arith.mulf %convert_element_type3A_764, %mul3A_766 : vector<16xf32>
      %add3A_768 = arith.addf %add3A_757, %mul3A_767 : vector<16xf32>
      %mul3A_769 = vector.broadcast %reduce_sum3A_461 : f32 to vector<16xf32>
      %mul3A_770 = arith.mulf %convert_element_type3A_764, %mul3A_769 : vector<16xf32>
      %add3A_771 = arith.addf %add3A_760, %mul3A_770 : vector<16xf32>
      %broadcast_in_dim3A_772 = arith.constant 15 : i32
      %broadcast_in_dim3A_773 = vector.broadcast %broadcast_in_dim3A_772 : i32 to vector<16xi32>
      %gather3A_774 = tpu.vector_load_idx %arg16[%add3A_600, %broadcast_in_dim3A_773] : memref<512x20xi32, #tpu.memory_space<vmem>>[vector<16xi32>, vector<16xi32>], vector<16xi32>,
      %convert_element_type3A_775 = arith.sitofp %gather3A_774 : vector<16xi32> to vector<16xf32>
      %add3A_776 = arith.addf %add3A_765, %convert_element_type3A_775 : vector<16xf32>
      %mul3A_777 = vector.broadcast %reduce_sum3A_469 : f32 to vector<16xf32>
      %mul3A_778 = arith.mulf %convert_element_type3A_775, %mul3A_777 : vector<16xf32>
      %add3A_779 = arith.addf %add3A_768, %mul3A_778 : vector<16xf32>
      %mul3A_780 = vector.broadcast %reduce_sum3A_474 : f32 to vector<16xf32>
      %mul3A_781 = arith.mulf %convert_element_type3A_775, %mul3A_780 : vector<16xf32>
      %add3A_782 = arith.addf %add3A_771, %mul3A_781 : vector<16xf32>
      %broadcast_in_dim3A_783 = arith.constant 16 : i32
      %broadcast_in_dim3A_784 = vector.broadcast %broadcast_in_dim3A_783 : i32 to vector<16xi32>
      %gather3A_785 = tpu.vector_load_idx %arg16[%add3A_600, %broadcast_in_dim3A_784] : memref<512x20xi32, #tpu.memory_space<vmem>>[vector<16xi32>, vector<16xi32>], vector<16xi32>,
      %convert_element_type3A_786 = arith.sitofp %gather3A_785 : vector<16xi32> to vector<16xf32>
      %add3A_787 = arith.addf %add3A_776, %convert_element_type3A_786 : vector<16xf32>
      %mul3A_788 = vector.broadcast %reduce_sum3A_482 : f32 to vector<16xf32>
      %mul3A_789 = arith.mulf %convert_element_type3A_786, %mul3A_788 : vector<16xf32>
      %add3A_790 = arith.addf %add3A_779, %mul3A_789 : vector<16xf32>
      %mul3A_791 = vector.broadcast %reduce_sum3A_487 : f32 to vector<16xf32>
      %mul3A_792 = arith.mulf %convert_element_type3A_786, %mul3A_791 : vector<16xf32>
      %add3A_793 = arith.addf %add3A_782, %mul3A_792 : vector<16xf32>
      %broadcast_in_dim3A_794 = arith.constant 17 : i32
      %broadcast_in_dim3A_795 = vector.broadcast %broadcast_in_dim3A_794 : i32 to vector<16xi32>
      %gather3A_796 = tpu.vector_load_idx %arg16[%add3A_600, %broadcast_in_dim3A_795] : memref<512x20xi32, #tpu.memory_space<vmem>>[vector<16xi32>, vector<16xi32>], vector<16xi32>,
      %convert_element_type3A_797 = arith.sitofp %gather3A_796 : vector<16xi32> to vector<16xf32>
      %add3A_798 = arith.addf %add3A_787, %convert_element_type3A_797 : vector<16xf32>
      %mul3A_799 = vector.broadcast %reduce_sum3A_495 : f32 to vector<16xf32>
      %mul3A_800 = arith.mulf %convert_element_type3A_797, %mul3A_799 : vector<16xf32>
      %add3A_801 = arith.addf %add3A_790, %mul3A_800 : vector<16xf32>
      %mul3A_802 = vector.broadcast %reduce_sum3A_500 : f32 to vector<16xf32>
      %mul3A_803 = arith.mulf %convert_element_type3A_797, %mul3A_802 : vector<16xf32>
      %add3A_804 = arith.addf %add3A_793, %mul3A_803 : vector<16xf32>
      %broadcast_in_dim3A_805 = arith.constant 18 : i32
      %broadcast_in_dim3A_806 = vector.broadcast %broadcast_in_dim3A_805 : i32 to vector<16xi32>
      %gather3A_807 = tpu.vector_load_idx %arg16[%add3A_600, %broadcast_in_dim3A_806] : memref<512x20xi32, #tpu.memory_space<vmem>>[vector<16xi32>, vector<16xi32>], vector<16xi32>,
      %convert_element_type3A_808 = arith.sitofp %gather3A_807 : vector<16xi32> to vector<16xf32>
      %add3A_809 = arith.addf %add3A_798, %convert_element_type3A_808 : vector<16xf32>
      %mul3A_810 = vector.broadcast %reduce_sum3A_508 : f32 to vector<16xf32>
      %mul3A_811 = arith.mulf %convert_element_type3A_808, %mul3A_810 : vector<16xf32>
      %add3A_812 = arith.addf %add3A_801, %mul3A_811 : vector<16xf32>
      %mul3A_813 = vector.broadcast %reduce_sum3A_513 : f32 to vector<16xf32>
      %mul3A_814 = arith.mulf %convert_element_type3A_808, %mul3A_813 : vector<16xf32>
      %add3A_815 = arith.addf %add3A_804, %mul3A_814 : vector<16xf32>
      %broadcast_in_dim3A_816 = arith.constant 19 : i32
      %broadcast_in_dim3A_817 = vector.broadcast %broadcast_in_dim3A_816 : i32 to vector<16xi32>
      %gather3A_818 = tpu.vector_load_idx %arg16[%add3A_600, %broadcast_in_dim3A_817] : memref<512x20xi32, #tpu.memory_space<vmem>>[vector<16xi32>, vector<16xi32>], vector<16xi32>,
      %convert_element_type3A_819 = arith.sitofp %gather3A_818 : vector<16xi32> to vector<16xf32>
      %add3A_820 = arith.addf %add3A_809, %convert_element_type3A_819 : vector<16xf32>
      %mul3A_821 = vector.broadcast %reduce_sum3A_521 : f32 to vector<16xf32>
      %mul3A_822 = arith.mulf %convert_element_type3A_819, %mul3A_821 : vector<16xf32>
      %add3A_823 = arith.addf %add3A_812, %mul3A_822 : vector<16xf32>
      %mul3A_824 = vector.broadcast %reduce_sum3A_526 : f32 to vector<16xf32>
      %mul3A_825 = arith.mulf %convert_element_type3A_819, %mul3A_824 : vector<16xf32>
      %add3A_826 = arith.addf %add3A_815, %mul3A_825 : vector<16xf32>
      %gather3A_827 = tpu.vector_load_idx %arg17[%add3A_600] : memref<512xf32, #tpu.memory_space<vmem>>[vector<16xi32>], vector<16xf32>,
      %gather3A_828 = tpu.vector_load_idx %arg18[%add3A_600] : memref<512xf32, #tpu.memory_space<vmem>>[vector<16xi32>], vector<16xf32>,
      %gather3A_829 = tpu.vector_load_idx %arg19[%gather3A_601] : memref<21xf32, #tpu.memory_space<vmem>>[vector<16xi32>], vector<16xf32>,
      %div3A = arith.constant 1.000000e+00 : f32
      %div3A_830 = vector.broadcast %div3A : f32 to vector<16xf32>
      %div3A_831 = arith.divf %div3A_830, %add3A_820 : vector<16xf32>
      %mul3A_832 = arith.mulf %add3A_823, %div3A_831 : vector<16xf32>
      %mul3A_833 = vector.broadcast %scan3A_590 : f32 to vector<16xf32>
      %mul3A_834 = arith.mulf %mul3A_832, %mul3A_833 : vector<16xf32>
      tpu.vector_store_idx %arg23[%add3A_600], %mul3A_834 : memref<512xf32, #tpu.memory_space<vmem>>[vector<16xi32>], vector<16xf32>,
      %add3A_835 = arith.addf %gather3A_827, %gather3A_828 : vector<16xf32>
      %add3A_836 = arith.addf %add3A_835, %gather3A_829 : vector<16xf32>
      %mul3A_837 = arith.mulf %add3A_826, %div3A_831 : vector<16xf32>
      %add3A_838 = arith.addf %add3A_836, %mul3A_837 : vector<16xf32>
      tpu.vector_store_idx %arg22[%add3A_600], %add3A_838 : memref<512xf32, #tpu.memory_space<vmem>>[vector<16xi32>], vector<16xf32>,
    }
    %scan3A_595 = arith.constant 32 : i32
    "tpu.region"() ({
      %run_scoped3A = tpu.sem_alloc : memref<!tpu.dma_semaphore, #tpu.memory_space<semaphore_mem>>
      %dma_start3A_596 = tpu.memref_slice %arg11[%mul3A_2] : memref<16384xf32, #tpu.memory_space<hbm>> -> memref<512xf32, #tpu.memory_space<hbm>>
      %dma_start3A_597 = tpu.memref_slice %arg11[%mul3A_2] : memref<16384xf32, #tpu.memory_space<hbm>> -> memref<512xf32, #tpu.memory_space<hbm>>
      tpu.enqueue_dma source(%arg22 : memref<512xf32, #tpu.memory_space<vmem>>) target(%dma_start3A_597 : memref<512xf32, #tpu.memory_space<hbm>>) target_semaphore(%run_scoped3A : memref<!tpu.dma_semaphore, #tpu.memory_space<semaphore_mem>>)
      %dma_wait3A_598 = tpu.memref_slice %arg11[%mul3A_2] : memref<16384xf32, #tpu.memory_space<hbm>> -> memref<512xf32, #tpu.memory_space<hbm>>
      %dma_wait3A_599 = tpu.memref_slice %arg11[%mul3A_2] : memref<16384xf32, #tpu.memory_space<hbm>> -> memref<512xf32, #tpu.memory_space<hbm>>
      tpu.wait_dma2 semaphore(%run_scoped3A : memref<!tpu.dma_semaphore, #tpu.memory_space<semaphore_mem>>) src(%arg22 : memref<512xf32, #tpu.memory_space<vmem>>) dst(%dma_wait3A_599 : memref<512xf32, #tpu.memory_space<hbm>>)
      tpu.yield
    }) : () -> ()
    "tpu.region"() ({
      %run_scoped3A = tpu.sem_alloc : memref<!tpu.dma_semaphore, #tpu.memory_space<semaphore_mem>>
      %dma_start3A_596 = tpu.memref_slice %arg12[%mul3A_2] : memref<16384xf32, #tpu.memory_space<hbm>> -> memref<512xf32, #tpu.memory_space<hbm>>
      %dma_start3A_597 = tpu.memref_slice %arg12[%mul3A_2] : memref<16384xf32, #tpu.memory_space<hbm>> -> memref<512xf32, #tpu.memory_space<hbm>>
      tpu.enqueue_dma source(%arg23 : memref<512xf32, #tpu.memory_space<vmem>>) target(%dma_start3A_597 : memref<512xf32, #tpu.memory_space<hbm>>) target_semaphore(%run_scoped3A : memref<!tpu.dma_semaphore, #tpu.memory_space<semaphore_mem>>)
      %dma_wait3A_598 = tpu.memref_slice %arg12[%mul3A_2] : memref<16384xf32, #tpu.memory_space<hbm>> -> memref<512xf32, #tpu.memory_space<hbm>>
      %dma_wait3A_599 = tpu.memref_slice %arg12[%mul3A_2] : memref<16384xf32, #tpu.memory_space<hbm>> -> memref<512xf32, #tpu.memory_space<hbm>>
      tpu.wait_dma2 semaphore(%run_scoped3A : memref<!tpu.dma_semaphore, #tpu.memory_space<semaphore_mem>>) src(%arg23 : memref<512xf32, #tpu.memory_space<vmem>>) dst(%dma_wait3A_599 : memref<512xf32, #tpu.memory_space<hbm>>)
      tpu.yield
    }) : () -> ()
    return
  }
}

#map = affine_map<(d0, d1) -> (0)>
#map1 = affine_map<(d0, d1) -> (0, 0)>
module attributes {stable_mosaic.version = 14 : i64} {
  func.func @_emb_body(%arg0: i32, %arg1: i32, %arg2: memref<16384xi32, #tpu.memory_space<hbm>>, %arg3: memref<16384xi32, #tpu.memory_space<hbm>>, %arg4: memref<16384xi32, #tpu.memory_space<hbm>>, %arg5: memref<250000x128xf32, #tpu.memory_space<hbm>>, %arg6: memref<25000x128xf32, #tpu.memory_space<hbm>>, %arg7: memref<672xf32, #tpu.memory_space<hbm>>, %arg8: memref<16384xf32, #tpu.memory_space<hbm>>, %arg9: memref<16384xf32, #tpu.memory_space<hbm>>, %arg10: memref<16384xf32, #tpu.memory_space<hbm>>, %arg11: memref<2x128xi32, #tpu.memory_space<vmem>>, %arg12: memref<2x128xi32, #tpu.memory_space<vmem>>, %arg13: memref<512xi32, #tpu.memory_space<vmem>>, %arg14: memref<512xi32, #tpu.memory_space<vmem>>, %arg15: memref<512xi32, #tpu.memory_space<vmem>>, %arg16: memref<256x128xf32, #tpu.memory_space<vmem>>, %arg17: memref<256x128xf32, #tpu.memory_space<vmem>>, %arg18: memref<672xf32, #tpu.memory_space<vmem>>, %arg19: memref<512xf32, #tpu.memory_space<vmem>>, %arg20: memref<512xf32, #tpu.memory_space<vmem>>, %arg21: memref<512xf32, #tpu.memory_space<vmem>>, %arg22: memref<!tpu.dma_semaphore, #tpu.memory_space<semaphore_mem>>) attributes {dimension_semantics = [#tpu.dimension_semantics<core_parallel>, #tpu.dimension_semantics<subcore_parallel>], iteration_bounds = array<i64: 2, 16>, scalar_prefetch = 0 : i64, scratch_operands = 12 : i64, tpu.core_type = #tpu.core_type<sc_vector_subcore>, window_params = [{transform_indices = #map}, {transform_indices = #map}, {transform_indices = #map}, {transform_indices = #map1}, {transform_indices = #map1}, {transform_indices = #map}, {transform_indices = #map}, {transform_indices = #map}, {transform_indices = #map}]} {
    %mul3A = arith.constant 2 : i32
    %mul3A_0 = arith.muli %arg1, %mul3A : i32
    %add3A = arith.addi %mul3A_0, %arg0 : i32
    %mul3A_1 = arith.constant 512 : i32
    %mul3A_2 = arith.muli %add3A, %mul3A_1 : i32
    %add3A_3 = arith.constant 0 : i32
    %add3A_4 = arith.addi %mul3A_2, %add3A_3 : i32
    "tpu.region"() ({
      %run_scoped3A = tpu.sem_alloc : memref<!tpu.dma_semaphore, #tpu.memory_space<semaphore_mem>>
      %dma_start3A_761 = arith.constant 0 : i32
      %dma_start3A_762 = tpu.memref_slice %arg13[%dma_start3A_761] : memref<512xi32, #tpu.memory_space<vmem>> -> memref<128xi32, #tpu.memory_space<vmem>>
      %dma_start3A_763 = tpu.memref_slice %arg2[%add3A_4] : memref<16384xi32, #tpu.memory_space<hbm>> -> memref<128xi32, #tpu.memory_space<hbm>>
      %dma_start3A_764 = arith.constant 0 : i32
      %dma_start3A_765 = tpu.memref_slice %arg13[%dma_start3A_764] : memref<512xi32, #tpu.memory_space<vmem>> -> memref<128xi32, #tpu.memory_space<vmem>>
      %dma_start3A_766 = tpu.memref_slice %arg2[%add3A_4] : memref<16384xi32, #tpu.memory_space<hbm>> -> memref<128xi32, #tpu.memory_space<hbm>>
      tpu.enqueue_dma source(%dma_start3A_766 : memref<128xi32, #tpu.memory_space<hbm>>) target(%dma_start3A_765 : memref<128xi32, #tpu.memory_space<vmem>>) target_semaphore(%run_scoped3A : memref<!tpu.dma_semaphore, #tpu.memory_space<semaphore_mem>>)
      %dma_wait3A_767 = arith.constant 0 : i32
      %dma_wait3A_768 = tpu.memref_slice %arg13[%dma_wait3A_767] : memref<512xi32, #tpu.memory_space<vmem>> -> memref<128xi32, #tpu.memory_space<vmem>>
      %dma_wait3A_769 = tpu.memref_slice %arg2[%add3A_4] : memref<16384xi32, #tpu.memory_space<hbm>> -> memref<128xi32, #tpu.memory_space<hbm>>
      %dma_wait3A_770 = arith.constant 0 : i32
      %dma_wait3A_771 = tpu.memref_slice %arg13[%dma_wait3A_770] : memref<512xi32, #tpu.memory_space<vmem>> -> memref<128xi32, #tpu.memory_space<vmem>>
      %dma_wait3A_772 = tpu.memref_slice %arg2[%add3A_4] : memref<16384xi32, #tpu.memory_space<hbm>> -> memref<128xi32, #tpu.memory_space<hbm>>
      tpu.wait_dma2 semaphore(%run_scoped3A : memref<!tpu.dma_semaphore, #tpu.memory_space<semaphore_mem>>) src(%dma_wait3A_772 : memref<128xi32, #tpu.memory_space<hbm>>) dst(%dma_wait3A_771 : memref<128xi32, #tpu.memory_space<vmem>>)
      tpu.yield
    }) : () -> ()
    %add3A_5 = arith.constant 0 : i32
    %add3A_6 = arith.addi %mul3A_2, %add3A_5 : i32
    "tpu.region"() ({
      %run_scoped3A = tpu.sem_alloc : memref<!tpu.dma_semaphore, #tpu.memory_space<semaphore_mem>>
      %dma_start3A_761 = arith.constant 0 : i32
      %dma_start3A_762 = tpu.memref_slice %arg14[%dma_start3A_761] : memref<512xi32, #tpu.memory_space<vmem>> -> memref<128xi32, #tpu.memory_space<vmem>>
      %dma_start3A_763 = tpu.memref_slice %arg3[%add3A_6] : memref<16384xi32, #tpu.memory_space<hbm>> -> memref<128xi32, #tpu.memory_space<hbm>>
      %dma_start3A_764 = arith.constant 0 : i32
      %dma_start3A_765 = tpu.memref_slice %arg14[%dma_start3A_764] : memref<512xi32, #tpu.memory_space<vmem>> -> memref<128xi32, #tpu.memory_space<vmem>>
      %dma_start3A_766 = tpu.memref_slice %arg3[%add3A_6] : memref<16384xi32, #tpu.memory_space<hbm>> -> memref<128xi32, #tpu.memory_space<hbm>>
      tpu.enqueue_dma source(%dma_start3A_766 : memref<128xi32, #tpu.memory_space<hbm>>) target(%dma_start3A_765 : memref<128xi32, #tpu.memory_space<vmem>>) target_semaphore(%run_scoped3A : memref<!tpu.dma_semaphore, #tpu.memory_space<semaphore_mem>>)
      %dma_wait3A_767 = arith.constant 0 : i32
      %dma_wait3A_768 = tpu.memref_slice %arg14[%dma_wait3A_767] : memref<512xi32, #tpu.memory_space<vmem>> -> memref<128xi32, #tpu.memory_space<vmem>>
      %dma_wait3A_769 = tpu.memref_slice %arg3[%add3A_6] : memref<16384xi32, #tpu.memory_space<hbm>> -> memref<128xi32, #tpu.memory_space<hbm>>
      %dma_wait3A_770 = arith.constant 0 : i32
      %dma_wait3A_771 = tpu.memref_slice %arg14[%dma_wait3A_770] : memref<512xi32, #tpu.memory_space<vmem>> -> memref<128xi32, #tpu.memory_space<vmem>>
      %dma_wait3A_772 = tpu.memref_slice %arg3[%add3A_6] : memref<16384xi32, #tpu.memory_space<hbm>> -> memref<128xi32, #tpu.memory_space<hbm>>
      tpu.wait_dma2 semaphore(%run_scoped3A : memref<!tpu.dma_semaphore, #tpu.memory_space<semaphore_mem>>) src(%dma_wait3A_772 : memref<128xi32, #tpu.memory_space<hbm>>) dst(%dma_wait3A_771 : memref<128xi32, #tpu.memory_space<vmem>>)
      tpu.yield
    }) : () -> ()
    %add3A_7 = arith.constant 128 : i32
    %add3A_8 = arith.addi %mul3A_2, %add3A_7 : i32
    "tpu.region"() ({
      %run_scoped3A = tpu.sem_alloc : memref<!tpu.dma_semaphore, #tpu.memory_space<semaphore_mem>>
      %dma_start3A_761 = arith.constant 128 : i32
      %dma_start3A_762 = tpu.memref_slice %arg13[%dma_start3A_761] : memref<512xi32, #tpu.memory_space<vmem>> -> memref<128xi32, #tpu.memory_space<vmem>>
      %dma_start3A_763 = tpu.memref_slice %arg2[%add3A_8] : memref<16384xi32, #tpu.memory_space<hbm>> -> memref<128xi32, #tpu.memory_space<hbm>>
      %dma_start3A_764 = arith.constant 128 : i32
      %dma_start3A_765 = tpu.memref_slice %arg13[%dma_start3A_764] : memref<512xi32, #tpu.memory_space<vmem>> -> memref<128xi32, #tpu.memory_space<vmem>>
      %dma_start3A_766 = tpu.memref_slice %arg2[%add3A_8] : memref<16384xi32, #tpu.memory_space<hbm>> -> memref<128xi32, #tpu.memory_space<hbm>>
      tpu.enqueue_dma source(%dma_start3A_766 : memref<128xi32, #tpu.memory_space<hbm>>) target(%dma_start3A_765 : memref<128xi32, #tpu.memory_space<vmem>>) target_semaphore(%run_scoped3A : memref<!tpu.dma_semaphore, #tpu.memory_space<semaphore_mem>>)
      %dma_wait3A_767 = arith.constant 128 : i32
      %dma_wait3A_768 = tpu.memref_slice %arg13[%dma_wait3A_767] : memref<512xi32, #tpu.memory_space<vmem>> -> memref<128xi32, #tpu.memory_space<vmem>>
      %dma_wait3A_769 = tpu.memref_slice %arg2[%add3A_8] : memref<16384xi32, #tpu.memory_space<hbm>> -> memref<128xi32, #tpu.memory_space<hbm>>
      %dma_wait3A_770 = arith.constant 128 : i32
      %dma_wait3A_771 = tpu.memref_slice %arg13[%dma_wait3A_770] : memref<512xi32, #tpu.memory_space<vmem>> -> memref<128xi32, #tpu.memory_space<vmem>>
      %dma_wait3A_772 = tpu.memref_slice %arg2[%add3A_8] : memref<16384xi32, #tpu.memory_space<hbm>> -> memref<128xi32, #tpu.memory_space<hbm>>
      tpu.wait_dma2 semaphore(%run_scoped3A : memref<!tpu.dma_semaphore, #tpu.memory_space<semaphore_mem>>) src(%dma_wait3A_772 : memref<128xi32, #tpu.memory_space<hbm>>) dst(%dma_wait3A_771 : memref<128xi32, #tpu.memory_space<vmem>>)
      tpu.yield
    }) : () -> ()
    %add3A_9 = arith.constant 128 : i32
    %add3A_10 = arith.addi %mul3A_2, %add3A_9 : i32
    "tpu.region"() ({
      %run_scoped3A = tpu.sem_alloc : memref<!tpu.dma_semaphore, #tpu.memory_space<semaphore_mem>>
      %dma_start3A_761 = arith.constant 128 : i32
      %dma_start3A_762 = tpu.memref_slice %arg14[%dma_start3A_761] : memref<512xi32, #tpu.memory_space<vmem>> -> memref<128xi32, #tpu.memory_space<vmem>>
      %dma_start3A_763 = tpu.memref_slice %arg3[%add3A_10] : memref<16384xi32, #tpu.memory_space<hbm>> -> memref<128xi32, #tpu.memory_space<hbm>>
      %dma_start3A_764 = arith.constant 128 : i32
      %dma_start3A_765 = tpu.memref_slice %arg14[%dma_start3A_764] : memref<512xi32, #tpu.memory_space<vmem>> -> memref<128xi32, #tpu.memory_space<vmem>>
      %dma_start3A_766 = tpu.memref_slice %arg3[%add3A_10] : memref<16384xi32, #tpu.memory_space<hbm>> -> memref<128xi32, #tpu.memory_space<hbm>>
      tpu.enqueue_dma source(%dma_start3A_766 : memref<128xi32, #tpu.memory_space<hbm>>) target(%dma_start3A_765 : memref<128xi32, #tpu.memory_space<vmem>>) target_semaphore(%run_scoped3A : memref<!tpu.dma_semaphore, #tpu.memory_space<semaphore_mem>>)
      %dma_wait3A_767 = arith.constant 128 : i32
      %dma_wait3A_768 = tpu.memref_slice %arg14[%dma_wait3A_767] : memref<512xi32, #tpu.memory_space<vmem>> -> memref<128xi32, #tpu.memory_space<vmem>>
      %dma_wait3A_769 = tpu.memref_slice %arg3[%add3A_10] : memref<16384xi32, #tpu.memory_space<hbm>> -> memref<128xi32, #tpu.memory_space<hbm>>
      %dma_wait3A_770 = arith.constant 128 : i32
      %dma_wait3A_771 = tpu.memref_slice %arg14[%dma_wait3A_770] : memref<512xi32, #tpu.memory_space<vmem>> -> memref<128xi32, #tpu.memory_space<vmem>>
      %dma_wait3A_772 = tpu.memref_slice %arg3[%add3A_10] : memref<16384xi32, #tpu.memory_space<hbm>> -> memref<128xi32, #tpu.memory_space<hbm>>
      tpu.wait_dma2 semaphore(%run_scoped3A : memref<!tpu.dma_semaphore, #tpu.memory_space<semaphore_mem>>) src(%dma_wait3A_772 : memref<128xi32, #tpu.memory_space<hbm>>) dst(%dma_wait3A_771 : memref<128xi32, #tpu.memory_space<vmem>>)
      tpu.yield
    }) : () -> ()
    %add3A_11 = arith.constant 256 : i32
    %add3A_12 = arith.addi %mul3A_2, %add3A_11 : i32
    "tpu.region"() ({
      %run_scoped3A = tpu.sem_alloc : memref<!tpu.dma_semaphore, #tpu.memory_space<semaphore_mem>>
      %dma_start3A_761 = arith.constant 256 : i32
      %dma_start3A_762 = tpu.memref_slice %arg13[%dma_start3A_761] : memref<512xi32, #tpu.memory_space<vmem>> -> memref<128xi32, #tpu.memory_space<vmem>>
      %dma_start3A_763 = tpu.memref_slice %arg2[%add3A_12] : memref<16384xi32, #tpu.memory_space<hbm>> -> memref<128xi32, #tpu.memory_space<hbm>>
      %dma_start3A_764 = arith.constant 256 : i32
      %dma_start3A_765 = tpu.memref_slice %arg13[%dma_start3A_764] : memref<512xi32, #tpu.memory_space<vmem>> -> memref<128xi32, #tpu.memory_space<vmem>>
      %dma_start3A_766 = tpu.memref_slice %arg2[%add3A_12] : memref<16384xi32, #tpu.memory_space<hbm>> -> memref<128xi32, #tpu.memory_space<hbm>>
      tpu.enqueue_dma source(%dma_start3A_766 : memref<128xi32, #tpu.memory_space<hbm>>) target(%dma_start3A_765 : memref<128xi32, #tpu.memory_space<vmem>>) target_semaphore(%run_scoped3A : memref<!tpu.dma_semaphore, #tpu.memory_space<semaphore_mem>>)
      %dma_wait3A_767 = arith.constant 256 : i32
      %dma_wait3A_768 = tpu.memref_slice %arg13[%dma_wait3A_767] : memref<512xi32, #tpu.memory_space<vmem>> -> memref<128xi32, #tpu.memory_space<vmem>>
      %dma_wait3A_769 = tpu.memref_slice %arg2[%add3A_12] : memref<16384xi32, #tpu.memory_space<hbm>> -> memref<128xi32, #tpu.memory_space<hbm>>
      %dma_wait3A_770 = arith.constant 256 : i32
      %dma_wait3A_771 = tpu.memref_slice %arg13[%dma_wait3A_770] : memref<512xi32, #tpu.memory_space<vmem>> -> memref<128xi32, #tpu.memory_space<vmem>>
      %dma_wait3A_772 = tpu.memref_slice %arg2[%add3A_12] : memref<16384xi32, #tpu.memory_space<hbm>> -> memref<128xi32, #tpu.memory_space<hbm>>
      tpu.wait_dma2 semaphore(%run_scoped3A : memref<!tpu.dma_semaphore, #tpu.memory_space<semaphore_mem>>) src(%dma_wait3A_772 : memref<128xi32, #tpu.memory_space<hbm>>) dst(%dma_wait3A_771 : memref<128xi32, #tpu.memory_space<vmem>>)
      tpu.yield
    }) : () -> ()
    %add3A_13 = arith.constant 256 : i32
    %add3A_14 = arith.addi %mul3A_2, %add3A_13 : i32
    "tpu.region"() ({
      %run_scoped3A = tpu.sem_alloc : memref<!tpu.dma_semaphore, #tpu.memory_space<semaphore_mem>>
      %dma_start3A_761 = arith.constant 256 : i32
      %dma_start3A_762 = tpu.memref_slice %arg14[%dma_start3A_761] : memref<512xi32, #tpu.memory_space<vmem>> -> memref<128xi32, #tpu.memory_space<vmem>>
      %dma_start3A_763 = tpu.memref_slice %arg3[%add3A_14] : memref<16384xi32, #tpu.memory_space<hbm>> -> memref<128xi32, #tpu.memory_space<hbm>>
      %dma_start3A_764 = arith.constant 256 : i32
      %dma_start3A_765 = tpu.memref_slice %arg14[%dma_start3A_764] : memref<512xi32, #tpu.memory_space<vmem>> -> memref<128xi32, #tpu.memory_space<vmem>>
      %dma_start3A_766 = tpu.memref_slice %arg3[%add3A_14] : memref<16384xi32, #tpu.memory_space<hbm>> -> memref<128xi32, #tpu.memory_space<hbm>>
      tpu.enqueue_dma source(%dma_start3A_766 : memref<128xi32, #tpu.memory_space<hbm>>) target(%dma_start3A_765 : memref<128xi32, #tpu.memory_space<vmem>>) target_semaphore(%run_scoped3A : memref<!tpu.dma_semaphore, #tpu.memory_space<semaphore_mem>>)
      %dma_wait3A_767 = arith.constant 256 : i32
      %dma_wait3A_768 = tpu.memref_slice %arg14[%dma_wait3A_767] : memref<512xi32, #tpu.memory_space<vmem>> -> memref<128xi32, #tpu.memory_space<vmem>>
      %dma_wait3A_769 = tpu.memref_slice %arg3[%add3A_14] : memref<16384xi32, #tpu.memory_space<hbm>> -> memref<128xi32, #tpu.memory_space<hbm>>
      %dma_wait3A_770 = arith.constant 256 : i32
      %dma_wait3A_771 = tpu.memref_slice %arg14[%dma_wait3A_770] : memref<512xi32, #tpu.memory_space<vmem>> -> memref<128xi32, #tpu.memory_space<vmem>>
      %dma_wait3A_772 = tpu.memref_slice %arg3[%add3A_14] : memref<16384xi32, #tpu.memory_space<hbm>> -> memref<128xi32, #tpu.memory_space<hbm>>
      tpu.wait_dma2 semaphore(%run_scoped3A : memref<!tpu.dma_semaphore, #tpu.memory_space<semaphore_mem>>) src(%dma_wait3A_772 : memref<128xi32, #tpu.memory_space<hbm>>) dst(%dma_wait3A_771 : memref<128xi32, #tpu.memory_space<vmem>>)
      tpu.yield
    }) : () -> ()
    %add3A_15 = arith.constant 384 : i32
    %add3A_16 = arith.addi %mul3A_2, %add3A_15 : i32
    "tpu.region"() ({
      %run_scoped3A = tpu.sem_alloc : memref<!tpu.dma_semaphore, #tpu.memory_space<semaphore_mem>>
      %dma_start3A_761 = arith.constant 384 : i32
      %dma_start3A_762 = tpu.memref_slice %arg13[%dma_start3A_761] : memref<512xi32, #tpu.memory_space<vmem>> -> memref<128xi32, #tpu.memory_space<vmem>>
      %dma_start3A_763 = tpu.memref_slice %arg2[%add3A_16] : memref<16384xi32, #tpu.memory_space<hbm>> -> memref<128xi32, #tpu.memory_space<hbm>>
      %dma_start3A_764 = arith.constant 384 : i32
      %dma_start3A_765 = tpu.memref_slice %arg13[%dma_start3A_764] : memref<512xi32, #tpu.memory_space<vmem>> -> memref<128xi32, #tpu.memory_space<vmem>>
      %dma_start3A_766 = tpu.memref_slice %arg2[%add3A_16] : memref<16384xi32, #tpu.memory_space<hbm>> -> memref<128xi32, #tpu.memory_space<hbm>>
      tpu.enqueue_dma source(%dma_start3A_766 : memref<128xi32, #tpu.memory_space<hbm>>) target(%dma_start3A_765 : memref<128xi32, #tpu.memory_space<vmem>>) target_semaphore(%run_scoped3A : memref<!tpu.dma_semaphore, #tpu.memory_space<semaphore_mem>>)
      %dma_wait3A_767 = arith.constant 384 : i32
      %dma_wait3A_768 = tpu.memref_slice %arg13[%dma_wait3A_767] : memref<512xi32, #tpu.memory_space<vmem>> -> memref<128xi32, #tpu.memory_space<vmem>>
      %dma_wait3A_769 = tpu.memref_slice %arg2[%add3A_16] : memref<16384xi32, #tpu.memory_space<hbm>> -> memref<128xi32, #tpu.memory_space<hbm>>
      %dma_wait3A_770 = arith.constant 384 : i32
      %dma_wait3A_771 = tpu.memref_slice %arg13[%dma_wait3A_770] : memref<512xi32, #tpu.memory_space<vmem>> -> memref<128xi32, #tpu.memory_space<vmem>>
      %dma_wait3A_772 = tpu.memref_slice %arg2[%add3A_16] : memref<16384xi32, #tpu.memory_space<hbm>> -> memref<128xi32, #tpu.memory_space<hbm>>
      tpu.wait_dma2 semaphore(%run_scoped3A : memref<!tpu.dma_semaphore, #tpu.memory_space<semaphore_mem>>) src(%dma_wait3A_772 : memref<128xi32, #tpu.memory_space<hbm>>) dst(%dma_wait3A_771 : memref<128xi32, #tpu.memory_space<vmem>>)
      tpu.yield
    }) : () -> ()
    %add3A_17 = arith.constant 384 : i32
    %add3A_18 = arith.addi %mul3A_2, %add3A_17 : i32
    "tpu.region"() ({
      %run_scoped3A = tpu.sem_alloc : memref<!tpu.dma_semaphore, #tpu.memory_space<semaphore_mem>>
      %dma_start3A_761 = arith.constant 384 : i32
      %dma_start3A_762 = tpu.memref_slice %arg14[%dma_start3A_761] : memref<512xi32, #tpu.memory_space<vmem>> -> memref<128xi32, #tpu.memory_space<vmem>>
      %dma_start3A_763 = tpu.memref_slice %arg3[%add3A_18] : memref<16384xi32, #tpu.memory_space<hbm>> -> memref<128xi32, #tpu.memory_space<hbm>>
      %dma_start3A_764 = arith.constant 384 : i32
      %dma_start3A_765 = tpu.memref_slice %arg14[%dma_start3A_764] : memref<512xi32, #tpu.memory_space<vmem>> -> memref<128xi32, #tpu.memory_space<vmem>>
      %dma_start3A_766 = tpu.memref_slice %arg3[%add3A_18] : memref<16384xi32, #tpu.memory_space<hbm>> -> memref<128xi32, #tpu.memory_space<hbm>>
      tpu.enqueue_dma source(%dma_start3A_766 : memref<128xi32, #tpu.memory_space<hbm>>) target(%dma_start3A_765 : memref<128xi32, #tpu.memory_space<vmem>>) target_semaphore(%run_scoped3A : memref<!tpu.dma_semaphore, #tpu.memory_space<semaphore_mem>>)
      %dma_wait3A_767 = arith.constant 384 : i32
      %dma_wait3A_768 = tpu.memref_slice %arg14[%dma_wait3A_767] : memref<512xi32, #tpu.memory_space<vmem>> -> memref<128xi32, #tpu.memory_space<vmem>>
      %dma_wait3A_769 = tpu.memref_slice %arg3[%add3A_18] : memref<16384xi32, #tpu.memory_space<hbm>> -> memref<128xi32, #tpu.memory_space<hbm>>
      %dma_wait3A_770 = arith.constant 384 : i32
      %dma_wait3A_771 = tpu.memref_slice %arg14[%dma_wait3A_770] : memref<512xi32, #tpu.memory_space<vmem>> -> memref<128xi32, #tpu.memory_space<vmem>>
      %dma_wait3A_772 = tpu.memref_slice %arg3[%add3A_18] : memref<16384xi32, #tpu.memory_space<hbm>> -> memref<128xi32, #tpu.memory_space<hbm>>
      tpu.wait_dma2 semaphore(%run_scoped3A : memref<!tpu.dma_semaphore, #tpu.memory_space<semaphore_mem>>) src(%dma_wait3A_772 : memref<128xi32, #tpu.memory_space<hbm>>) dst(%dma_wait3A_771 : memref<128xi32, #tpu.memory_space<vmem>>)
      tpu.yield
    }) : () -> ()
    "tpu.region"() ({
      %run_scoped3A = tpu.sem_alloc : memref<!tpu.dma_semaphore, #tpu.memory_space<semaphore_mem>>
      %dma_start3A_761 = tpu.memref_slice %arg4[%mul3A_2] : memref<16384xi32, #tpu.memory_space<hbm>> -> memref<512xi32, #tpu.memory_space<hbm>>
      %dma_start3A_762 = tpu.memref_slice %arg4[%mul3A_2] : memref<16384xi32, #tpu.memory_space<hbm>> -> memref<512xi32, #tpu.memory_space<hbm>>
      tpu.enqueue_dma source(%dma_start3A_762 : memref<512xi32, #tpu.memory_space<hbm>>) target(%arg15 : memref<512xi32, #tpu.memory_space<vmem>>) target_semaphore(%run_scoped3A : memref<!tpu.dma_semaphore, #tpu.memory_space<semaphore_mem>>)
      %dma_wait3A_763 = tpu.memref_slice %arg4[%mul3A_2] : memref<16384xi32, #tpu.memory_space<hbm>> -> memref<512xi32, #tpu.memory_space<hbm>>
      %dma_wait3A_764 = tpu.memref_slice %arg4[%mul3A_2] : memref<16384xi32, #tpu.memory_space<hbm>> -> memref<512xi32, #tpu.memory_space<hbm>>
      tpu.wait_dma2 semaphore(%run_scoped3A : memref<!tpu.dma_semaphore, #tpu.memory_space<semaphore_mem>>) src(%dma_wait3A_764 : memref<512xi32, #tpu.memory_space<hbm>>) dst(%arg15 : memref<512xi32, #tpu.memory_space<vmem>>)
      tpu.yield
    }) : () -> ()
    "tpu.region"() ({
      %run_scoped3A = tpu.sem_alloc : memref<!tpu.dma_semaphore, #tpu.memory_space<semaphore_mem>>
      tpu.enqueue_dma source(%arg7 : memref<672xf32, #tpu.memory_space<hbm>>) target(%arg18 : memref<672xf32, #tpu.memory_space<vmem>>) target_semaphore(%run_scoped3A : memref<!tpu.dma_semaphore, #tpu.memory_space<semaphore_mem>>)
      tpu.wait_dma2 semaphore(%run_scoped3A : memref<!tpu.dma_semaphore, #tpu.memory_space<semaphore_mem>>) src(%arg7 : memref<672xf32, #tpu.memory_space<hbm>>) dst(%arg18 : memref<672xf32, #tpu.memory_space<vmem>>)
      tpu.yield
    }) : () -> ()
    "tpu.region"() ({
      %run_scoped3A = tpu.sem_alloc : memref<!tpu.dma_semaphore, #tpu.memory_space<semaphore_mem>>
      %dma_start3A_761 = tpu.memref_slice %arg8[%mul3A_2] : memref<16384xf32, #tpu.memory_space<hbm>> -> memref<512xf32, #tpu.memory_space<hbm>>
      %dma_start3A_762 = tpu.memref_slice %arg8[%mul3A_2] : memref<16384xf32, #tpu.memory_space<hbm>> -> memref<512xf32, #tpu.memory_space<hbm>>
      tpu.enqueue_dma source(%dma_start3A_762 : memref<512xf32, #tpu.memory_space<hbm>>) target(%arg19 : memref<512xf32, #tpu.memory_space<vmem>>) target_semaphore(%run_scoped3A : memref<!tpu.dma_semaphore, #tpu.memory_space<semaphore_mem>>)
      %dma_wait3A_763 = tpu.memref_slice %arg8[%mul3A_2] : memref<16384xf32, #tpu.memory_space<hbm>> -> memref<512xf32, #tpu.memory_space<hbm>>
      %dma_wait3A_764 = tpu.memref_slice %arg8[%mul3A_2] : memref<16384xf32, #tpu.memory_space<hbm>> -> memref<512xf32, #tpu.memory_space<hbm>>
      tpu.wait_dma2 semaphore(%run_scoped3A : memref<!tpu.dma_semaphore, #tpu.memory_space<semaphore_mem>>) src(%dma_wait3A_764 : memref<512xf32, #tpu.memory_space<hbm>>) dst(%arg19 : memref<512xf32, #tpu.memory_space<vmem>>)
      tpu.yield
    }) : () -> ()
    "tpu.region"() ({
      %run_scoped3A = tpu.sem_alloc : memref<!tpu.dma_semaphore, #tpu.memory_space<semaphore_mem>>
      %dma_start3A_761 = tpu.memref_slice %arg9[%mul3A_2] : memref<16384xf32, #tpu.memory_space<hbm>> -> memref<512xf32, #tpu.memory_space<hbm>>
      %dma_start3A_762 = tpu.memref_slice %arg9[%mul3A_2] : memref<16384xf32, #tpu.memory_space<hbm>> -> memref<512xf32, #tpu.memory_space<hbm>>
      tpu.enqueue_dma source(%dma_start3A_762 : memref<512xf32, #tpu.memory_space<hbm>>) target(%arg20 : memref<512xf32, #tpu.memory_space<vmem>>) target_semaphore(%run_scoped3A : memref<!tpu.dma_semaphore, #tpu.memory_space<semaphore_mem>>)
      %dma_wait3A_763 = tpu.memref_slice %arg9[%mul3A_2] : memref<16384xf32, #tpu.memory_space<hbm>> -> memref<512xf32, #tpu.memory_space<hbm>>
      %dma_wait3A_764 = tpu.memref_slice %arg9[%mul3A_2] : memref<16384xf32, #tpu.memory_space<hbm>> -> memref<512xf32, #tpu.memory_space<hbm>>
      tpu.wait_dma2 semaphore(%run_scoped3A : memref<!tpu.dma_semaphore, #tpu.memory_space<semaphore_mem>>) src(%dma_wait3A_764 : memref<512xf32, #tpu.memory_space<hbm>>) dst(%arg20 : memref<512xf32, #tpu.memory_space<vmem>>)
      tpu.yield
    }) : () -> ()
    %iota3A = tpu.iota {dimensions = array<i32: 0>} : vector<16xi32>
    %get3A = arith.constant 0 : index
    %get3A_19 = tpu.vector_load %arg13[%get3A] {strides = array<i32>} : memref<512xi32, #tpu.memory_space<vmem>>, vector<16xi32>,
    %shift_right_arithmetic3A = arith.constant 2 : i32
    %shift_right_arithmetic3A_20 = vector.broadcast %shift_right_arithmetic3A : i32 to vector<16xi32>
    %shift_right_arithmetic3A_21 = arith.shrsi %get3A_19, %shift_right_arithmetic3A_20 : vector<16xi32>
    %swap3A = arith.constant 0 : i32
    %swap3A_22 = arith.index_cast %swap3A : i32 to index
    %swap3A_23 = arith.constant 0 : index
    %swap3A_24 = tpu.vector_load %arg11[%swap3A_22, %swap3A_23] {strides = array<i32>} : memref<2x128xi32, #tpu.memory_space<vmem>>, vector<16xi32>,
    tpu.vector_store %arg11[%swap3A_22, %swap3A_23], %shift_right_arithmetic3A_21 {strides = array<i32>} : memref<2x128xi32, #tpu.memory_space<vmem>>, vector<16xi32>,
    %get3A_25 = arith.constant 0 : index
    %get3A_26 = tpu.vector_load %arg14[%get3A_25] {strides = array<i32>} : memref<512xi32, #tpu.memory_space<vmem>>, vector<16xi32>,
    %shift_right_arithmetic3A_27 = arith.constant 2 : i32
    %shift_right_arithmetic3A_28 = vector.broadcast %shift_right_arithmetic3A_27 : i32 to vector<16xi32>
    %shift_right_arithmetic3A_29 = arith.shrsi %get3A_26, %shift_right_arithmetic3A_28 : vector<16xi32>
    %swap3A_30 = arith.constant 0 : i32
    %swap3A_31 = arith.index_cast %swap3A_30 : i32 to index
    %swap3A_32 = arith.constant 0 : index
    %swap3A_33 = tpu.vector_load %arg12[%swap3A_31, %swap3A_32] {strides = array<i32>} : memref<2x128xi32, #tpu.memory_space<vmem>>, vector<16xi32>,
    tpu.vector_store %arg12[%swap3A_31, %swap3A_32], %shift_right_arithmetic3A_29 {strides = array<i32>} : memref<2x128xi32, #tpu.memory_space<vmem>>, vector<16xi32>,
    %get3A_34 = arith.constant 16 : index
    %get3A_35 = tpu.vector_load %arg13[%get3A_34] {strides = array<i32>} : memref<512xi32, #tpu.memory_space<vmem>>, vector<16xi32>,
    %shift_right_arithmetic3A_36 = arith.constant 2 : i32
    %shift_right_arithmetic3A_37 = vector.broadcast %shift_right_arithmetic3A_36 : i32 to vector<16xi32>
    %shift_right_arithmetic3A_38 = arith.shrsi %get3A_35, %shift_right_arithmetic3A_37 : vector<16xi32>
    %swap3A_39 = arith.constant 0 : i32
    %swap3A_40 = arith.index_cast %swap3A_39 : i32 to index
    %swap3A_41 = arith.constant 16 : index
    %swap3A_42 = tpu.vector_load %arg11[%swap3A_40, %swap3A_41] {strides = array<i32>} : memref<2x128xi32, #tpu.memory_space<vmem>>, vector<16xi32>,
    tpu.vector_store %arg11[%swap3A_40, %swap3A_41], %shift_right_arithmetic3A_38 {strides = array<i32>} : memref<2x128xi32, #tpu.memory_space<vmem>>, vector<16xi32>,
    %get3A_43 = arith.constant 16 : index
    %get3A_44 = tpu.vector_load %arg14[%get3A_43] {strides = array<i32>} : memref<512xi32, #tpu.memory_space<vmem>>, vector<16xi32>,
    %shift_right_arithmetic3A_45 = arith.constant 2 : i32
    %shift_right_arithmetic3A_46 = vector.broadcast %shift_right_arithmetic3A_45 : i32 to vector<16xi32>
    %shift_right_arithmetic3A_47 = arith.shrsi %get3A_44, %shift_right_arithmetic3A_46 : vector<16xi32>
    %swap3A_48 = arith.constant 0 : i32
    %swap3A_49 = arith.index_cast %swap3A_48 : i32 to index
    %swap3A_50 = arith.constant 16 : index
    %swap3A_51 = tpu.vector_load %arg12[%swap3A_49, %swap3A_50] {strides = array<i32>} : memref<2x128xi32, #tpu.memory_space<vmem>>, vector<16xi32>,
    tpu.vector_store %arg12[%swap3A_49, %swap3A_50], %shift_right_arithmetic3A_47 {strides = array<i32>} : memref<2x128xi32, #tpu.memory_space<vmem>>, vector<16xi32>,
    %get3A_52 = arith.constant 32 : index
    %get3A_53 = tpu.vector_load %arg13[%get3A_52] {strides = array<i32>} : memref<512xi32, #tpu.memory_space<vmem>>, vector<16xi32>,
    %shift_right_arithmetic3A_54 = arith.constant 2 : i32
    %shift_right_arithmetic3A_55 = vector.broadcast %shift_right_arithmetic3A_54 : i32 to vector<16xi32>
    %shift_right_arithmetic3A_56 = arith.shrsi %get3A_53, %shift_right_arithmetic3A_55 : vector<16xi32>
    %swap3A_57 = arith.constant 0 : i32
    %swap3A_58 = arith.index_cast %swap3A_57 : i32 to index
    %swap3A_59 = arith.constant 32 : index
    %swap3A_60 = tpu.vector_load %arg11[%swap3A_58, %swap3A_59] {strides = array<i32>} : memref<2x128xi32, #tpu.memory_space<vmem>>, vector<16xi32>,
    tpu.vector_store %arg11[%swap3A_58, %swap3A_59], %shift_right_arithmetic3A_56 {strides = array<i32>} : memref<2x128xi32, #tpu.memory_space<vmem>>, vector<16xi32>,
    %get3A_61 = arith.constant 32 : index
    %get3A_62 = tpu.vector_load %arg14[%get3A_61] {strides = array<i32>} : memref<512xi32, #tpu.memory_space<vmem>>, vector<16xi32>,
    %shift_right_arithmetic3A_63 = arith.constant 2 : i32
    %shift_right_arithmetic3A_64 = vector.broadcast %shift_right_arithmetic3A_63 : i32 to vector<16xi32>
    %shift_right_arithmetic3A_65 = arith.shrsi %get3A_62, %shift_right_arithmetic3A_64 : vector<16xi32>
    %swap3A_66 = arith.constant 0 : i32
    %swap3A_67 = arith.index_cast %swap3A_66 : i32 to index
    %swap3A_68 = arith.constant 32 : index
    %swap3A_69 = tpu.vector_load %arg12[%swap3A_67, %swap3A_68] {strides = array<i32>} : memref<2x128xi32, #tpu.memory_space<vmem>>, vector<16xi32>,
    tpu.vector_store %arg12[%swap3A_67, %swap3A_68], %shift_right_arithmetic3A_65 {strides = array<i32>} : memref<2x128xi32, #tpu.memory_space<vmem>>, vector<16xi32>,
    %get3A_70 = arith.constant 48 : index
    %get3A_71 = tpu.vector_load %arg13[%get3A_70] {strides = array<i32>} : memref<512xi32, #tpu.memory_space<vmem>>, vector<16xi32>,
    %shift_right_arithmetic3A_72 = arith.constant 2 : i32
    %shift_right_arithmetic3A_73 = vector.broadcast %shift_right_arithmetic3A_72 : i32 to vector<16xi32>
    %shift_right_arithmetic3A_74 = arith.shrsi %get3A_71, %shift_right_arithmetic3A_73 : vector<16xi32>
    %swap3A_75 = arith.constant 0 : i32
    %swap3A_76 = arith.index_cast %swap3A_75 : i32 to index
    %swap3A_77 = arith.constant 48 : index
    %swap3A_78 = tpu.vector_load %arg11[%swap3A_76, %swap3A_77] {strides = array<i32>} : memref<2x128xi32, #tpu.memory_space<vmem>>, vector<16xi32>,
    tpu.vector_store %arg11[%swap3A_76, %swap3A_77], %shift_right_arithmetic3A_74 {strides = array<i32>} : memref<2x128xi32, #tpu.memory_space<vmem>>, vector<16xi32>,
    %get3A_79 = arith.constant 48 : index
    %get3A_80 = tpu.vector_load %arg14[%get3A_79] {strides = array<i32>} : memref<512xi32, #tpu.memory_space<vmem>>, vector<16xi32>,
    %shift_right_arithmetic3A_81 = arith.constant 2 : i32
    %shift_right_arithmetic3A_82 = vector.broadcast %shift_right_arithmetic3A_81 : i32 to vector<16xi32>
    %shift_right_arithmetic3A_83 = arith.shrsi %get3A_80, %shift_right_arithmetic3A_82 : vector<16xi32>
    %swap3A_84 = arith.constant 0 : i32
    %swap3A_85 = arith.index_cast %swap3A_84 : i32 to index
    %swap3A_86 = arith.constant 48 : index
    %swap3A_87 = tpu.vector_load %arg12[%swap3A_85, %swap3A_86] {strides = array<i32>} : memref<2x128xi32, #tpu.memory_space<vmem>>, vector<16xi32>,
    tpu.vector_store %arg12[%swap3A_85, %swap3A_86], %shift_right_arithmetic3A_83 {strides = array<i32>} : memref<2x128xi32, #tpu.memory_space<vmem>>, vector<16xi32>,
    %get3A_88 = arith.constant 64 : index
    %get3A_89 = tpu.vector_load %arg13[%get3A_88] {strides = array<i32>} : memref<512xi32, #tpu.memory_space<vmem>>, vector<16xi32>,
    %shift_right_arithmetic3A_90 = arith.constant 2 : i32
    %shift_right_arithmetic3A_91 = vector.broadcast %shift_right_arithmetic3A_90 : i32 to vector<16xi32>
    %shift_right_arithmetic3A_92 = arith.shrsi %get3A_89, %shift_right_arithmetic3A_91 : vector<16xi32>
    %swap3A_93 = arith.constant 0 : i32
    %swap3A_94 = arith.index_cast %swap3A_93 : i32 to index
    %swap3A_95 = arith.constant 64 : index
    %swap3A_96 = tpu.vector_load %arg11[%swap3A_94, %swap3A_95] {strides = array<i32>} : memref<2x128xi32, #tpu.memory_space<vmem>>, vector<16xi32>,
    tpu.vector_store %arg11[%swap3A_94, %swap3A_95], %shift_right_arithmetic3A_92 {strides = array<i32>} : memref<2x128xi32, #tpu.memory_space<vmem>>, vector<16xi32>,
    %get3A_97 = arith.constant 64 : index
    %get3A_98 = tpu.vector_load %arg14[%get3A_97] {strides = array<i32>} : memref<512xi32, #tpu.memory_space<vmem>>, vector<16xi32>,
    %shift_right_arithmetic3A_99 = arith.constant 2 : i32
    %shift_right_arithmetic3A_100 = vector.broadcast %shift_right_arithmetic3A_99 : i32 to vector<16xi32>
    %shift_right_arithmetic3A_101 = arith.shrsi %get3A_98, %shift_right_arithmetic3A_100 : vector<16xi32>
    %swap3A_102 = arith.constant 0 : i32
    %swap3A_103 = arith.index_cast %swap3A_102 : i32 to index
    %swap3A_104 = arith.constant 64 : index
    %swap3A_105 = tpu.vector_load %arg12[%swap3A_103, %swap3A_104] {strides = array<i32>} : memref<2x128xi32, #tpu.memory_space<vmem>>, vector<16xi32>,
    tpu.vector_store %arg12[%swap3A_103, %swap3A_104], %shift_right_arithmetic3A_101 {strides = array<i32>} : memref<2x128xi32, #tpu.memory_space<vmem>>, vector<16xi32>,
    %get3A_106 = arith.constant 80 : index
    %get3A_107 = tpu.vector_load %arg13[%get3A_106] {strides = array<i32>} : memref<512xi32, #tpu.memory_space<vmem>>, vector<16xi32>,
    %shift_right_arithmetic3A_108 = arith.constant 2 : i32
    %shift_right_arithmetic3A_109 = vector.broadcast %shift_right_arithmetic3A_108 : i32 to vector<16xi32>
    %shift_right_arithmetic3A_110 = arith.shrsi %get3A_107, %shift_right_arithmetic3A_109 : vector<16xi32>
    %swap3A_111 = arith.constant 0 : i32
    %swap3A_112 = arith.index_cast %swap3A_111 : i32 to index
    %swap3A_113 = arith.constant 80 : index
    %swap3A_114 = tpu.vector_load %arg11[%swap3A_112, %swap3A_113] {strides = array<i32>} : memref<2x128xi32, #tpu.memory_space<vmem>>, vector<16xi32>,
    tpu.vector_store %arg11[%swap3A_112, %swap3A_113], %shift_right_arithmetic3A_110 {strides = array<i32>} : memref<2x128xi32, #tpu.memory_space<vmem>>, vector<16xi32>,
    %get3A_115 = arith.constant 80 : index
    %get3A_116 = tpu.vector_load %arg14[%get3A_115] {strides = array<i32>} : memref<512xi32, #tpu.memory_space<vmem>>, vector<16xi32>,
    %shift_right_arithmetic3A_117 = arith.constant 2 : i32
    %shift_right_arithmetic3A_118 = vector.broadcast %shift_right_arithmetic3A_117 : i32 to vector<16xi32>
    %shift_right_arithmetic3A_119 = arith.shrsi %get3A_116, %shift_right_arithmetic3A_118 : vector<16xi32>
    %swap3A_120 = arith.constant 0 : i32
    %swap3A_121 = arith.index_cast %swap3A_120 : i32 to index
    %swap3A_122 = arith.constant 80 : index
    %swap3A_123 = tpu.vector_load %arg12[%swap3A_121, %swap3A_122] {strides = array<i32>} : memref<2x128xi32, #tpu.memory_space<vmem>>, vector<16xi32>,
    tpu.vector_store %arg12[%swap3A_121, %swap3A_122], %shift_right_arithmetic3A_119 {strides = array<i32>} : memref<2x128xi32, #tpu.memory_space<vmem>>, vector<16xi32>,
    %get3A_124 = arith.constant 96 : index
    %get3A_125 = tpu.vector_load %arg13[%get3A_124] {strides = array<i32>} : memref<512xi32, #tpu.memory_space<vmem>>, vector<16xi32>,
    %shift_right_arithmetic3A_126 = arith.constant 2 : i32
    %shift_right_arithmetic3A_127 = vector.broadcast %shift_right_arithmetic3A_126 : i32 to vector<16xi32>
    %shift_right_arithmetic3A_128 = arith.shrsi %get3A_125, %shift_right_arithmetic3A_127 : vector<16xi32>
    %swap3A_129 = arith.constant 0 : i32
    %swap3A_130 = arith.index_cast %swap3A_129 : i32 to index
    %swap3A_131 = arith.constant 96 : index
    %swap3A_132 = tpu.vector_load %arg11[%swap3A_130, %swap3A_131] {strides = array<i32>} : memref<2x128xi32, #tpu.memory_space<vmem>>, vector<16xi32>,
    tpu.vector_store %arg11[%swap3A_130, %swap3A_131], %shift_right_arithmetic3A_128 {strides = array<i32>} : memref<2x128xi32, #tpu.memory_space<vmem>>, vector<16xi32>,
    %get3A_133 = arith.constant 96 : index
    %get3A_134 = tpu.vector_load %arg14[%get3A_133] {strides = array<i32>} : memref<512xi32, #tpu.memory_space<vmem>>, vector<16xi32>,
    %shift_right_arithmetic3A_135 = arith.constant 2 : i32
    %shift_right_arithmetic3A_136 = vector.broadcast %shift_right_arithmetic3A_135 : i32 to vector<16xi32>
    %shift_right_arithmetic3A_137 = arith.shrsi %get3A_134, %shift_right_arithmetic3A_136 : vector<16xi32>
    %swap3A_138 = arith.constant 0 : i32
    %swap3A_139 = arith.index_cast %swap3A_138 : i32 to index
    %swap3A_140 = arith.constant 96 : index
    %swap3A_141 = tpu.vector_load %arg12[%swap3A_139, %swap3A_140] {strides = array<i32>} : memref<2x128xi32, #tpu.memory_space<vmem>>, vector<16xi32>,
    tpu.vector_store %arg12[%swap3A_139, %swap3A_140], %shift_right_arithmetic3A_137 {strides = array<i32>} : memref<2x128xi32, #tpu.memory_space<vmem>>, vector<16xi32>,
    %get3A_142 = arith.constant 112 : index
    %get3A_143 = tpu.vector_load %arg13[%get3A_142] {strides = array<i32>} : memref<512xi32, #tpu.memory_space<vmem>>, vector<16xi32>,
    %shift_right_arithmetic3A_144 = arith.constant 2 : i32
    %shift_right_arithmetic3A_145 = vector.broadcast %shift_right_arithmetic3A_144 : i32 to vector<16xi32>
    %shift_right_arithmetic3A_146 = arith.shrsi %get3A_143, %shift_right_arithmetic3A_145 : vector<16xi32>
    %swap3A_147 = arith.constant 0 : i32
    %swap3A_148 = arith.index_cast %swap3A_147 : i32 to index
    %swap3A_149 = arith.constant 112 : index
    %swap3A_150 = tpu.vector_load %arg11[%swap3A_148, %swap3A_149] {strides = array<i32>} : memref<2x128xi32, #tpu.memory_space<vmem>>, vector<16xi32>,
    tpu.vector_store %arg11[%swap3A_148, %swap3A_149], %shift_right_arithmetic3A_146 {strides = array<i32>} : memref<2x128xi32, #tpu.memory_space<vmem>>, vector<16xi32>,
    %get3A_151 = arith.constant 112 : index
    %get3A_152 = tpu.vector_load %arg14[%get3A_151] {strides = array<i32>} : memref<512xi32, #tpu.memory_space<vmem>>, vector<16xi32>,
    %shift_right_arithmetic3A_153 = arith.constant 2 : i32
    %shift_right_arithmetic3A_154 = vector.broadcast %shift_right_arithmetic3A_153 : i32 to vector<16xi32>
    %shift_right_arithmetic3A_155 = arith.shrsi %get3A_152, %shift_right_arithmetic3A_154 : vector<16xi32>
    %swap3A_156 = arith.constant 0 : i32
    %swap3A_157 = arith.index_cast %swap3A_156 : i32 to index
    %swap3A_158 = arith.constant 112 : index
    %swap3A_159 = tpu.vector_load %arg12[%swap3A_157, %swap3A_158] {strides = array<i32>} : memref<2x128xi32, #tpu.memory_space<vmem>>, vector<16xi32>,
    tpu.vector_store %arg12[%swap3A_157, %swap3A_158], %shift_right_arithmetic3A_155 {strides = array<i32>} : memref<2x128xi32, #tpu.memory_space<vmem>>, vector<16xi32>,
    %get3A_160 = arith.constant 128 : index
    %get3A_161 = tpu.vector_load %arg13[%get3A_160] {strides = array<i32>} : memref<512xi32, #tpu.memory_space<vmem>>, vector<16xi32>,
    %shift_right_arithmetic3A_162 = arith.constant 2 : i32
    %shift_right_arithmetic3A_163 = vector.broadcast %shift_right_arithmetic3A_162 : i32 to vector<16xi32>
    %shift_right_arithmetic3A_164 = arith.shrsi %get3A_161, %shift_right_arithmetic3A_163 : vector<16xi32>
    %swap3A_165 = arith.constant 1 : i32
    %swap3A_166 = arith.index_cast %swap3A_165 : i32 to index
    %swap3A_167 = arith.constant 0 : index
    %swap3A_168 = tpu.vector_load %arg11[%swap3A_166, %swap3A_167] {strides = array<i32>} : memref<2x128xi32, #tpu.memory_space<vmem>>, vector<16xi32>,
    tpu.vector_store %arg11[%swap3A_166, %swap3A_167], %shift_right_arithmetic3A_164 {strides = array<i32>} : memref<2x128xi32, #tpu.memory_space<vmem>>, vector<16xi32>,
    %get3A_169 = arith.constant 128 : index
    %get3A_170 = tpu.vector_load %arg14[%get3A_169] {strides = array<i32>} : memref<512xi32, #tpu.memory_space<vmem>>, vector<16xi32>,
    %shift_right_arithmetic3A_171 = arith.constant 2 : i32
    %shift_right_arithmetic3A_172 = vector.broadcast %shift_right_arithmetic3A_171 : i32 to vector<16xi32>
    %shift_right_arithmetic3A_173 = arith.shrsi %get3A_170, %shift_right_arithmetic3A_172 : vector<16xi32>
    %swap3A_174 = arith.constant 1 : i32
    %swap3A_175 = arith.index_cast %swap3A_174 : i32 to index
    %swap3A_176 = arith.constant 0 : index
    %swap3A_177 = tpu.vector_load %arg12[%swap3A_175, %swap3A_176] {strides = array<i32>} : memref<2x128xi32, #tpu.memory_space<vmem>>, vector<16xi32>,
    tpu.vector_store %arg12[%swap3A_175, %swap3A_176], %shift_right_arithmetic3A_173 {strides = array<i32>} : memref<2x128xi32, #tpu.memory_space<vmem>>, vector<16xi32>,
    %get3A_178 = arith.constant 144 : index
    %get3A_179 = tpu.vector_load %arg13[%get3A_178] {strides = array<i32>} : memref<512xi32, #tpu.memory_space<vmem>>, vector<16xi32>,
    %shift_right_arithmetic3A_180 = arith.constant 2 : i32
    %shift_right_arithmetic3A_181 = vector.broadcast %shift_right_arithmetic3A_180 : i32 to vector<16xi32>
    %shift_right_arithmetic3A_182 = arith.shrsi %get3A_179, %shift_right_arithmetic3A_181 : vector<16xi32>
    %swap3A_183 = arith.constant 1 : i32
    %swap3A_184 = arith.index_cast %swap3A_183 : i32 to index
    %swap3A_185 = arith.constant 16 : index
    %swap3A_186 = tpu.vector_load %arg11[%swap3A_184, %swap3A_185] {strides = array<i32>} : memref<2x128xi32, #tpu.memory_space<vmem>>, vector<16xi32>,
    tpu.vector_store %arg11[%swap3A_184, %swap3A_185], %shift_right_arithmetic3A_182 {strides = array<i32>} : memref<2x128xi32, #tpu.memory_space<vmem>>, vector<16xi32>,
    %get3A_187 = arith.constant 144 : index
    %get3A_188 = tpu.vector_load %arg14[%get3A_187] {strides = array<i32>} : memref<512xi32, #tpu.memory_space<vmem>>, vector<16xi32>,
    %shift_right_arithmetic3A_189 = arith.constant 2 : i32
    %shift_right_arithmetic3A_190 = vector.broadcast %shift_right_arithmetic3A_189 : i32 to vector<16xi32>
    %shift_right_arithmetic3A_191 = arith.shrsi %get3A_188, %shift_right_arithmetic3A_190 : vector<16xi32>
    %swap3A_192 = arith.constant 1 : i32
    %swap3A_193 = arith.index_cast %swap3A_192 : i32 to index
    %swap3A_194 = arith.constant 16 : index
    %swap3A_195 = tpu.vector_load %arg12[%swap3A_193, %swap3A_194] {strides = array<i32>} : memref<2x128xi32, #tpu.memory_space<vmem>>, vector<16xi32>,
    tpu.vector_store %arg12[%swap3A_193, %swap3A_194], %shift_right_arithmetic3A_191 {strides = array<i32>} : memref<2x128xi32, #tpu.memory_space<vmem>>, vector<16xi32>,
    %get3A_196 = arith.constant 160 : index
    %get3A_197 = tpu.vector_load %arg13[%get3A_196] {strides = array<i32>} : memref<512xi32, #tpu.memory_space<vmem>>, vector<16xi32>,
    %shift_right_arithmetic3A_198 = arith.constant 2 : i32
    %shift_right_arithmetic3A_199 = vector.broadcast %shift_right_arithmetic3A_198 : i32 to vector<16xi32>
    %shift_right_arithmetic3A_200 = arith.shrsi %get3A_197, %shift_right_arithmetic3A_199 : vector<16xi32>
    %swap3A_201 = arith.constant 1 : i32
    %swap3A_202 = arith.index_cast %swap3A_201 : i32 to index
    %swap3A_203 = arith.constant 32 : index
    %swap3A_204 = tpu.vector_load %arg11[%swap3A_202, %swap3A_203] {strides = array<i32>} : memref<2x128xi32, #tpu.memory_space<vmem>>, vector<16xi32>,
    tpu.vector_store %arg11[%swap3A_202, %swap3A_203], %shift_right_arithmetic3A_200 {strides = array<i32>} : memref<2x128xi32, #tpu.memory_space<vmem>>, vector<16xi32>,
    %get3A_205 = arith.constant 160 : index
    %get3A_206 = tpu.vector_load %arg14[%get3A_205] {strides = array<i32>} : memref<512xi32, #tpu.memory_space<vmem>>, vector<16xi32>,
    %shift_right_arithmetic3A_207 = arith.constant 2 : i32
    %shift_right_arithmetic3A_208 = vector.broadcast %shift_right_arithmetic3A_207 : i32 to vector<16xi32>
    %shift_right_arithmetic3A_209 = arith.shrsi %get3A_206, %shift_right_arithmetic3A_208 : vector<16xi32>
    %swap3A_210 = arith.constant 1 : i32
    %swap3A_211 = arith.index_cast %swap3A_210 : i32 to index
    %swap3A_212 = arith.constant 32 : index
    %swap3A_213 = tpu.vector_load %arg12[%swap3A_211, %swap3A_212] {strides = array<i32>} : memref<2x128xi32, #tpu.memory_space<vmem>>, vector<16xi32>,
    tpu.vector_store %arg12[%swap3A_211, %swap3A_212], %shift_right_arithmetic3A_209 {strides = array<i32>} : memref<2x128xi32, #tpu.memory_space<vmem>>, vector<16xi32>,
    %get3A_214 = arith.constant 176 : index
    %get3A_215 = tpu.vector_load %arg13[%get3A_214] {strides = array<i32>} : memref<512xi32, #tpu.memory_space<vmem>>, vector<16xi32>,
    %shift_right_arithmetic3A_216 = arith.constant 2 : i32
    %shift_right_arithmetic3A_217 = vector.broadcast %shift_right_arithmetic3A_216 : i32 to vector<16xi32>
    %shift_right_arithmetic3A_218 = arith.shrsi %get3A_215, %shift_right_arithmetic3A_217 : vector<16xi32>
    %swap3A_219 = arith.constant 1 : i32
    %swap3A_220 = arith.index_cast %swap3A_219 : i32 to index
    %swap3A_221 = arith.constant 48 : index
    %swap3A_222 = tpu.vector_load %arg11[%swap3A_220, %swap3A_221] {strides = array<i32>} : memref<2x128xi32, #tpu.memory_space<vmem>>, vector<16xi32>,
    tpu.vector_store %arg11[%swap3A_220, %swap3A_221], %shift_right_arithmetic3A_218 {strides = array<i32>} : memref<2x128xi32, #tpu.memory_space<vmem>>, vector<16xi32>,
    %get3A_223 = arith.constant 176 : index
    %get3A_224 = tpu.vector_load %arg14[%get3A_223] {strides = array<i32>} : memref<512xi32, #tpu.memory_space<vmem>>, vector<16xi32>,
    %shift_right_arithmetic3A_225 = arith.constant 2 : i32
    %shift_right_arithmetic3A_226 = vector.broadcast %shift_right_arithmetic3A_225 : i32 to vector<16xi32>
    %shift_right_arithmetic3A_227 = arith.shrsi %get3A_224, %shift_right_arithmetic3A_226 : vector<16xi32>
    %swap3A_228 = arith.constant 1 : i32
    %swap3A_229 = arith.index_cast %swap3A_228 : i32 to index
    %swap3A_230 = arith.constant 48 : index
    %swap3A_231 = tpu.vector_load %arg12[%swap3A_229, %swap3A_230] {strides = array<i32>} : memref<2x128xi32, #tpu.memory_space<vmem>>, vector<16xi32>,
    tpu.vector_store %arg12[%swap3A_229, %swap3A_230], %shift_right_arithmetic3A_227 {strides = array<i32>} : memref<2x128xi32, #tpu.memory_space<vmem>>, vector<16xi32>,
    %get3A_232 = arith.constant 192 : index
    %get3A_233 = tpu.vector_load %arg13[%get3A_232] {strides = array<i32>} : memref<512xi32, #tpu.memory_space<vmem>>, vector<16xi32>,
    %shift_right_arithmetic3A_234 = arith.constant 2 : i32
    %shift_right_arithmetic3A_235 = vector.broadcast %shift_right_arithmetic3A_234 : i32 to vector<16xi32>
    %shift_right_arithmetic3A_236 = arith.shrsi %get3A_233, %shift_right_arithmetic3A_235 : vector<16xi32>
    %swap3A_237 = arith.constant 1 : i32
    %swap3A_238 = arith.index_cast %swap3A_237 : i32 to index
    %swap3A_239 = arith.constant 64 : index
    %swap3A_240 = tpu.vector_load %arg11[%swap3A_238, %swap3A_239] {strides = array<i32>} : memref<2x128xi32, #tpu.memory_space<vmem>>, vector<16xi32>,
    tpu.vector_store %arg11[%swap3A_238, %swap3A_239], %shift_right_arithmetic3A_236 {strides = array<i32>} : memref<2x128xi32, #tpu.memory_space<vmem>>, vector<16xi32>,
    %get3A_241 = arith.constant 192 : index
    %get3A_242 = tpu.vector_load %arg14[%get3A_241] {strides = array<i32>} : memref<512xi32, #tpu.memory_space<vmem>>, vector<16xi32>,
    %shift_right_arithmetic3A_243 = arith.constant 2 : i32
    %shift_right_arithmetic3A_244 = vector.broadcast %shift_right_arithmetic3A_243 : i32 to vector<16xi32>
    %shift_right_arithmetic3A_245 = arith.shrsi %get3A_242, %shift_right_arithmetic3A_244 : vector<16xi32>
    %swap3A_246 = arith.constant 1 : i32
    %swap3A_247 = arith.index_cast %swap3A_246 : i32 to index
    %swap3A_248 = arith.constant 64 : index
    %swap3A_249 = tpu.vector_load %arg12[%swap3A_247, %swap3A_248] {strides = array<i32>} : memref<2x128xi32, #tpu.memory_space<vmem>>, vector<16xi32>,
    tpu.vector_store %arg12[%swap3A_247, %swap3A_248], %shift_right_arithmetic3A_245 {strides = array<i32>} : memref<2x128xi32, #tpu.memory_space<vmem>>, vector<16xi32>,
    %get3A_250 = arith.constant 208 : index
    %get3A_251 = tpu.vector_load %arg13[%get3A_250] {strides = array<i32>} : memref<512xi32, #tpu.memory_space<vmem>>, vector<16xi32>,
    %shift_right_arithmetic3A_252 = arith.constant 2 : i32
    %shift_right_arithmetic3A_253 = vector.broadcast %shift_right_arithmetic3A_252 : i32 to vector<16xi32>
    %shift_right_arithmetic3A_254 = arith.shrsi %get3A_251, %shift_right_arithmetic3A_253 : vector<16xi32>
    %swap3A_255 = arith.constant 1 : i32
    %swap3A_256 = arith.index_cast %swap3A_255 : i32 to index
    %swap3A_257 = arith.constant 80 : index
    %swap3A_258 = tpu.vector_load %arg11[%swap3A_256, %swap3A_257] {strides = array<i32>} : memref<2x128xi32, #tpu.memory_space<vmem>>, vector<16xi32>,
    tpu.vector_store %arg11[%swap3A_256, %swap3A_257], %shift_right_arithmetic3A_254 {strides = array<i32>} : memref<2x128xi32, #tpu.memory_space<vmem>>, vector<16xi32>,
    %get3A_259 = arith.constant 208 : index
    %get3A_260 = tpu.vector_load %arg14[%get3A_259] {strides = array<i32>} : memref<512xi32, #tpu.memory_space<vmem>>, vector<16xi32>,
    %shift_right_arithmetic3A_261 = arith.constant 2 : i32
    %shift_right_arithmetic3A_262 = vector.broadcast %shift_right_arithmetic3A_261 : i32 to vector<16xi32>
    %shift_right_arithmetic3A_263 = arith.shrsi %get3A_260, %shift_right_arithmetic3A_262 : vector<16xi32>
    %swap3A_264 = arith.constant 1 : i32
    %swap3A_265 = arith.index_cast %swap3A_264 : i32 to index
    %swap3A_266 = arith.constant 80 : index
    %swap3A_267 = tpu.vector_load %arg12[%swap3A_265, %swap3A_266] {strides = array<i32>} : memref<2x128xi32, #tpu.memory_space<vmem>>, vector<16xi32>,
    tpu.vector_store %arg12[%swap3A_265, %swap3A_266], %shift_right_arithmetic3A_263 {strides = array<i32>} : memref<2x128xi32, #tpu.memory_space<vmem>>, vector<16xi32>,
    %get3A_268 = arith.constant 224 : index
    %get3A_269 = tpu.vector_load %arg13[%get3A_268] {strides = array<i32>} : memref<512xi32, #tpu.memory_space<vmem>>, vector<16xi32>,
    %shift_right_arithmetic3A_270 = arith.constant 2 : i32
    %shift_right_arithmetic3A_271 = vector.broadcast %shift_right_arithmetic3A_270 : i32 to vector<16xi32>
    %shift_right_arithmetic3A_272 = arith.shrsi %get3A_269, %shift_right_arithmetic3A_271 : vector<16xi32>
    %swap3A_273 = arith.constant 1 : i32
    %swap3A_274 = arith.index_cast %swap3A_273 : i32 to index
    %swap3A_275 = arith.constant 96 : index
    %swap3A_276 = tpu.vector_load %arg11[%swap3A_274, %swap3A_275] {strides = array<i32>} : memref<2x128xi32, #tpu.memory_space<vmem>>, vector<16xi32>,
    tpu.vector_store %arg11[%swap3A_274, %swap3A_275], %shift_right_arithmetic3A_272 {strides = array<i32>} : memref<2x128xi32, #tpu.memory_space<vmem>>, vector<16xi32>,
    %get3A_277 = arith.constant 224 : index
    %get3A_278 = tpu.vector_load %arg14[%get3A_277] {strides = array<i32>} : memref<512xi32, #tpu.memory_space<vmem>>, vector<16xi32>,
    %shift_right_arithmetic3A_279 = arith.constant 2 : i32
    %shift_right_arithmetic3A_280 = vector.broadcast %shift_right_arithmetic3A_279 : i32 to vector<16xi32>
    %shift_right_arithmetic3A_281 = arith.shrsi %get3A_278, %shift_right_arithmetic3A_280 : vector<16xi32>
    %swap3A_282 = arith.constant 1 : i32
    %swap3A_283 = arith.index_cast %swap3A_282 : i32 to index
    %swap3A_284 = arith.constant 96 : index
    %swap3A_285 = tpu.vector_load %arg12[%swap3A_283, %swap3A_284] {strides = array<i32>} : memref<2x128xi32, #tpu.memory_space<vmem>>, vector<16xi32>,
    tpu.vector_store %arg12[%swap3A_283, %swap3A_284], %shift_right_arithmetic3A_281 {strides = array<i32>} : memref<2x128xi32, #tpu.memory_space<vmem>>, vector<16xi32>,
    %get3A_286 = arith.constant 240 : index
    %get3A_287 = tpu.vector_load %arg13[%get3A_286] {strides = array<i32>} : memref<512xi32, #tpu.memory_space<vmem>>, vector<16xi32>,
    %shift_right_arithmetic3A_288 = arith.constant 2 : i32
    %shift_right_arithmetic3A_289 = vector.broadcast %shift_right_arithmetic3A_288 : i32 to vector<16xi32>
    %shift_right_arithmetic3A_290 = arith.shrsi %get3A_287, %shift_right_arithmetic3A_289 : vector<16xi32>
    %swap3A_291 = arith.constant 1 : i32
    %swap3A_292 = arith.index_cast %swap3A_291 : i32 to index
    %swap3A_293 = arith.constant 112 : index
    %swap3A_294 = tpu.vector_load %arg11[%swap3A_292, %swap3A_293] {strides = array<i32>} : memref<2x128xi32, #tpu.memory_space<vmem>>, vector<16xi32>,
    tpu.vector_store %arg11[%swap3A_292, %swap3A_293], %shift_right_arithmetic3A_290 {strides = array<i32>} : memref<2x128xi32, #tpu.memory_space<vmem>>, vector<16xi32>,
    %get3A_295 = arith.constant 240 : index
    %get3A_296 = tpu.vector_load %arg14[%get3A_295] {strides = array<i32>} : memref<512xi32, #tpu.memory_space<vmem>>, vector<16xi32>,
    %shift_right_arithmetic3A_297 = arith.constant 2 : i32
    %shift_right_arithmetic3A_298 = vector.broadcast %shift_right_arithmetic3A_297 : i32 to vector<16xi32>
    %shift_right_arithmetic3A_299 = arith.shrsi %get3A_296, %shift_right_arithmetic3A_298 : vector<16xi32>
    %swap3A_300 = arith.constant 1 : i32
    %swap3A_301 = arith.index_cast %swap3A_300 : i32 to index
    %swap3A_302 = arith.constant 112 : index
    %swap3A_303 = tpu.vector_load %arg12[%swap3A_301, %swap3A_302] {strides = array<i32>} : memref<2x128xi32, #tpu.memory_space<vmem>>, vector<16xi32>,
    tpu.vector_store %arg12[%swap3A_301, %swap3A_302], %shift_right_arithmetic3A_299 {strides = array<i32>} : memref<2x128xi32, #tpu.memory_space<vmem>>, vector<16xi32>,
    %dma_start3A = arith.constant 0 : i32
    %dma_start3A_304 = arith.constant 0 : i32
    %dma_start3A_305 = arith.constant 0 : i32
    %dma_start3A_306 = tpu.memref_slice %arg16[%dma_start3A_304, %dma_start3A_305] : memref<256x128xf32, #tpu.memory_space<vmem>> -> memref<128x128xf32, #tpu.memory_space<vmem>>
    %dma_start3A_307 = arith.constant 0 : i32
    %dma_start3A_308 = tpu.memref_slice %arg11[%dma_start3A, %dma_start3A_307] : memref<2x128xi32, #tpu.memory_space<vmem>> -> memref<1x128xi32, #tpu.memory_space<vmem>>
    %dma_start3A_309 = tpu.memref_squeeze %dma_start3A_308 : memref<1x128xi32, #tpu.memory_space<vmem>> -> memref<128xi32, #tpu.memory_space<vmem>>
    %dma_start3A_310 = arith.constant 0 : i32
    %dma_start3A_311 = arith.constant 0 : i32
    %dma_start3A_312 = tpu.memref_slice %arg5[%dma_start3A_310, %dma_start3A_311] : memref<250000x128xf32, #tpu.memory_space<hbm>> -> memref<250000x128xf32, #tpu.memory_space<hbm>>
    tpu.enqueue_indirect_dma source(%dma_start3A_312 : memref<250000x128xf32, #tpu.memory_space<hbm>>) target(%dma_start3A_306 : memref<128x128xf32, #tpu.memory_space<vmem>>) offsets(%dma_start3A_309 : memref<128xi32, #tpu.memory_space<vmem>>) semaphore(%arg22 : memref<!tpu.dma_semaphore, #tpu.memory_space<semaphore_mem>>)
    %dma_start3A_313 = arith.constant 0 : i32
    %dma_start3A_314 = arith.constant 0 : i32
    %dma_start3A_315 = arith.constant 0 : i32
    %dma_start3A_316 = tpu.memref_slice %arg17[%dma_start3A_314, %dma_start3A_315] : memref<256x128xf32, #tpu.memory_space<vmem>> -> memref<128x128xf32, #tpu.memory_space<vmem>>
    %dma_start3A_317 = arith.constant 0 : i32
    %dma_start3A_318 = tpu.memref_slice %arg12[%dma_start3A_313, %dma_start3A_317] : memref<2x128xi32, #tpu.memory_space<vmem>> -> memref<1x128xi32, #tpu.memory_space<vmem>>
    %dma_start3A_319 = tpu.memref_squeeze %dma_start3A_318 : memref<1x128xi32, #tpu.memory_space<vmem>> -> memref<128xi32, #tpu.memory_space<vmem>>
    %dma_start3A_320 = arith.constant 0 : i32
    %dma_start3A_321 = arith.constant 0 : i32
    %dma_start3A_322 = tpu.memref_slice %arg6[%dma_start3A_320, %dma_start3A_321] : memref<25000x128xf32, #tpu.memory_space<hbm>> -> memref<25000x128xf32, #tpu.memory_space<hbm>>
    tpu.enqueue_indirect_dma source(%dma_start3A_322 : memref<25000x128xf32, #tpu.memory_space<hbm>>) target(%dma_start3A_316 : memref<128x128xf32, #tpu.memory_space<vmem>>) offsets(%dma_start3A_319 : memref<128xi32, #tpu.memory_space<vmem>>) semaphore(%arg22 : memref<!tpu.dma_semaphore, #tpu.memory_space<semaphore_mem>>)
    %dma_start3A_323 = arith.constant 1 : i32
    %dma_start3A_324 = arith.constant 128 : i32
    %dma_start3A_325 = arith.constant 0 : i32
    %dma_start3A_326 = tpu.memref_slice %arg16[%dma_start3A_324, %dma_start3A_325] : memref<256x128xf32, #tpu.memory_space<vmem>> -> memref<128x128xf32, #tpu.memory_space<vmem>>
    %dma_start3A_327 = arith.constant 0 : i32
    %dma_start3A_328 = tpu.memref_slice %arg11[%dma_start3A_323, %dma_start3A_327] : memref<2x128xi32, #tpu.memory_space<vmem>> -> memref<1x128xi32, #tpu.memory_space<vmem>>
    %dma_start3A_329 = tpu.memref_squeeze %dma_start3A_328 : memref<1x128xi32, #tpu.memory_space<vmem>> -> memref<128xi32, #tpu.memory_space<vmem>>
    %dma_start3A_330 = arith.constant 0 : i32
    %dma_start3A_331 = arith.constant 0 : i32
    %dma_start3A_332 = tpu.memref_slice %arg5[%dma_start3A_330, %dma_start3A_331] : memref<250000x128xf32, #tpu.memory_space<hbm>> -> memref<250000x128xf32, #tpu.memory_space<hbm>>
    tpu.enqueue_indirect_dma source(%dma_start3A_332 : memref<250000x128xf32, #tpu.memory_space<hbm>>) target(%dma_start3A_326 : memref<128x128xf32, #tpu.memory_space<vmem>>) offsets(%dma_start3A_329 : memref<128xi32, #tpu.memory_space<vmem>>) semaphore(%arg22 : memref<!tpu.dma_semaphore, #tpu.memory_space<semaphore_mem>>)
    %dma_start3A_333 = arith.constant 1 : i32
    %dma_start3A_334 = arith.constant 128 : i32
    %dma_start3A_335 = arith.constant 0 : i32
    %dma_start3A_336 = tpu.memref_slice %arg17[%dma_start3A_334, %dma_start3A_335] : memref<256x128xf32, #tpu.memory_space<vmem>> -> memref<128x128xf32, #tpu.memory_space<vmem>>
    %dma_start3A_337 = arith.constant 0 : i32
    %dma_start3A_338 = tpu.memref_slice %arg12[%dma_start3A_333, %dma_start3A_337] : memref<2x128xi32, #tpu.memory_space<vmem>> -> memref<1x128xi32, #tpu.memory_space<vmem>>
    %dma_start3A_339 = tpu.memref_squeeze %dma_start3A_338 : memref<1x128xi32, #tpu.memory_space<vmem>> -> memref<128xi32, #tpu.memory_space<vmem>>
    %dma_start3A_340 = arith.constant 0 : i32
    %dma_start3A_341 = arith.constant 0 : i32
    %dma_start3A_342 = tpu.memref_slice %arg6[%dma_start3A_340, %dma_start3A_341] : memref<25000x128xf32, #tpu.memory_space<hbm>> -> memref<25000x128xf32, #tpu.memory_space<hbm>>
    tpu.enqueue_indirect_dma source(%dma_start3A_342 : memref<25000x128xf32, #tpu.memory_space<hbm>>) target(%dma_start3A_336 : memref<128x128xf32, #tpu.memory_space<vmem>>) offsets(%dma_start3A_339 : memref<128xi32, #tpu.memory_space<vmem>>) semaphore(%arg22 : memref<!tpu.dma_semaphore, #tpu.memory_space<semaphore_mem>>)
    %dma_wait3A = arith.constant 0 : i32
    %dma_wait3A_343 = arith.constant 0 : i32
    %dma_wait3A_344 = arith.constant 0 : i32
    %dma_wait3A_345 = tpu.memref_slice %arg16[%dma_wait3A_343, %dma_wait3A_344] : memref<256x128xf32, #tpu.memory_space<vmem>> -> memref<128x128xf32, #tpu.memory_space<vmem>>
    %dma_wait3A_346 = arith.constant 0 : i32
    %dma_wait3A_347 = tpu.memref_slice %arg11[%dma_wait3A, %dma_wait3A_346] : memref<2x128xi32, #tpu.memory_space<vmem>> -> memref<1x128xi32, #tpu.memory_space<vmem>>
    %dma_wait3A_348 = tpu.memref_squeeze %dma_wait3A_347 : memref<1x128xi32, #tpu.memory_space<vmem>> -> memref<128xi32, #tpu.memory_space<vmem>>
    %dma_wait3A_349 = arith.constant 0 : i32
    %dma_wait3A_350 = arith.constant 0 : i32
    %dma_wait3A_351 = tpu.memref_slice %arg5[%dma_wait3A_349, %dma_wait3A_350] : memref<250000x128xf32, #tpu.memory_space<hbm>> -> memref<250000x128xf32, #tpu.memory_space<hbm>>
    tpu.wait_indirect_dma semaphore(%arg22 : memref<!tpu.dma_semaphore, #tpu.memory_space<semaphore_mem>>) src(%dma_wait3A_351 : memref<250000x128xf32, #tpu.memory_space<hbm>>) dst(%dma_wait3A_345 : memref<128x128xf32, #tpu.memory_space<vmem>>)
    %dma_wait3A_352 = arith.constant 0 : i32
    %dma_wait3A_353 = arith.constant 0 : i32
    %dma_wait3A_354 = arith.constant 0 : i32
    %dma_wait3A_355 = tpu.memref_slice %arg17[%dma_wait3A_353, %dma_wait3A_354] : memref<256x128xf32, #tpu.memory_space<vmem>> -> memref<128x128xf32, #tpu.memory_space<vmem>>
    %dma_wait3A_356 = arith.constant 0 : i32
    %dma_wait3A_357 = tpu.memref_slice %arg12[%dma_wait3A_352, %dma_wait3A_356] : memref<2x128xi32, #tpu.memory_space<vmem>> -> memref<1x128xi32, #tpu.memory_space<vmem>>
    %dma_wait3A_358 = tpu.memref_squeeze %dma_wait3A_357 : memref<1x128xi32, #tpu.memory_space<vmem>> -> memref<128xi32, #tpu.memory_space<vmem>>
    %dma_wait3A_359 = arith.constant 0 : i32
    %dma_wait3A_360 = arith.constant 0 : i32
    %dma_wait3A_361 = tpu.memref_slice %arg6[%dma_wait3A_359, %dma_wait3A_360] : memref<25000x128xf32, #tpu.memory_space<hbm>> -> memref<25000x128xf32, #tpu.memory_space<hbm>>
    tpu.wait_indirect_dma semaphore(%arg22 : memref<!tpu.dma_semaphore, #tpu.memory_space<semaphore_mem>>) src(%dma_wait3A_361 : memref<25000x128xf32, #tpu.memory_space<hbm>>) dst(%dma_wait3A_355 : memref<128x128xf32, #tpu.memory_space<vmem>>)
    %dma_wait3A_362 = arith.constant 1 : i32
    %dma_wait3A_363 = arith.constant 128 : i32
    %dma_wait3A_364 = arith.constant 0 : i32
    %dma_wait3A_365 = tpu.memref_slice %arg16[%dma_wait3A_363, %dma_wait3A_364] : memref<256x128xf32, #tpu.memory_space<vmem>> -> memref<128x128xf32, #tpu.memory_space<vmem>>
    %dma_wait3A_366 = arith.constant 0 : i32
    %dma_wait3A_367 = tpu.memref_slice %arg11[%dma_wait3A_362, %dma_wait3A_366] : memref<2x128xi32, #tpu.memory_space<vmem>> -> memref<1x128xi32, #tpu.memory_space<vmem>>
    %dma_wait3A_368 = tpu.memref_squeeze %dma_wait3A_367 : memref<1x128xi32, #tpu.memory_space<vmem>> -> memref<128xi32, #tpu.memory_space<vmem>>
    %dma_wait3A_369 = arith.constant 0 : i32
    %dma_wait3A_370 = arith.constant 0 : i32
    %dma_wait3A_371 = tpu.memref_slice %arg5[%dma_wait3A_369, %dma_wait3A_370] : memref<250000x128xf32, #tpu.memory_space<hbm>> -> memref<250000x128xf32, #tpu.memory_space<hbm>>
    tpu.wait_indirect_dma semaphore(%arg22 : memref<!tpu.dma_semaphore, #tpu.memory_space<semaphore_mem>>) src(%dma_wait3A_371 : memref<250000x128xf32, #tpu.memory_space<hbm>>) dst(%dma_wait3A_365 : memref<128x128xf32, #tpu.memory_space<vmem>>)
    %dma_wait3A_372 = arith.constant 1 : i32
    %dma_wait3A_373 = arith.constant 128 : i32
    %dma_wait3A_374 = arith.constant 0 : i32
    %dma_wait3A_375 = tpu.memref_slice %arg17[%dma_wait3A_373, %dma_wait3A_374] : memref<256x128xf32, #tpu.memory_space<vmem>> -> memref<128x128xf32, #tpu.memory_space<vmem>>
    %dma_wait3A_376 = arith.constant 0 : i32
    %dma_wait3A_377 = tpu.memref_slice %arg12[%dma_wait3A_372, %dma_wait3A_376] : memref<2x128xi32, #tpu.memory_space<vmem>> -> memref<1x128xi32, #tpu.memory_space<vmem>>
    %dma_wait3A_378 = tpu.memref_squeeze %dma_wait3A_377 : memref<1x128xi32, #tpu.memory_space<vmem>> -> memref<128xi32, #tpu.memory_space<vmem>>
    %dma_wait3A_379 = arith.constant 0 : i32
    %dma_wait3A_380 = arith.constant 0 : i32
    %dma_wait3A_381 = tpu.memref_slice %arg6[%dma_wait3A_379, %dma_wait3A_380] : memref<25000x128xf32, #tpu.memory_space<hbm>> -> memref<25000x128xf32, #tpu.memory_space<hbm>>
    tpu.wait_indirect_dma semaphore(%arg22 : memref<!tpu.dma_semaphore, #tpu.memory_space<semaphore_mem>>) src(%dma_wait3A_381 : memref<25000x128xf32, #tpu.memory_space<hbm>>) dst(%dma_wait3A_375 : memref<128x128xf32, #tpu.memory_space<vmem>>)
    %scan3A = arith.constant 0 : i32
    %scan3A_382 = arith.constant 0 : i32
    %scan3A_383 = arith.constant 16 : i32
    %scan3A_384 = arith.addi %scan3A_382, %scan3A_383 : i32
    %scan3A_385 = arith.constant 1 : i32
    scf.for %scan3A_761 = %scan3A_382 to %scan3A_384 step %scan3A_385  : i32 {
      %mul3A_762 = arith.constant 16 : i32
      %mul3A_763 = arith.muli %scan3A_761, %mul3A_762 : i32
      %add3A_764 = arith.constant 0 : i32
      %add3A_765 = arith.addi %add3A_764, %mul3A_763 : i32
      %add3A_766 = vector.broadcast %add3A_765 : i32 to vector<16xi32>
      %add3A_767 = arith.addi %add3A_766, %iota3A : vector<16xi32>
      %mul3A_768 = arith.constant 16 : i32
      %mul3A_769 = arith.muli %scan3A_761, %mul3A_768 : i32
      %add3A_770 = vector.broadcast %mul3A_769 : i32 to vector<16xi32>
      %add3A_771 = arith.addi %add3A_770, %iota3A : vector<16xi32>
      %gather3A = tpu.vector_load_idx %arg15[%add3A_767] : memref<512xi32, #tpu.memory_space<vmem>>[vector<16xi32>], vector<16xi32>,
      %mul3A_772 = arith.constant 32 : i32
      %mul3A_773 = vector.broadcast %mul3A_772 : i32 to vector<16xi32>
      %mul3A_774 = arith.muli %gather3A, %mul3A_773 : vector<16xi32>
      %gather3A_775 = tpu.vector_load_idx %arg13[%add3A_767] : memref<512xi32, #tpu.memory_space<vmem>>[vector<16xi32>], vector<16xi32>,
      %and3A = arith.constant 3 : i32
      %and3A_776 = vector.broadcast %and3A : i32 to vector<16xi32>
      %and3A_777 = arith.andi %gather3A_775, %and3A_776 : vector<16xi32>
      %mul3A_778 = arith.constant 32 : i32
      %mul3A_779 = vector.broadcast %mul3A_778 : i32 to vector<16xi32>
      %mul3A_780 = arith.muli %and3A_777, %mul3A_779 : vector<16xi32>
      %gather3A_781 = tpu.vector_load_idx %arg14[%add3A_767] : memref<512xi32, #tpu.memory_space<vmem>>[vector<16xi32>], vector<16xi32>,
      %and3A_782 = arith.constant 3 : i32
      %and3A_783 = vector.broadcast %and3A_782 : i32 to vector<16xi32>
      %and3A_784 = arith.andi %gather3A_781, %and3A_783 : vector<16xi32>
      %mul3A_785 = arith.constant 32 : i32
      %mul3A_786 = vector.broadcast %mul3A_785 : i32 to vector<16xi32>
      %mul3A_787 = arith.muli %and3A_784, %mul3A_786 : vector<16xi32>
      %broadcast_in_dim3A = arith.constant 0.000000e+00 : f32
      %broadcast_in_dim3A_788 = vector.broadcast %broadcast_in_dim3A : f32 to vector<16xf32>
      %broadcast_in_dim3A_789 = arith.constant 0.000000e+00 : f32
      %broadcast_in_dim3A_790 = vector.broadcast %broadcast_in_dim3A_789 : f32 to vector<16xf32>
      %add3A_791 = arith.constant 0 : i32
      %add3A_792 = vector.broadcast %add3A_791 : i32 to vector<16xi32>
      %add3A_793 = arith.addi %mul3A_780, %add3A_792 : vector<16xi32>
      %gather3A_794 = tpu.vector_load_idx %arg16[%add3A_771, %add3A_793] : memref<256x128xf32, #tpu.memory_space<vmem>>[vector<16xi32>, vector<16xi32>], vector<16xf32>,
      %add3A_795 = arith.constant 0 : i32
      %add3A_796 = vector.broadcast %add3A_795 : i32 to vector<16xi32>
      %add3A_797 = arith.addi %mul3A_787, %add3A_796 : vector<16xi32>
      %gather3A_798 = tpu.vector_load_idx %arg17[%add3A_771, %add3A_797] : memref<256x128xf32, #tpu.memory_space<vmem>>[vector<16xi32>, vector<16xi32>], vector<16xf32>,
      %add3A_799 = arith.constant 0 : i32
      %add3A_800 = vector.broadcast %add3A_799 : i32 to vector<16xi32>
      %add3A_801 = arith.addi %mul3A_774, %add3A_800 : vector<16xi32>
      %gather3A_802 = tpu.vector_load_idx %arg18[%add3A_801] : memref<672xf32, #tpu.memory_space<vmem>>[vector<16xi32>], vector<16xf32>,
      %add3A_803 = arith.addf %gather3A_798, %gather3A_802 : vector<16xf32>
      %mul3A_804 = arith.mulf %gather3A_794, %add3A_803 : vector<16xf32>
      %add3A_805 = arith.addf %broadcast_in_dim3A_788, %mul3A_804 : vector<16xf32>
      %add3A_806 = arith.addf %broadcast_in_dim3A_790, %gather3A_798 : vector<16xf32>
      %add3A_807 = arith.constant 1 : i32
      %add3A_808 = vector.broadcast %add3A_807 : i32 to vector<16xi32>
      %add3A_809 = arith.addi %mul3A_780, %add3A_808 : vector<16xi32>
      %gather3A_810 = tpu.vector_load_idx %arg16[%add3A_771, %add3A_809] : memref<256x128xf32, #tpu.memory_space<vmem>>[vector<16xi32>, vector<16xi32>], vector<16xf32>,
      %add3A_811 = arith.constant 1 : i32
      %add3A_812 = vector.broadcast %add3A_811 : i32 to vector<16xi32>
      %add3A_813 = arith.addi %mul3A_787, %add3A_812 : vector<16xi32>
      %gather3A_814 = tpu.vector_load_idx %arg17[%add3A_771, %add3A_813] : memref<256x128xf32, #tpu.memory_space<vmem>>[vector<16xi32>, vector<16xi32>], vector<16xf32>,
      %add3A_815 = arith.constant 1 : i32
      %add3A_816 = vector.broadcast %add3A_815 : i32 to vector<16xi32>
      %add3A_817 = arith.addi %mul3A_774, %add3A_816 : vector<16xi32>
      %gather3A_818 = tpu.vector_load_idx %arg18[%add3A_817] : memref<672xf32, #tpu.memory_space<vmem>>[vector<16xi32>], vector<16xf32>,
      %add3A_819 = arith.addf %gather3A_814, %gather3A_818 : vector<16xf32>
      %mul3A_820 = arith.mulf %gather3A_810, %add3A_819 : vector<16xf32>
      %add3A_821 = arith.addf %add3A_805, %mul3A_820 : vector<16xf32>
      %add3A_822 = arith.addf %add3A_806, %gather3A_814 : vector<16xf32>
      %add3A_823 = arith.constant 2 : i32
      %add3A_824 = vector.broadcast %add3A_823 : i32 to vector<16xi32>
      %add3A_825 = arith.addi %mul3A_780, %add3A_824 : vector<16xi32>
      %gather3A_826 = tpu.vector_load_idx %arg16[%add3A_771, %add3A_825] : memref<256x128xf32, #tpu.memory_space<vmem>>[vector<16xi32>, vector<16xi32>], vector<16xf32>,
      %add3A_827 = arith.constant 2 : i32
      %add3A_828 = vector.broadcast %add3A_827 : i32 to vector<16xi32>
      %add3A_829 = arith.addi %mul3A_787, %add3A_828 : vector<16xi32>
      %gather3A_830 = tpu.vector_load_idx %arg17[%add3A_771, %add3A_829] : memref<256x128xf32, #tpu.memory_space<vmem>>[vector<16xi32>, vector<16xi32>], vector<16xf32>,
      %add3A_831 = arith.constant 2 : i32
      %add3A_832 = vector.broadcast %add3A_831 : i32 to vector<16xi32>
      %add3A_833 = arith.addi %mul3A_774, %add3A_832 : vector<16xi32>
      %gather3A_834 = tpu.vector_load_idx %arg18[%add3A_833] : memref<672xf32, #tpu.memory_space<vmem>>[vector<16xi32>], vector<16xf32>,
      %add3A_835 = arith.addf %gather3A_830, %gather3A_834 : vector<16xf32>
      %mul3A_836 = arith.mulf %gather3A_826, %add3A_835 : vector<16xf32>
      %add3A_837 = arith.addf %add3A_821, %mul3A_836 : vector<16xf32>
      %add3A_838 = arith.addf %add3A_822, %gather3A_830 : vector<16xf32>
      %add3A_839 = arith.constant 3 : i32
      %add3A_840 = vector.broadcast %add3A_839 : i32 to vector<16xi32>
      %add3A_841 = arith.addi %mul3A_780, %add3A_840 : vector<16xi32>
      %gather3A_842 = tpu.vector_load_idx %arg16[%add3A_771, %add3A_841] : memref<256x128xf32, #tpu.memory_space<vmem>>[vector<16xi32>, vector<16xi32>], vector<16xf32>,
      %add3A_843 = arith.constant 3 : i32
      %add3A_844 = vector.broadcast %add3A_843 : i32 to vector<16xi32>
      %add3A_845 = arith.addi %mul3A_787, %add3A_844 : vector<16xi32>
      %gather3A_846 = tpu.vector_load_idx %arg17[%add3A_771, %add3A_845] : memref<256x128xf32, #tpu.memory_space<vmem>>[vector<16xi32>, vector<16xi32>], vector<16xf32>,
      %add3A_847 = arith.constant 3 : i32
      %add3A_848 = vector.broadcast %add3A_847 : i32 to vector<16xi32>
      %add3A_849 = arith.addi %mul3A_774, %add3A_848 : vector<16xi32>
      %gather3A_850 = tpu.vector_load_idx %arg18[%add3A_849] : memref<672xf32, #tpu.memory_space<vmem>>[vector<16xi32>], vector<16xf32>,
      %add3A_851 = arith.addf %gather3A_846, %gather3A_850 : vector<16xf32>
      %mul3A_852 = arith.mulf %gather3A_842, %add3A_851 : vector<16xf32>
      %add3A_853 = arith.addf %add3A_837, %mul3A_852 : vector<16xf32>
      %add3A_854 = arith.addf %add3A_838, %gather3A_846 : vector<16xf32>
      %add3A_855 = arith.constant 4 : i32
      %add3A_856 = vector.broadcast %add3A_855 : i32 to vector<16xi32>
      %add3A_857 = arith.addi %mul3A_780, %add3A_856 : vector<16xi32>
      %gather3A_858 = tpu.vector_load_idx %arg16[%add3A_771, %add3A_857] : memref<256x128xf32, #tpu.memory_space<vmem>>[vector<16xi32>, vector<16xi32>], vector<16xf32>,
      %add3A_859 = arith.constant 4 : i32
      %add3A_860 = vector.broadcast %add3A_859 : i32 to vector<16xi32>
      %add3A_861 = arith.addi %mul3A_787, %add3A_860 : vector<16xi32>
      %gather3A_862 = tpu.vector_load_idx %arg17[%add3A_771, %add3A_861] : memref<256x128xf32, #tpu.memory_space<vmem>>[vector<16xi32>, vector<16xi32>], vector<16xf32>,
      %add3A_863 = arith.constant 4 : i32
      %add3A_864 = vector.broadcast %add3A_863 : i32 to vector<16xi32>
      %add3A_865 = arith.addi %mul3A_774, %add3A_864 : vector<16xi32>
      %gather3A_866 = tpu.vector_load_idx %arg18[%add3A_865] : memref<672xf32, #tpu.memory_space<vmem>>[vector<16xi32>], vector<16xf32>,
      %add3A_867 = arith.addf %gather3A_862, %gather3A_866 : vector<16xf32>
      %mul3A_868 = arith.mulf %gather3A_858, %add3A_867 : vector<16xf32>
      %add3A_869 = arith.addf %add3A_853, %mul3A_868 : vector<16xf32>
      %add3A_870 = arith.addf %add3A_854, %gather3A_862 : vector<16xf32>
      %add3A_871 = arith.constant 5 : i32
      %add3A_872 = vector.broadcast %add3A_871 : i32 to vector<16xi32>
      %add3A_873 = arith.addi %mul3A_780, %add3A_872 : vector<16xi32>
      %gather3A_874 = tpu.vector_load_idx %arg16[%add3A_771, %add3A_873] : memref<256x128xf32, #tpu.memory_space<vmem>>[vector<16xi32>, vector<16xi32>], vector<16xf32>,
      %add3A_875 = arith.constant 5 : i32
      %add3A_876 = vector.broadcast %add3A_875 : i32 to vector<16xi32>
      %add3A_877 = arith.addi %mul3A_787, %add3A_876 : vector<16xi32>
      %gather3A_878 = tpu.vector_load_idx %arg17[%add3A_771, %add3A_877] : memref<256x128xf32, #tpu.memory_space<vmem>>[vector<16xi32>, vector<16xi32>], vector<16xf32>,
      %add3A_879 = arith.constant 5 : i32
      %add3A_880 = vector.broadcast %add3A_879 : i32 to vector<16xi32>
      %add3A_881 = arith.addi %mul3A_774, %add3A_880 : vector<16xi32>
      %gather3A_882 = tpu.vector_load_idx %arg18[%add3A_881] : memref<672xf32, #tpu.memory_space<vmem>>[vector<16xi32>], vector<16xf32>,
      %add3A_883 = arith.addf %gather3A_878, %gather3A_882 : vector<16xf32>
      %mul3A_884 = arith.mulf %gather3A_874, %add3A_883 : vector<16xf32>
      %add3A_885 = arith.addf %add3A_869, %mul3A_884 : vector<16xf32>
      %add3A_886 = arith.addf %add3A_870, %gather3A_878 : vector<16xf32>
      %add3A_887 = arith.constant 6 : i32
      %add3A_888 = vector.broadcast %add3A_887 : i32 to vector<16xi32>
      %add3A_889 = arith.addi %mul3A_780, %add3A_888 : vector<16xi32>
      %gather3A_890 = tpu.vector_load_idx %arg16[%add3A_771, %add3A_889] : memref<256x128xf32, #tpu.memory_space<vmem>>[vector<16xi32>, vector<16xi32>], vector<16xf32>,
      %add3A_891 = arith.constant 6 : i32
      %add3A_892 = vector.broadcast %add3A_891 : i32 to vector<16xi32>
      %add3A_893 = arith.addi %mul3A_787, %add3A_892 : vector<16xi32>
      %gather3A_894 = tpu.vector_load_idx %arg17[%add3A_771, %add3A_893] : memref<256x128xf32, #tpu.memory_space<vmem>>[vector<16xi32>, vector<16xi32>], vector<16xf32>,
      %add3A_895 = arith.constant 6 : i32
      %add3A_896 = vector.broadcast %add3A_895 : i32 to vector<16xi32>
      %add3A_897 = arith.addi %mul3A_774, %add3A_896 : vector<16xi32>
      %gather3A_898 = tpu.vector_load_idx %arg18[%add3A_897] : memref<672xf32, #tpu.memory_space<vmem>>[vector<16xi32>], vector<16xf32>,
      %add3A_899 = arith.addf %gather3A_894, %gather3A_898 : vector<16xf32>
      %mul3A_900 = arith.mulf %gather3A_890, %add3A_899 : vector<16xf32>
      %add3A_901 = arith.addf %add3A_885, %mul3A_900 : vector<16xf32>
      %add3A_902 = arith.addf %add3A_886, %gather3A_894 : vector<16xf32>
      %add3A_903 = arith.constant 7 : i32
      %add3A_904 = vector.broadcast %add3A_903 : i32 to vector<16xi32>
      %add3A_905 = arith.addi %mul3A_780, %add3A_904 : vector<16xi32>
      %gather3A_906 = tpu.vector_load_idx %arg16[%add3A_771, %add3A_905] : memref<256x128xf32, #tpu.memory_space<vmem>>[vector<16xi32>, vector<16xi32>], vector<16xf32>,
      %add3A_907 = arith.constant 7 : i32
      %add3A_908 = vector.broadcast %add3A_907 : i32 to vector<16xi32>
      %add3A_909 = arith.addi %mul3A_787, %add3A_908 : vector<16xi32>
      %gather3A_910 = tpu.vector_load_idx %arg17[%add3A_771, %add3A_909] : memref<256x128xf32, #tpu.memory_space<vmem>>[vector<16xi32>, vector<16xi32>], vector<16xf32>,
      %add3A_911 = arith.constant 7 : i32
      %add3A_912 = vector.broadcast %add3A_911 : i32 to vector<16xi32>
      %add3A_913 = arith.addi %mul3A_774, %add3A_912 : vector<16xi32>
      %gather3A_914 = tpu.vector_load_idx %arg18[%add3A_913] : memref<672xf32, #tpu.memory_space<vmem>>[vector<16xi32>], vector<16xf32>,
      %add3A_915 = arith.addf %gather3A_910, %gather3A_914 : vector<16xf32>
      %mul3A_916 = arith.mulf %gather3A_906, %add3A_915 : vector<16xf32>
      %add3A_917 = arith.addf %add3A_901, %mul3A_916 : vector<16xf32>
      %add3A_918 = arith.addf %add3A_902, %gather3A_910 : vector<16xf32>
      %add3A_919 = arith.constant 8 : i32
      %add3A_920 = vector.broadcast %add3A_919 : i32 to vector<16xi32>
      %add3A_921 = arith.addi %mul3A_780, %add3A_920 : vector<16xi32>
      %gather3A_922 = tpu.vector_load_idx %arg16[%add3A_771, %add3A_921] : memref<256x128xf32, #tpu.memory_space<vmem>>[vector<16xi32>, vector<16xi32>], vector<16xf32>,
      %add3A_923 = arith.constant 8 : i32
      %add3A_924 = vector.broadcast %add3A_923 : i32 to vector<16xi32>
      %add3A_925 = arith.addi %mul3A_787, %add3A_924 : vector<16xi32>
      %gather3A_926 = tpu.vector_load_idx %arg17[%add3A_771, %add3A_925] : memref<256x128xf32, #tpu.memory_space<vmem>>[vector<16xi32>, vector<16xi32>], vector<16xf32>,
      %add3A_927 = arith.constant 8 : i32
      %add3A_928 = vector.broadcast %add3A_927 : i32 to vector<16xi32>
      %add3A_929 = arith.addi %mul3A_774, %add3A_928 : vector<16xi32>
      %gather3A_930 = tpu.vector_load_idx %arg18[%add3A_929] : memref<672xf32, #tpu.memory_space<vmem>>[vector<16xi32>], vector<16xf32>,
      %add3A_931 = arith.addf %gather3A_926, %gather3A_930 : vector<16xf32>
      %mul3A_932 = arith.mulf %gather3A_922, %add3A_931 : vector<16xf32>
      %add3A_933 = arith.addf %add3A_917, %mul3A_932 : vector<16xf32>
      %add3A_934 = arith.addf %add3A_918, %gather3A_926 : vector<16xf32>
      %add3A_935 = arith.constant 9 : i32
      %add3A_936 = vector.broadcast %add3A_935 : i32 to vector<16xi32>
      %add3A_937 = arith.addi %mul3A_780, %add3A_936 : vector<16xi32>
      %gather3A_938 = tpu.vector_load_idx %arg16[%add3A_771, %add3A_937] : memref<256x128xf32, #tpu.memory_space<vmem>>[vector<16xi32>, vector<16xi32>], vector<16xf32>,
      %add3A_939 = arith.constant 9 : i32
      %add3A_940 = vector.broadcast %add3A_939 : i32 to vector<16xi32>
      %add3A_941 = arith.addi %mul3A_787, %add3A_940 : vector<16xi32>
      %gather3A_942 = tpu.vector_load_idx %arg17[%add3A_771, %add3A_941] : memref<256x128xf32, #tpu.memory_space<vmem>>[vector<16xi32>, vector<16xi32>], vector<16xf32>,
      %add3A_943 = arith.constant 9 : i32
      %add3A_944 = vector.broadcast %add3A_943 : i32 to vector<16xi32>
      %add3A_945 = arith.addi %mul3A_774, %add3A_944 : vector<16xi32>
      %gather3A_946 = tpu.vector_load_idx %arg18[%add3A_945] : memref<672xf32, #tpu.memory_space<vmem>>[vector<16xi32>], vector<16xf32>,
      %add3A_947 = arith.addf %gather3A_942, %gather3A_946 : vector<16xf32>
      %mul3A_948 = arith.mulf %gather3A_938, %add3A_947 : vector<16xf32>
      %add3A_949 = arith.addf %add3A_933, %mul3A_948 : vector<16xf32>
      %add3A_950 = arith.addf %add3A_934, %gather3A_942 : vector<16xf32>
      %add3A_951 = arith.constant 10 : i32
      %add3A_952 = vector.broadcast %add3A_951 : i32 to vector<16xi32>
      %add3A_953 = arith.addi %mul3A_780, %add3A_952 : vector<16xi32>
      %gather3A_954 = tpu.vector_load_idx %arg16[%add3A_771, %add3A_953] : memref<256x128xf32, #tpu.memory_space<vmem>>[vector<16xi32>, vector<16xi32>], vector<16xf32>,
      %add3A_955 = arith.constant 10 : i32
      %add3A_956 = vector.broadcast %add3A_955 : i32 to vector<16xi32>
      %add3A_957 = arith.addi %mul3A_787, %add3A_956 : vector<16xi32>
      %gather3A_958 = tpu.vector_load_idx %arg17[%add3A_771, %add3A_957] : memref<256x128xf32, #tpu.memory_space<vmem>>[vector<16xi32>, vector<16xi32>], vector<16xf32>,
      %add3A_959 = arith.constant 10 : i32
      %add3A_960 = vector.broadcast %add3A_959 : i32 to vector<16xi32>
      %add3A_961 = arith.addi %mul3A_774, %add3A_960 : vector<16xi32>
      %gather3A_962 = tpu.vector_load_idx %arg18[%add3A_961] : memref<672xf32, #tpu.memory_space<vmem>>[vector<16xi32>], vector<16xf32>,
      %add3A_963 = arith.addf %gather3A_958, %gather3A_962 : vector<16xf32>
      %mul3A_964 = arith.mulf %gather3A_954, %add3A_963 : vector<16xf32>
      %add3A_965 = arith.addf %add3A_949, %mul3A_964 : vector<16xf32>
      %add3A_966 = arith.addf %add3A_950, %gather3A_958 : vector<16xf32>
      %add3A_967 = arith.constant 11 : i32
      %add3A_968 = vector.broadcast %add3A_967 : i32 to vector<16xi32>
      %add3A_969 = arith.addi %mul3A_780, %add3A_968 : vector<16xi32>
      %gather3A_970 = tpu.vector_load_idx %arg16[%add3A_771, %add3A_969] : memref<256x128xf32, #tpu.memory_space<vmem>>[vector<16xi32>, vector<16xi32>], vector<16xf32>,
      %add3A_971 = arith.constant 11 : i32
      %add3A_972 = vector.broadcast %add3A_971 : i32 to vector<16xi32>
      %add3A_973 = arith.addi %mul3A_787, %add3A_972 : vector<16xi32>
      %gather3A_974 = tpu.vector_load_idx %arg17[%add3A_771, %add3A_973] : memref<256x128xf32, #tpu.memory_space<vmem>>[vector<16xi32>, vector<16xi32>], vector<16xf32>,
      %add3A_975 = arith.constant 11 : i32
      %add3A_976 = vector.broadcast %add3A_975 : i32 to vector<16xi32>
      %add3A_977 = arith.addi %mul3A_774, %add3A_976 : vector<16xi32>
      %gather3A_978 = tpu.vector_load_idx %arg18[%add3A_977] : memref<672xf32, #tpu.memory_space<vmem>>[vector<16xi32>], vector<16xf32>,
      %add3A_979 = arith.addf %gather3A_974, %gather3A_978 : vector<16xf32>
      %mul3A_980 = arith.mulf %gather3A_970, %add3A_979 : vector<16xf32>
      %add3A_981 = arith.addf %add3A_965, %mul3A_980 : vector<16xf32>
      %add3A_982 = arith.addf %add3A_966, %gather3A_974 : vector<16xf32>
      %add3A_983 = arith.constant 12 : i32
      %add3A_984 = vector.broadcast %add3A_983 : i32 to vector<16xi32>
      %add3A_985 = arith.addi %mul3A_780, %add3A_984 : vector<16xi32>
      %gather3A_986 = tpu.vector_load_idx %arg16[%add3A_771, %add3A_985] : memref<256x128xf32, #tpu.memory_space<vmem>>[vector<16xi32>, vector<16xi32>], vector<16xf32>,
      %add3A_987 = arith.constant 12 : i32
      %add3A_988 = vector.broadcast %add3A_987 : i32 to vector<16xi32>
      %add3A_989 = arith.addi %mul3A_787, %add3A_988 : vector<16xi32>
      %gather3A_990 = tpu.vector_load_idx %arg17[%add3A_771, %add3A_989] : memref<256x128xf32, #tpu.memory_space<vmem>>[vector<16xi32>, vector<16xi32>], vector<16xf32>,
      %add3A_991 = arith.constant 12 : i32
      %add3A_992 = vector.broadcast %add3A_991 : i32 to vector<16xi32>
      %add3A_993 = arith.addi %mul3A_774, %add3A_992 : vector<16xi32>
      %gather3A_994 = tpu.vector_load_idx %arg18[%add3A_993] : memref<672xf32, #tpu.memory_space<vmem>>[vector<16xi32>], vector<16xf32>,
      %add3A_995 = arith.addf %gather3A_990, %gather3A_994 : vector<16xf32>
      %mul3A_996 = arith.mulf %gather3A_986, %add3A_995 : vector<16xf32>
      %add3A_997 = arith.addf %add3A_981, %mul3A_996 : vector<16xf32>
      %add3A_998 = arith.addf %add3A_982, %gather3A_990 : vector<16xf32>
      %add3A_999 = arith.constant 13 : i32
      %add3A_1000 = vector.broadcast %add3A_999 : i32 to vector<16xi32>
      %add3A_1001 = arith.addi %mul3A_780, %add3A_1000 : vector<16xi32>
      %gather3A_1002 = tpu.vector_load_idx %arg16[%add3A_771, %add3A_1001] : memref<256x128xf32, #tpu.memory_space<vmem>>[vector<16xi32>, vector<16xi32>], vector<16xf32>,
      %add3A_1003 = arith.constant 13 : i32
      %add3A_1004 = vector.broadcast %add3A_1003 : i32 to vector<16xi32>
      %add3A_1005 = arith.addi %mul3A_787, %add3A_1004 : vector<16xi32>
      %gather3A_1006 = tpu.vector_load_idx %arg17[%add3A_771, %add3A_1005] : memref<256x128xf32, #tpu.memory_space<vmem>>[vector<16xi32>, vector<16xi32>], vector<16xf32>,
      %add3A_1007 = arith.constant 13 : i32
      %add3A_1008 = vector.broadcast %add3A_1007 : i32 to vector<16xi32>
      %add3A_1009 = arith.addi %mul3A_774, %add3A_1008 : vector<16xi32>
      %gather3A_1010 = tpu.vector_load_idx %arg18[%add3A_1009] : memref<672xf32, #tpu.memory_space<vmem>>[vector<16xi32>], vector<16xf32>,
      %add3A_1011 = arith.addf %gather3A_1006, %gather3A_1010 : vector<16xf32>
      %mul3A_1012 = arith.mulf %gather3A_1002, %add3A_1011 : vector<16xf32>
      %add3A_1013 = arith.addf %add3A_997, %mul3A_1012 : vector<16xf32>
      %add3A_1014 = arith.addf %add3A_998, %gather3A_1006 : vector<16xf32>
      %add3A_1015 = arith.constant 14 : i32
      %add3A_1016 = vector.broadcast %add3A_1015 : i32 to vector<16xi32>
      %add3A_1017 = arith.addi %mul3A_780, %add3A_1016 : vector<16xi32>
      %gather3A_1018 = tpu.vector_load_idx %arg16[%add3A_771, %add3A_1017] : memref<256x128xf32, #tpu.memory_space<vmem>>[vector<16xi32>, vector<16xi32>], vector<16xf32>,
      %add3A_1019 = arith.constant 14 : i32
      %add3A_1020 = vector.broadcast %add3A_1019 : i32 to vector<16xi32>
      %add3A_1021 = arith.addi %mul3A_787, %add3A_1020 : vector<16xi32>
      %gather3A_1022 = tpu.vector_load_idx %arg17[%add3A_771, %add3A_1021] : memref<256x128xf32, #tpu.memory_space<vmem>>[vector<16xi32>, vector<16xi32>], vector<16xf32>,
      %add3A_1023 = arith.constant 14 : i32
      %add3A_1024 = vector.broadcast %add3A_1023 : i32 to vector<16xi32>
      %add3A_1025 = arith.addi %mul3A_774, %add3A_1024 : vector<16xi32>
      %gather3A_1026 = tpu.vector_load_idx %arg18[%add3A_1025] : memref<672xf32, #tpu.memory_space<vmem>>[vector<16xi32>], vector<16xf32>,
      %add3A_1027 = arith.addf %gather3A_1022, %gather3A_1026 : vector<16xf32>
      %mul3A_1028 = arith.mulf %gather3A_1018, %add3A_1027 : vector<16xf32>
      %add3A_1029 = arith.addf %add3A_1013, %mul3A_1028 : vector<16xf32>
      %add3A_1030 = arith.addf %add3A_1014, %gather3A_1022 : vector<16xf32>
      %add3A_1031 = arith.constant 15 : i32
      %add3A_1032 = vector.broadcast %add3A_1031 : i32 to vector<16xi32>
      %add3A_1033 = arith.addi %mul3A_780, %add3A_1032 : vector<16xi32>
      %gather3A_1034 = tpu.vector_load_idx %arg16[%add3A_771, %add3A_1033] : memref<256x128xf32, #tpu.memory_space<vmem>>[vector<16xi32>, vector<16xi32>], vector<16xf32>,
      %add3A_1035 = arith.constant 15 : i32
      %add3A_1036 = vector.broadcast %add3A_1035 : i32 to vector<16xi32>
      %add3A_1037 = arith.addi %mul3A_787, %add3A_1036 : vector<16xi32>
      %gather3A_1038 = tpu.vector_load_idx %arg17[%add3A_771, %add3A_1037] : memref<256x128xf32, #tpu.memory_space<vmem>>[vector<16xi32>, vector<16xi32>], vector<16xf32>,
      %add3A_1039 = arith.constant 15 : i32
      %add3A_1040 = vector.broadcast %add3A_1039 : i32 to vector<16xi32>
      %add3A_1041 = arith.addi %mul3A_774, %add3A_1040 : vector<16xi32>
      %gather3A_1042 = tpu.vector_load_idx %arg18[%add3A_1041] : memref<672xf32, #tpu.memory_space<vmem>>[vector<16xi32>], vector<16xf32>,
      %add3A_1043 = arith.addf %gather3A_1038, %gather3A_1042 : vector<16xf32>
      %mul3A_1044 = arith.mulf %gather3A_1034, %add3A_1043 : vector<16xf32>
      %add3A_1045 = arith.addf %add3A_1029, %mul3A_1044 : vector<16xf32>
      %add3A_1046 = arith.addf %add3A_1030, %gather3A_1038 : vector<16xf32>
      %add3A_1047 = arith.constant 16 : i32
      %add3A_1048 = vector.broadcast %add3A_1047 : i32 to vector<16xi32>
      %add3A_1049 = arith.addi %mul3A_780, %add3A_1048 : vector<16xi32>
      %gather3A_1050 = tpu.vector_load_idx %arg16[%add3A_771, %add3A_1049] : memref<256x128xf32, #tpu.memory_space<vmem>>[vector<16xi32>, vector<16xi32>], vector<16xf32>,
      %add3A_1051 = arith.constant 16 : i32
      %add3A_1052 = vector.broadcast %add3A_1051 : i32 to vector<16xi32>
      %add3A_1053 = arith.addi %mul3A_787, %add3A_1052 : vector<16xi32>
      %gather3A_1054 = tpu.vector_load_idx %arg17[%add3A_771, %add3A_1053] : memref<256x128xf32, #tpu.memory_space<vmem>>[vector<16xi32>, vector<16xi32>], vector<16xf32>,
      %add3A_1055 = arith.constant 16 : i32
      %add3A_1056 = vector.broadcast %add3A_1055 : i32 to vector<16xi32>
      %add3A_1057 = arith.addi %mul3A_774, %add3A_1056 : vector<16xi32>
      %gather3A_1058 = tpu.vector_load_idx %arg18[%add3A_1057] : memref<672xf32, #tpu.memory_space<vmem>>[vector<16xi32>], vector<16xf32>,
      %add3A_1059 = arith.addf %gather3A_1054, %gather3A_1058 : vector<16xf32>
      %mul3A_1060 = arith.mulf %gather3A_1050, %add3A_1059 : vector<16xf32>
      %add3A_1061 = arith.addf %add3A_1045, %mul3A_1060 : vector<16xf32>
      %add3A_1062 = arith.addf %add3A_1046, %gather3A_1054 : vector<16xf32>
      %add3A_1063 = arith.constant 17 : i32
      %add3A_1064 = vector.broadcast %add3A_1063 : i32 to vector<16xi32>
      %add3A_1065 = arith.addi %mul3A_780, %add3A_1064 : vector<16xi32>
      %gather3A_1066 = tpu.vector_load_idx %arg16[%add3A_771, %add3A_1065] : memref<256x128xf32, #tpu.memory_space<vmem>>[vector<16xi32>, vector<16xi32>], vector<16xf32>,
      %add3A_1067 = arith.constant 17 : i32
      %add3A_1068 = vector.broadcast %add3A_1067 : i32 to vector<16xi32>
      %add3A_1069 = arith.addi %mul3A_787, %add3A_1068 : vector<16xi32>
      %gather3A_1070 = tpu.vector_load_idx %arg17[%add3A_771, %add3A_1069] : memref<256x128xf32, #tpu.memory_space<vmem>>[vector<16xi32>, vector<16xi32>], vector<16xf32>,
      %add3A_1071 = arith.constant 17 : i32
      %add3A_1072 = vector.broadcast %add3A_1071 : i32 to vector<16xi32>
      %add3A_1073 = arith.addi %mul3A_774, %add3A_1072 : vector<16xi32>
      %gather3A_1074 = tpu.vector_load_idx %arg18[%add3A_1073] : memref<672xf32, #tpu.memory_space<vmem>>[vector<16xi32>], vector<16xf32>,
      %add3A_1075 = arith.addf %gather3A_1070, %gather3A_1074 : vector<16xf32>
      %mul3A_1076 = arith.mulf %gather3A_1066, %add3A_1075 : vector<16xf32>
      %add3A_1077 = arith.addf %add3A_1061, %mul3A_1076 : vector<16xf32>
      %add3A_1078 = arith.addf %add3A_1062, %gather3A_1070 : vector<16xf32>
      %add3A_1079 = arith.constant 18 : i32
      %add3A_1080 = vector.broadcast %add3A_1079 : i32 to vector<16xi32>
      %add3A_1081 = arith.addi %mul3A_780, %add3A_1080 : vector<16xi32>
      %gather3A_1082 = tpu.vector_load_idx %arg16[%add3A_771, %add3A_1081] : memref<256x128xf32, #tpu.memory_space<vmem>>[vector<16xi32>, vector<16xi32>], vector<16xf32>,
      %add3A_1083 = arith.constant 18 : i32
      %add3A_1084 = vector.broadcast %add3A_1083 : i32 to vector<16xi32>
      %add3A_1085 = arith.addi %mul3A_787, %add3A_1084 : vector<16xi32>
      %gather3A_1086 = tpu.vector_load_idx %arg17[%add3A_771, %add3A_1085] : memref<256x128xf32, #tpu.memory_space<vmem>>[vector<16xi32>, vector<16xi32>], vector<16xf32>,
      %add3A_1087 = arith.constant 18 : i32
      %add3A_1088 = vector.broadcast %add3A_1087 : i32 to vector<16xi32>
      %add3A_1089 = arith.addi %mul3A_774, %add3A_1088 : vector<16xi32>
      %gather3A_1090 = tpu.vector_load_idx %arg18[%add3A_1089] : memref<672xf32, #tpu.memory_space<vmem>>[vector<16xi32>], vector<16xf32>,
      %add3A_1091 = arith.addf %gather3A_1086, %gather3A_1090 : vector<16xf32>
      %mul3A_1092 = arith.mulf %gather3A_1082, %add3A_1091 : vector<16xf32>
      %add3A_1093 = arith.addf %add3A_1077, %mul3A_1092 : vector<16xf32>
      %add3A_1094 = arith.addf %add3A_1078, %gather3A_1086 : vector<16xf32>
      %add3A_1095 = arith.constant 19 : i32
      %add3A_1096 = vector.broadcast %add3A_1095 : i32 to vector<16xi32>
      %add3A_1097 = arith.addi %mul3A_780, %add3A_1096 : vector<16xi32>
      %gather3A_1098 = tpu.vector_load_idx %arg16[%add3A_771, %add3A_1097] : memref<256x128xf32, #tpu.memory_space<vmem>>[vector<16xi32>, vector<16xi32>], vector<16xf32>,
      %add3A_1099 = arith.constant 19 : i32
      %add3A_1100 = vector.broadcast %add3A_1099 : i32 to vector<16xi32>
      %add3A_1101 = arith.addi %mul3A_787, %add3A_1100 : vector<16xi32>
      %gather3A_1102 = tpu.vector_load_idx %arg17[%add3A_771, %add3A_1101] : memref<256x128xf32, #tpu.memory_space<vmem>>[vector<16xi32>, vector<16xi32>], vector<16xf32>,
      %add3A_1103 = arith.constant 19 : i32
      %add3A_1104 = vector.broadcast %add3A_1103 : i32 to vector<16xi32>
      %add3A_1105 = arith.addi %mul3A_774, %add3A_1104 : vector<16xi32>
      %gather3A_1106 = tpu.vector_load_idx %arg18[%add3A_1105] : memref<672xf32, #tpu.memory_space<vmem>>[vector<16xi32>], vector<16xf32>,
      %add3A_1107 = arith.addf %gather3A_1102, %gather3A_1106 : vector<16xf32>
      %mul3A_1108 = arith.mulf %gather3A_1098, %add3A_1107 : vector<16xf32>
      %add3A_1109 = arith.addf %add3A_1093, %mul3A_1108 : vector<16xf32>
      %add3A_1110 = arith.addf %add3A_1094, %gather3A_1102 : vector<16xf32>
      %add3A_1111 = arith.constant 20 : i32
      %add3A_1112 = vector.broadcast %add3A_1111 : i32 to vector<16xi32>
      %add3A_1113 = arith.addi %mul3A_780, %add3A_1112 : vector<16xi32>
      %gather3A_1114 = tpu.vector_load_idx %arg16[%add3A_771, %add3A_1113] : memref<256x128xf32, #tpu.memory_space<vmem>>[vector<16xi32>, vector<16xi32>], vector<16xf32>,
      %add3A_1115 = arith.constant 20 : i32
      %add3A_1116 = vector.broadcast %add3A_1115 : i32 to vector<16xi32>
      %add3A_1117 = arith.addi %mul3A_787, %add3A_1116 : vector<16xi32>
      %gather3A_1118 = tpu.vector_load_idx %arg17[%add3A_771, %add3A_1117] : memref<256x128xf32, #tpu.memory_space<vmem>>[vector<16xi32>, vector<16xi32>], vector<16xf32>,
      %add3A_1119 = arith.constant 20 : i32
      %add3A_1120 = vector.broadcast %add3A_1119 : i32 to vector<16xi32>
      %add3A_1121 = arith.addi %mul3A_774, %add3A_1120 : vector<16xi32>
      %gather3A_1122 = tpu.vector_load_idx %arg18[%add3A_1121] : memref<672xf32, #tpu.memory_space<vmem>>[vector<16xi32>], vector<16xf32>,
      %add3A_1123 = arith.addf %gather3A_1118, %gather3A_1122 : vector<16xf32>
      %mul3A_1124 = arith.mulf %gather3A_1114, %add3A_1123 : vector<16xf32>
      %add3A_1125 = arith.addf %add3A_1109, %mul3A_1124 : vector<16xf32>
      %add3A_1126 = arith.addf %add3A_1110, %gather3A_1118 : vector<16xf32>
      %add3A_1127 = arith.constant 21 : i32
      %add3A_1128 = vector.broadcast %add3A_1127 : i32 to vector<16xi32>
      %add3A_1129 = arith.addi %mul3A_780, %add3A_1128 : vector<16xi32>
      %gather3A_1130 = tpu.vector_load_idx %arg16[%add3A_771, %add3A_1129] : memref<256x128xf32, #tpu.memory_space<vmem>>[vector<16xi32>, vector<16xi32>], vector<16xf32>,
      %add3A_1131 = arith.constant 21 : i32
      %add3A_1132 = vector.broadcast %add3A_1131 : i32 to vector<16xi32>
      %add3A_1133 = arith.addi %mul3A_787, %add3A_1132 : vector<16xi32>
      %gather3A_1134 = tpu.vector_load_idx %arg17[%add3A_771, %add3A_1133] : memref<256x128xf32, #tpu.memory_space<vmem>>[vector<16xi32>, vector<16xi32>], vector<16xf32>,
      %add3A_1135 = arith.constant 21 : i32
      %add3A_1136 = vector.broadcast %add3A_1135 : i32 to vector<16xi32>
      %add3A_1137 = arith.addi %mul3A_774, %add3A_1136 : vector<16xi32>
      %gather3A_1138 = tpu.vector_load_idx %arg18[%add3A_1137] : memref<672xf32, #tpu.memory_space<vmem>>[vector<16xi32>], vector<16xf32>,
      %add3A_1139 = arith.addf %gather3A_1134, %gather3A_1138 : vector<16xf32>
      %mul3A_1140 = arith.mulf %gather3A_1130, %add3A_1139 : vector<16xf32>
      %add3A_1141 = arith.addf %add3A_1125, %mul3A_1140 : vector<16xf32>
      %add3A_1142 = arith.addf %add3A_1126, %gather3A_1134 : vector<16xf32>
      %add3A_1143 = arith.constant 22 : i32
      %add3A_1144 = vector.broadcast %add3A_1143 : i32 to vector<16xi32>
      %add3A_1145 = arith.addi %mul3A_780, %add3A_1144 : vector<16xi32>
      %gather3A_1146 = tpu.vector_load_idx %arg16[%add3A_771, %add3A_1145] : memref<256x128xf32, #tpu.memory_space<vmem>>[vector<16xi32>, vector<16xi32>], vector<16xf32>,
      %add3A_1147 = arith.constant 22 : i32
      %add3A_1148 = vector.broadcast %add3A_1147 : i32 to vector<16xi32>
      %add3A_1149 = arith.addi %mul3A_787, %add3A_1148 : vector<16xi32>
      %gather3A_1150 = tpu.vector_load_idx %arg17[%add3A_771, %add3A_1149] : memref<256x128xf32, #tpu.memory_space<vmem>>[vector<16xi32>, vector<16xi32>], vector<16xf32>,
      %add3A_1151 = arith.constant 22 : i32
      %add3A_1152 = vector.broadcast %add3A_1151 : i32 to vector<16xi32>
      %add3A_1153 = arith.addi %mul3A_774, %add3A_1152 : vector<16xi32>
      %gather3A_1154 = tpu.vector_load_idx %arg18[%add3A_1153] : memref<672xf32, #tpu.memory_space<vmem>>[vector<16xi32>], vector<16xf32>,
      %add3A_1155 = arith.addf %gather3A_1150, %gather3A_1154 : vector<16xf32>
      %mul3A_1156 = arith.mulf %gather3A_1146, %add3A_1155 : vector<16xf32>
      %add3A_1157 = arith.addf %add3A_1141, %mul3A_1156 : vector<16xf32>
      %add3A_1158 = arith.addf %add3A_1142, %gather3A_1150 : vector<16xf32>
      %add3A_1159 = arith.constant 23 : i32
      %add3A_1160 = vector.broadcast %add3A_1159 : i32 to vector<16xi32>
      %add3A_1161 = arith.addi %mul3A_780, %add3A_1160 : vector<16xi32>
      %gather3A_1162 = tpu.vector_load_idx %arg16[%add3A_771, %add3A_1161] : memref<256x128xf32, #tpu.memory_space<vmem>>[vector<16xi32>, vector<16xi32>], vector<16xf32>,
      %add3A_1163 = arith.constant 23 : i32
      %add3A_1164 = vector.broadcast %add3A_1163 : i32 to vector<16xi32>
      %add3A_1165 = arith.addi %mul3A_787, %add3A_1164 : vector<16xi32>
      %gather3A_1166 = tpu.vector_load_idx %arg17[%add3A_771, %add3A_1165] : memref<256x128xf32, #tpu.memory_space<vmem>>[vector<16xi32>, vector<16xi32>], vector<16xf32>,
      %add3A_1167 = arith.constant 23 : i32
      %add3A_1168 = vector.broadcast %add3A_1167 : i32 to vector<16xi32>
      %add3A_1169 = arith.addi %mul3A_774, %add3A_1168 : vector<16xi32>
      %gather3A_1170 = tpu.vector_load_idx %arg18[%add3A_1169] : memref<672xf32, #tpu.memory_space<vmem>>[vector<16xi32>], vector<16xf32>,
      %add3A_1171 = arith.addf %gather3A_1166, %gather3A_1170 : vector<16xf32>
      %mul3A_1172 = arith.mulf %gather3A_1162, %add3A_1171 : vector<16xf32>
      %add3A_1173 = arith.addf %add3A_1157, %mul3A_1172 : vector<16xf32>
      %add3A_1174 = arith.addf %add3A_1158, %gather3A_1166 : vector<16xf32>
      %add3A_1175 = arith.constant 24 : i32
      %add3A_1176 = vector.broadcast %add3A_1175 : i32 to vector<16xi32>
      %add3A_1177 = arith.addi %mul3A_780, %add3A_1176 : vector<16xi32>
      %gather3A_1178 = tpu.vector_load_idx %arg16[%add3A_771, %add3A_1177] : memref<256x128xf32, #tpu.memory_space<vmem>>[vector<16xi32>, vector<16xi32>], vector<16xf32>,
      %add3A_1179 = arith.constant 24 : i32
      %add3A_1180 = vector.broadcast %add3A_1179 : i32 to vector<16xi32>
      %add3A_1181 = arith.addi %mul3A_787, %add3A_1180 : vector<16xi32>
      %gather3A_1182 = tpu.vector_load_idx %arg17[%add3A_771, %add3A_1181] : memref<256x128xf32, #tpu.memory_space<vmem>>[vector<16xi32>, vector<16xi32>], vector<16xf32>,
      %add3A_1183 = arith.constant 24 : i32
      %add3A_1184 = vector.broadcast %add3A_1183 : i32 to vector<16xi32>
      %add3A_1185 = arith.addi %mul3A_774, %add3A_1184 : vector<16xi32>
      %gather3A_1186 = tpu.vector_load_idx %arg18[%add3A_1185] : memref<672xf32, #tpu.memory_space<vmem>>[vector<16xi32>], vector<16xf32>,
      %add3A_1187 = arith.addf %gather3A_1182, %gather3A_1186 : vector<16xf32>
      %mul3A_1188 = arith.mulf %gather3A_1178, %add3A_1187 : vector<16xf32>
      %add3A_1189 = arith.addf %add3A_1173, %mul3A_1188 : vector<16xf32>
      %add3A_1190 = arith.addf %add3A_1174, %gather3A_1182 : vector<16xf32>
      %add3A_1191 = arith.constant 25 : i32
      %add3A_1192 = vector.broadcast %add3A_1191 : i32 to vector<16xi32>
      %add3A_1193 = arith.addi %mul3A_780, %add3A_1192 : vector<16xi32>
      %gather3A_1194 = tpu.vector_load_idx %arg16[%add3A_771, %add3A_1193] : memref<256x128xf32, #tpu.memory_space<vmem>>[vector<16xi32>, vector<16xi32>], vector<16xf32>,
      %add3A_1195 = arith.constant 25 : i32
      %add3A_1196 = vector.broadcast %add3A_1195 : i32 to vector<16xi32>
      %add3A_1197 = arith.addi %mul3A_787, %add3A_1196 : vector<16xi32>
      %gather3A_1198 = tpu.vector_load_idx %arg17[%add3A_771, %add3A_1197] : memref<256x128xf32, #tpu.memory_space<vmem>>[vector<16xi32>, vector<16xi32>], vector<16xf32>,
      %add3A_1199 = arith.constant 25 : i32
      %add3A_1200 = vector.broadcast %add3A_1199 : i32 to vector<16xi32>
      %add3A_1201 = arith.addi %mul3A_774, %add3A_1200 : vector<16xi32>
      %gather3A_1202 = tpu.vector_load_idx %arg18[%add3A_1201] : memref<672xf32, #tpu.memory_space<vmem>>[vector<16xi32>], vector<16xf32>,
      %add3A_1203 = arith.addf %gather3A_1198, %gather3A_1202 : vector<16xf32>
      %mul3A_1204 = arith.mulf %gather3A_1194, %add3A_1203 : vector<16xf32>
      %add3A_1205 = arith.addf %add3A_1189, %mul3A_1204 : vector<16xf32>
      %add3A_1206 = arith.addf %add3A_1190, %gather3A_1198 : vector<16xf32>
      %add3A_1207 = arith.constant 26 : i32
      %add3A_1208 = vector.broadcast %add3A_1207 : i32 to vector<16xi32>
      %add3A_1209 = arith.addi %mul3A_780, %add3A_1208 : vector<16xi32>
      %gather3A_1210 = tpu.vector_load_idx %arg16[%add3A_771, %add3A_1209] : memref<256x128xf32, #tpu.memory_space<vmem>>[vector<16xi32>, vector<16xi32>], vector<16xf32>,
      %add3A_1211 = arith.constant 26 : i32
      %add3A_1212 = vector.broadcast %add3A_1211 : i32 to vector<16xi32>
      %add3A_1213 = arith.addi %mul3A_787, %add3A_1212 : vector<16xi32>
      %gather3A_1214 = tpu.vector_load_idx %arg17[%add3A_771, %add3A_1213] : memref<256x128xf32, #tpu.memory_space<vmem>>[vector<16xi32>, vector<16xi32>], vector<16xf32>,
      %add3A_1215 = arith.constant 26 : i32
      %add3A_1216 = vector.broadcast %add3A_1215 : i32 to vector<16xi32>
      %add3A_1217 = arith.addi %mul3A_774, %add3A_1216 : vector<16xi32>
      %gather3A_1218 = tpu.vector_load_idx %arg18[%add3A_1217] : memref<672xf32, #tpu.memory_space<vmem>>[vector<16xi32>], vector<16xf32>,
      %add3A_1219 = arith.addf %gather3A_1214, %gather3A_1218 : vector<16xf32>
      %mul3A_1220 = arith.mulf %gather3A_1210, %add3A_1219 : vector<16xf32>
      %add3A_1221 = arith.addf %add3A_1205, %mul3A_1220 : vector<16xf32>
      %add3A_1222 = arith.addf %add3A_1206, %gather3A_1214 : vector<16xf32>
      %add3A_1223 = arith.constant 27 : i32
      %add3A_1224 = vector.broadcast %add3A_1223 : i32 to vector<16xi32>
      %add3A_1225 = arith.addi %mul3A_780, %add3A_1224 : vector<16xi32>
      %gather3A_1226 = tpu.vector_load_idx %arg16[%add3A_771, %add3A_1225] : memref<256x128xf32, #tpu.memory_space<vmem>>[vector<16xi32>, vector<16xi32>], vector<16xf32>,
      %add3A_1227 = arith.constant 27 : i32
      %add3A_1228 = vector.broadcast %add3A_1227 : i32 to vector<16xi32>
      %add3A_1229 = arith.addi %mul3A_787, %add3A_1228 : vector<16xi32>
      %gather3A_1230 = tpu.vector_load_idx %arg17[%add3A_771, %add3A_1229] : memref<256x128xf32, #tpu.memory_space<vmem>>[vector<16xi32>, vector<16xi32>], vector<16xf32>,
      %add3A_1231 = arith.constant 27 : i32
      %add3A_1232 = vector.broadcast %add3A_1231 : i32 to vector<16xi32>
      %add3A_1233 = arith.addi %mul3A_774, %add3A_1232 : vector<16xi32>
      %gather3A_1234 = tpu.vector_load_idx %arg18[%add3A_1233] : memref<672xf32, #tpu.memory_space<vmem>>[vector<16xi32>], vector<16xf32>,
      %add3A_1235 = arith.addf %gather3A_1230, %gather3A_1234 : vector<16xf32>
      %mul3A_1236 = arith.mulf %gather3A_1226, %add3A_1235 : vector<16xf32>
      %add3A_1237 = arith.addf %add3A_1221, %mul3A_1236 : vector<16xf32>
      %add3A_1238 = arith.addf %add3A_1222, %gather3A_1230 : vector<16xf32>
      %add3A_1239 = arith.constant 28 : i32
      %add3A_1240 = vector.broadcast %add3A_1239 : i32 to vector<16xi32>
      %add3A_1241 = arith.addi %mul3A_780, %add3A_1240 : vector<16xi32>
      %gather3A_1242 = tpu.vector_load_idx %arg16[%add3A_771, %add3A_1241] : memref<256x128xf32, #tpu.memory_space<vmem>>[vector<16xi32>, vector<16xi32>], vector<16xf32>,
      %add3A_1243 = arith.constant 28 : i32
      %add3A_1244 = vector.broadcast %add3A_1243 : i32 to vector<16xi32>
      %add3A_1245 = arith.addi %mul3A_787, %add3A_1244 : vector<16xi32>
      %gather3A_1246 = tpu.vector_load_idx %arg17[%add3A_771, %add3A_1245] : memref<256x128xf32, #tpu.memory_space<vmem>>[vector<16xi32>, vector<16xi32>], vector<16xf32>,
      %add3A_1247 = arith.constant 28 : i32
      %add3A_1248 = vector.broadcast %add3A_1247 : i32 to vector<16xi32>
      %add3A_1249 = arith.addi %mul3A_774, %add3A_1248 : vector<16xi32>
      %gather3A_1250 = tpu.vector_load_idx %arg18[%add3A_1249] : memref<672xf32, #tpu.memory_space<vmem>>[vector<16xi32>], vector<16xf32>,
      %add3A_1251 = arith.addf %gather3A_1246, %gather3A_1250 : vector<16xf32>
      %mul3A_1252 = arith.mulf %gather3A_1242, %add3A_1251 : vector<16xf32>
      %add3A_1253 = arith.addf %add3A_1237, %mul3A_1252 : vector<16xf32>
      %add3A_1254 = arith.addf %add3A_1238, %gather3A_1246 : vector<16xf32>
      %add3A_1255 = arith.constant 29 : i32
      %add3A_1256 = vector.broadcast %add3A_1255 : i32 to vector<16xi32>
      %add3A_1257 = arith.addi %mul3A_780, %add3A_1256 : vector<16xi32>
      %gather3A_1258 = tpu.vector_load_idx %arg16[%add3A_771, %add3A_1257] : memref<256x128xf32, #tpu.memory_space<vmem>>[vector<16xi32>, vector<16xi32>], vector<16xf32>,
      %add3A_1259 = arith.constant 29 : i32
      %add3A_1260 = vector.broadcast %add3A_1259 : i32 to vector<16xi32>
      %add3A_1261 = arith.addi %mul3A_787, %add3A_1260 : vector<16xi32>
      %gather3A_1262 = tpu.vector_load_idx %arg17[%add3A_771, %add3A_1261] : memref<256x128xf32, #tpu.memory_space<vmem>>[vector<16xi32>, vector<16xi32>], vector<16xf32>,
      %add3A_1263 = arith.constant 29 : i32
      %add3A_1264 = vector.broadcast %add3A_1263 : i32 to vector<16xi32>
      %add3A_1265 = arith.addi %mul3A_774, %add3A_1264 : vector<16xi32>
      %gather3A_1266 = tpu.vector_load_idx %arg18[%add3A_1265] : memref<672xf32, #tpu.memory_space<vmem>>[vector<16xi32>], vector<16xf32>,
      %add3A_1267 = arith.addf %gather3A_1262, %gather3A_1266 : vector<16xf32>
      %mul3A_1268 = arith.mulf %gather3A_1258, %add3A_1267 : vector<16xf32>
      %add3A_1269 = arith.addf %add3A_1253, %mul3A_1268 : vector<16xf32>
      %add3A_1270 = arith.addf %add3A_1254, %gather3A_1262 : vector<16xf32>
      %add3A_1271 = arith.constant 30 : i32
      %add3A_1272 = vector.broadcast %add3A_1271 : i32 to vector<16xi32>
      %add3A_1273 = arith.addi %mul3A_780, %add3A_1272 : vector<16xi32>
      %gather3A_1274 = tpu.vector_load_idx %arg16[%add3A_771, %add3A_1273] : memref<256x128xf32, #tpu.memory_space<vmem>>[vector<16xi32>, vector<16xi32>], vector<16xf32>,
      %add3A_1275 = arith.constant 30 : i32
      %add3A_1276 = vector.broadcast %add3A_1275 : i32 to vector<16xi32>
      %add3A_1277 = arith.addi %mul3A_787, %add3A_1276 : vector<16xi32>
      %gather3A_1278 = tpu.vector_load_idx %arg17[%add3A_771, %add3A_1277] : memref<256x128xf32, #tpu.memory_space<vmem>>[vector<16xi32>, vector<16xi32>], vector<16xf32>,
      %add3A_1279 = arith.constant 30 : i32
      %add3A_1280 = vector.broadcast %add3A_1279 : i32 to vector<16xi32>
      %add3A_1281 = arith.addi %mul3A_774, %add3A_1280 : vector<16xi32>
      %gather3A_1282 = tpu.vector_load_idx %arg18[%add3A_1281] : memref<672xf32, #tpu.memory_space<vmem>>[vector<16xi32>], vector<16xf32>,
      %add3A_1283 = arith.addf %gather3A_1278, %gather3A_1282 : vector<16xf32>
      %mul3A_1284 = arith.mulf %gather3A_1274, %add3A_1283 : vector<16xf32>
      %add3A_1285 = arith.addf %add3A_1269, %mul3A_1284 : vector<16xf32>
      %add3A_1286 = arith.addf %add3A_1270, %gather3A_1278 : vector<16xf32>
      %add3A_1287 = arith.constant 31 : i32
      %add3A_1288 = vector.broadcast %add3A_1287 : i32 to vector<16xi32>
      %add3A_1289 = arith.addi %mul3A_780, %add3A_1288 : vector<16xi32>
      %gather3A_1290 = tpu.vector_load_idx %arg16[%add3A_771, %add3A_1289] : memref<256x128xf32, #tpu.memory_space<vmem>>[vector<16xi32>, vector<16xi32>], vector<16xf32>,
      %add3A_1291 = arith.constant 31 : i32
      %add3A_1292 = vector.broadcast %add3A_1291 : i32 to vector<16xi32>
      %add3A_1293 = arith.addi %mul3A_787, %add3A_1292 : vector<16xi32>
      %gather3A_1294 = tpu.vector_load_idx %arg17[%add3A_771, %add3A_1293] : memref<256x128xf32, #tpu.memory_space<vmem>>[vector<16xi32>, vector<16xi32>], vector<16xf32>,
      %add3A_1295 = arith.constant 31 : i32
      %add3A_1296 = vector.broadcast %add3A_1295 : i32 to vector<16xi32>
      %add3A_1297 = arith.addi %mul3A_774, %add3A_1296 : vector<16xi32>
      %gather3A_1298 = tpu.vector_load_idx %arg18[%add3A_1297] : memref<672xf32, #tpu.memory_space<vmem>>[vector<16xi32>], vector<16xf32>,
      %add3A_1299 = arith.addf %gather3A_1294, %gather3A_1298 : vector<16xf32>
      %mul3A_1300 = arith.mulf %gather3A_1290, %add3A_1299 : vector<16xf32>
      %add3A_1301 = arith.addf %add3A_1285, %mul3A_1300 : vector<16xf32>
      %add3A_1302 = arith.addf %add3A_1286, %gather3A_1294 : vector<16xf32>
      %gather3A_1303 = tpu.vector_load_idx %arg20[%add3A_767] : memref<512xf32, #tpu.memory_space<vmem>>[vector<16xi32>], vector<16xf32>,
      %gather3A_1304 = tpu.vector_load_idx %arg19[%add3A_767] : memref<512xf32, #tpu.memory_space<vmem>>[vector<16xi32>], vector<16xf32>,
      %mul3A_1305 = arith.mulf %gather3A_1303, %add3A_1302 : vector<16xf32>
      %add3A_1306 = arith.addf %add3A_1301, %mul3A_1305 : vector<16xf32>
      %add3A_1307 = arith.addf %add3A_1306, %gather3A_1304 : vector<16xf32>
      tpu.vector_store_idx %arg21[%add3A_767], %add3A_1307 : memref<512xf32, #tpu.memory_space<vmem>>[vector<16xi32>], vector<16xf32>,
    }
    %scan3A_386 = arith.constant 16 : i32
    %get3A_387 = arith.constant 256 : index
    %get3A_388 = tpu.vector_load %arg13[%get3A_387] {strides = array<i32>} : memref<512xi32, #tpu.memory_space<vmem>>, vector<16xi32>,
    %shift_right_arithmetic3A_389 = arith.constant 2 : i32
    %shift_right_arithmetic3A_390 = vector.broadcast %shift_right_arithmetic3A_389 : i32 to vector<16xi32>
    %shift_right_arithmetic3A_391 = arith.shrsi %get3A_388, %shift_right_arithmetic3A_390 : vector<16xi32>
    %swap3A_392 = arith.constant 0 : i32
    %swap3A_393 = arith.index_cast %swap3A_392 : i32 to index
    %swap3A_394 = arith.constant 0 : index
    %swap3A_395 = tpu.vector_load %arg11[%swap3A_393, %swap3A_394] {strides = array<i32>} : memref<2x128xi32, #tpu.memory_space<vmem>>, vector<16xi32>,
    tpu.vector_store %arg11[%swap3A_393, %swap3A_394], %shift_right_arithmetic3A_391 {strides = array<i32>} : memref<2x128xi32, #tpu.memory_space<vmem>>, vector<16xi32>,
    %get3A_396 = arith.constant 256 : index
    %get3A_397 = tpu.vector_load %arg14[%get3A_396] {strides = array<i32>} : memref<512xi32, #tpu.memory_space<vmem>>, vector<16xi32>,
    %shift_right_arithmetic3A_398 = arith.constant 2 : i32
    %shift_right_arithmetic3A_399 = vector.broadcast %shift_right_arithmetic3A_398 : i32 to vector<16xi32>
    %shift_right_arithmetic3A_400 = arith.shrsi %get3A_397, %shift_right_arithmetic3A_399 : vector<16xi32>
    %swap3A_401 = arith.constant 0 : i32
    %swap3A_402 = arith.index_cast %swap3A_401 : i32 to index
    %swap3A_403 = arith.constant 0 : index
    %swap3A_404 = tpu.vector_load %arg12[%swap3A_402, %swap3A_403] {strides = array<i32>} : memref<2x128xi32, #tpu.memory_space<vmem>>, vector<16xi32>,
    tpu.vector_store %arg12[%swap3A_402, %swap3A_403], %shift_right_arithmetic3A_400 {strides = array<i32>} : memref<2x128xi32, #tpu.memory_space<vmem>>, vector<16xi32>,
    %get3A_405 = arith.constant 272 : index
    %get3A_406 = tpu.vector_load %arg13[%get3A_405] {strides = array<i32>} : memref<512xi32, #tpu.memory_space<vmem>>, vector<16xi32>,
    %shift_right_arithmetic3A_407 = arith.constant 2 : i32
    %shift_right_arithmetic3A_408 = vector.broadcast %shift_right_arithmetic3A_407 : i32 to vector<16xi32>
    %shift_right_arithmetic3A_409 = arith.shrsi %get3A_406, %shift_right_arithmetic3A_408 : vector<16xi32>
    %swap3A_410 = arith.constant 0 : i32
    %swap3A_411 = arith.index_cast %swap3A_410 : i32 to index
    %swap3A_412 = arith.constant 16 : index
    %swap3A_413 = tpu.vector_load %arg11[%swap3A_411, %swap3A_412] {strides = array<i32>} : memref<2x128xi32, #tpu.memory_space<vmem>>, vector<16xi32>,
    tpu.vector_store %arg11[%swap3A_411, %swap3A_412], %shift_right_arithmetic3A_409 {strides = array<i32>} : memref<2x128xi32, #tpu.memory_space<vmem>>, vector<16xi32>,
    %get3A_414 = arith.constant 272 : index
    %get3A_415 = tpu.vector_load %arg14[%get3A_414] {strides = array<i32>} : memref<512xi32, #tpu.memory_space<vmem>>, vector<16xi32>,
    %shift_right_arithmetic3A_416 = arith.constant 2 : i32
    %shift_right_arithmetic3A_417 = vector.broadcast %shift_right_arithmetic3A_416 : i32 to vector<16xi32>
    %shift_right_arithmetic3A_418 = arith.shrsi %get3A_415, %shift_right_arithmetic3A_417 : vector<16xi32>
    %swap3A_419 = arith.constant 0 : i32
    %swap3A_420 = arith.index_cast %swap3A_419 : i32 to index
    %swap3A_421 = arith.constant 16 : index
    %swap3A_422 = tpu.vector_load %arg12[%swap3A_420, %swap3A_421] {strides = array<i32>} : memref<2x128xi32, #tpu.memory_space<vmem>>, vector<16xi32>,
    tpu.vector_store %arg12[%swap3A_420, %swap3A_421], %shift_right_arithmetic3A_418 {strides = array<i32>} : memref<2x128xi32, #tpu.memory_space<vmem>>, vector<16xi32>,
    %get3A_423 = arith.constant 288 : index
    %get3A_424 = tpu.vector_load %arg13[%get3A_423] {strides = array<i32>} : memref<512xi32, #tpu.memory_space<vmem>>, vector<16xi32>,
    %shift_right_arithmetic3A_425 = arith.constant 2 : i32
    %shift_right_arithmetic3A_426 = vector.broadcast %shift_right_arithmetic3A_425 : i32 to vector<16xi32>
    %shift_right_arithmetic3A_427 = arith.shrsi %get3A_424, %shift_right_arithmetic3A_426 : vector<16xi32>
    %swap3A_428 = arith.constant 0 : i32
    %swap3A_429 = arith.index_cast %swap3A_428 : i32 to index
    %swap3A_430 = arith.constant 32 : index
    %swap3A_431 = tpu.vector_load %arg11[%swap3A_429, %swap3A_430] {strides = array<i32>} : memref<2x128xi32, #tpu.memory_space<vmem>>, vector<16xi32>,
    tpu.vector_store %arg11[%swap3A_429, %swap3A_430], %shift_right_arithmetic3A_427 {strides = array<i32>} : memref<2x128xi32, #tpu.memory_space<vmem>>, vector<16xi32>,
    %get3A_432 = arith.constant 288 : index
    %get3A_433 = tpu.vector_load %arg14[%get3A_432] {strides = array<i32>} : memref<512xi32, #tpu.memory_space<vmem>>, vector<16xi32>,
    %shift_right_arithmetic3A_434 = arith.constant 2 : i32
    %shift_right_arithmetic3A_435 = vector.broadcast %shift_right_arithmetic3A_434 : i32 to vector<16xi32>
    %shift_right_arithmetic3A_436 = arith.shrsi %get3A_433, %shift_right_arithmetic3A_435 : vector<16xi32>
    %swap3A_437 = arith.constant 0 : i32
    %swap3A_438 = arith.index_cast %swap3A_437 : i32 to index
    %swap3A_439 = arith.constant 32 : index
    %swap3A_440 = tpu.vector_load %arg12[%swap3A_438, %swap3A_439] {strides = array<i32>} : memref<2x128xi32, #tpu.memory_space<vmem>>, vector<16xi32>,
    tpu.vector_store %arg12[%swap3A_438, %swap3A_439], %shift_right_arithmetic3A_436 {strides = array<i32>} : memref<2x128xi32, #tpu.memory_space<vmem>>, vector<16xi32>,
    %get3A_441 = arith.constant 304 : index
    %get3A_442 = tpu.vector_load %arg13[%get3A_441] {strides = array<i32>} : memref<512xi32, #tpu.memory_space<vmem>>, vector<16xi32>,
    %shift_right_arithmetic3A_443 = arith.constant 2 : i32
    %shift_right_arithmetic3A_444 = vector.broadcast %shift_right_arithmetic3A_443 : i32 to vector<16xi32>
    %shift_right_arithmetic3A_445 = arith.shrsi %get3A_442, %shift_right_arithmetic3A_444 : vector<16xi32>
    %swap3A_446 = arith.constant 0 : i32
    %swap3A_447 = arith.index_cast %swap3A_446 : i32 to index
    %swap3A_448 = arith.constant 48 : index
    %swap3A_449 = tpu.vector_load %arg11[%swap3A_447, %swap3A_448] {strides = array<i32>} : memref<2x128xi32, #tpu.memory_space<vmem>>, vector<16xi32>,
    tpu.vector_store %arg11[%swap3A_447, %swap3A_448], %shift_right_arithmetic3A_445 {strides = array<i32>} : memref<2x128xi32, #tpu.memory_space<vmem>>, vector<16xi32>,
    %get3A_450 = arith.constant 304 : index
    %get3A_451 = tpu.vector_load %arg14[%get3A_450] {strides = array<i32>} : memref<512xi32, #tpu.memory_space<vmem>>, vector<16xi32>,
    %shift_right_arithmetic3A_452 = arith.constant 2 : i32
    %shift_right_arithmetic3A_453 = vector.broadcast %shift_right_arithmetic3A_452 : i32 to vector<16xi32>
    %shift_right_arithmetic3A_454 = arith.shrsi %get3A_451, %shift_right_arithmetic3A_453 : vector<16xi32>
    %swap3A_455 = arith.constant 0 : i32
    %swap3A_456 = arith.index_cast %swap3A_455 : i32 to index
    %swap3A_457 = arith.constant 48 : index
    %swap3A_458 = tpu.vector_load %arg12[%swap3A_456, %swap3A_457] {strides = array<i32>} : memref<2x128xi32, #tpu.memory_space<vmem>>, vector<16xi32>,
    tpu.vector_store %arg12[%swap3A_456, %swap3A_457], %shift_right_arithmetic3A_454 {strides = array<i32>} : memref<2x128xi32, #tpu.memory_space<vmem>>, vector<16xi32>,
    %get3A_459 = arith.constant 320 : index
    %get3A_460 = tpu.vector_load %arg13[%get3A_459] {strides = array<i32>} : memref<512xi32, #tpu.memory_space<vmem>>, vector<16xi32>,
    %shift_right_arithmetic3A_461 = arith.constant 2 : i32
    %shift_right_arithmetic3A_462 = vector.broadcast %shift_right_arithmetic3A_461 : i32 to vector<16xi32>
    %shift_right_arithmetic3A_463 = arith.shrsi %get3A_460, %shift_right_arithmetic3A_462 : vector<16xi32>
    %swap3A_464 = arith.constant 0 : i32
    %swap3A_465 = arith.index_cast %swap3A_464 : i32 to index
    %swap3A_466 = arith.constant 64 : index
    %swap3A_467 = tpu.vector_load %arg11[%swap3A_465, %swap3A_466] {strides = array<i32>} : memref<2x128xi32, #tpu.memory_space<vmem>>, vector<16xi32>,
    tpu.vector_store %arg11[%swap3A_465, %swap3A_466], %shift_right_arithmetic3A_463 {strides = array<i32>} : memref<2x128xi32, #tpu.memory_space<vmem>>, vector<16xi32>,
    %get3A_468 = arith.constant 320 : index
    %get3A_469 = tpu.vector_load %arg14[%get3A_468] {strides = array<i32>} : memref<512xi32, #tpu.memory_space<vmem>>, vector<16xi32>,
    %shift_right_arithmetic3A_470 = arith.constant 2 : i32
    %shift_right_arithmetic3A_471 = vector.broadcast %shift_right_arithmetic3A_470 : i32 to vector<16xi32>
    %shift_right_arithmetic3A_472 = arith.shrsi %get3A_469, %shift_right_arithmetic3A_471 : vector<16xi32>
    %swap3A_473 = arith.constant 0 : i32
    %swap3A_474 = arith.index_cast %swap3A_473 : i32 to index
    %swap3A_475 = arith.constant 64 : index
    %swap3A_476 = tpu.vector_load %arg12[%swap3A_474, %swap3A_475] {strides = array<i32>} : memref<2x128xi32, #tpu.memory_space<vmem>>, vector<16xi32>,
    tpu.vector_store %arg12[%swap3A_474, %swap3A_475], %shift_right_arithmetic3A_472 {strides = array<i32>} : memref<2x128xi32, #tpu.memory_space<vmem>>, vector<16xi32>,
    %get3A_477 = arith.constant 336 : index
    %get3A_478 = tpu.vector_load %arg13[%get3A_477] {strides = array<i32>} : memref<512xi32, #tpu.memory_space<vmem>>, vector<16xi32>,
    %shift_right_arithmetic3A_479 = arith.constant 2 : i32
    %shift_right_arithmetic3A_480 = vector.broadcast %shift_right_arithmetic3A_479 : i32 to vector<16xi32>
    %shift_right_arithmetic3A_481 = arith.shrsi %get3A_478, %shift_right_arithmetic3A_480 : vector<16xi32>
    %swap3A_482 = arith.constant 0 : i32
    %swap3A_483 = arith.index_cast %swap3A_482 : i32 to index
    %swap3A_484 = arith.constant 80 : index
    %swap3A_485 = tpu.vector_load %arg11[%swap3A_483, %swap3A_484] {strides = array<i32>} : memref<2x128xi32, #tpu.memory_space<vmem>>, vector<16xi32>,
    tpu.vector_store %arg11[%swap3A_483, %swap3A_484], %shift_right_arithmetic3A_481 {strides = array<i32>} : memref<2x128xi32, #tpu.memory_space<vmem>>, vector<16xi32>,
    %get3A_486 = arith.constant 336 : index
    %get3A_487 = tpu.vector_load %arg14[%get3A_486] {strides = array<i32>} : memref<512xi32, #tpu.memory_space<vmem>>, vector<16xi32>,
    %shift_right_arithmetic3A_488 = arith.constant 2 : i32
    %shift_right_arithmetic3A_489 = vector.broadcast %shift_right_arithmetic3A_488 : i32 to vector<16xi32>
    %shift_right_arithmetic3A_490 = arith.shrsi %get3A_487, %shift_right_arithmetic3A_489 : vector<16xi32>
    %swap3A_491 = arith.constant 0 : i32
    %swap3A_492 = arith.index_cast %swap3A_491 : i32 to index
    %swap3A_493 = arith.constant 80 : index
    %swap3A_494 = tpu.vector_load %arg12[%swap3A_492, %swap3A_493] {strides = array<i32>} : memref<2x128xi32, #tpu.memory_space<vmem>>, vector<16xi32>,
    tpu.vector_store %arg12[%swap3A_492, %swap3A_493], %shift_right_arithmetic3A_490 {strides = array<i32>} : memref<2x128xi32, #tpu.memory_space<vmem>>, vector<16xi32>,
    %get3A_495 = arith.constant 352 : index
    %get3A_496 = tpu.vector_load %arg13[%get3A_495] {strides = array<i32>} : memref<512xi32, #tpu.memory_space<vmem>>, vector<16xi32>,
    %shift_right_arithmetic3A_497 = arith.constant 2 : i32
    %shift_right_arithmetic3A_498 = vector.broadcast %shift_right_arithmetic3A_497 : i32 to vector<16xi32>
    %shift_right_arithmetic3A_499 = arith.shrsi %get3A_496, %shift_right_arithmetic3A_498 : vector<16xi32>
    %swap3A_500 = arith.constant 0 : i32
    %swap3A_501 = arith.index_cast %swap3A_500 : i32 to index
    %swap3A_502 = arith.constant 96 : index
    %swap3A_503 = tpu.vector_load %arg11[%swap3A_501, %swap3A_502] {strides = array<i32>} : memref<2x128xi32, #tpu.memory_space<vmem>>, vector<16xi32>,
    tpu.vector_store %arg11[%swap3A_501, %swap3A_502], %shift_right_arithmetic3A_499 {strides = array<i32>} : memref<2x128xi32, #tpu.memory_space<vmem>>, vector<16xi32>,
    %get3A_504 = arith.constant 352 : index
    %get3A_505 = tpu.vector_load %arg14[%get3A_504] {strides = array<i32>} : memref<512xi32, #tpu.memory_space<vmem>>, vector<16xi32>,
    %shift_right_arithmetic3A_506 = arith.constant 2 : i32
    %shift_right_arithmetic3A_507 = vector.broadcast %shift_right_arithmetic3A_506 : i32 to vector<16xi32>
    %shift_right_arithmetic3A_508 = arith.shrsi %get3A_505, %shift_right_arithmetic3A_507 : vector<16xi32>
    %swap3A_509 = arith.constant 0 : i32
    %swap3A_510 = arith.index_cast %swap3A_509 : i32 to index
    %swap3A_511 = arith.constant 96 : index
    %swap3A_512 = tpu.vector_load %arg12[%swap3A_510, %swap3A_511] {strides = array<i32>} : memref<2x128xi32, #tpu.memory_space<vmem>>, vector<16xi32>,
    tpu.vector_store %arg12[%swap3A_510, %swap3A_511], %shift_right_arithmetic3A_508 {strides = array<i32>} : memref<2x128xi32, #tpu.memory_space<vmem>>, vector<16xi32>,
    %get3A_513 = arith.constant 368 : index
    %get3A_514 = tpu.vector_load %arg13[%get3A_513] {strides = array<i32>} : memref<512xi32, #tpu.memory_space<vmem>>, vector<16xi32>,
    %shift_right_arithmetic3A_515 = arith.constant 2 : i32
    %shift_right_arithmetic3A_516 = vector.broadcast %shift_right_arithmetic3A_515 : i32 to vector<16xi32>
    %shift_right_arithmetic3A_517 = arith.shrsi %get3A_514, %shift_right_arithmetic3A_516 : vector<16xi32>
    %swap3A_518 = arith.constant 0 : i32
    %swap3A_519 = arith.index_cast %swap3A_518 : i32 to index
    %swap3A_520 = arith.constant 112 : index
    %swap3A_521 = tpu.vector_load %arg11[%swap3A_519, %swap3A_520] {strides = array<i32>} : memref<2x128xi32, #tpu.memory_space<vmem>>, vector<16xi32>,
    tpu.vector_store %arg11[%swap3A_519, %swap3A_520], %shift_right_arithmetic3A_517 {strides = array<i32>} : memref<2x128xi32, #tpu.memory_space<vmem>>, vector<16xi32>,
    %get3A_522 = arith.constant 368 : index
    %get3A_523 = tpu.vector_load %arg14[%get3A_522] {strides = array<i32>} : memref<512xi32, #tpu.memory_space<vmem>>, vector<16xi32>,
    %shift_right_arithmetic3A_524 = arith.constant 2 : i32
    %shift_right_arithmetic3A_525 = vector.broadcast %shift_right_arithmetic3A_524 : i32 to vector<16xi32>
    %shift_right_arithmetic3A_526 = arith.shrsi %get3A_523, %shift_right_arithmetic3A_525 : vector<16xi32>
    %swap3A_527 = arith.constant 0 : i32
    %swap3A_528 = arith.index_cast %swap3A_527 : i32 to index
    %swap3A_529 = arith.constant 112 : index
    %swap3A_530 = tpu.vector_load %arg12[%swap3A_528, %swap3A_529] {strides = array<i32>} : memref<2x128xi32, #tpu.memory_space<vmem>>, vector<16xi32>,
    tpu.vector_store %arg12[%swap3A_528, %swap3A_529], %shift_right_arithmetic3A_526 {strides = array<i32>} : memref<2x128xi32, #tpu.memory_space<vmem>>, vector<16xi32>,
    %get3A_531 = arith.constant 384 : index
    %get3A_532 = tpu.vector_load %arg13[%get3A_531] {strides = array<i32>} : memref<512xi32, #tpu.memory_space<vmem>>, vector<16xi32>,
    %shift_right_arithmetic3A_533 = arith.constant 2 : i32
    %shift_right_arithmetic3A_534 = vector.broadcast %shift_right_arithmetic3A_533 : i32 to vector<16xi32>
    %shift_right_arithmetic3A_535 = arith.shrsi %get3A_532, %shift_right_arithmetic3A_534 : vector<16xi32>
    %swap3A_536 = arith.constant 1 : i32
    %swap3A_537 = arith.index_cast %swap3A_536 : i32 to index
    %swap3A_538 = arith.constant 0 : index
    %swap3A_539 = tpu.vector_load %arg11[%swap3A_537, %swap3A_538] {strides = array<i32>} : memref<2x128xi32, #tpu.memory_space<vmem>>, vector<16xi32>,
    tpu.vector_store %arg11[%swap3A_537, %swap3A_538], %shift_right_arithmetic3A_535 {strides = array<i32>} : memref<2x128xi32, #tpu.memory_space<vmem>>, vector<16xi32>,
    %get3A_540 = arith.constant 384 : index
    %get3A_541 = tpu.vector_load %arg14[%get3A_540] {strides = array<i32>} : memref<512xi32, #tpu.memory_space<vmem>>, vector<16xi32>,
    %shift_right_arithmetic3A_542 = arith.constant 2 : i32
    %shift_right_arithmetic3A_543 = vector.broadcast %shift_right_arithmetic3A_542 : i32 to vector<16xi32>
    %shift_right_arithmetic3A_544 = arith.shrsi %get3A_541, %shift_right_arithmetic3A_543 : vector<16xi32>
    %swap3A_545 = arith.constant 1 : i32
    %swap3A_546 = arith.index_cast %swap3A_545 : i32 to index
    %swap3A_547 = arith.constant 0 : index
    %swap3A_548 = tpu.vector_load %arg12[%swap3A_546, %swap3A_547] {strides = array<i32>} : memref<2x128xi32, #tpu.memory_space<vmem>>, vector<16xi32>,
    tpu.vector_store %arg12[%swap3A_546, %swap3A_547], %shift_right_arithmetic3A_544 {strides = array<i32>} : memref<2x128xi32, #tpu.memory_space<vmem>>, vector<16xi32>,
    %get3A_549 = arith.constant 400 : index
    %get3A_550 = tpu.vector_load %arg13[%get3A_549] {strides = array<i32>} : memref<512xi32, #tpu.memory_space<vmem>>, vector<16xi32>,
    %shift_right_arithmetic3A_551 = arith.constant 2 : i32
    %shift_right_arithmetic3A_552 = vector.broadcast %shift_right_arithmetic3A_551 : i32 to vector<16xi32>
    %shift_right_arithmetic3A_553 = arith.shrsi %get3A_550, %shift_right_arithmetic3A_552 : vector<16xi32>
    %swap3A_554 = arith.constant 1 : i32
    %swap3A_555 = arith.index_cast %swap3A_554 : i32 to index
    %swap3A_556 = arith.constant 16 : index
    %swap3A_557 = tpu.vector_load %arg11[%swap3A_555, %swap3A_556] {strides = array<i32>} : memref<2x128xi32, #tpu.memory_space<vmem>>, vector<16xi32>,
    tpu.vector_store %arg11[%swap3A_555, %swap3A_556], %shift_right_arithmetic3A_553 {strides = array<i32>} : memref<2x128xi32, #tpu.memory_space<vmem>>, vector<16xi32>,
    %get3A_558 = arith.constant 400 : index
    %get3A_559 = tpu.vector_load %arg14[%get3A_558] {strides = array<i32>} : memref<512xi32, #tpu.memory_space<vmem>>, vector<16xi32>,
    %shift_right_arithmetic3A_560 = arith.constant 2 : i32
    %shift_right_arithmetic3A_561 = vector.broadcast %shift_right_arithmetic3A_560 : i32 to vector<16xi32>
    %shift_right_arithmetic3A_562 = arith.shrsi %get3A_559, %shift_right_arithmetic3A_561 : vector<16xi32>
    %swap3A_563 = arith.constant 1 : i32
    %swap3A_564 = arith.index_cast %swap3A_563 : i32 to index
    %swap3A_565 = arith.constant 16 : index
    %swap3A_566 = tpu.vector_load %arg12[%swap3A_564, %swap3A_565] {strides = array<i32>} : memref<2x128xi32, #tpu.memory_space<vmem>>, vector<16xi32>,
    tpu.vector_store %arg12[%swap3A_564, %swap3A_565], %shift_right_arithmetic3A_562 {strides = array<i32>} : memref<2x128xi32, #tpu.memory_space<vmem>>, vector<16xi32>,
    %get3A_567 = arith.constant 416 : index
    %get3A_568 = tpu.vector_load %arg13[%get3A_567] {strides = array<i32>} : memref<512xi32, #tpu.memory_space<vmem>>, vector<16xi32>,
    %shift_right_arithmetic3A_569 = arith.constant 2 : i32
    %shift_right_arithmetic3A_570 = vector.broadcast %shift_right_arithmetic3A_569 : i32 to vector<16xi32>
    %shift_right_arithmetic3A_571 = arith.shrsi %get3A_568, %shift_right_arithmetic3A_570 : vector<16xi32>
    %swap3A_572 = arith.constant 1 : i32
    %swap3A_573 = arith.index_cast %swap3A_572 : i32 to index
    %swap3A_574 = arith.constant 32 : index
    %swap3A_575 = tpu.vector_load %arg11[%swap3A_573, %swap3A_574] {strides = array<i32>} : memref<2x128xi32, #tpu.memory_space<vmem>>, vector<16xi32>,
    tpu.vector_store %arg11[%swap3A_573, %swap3A_574], %shift_right_arithmetic3A_571 {strides = array<i32>} : memref<2x128xi32, #tpu.memory_space<vmem>>, vector<16xi32>,
    %get3A_576 = arith.constant 416 : index
    %get3A_577 = tpu.vector_load %arg14[%get3A_576] {strides = array<i32>} : memref<512xi32, #tpu.memory_space<vmem>>, vector<16xi32>,
    %shift_right_arithmetic3A_578 = arith.constant 2 : i32
    %shift_right_arithmetic3A_579 = vector.broadcast %shift_right_arithmetic3A_578 : i32 to vector<16xi32>
    %shift_right_arithmetic3A_580 = arith.shrsi %get3A_577, %shift_right_arithmetic3A_579 : vector<16xi32>
    %swap3A_581 = arith.constant 1 : i32
    %swap3A_582 = arith.index_cast %swap3A_581 : i32 to index
    %swap3A_583 = arith.constant 32 : index
    %swap3A_584 = tpu.vector_load %arg12[%swap3A_582, %swap3A_583] {strides = array<i32>} : memref<2x128xi32, #tpu.memory_space<vmem>>, vector<16xi32>,
    tpu.vector_store %arg12[%swap3A_582, %swap3A_583], %shift_right_arithmetic3A_580 {strides = array<i32>} : memref<2x128xi32, #tpu.memory_space<vmem>>, vector<16xi32>,
    %get3A_585 = arith.constant 432 : index
    %get3A_586 = tpu.vector_load %arg13[%get3A_585] {strides = array<i32>} : memref<512xi32, #tpu.memory_space<vmem>>, vector<16xi32>,
    %shift_right_arithmetic3A_587 = arith.constant 2 : i32
    %shift_right_arithmetic3A_588 = vector.broadcast %shift_right_arithmetic3A_587 : i32 to vector<16xi32>
    %shift_right_arithmetic3A_589 = arith.shrsi %get3A_586, %shift_right_arithmetic3A_588 : vector<16xi32>
    %swap3A_590 = arith.constant 1 : i32
    %swap3A_591 = arith.index_cast %swap3A_590 : i32 to index
    %swap3A_592 = arith.constant 48 : index
    %swap3A_593 = tpu.vector_load %arg11[%swap3A_591, %swap3A_592] {strides = array<i32>} : memref<2x128xi32, #tpu.memory_space<vmem>>, vector<16xi32>,
    tpu.vector_store %arg11[%swap3A_591, %swap3A_592], %shift_right_arithmetic3A_589 {strides = array<i32>} : memref<2x128xi32, #tpu.memory_space<vmem>>, vector<16xi32>,
    %get3A_594 = arith.constant 432 : index
    %get3A_595 = tpu.vector_load %arg14[%get3A_594] {strides = array<i32>} : memref<512xi32, #tpu.memory_space<vmem>>, vector<16xi32>,
    %shift_right_arithmetic3A_596 = arith.constant 2 : i32
    %shift_right_arithmetic3A_597 = vector.broadcast %shift_right_arithmetic3A_596 : i32 to vector<16xi32>
    %shift_right_arithmetic3A_598 = arith.shrsi %get3A_595, %shift_right_arithmetic3A_597 : vector<16xi32>
    %swap3A_599 = arith.constant 1 : i32
    %swap3A_600 = arith.index_cast %swap3A_599 : i32 to index
    %swap3A_601 = arith.constant 48 : index
    %swap3A_602 = tpu.vector_load %arg12[%swap3A_600, %swap3A_601] {strides = array<i32>} : memref<2x128xi32, #tpu.memory_space<vmem>>, vector<16xi32>,
    tpu.vector_store %arg12[%swap3A_600, %swap3A_601], %shift_right_arithmetic3A_598 {strides = array<i32>} : memref<2x128xi32, #tpu.memory_space<vmem>>, vector<16xi32>,
    %get3A_603 = arith.constant 448 : index
    %get3A_604 = tpu.vector_load %arg13[%get3A_603] {strides = array<i32>} : memref<512xi32, #tpu.memory_space<vmem>>, vector<16xi32>,
    %shift_right_arithmetic3A_605 = arith.constant 2 : i32
    %shift_right_arithmetic3A_606 = vector.broadcast %shift_right_arithmetic3A_605 : i32 to vector<16xi32>
    %shift_right_arithmetic3A_607 = arith.shrsi %get3A_604, %shift_right_arithmetic3A_606 : vector<16xi32>
    %swap3A_608 = arith.constant 1 : i32
    %swap3A_609 = arith.index_cast %swap3A_608 : i32 to index
    %swap3A_610 = arith.constant 64 : index
    %swap3A_611 = tpu.vector_load %arg11[%swap3A_609, %swap3A_610] {strides = array<i32>} : memref<2x128xi32, #tpu.memory_space<vmem>>, vector<16xi32>,
    tpu.vector_store %arg11[%swap3A_609, %swap3A_610], %shift_right_arithmetic3A_607 {strides = array<i32>} : memref<2x128xi32, #tpu.memory_space<vmem>>, vector<16xi32>,
    %get3A_612 = arith.constant 448 : index
    %get3A_613 = tpu.vector_load %arg14[%get3A_612] {strides = array<i32>} : memref<512xi32, #tpu.memory_space<vmem>>, vector<16xi32>,
    %shift_right_arithmetic3A_614 = arith.constant 2 : i32
    %shift_right_arithmetic3A_615 = vector.broadcast %shift_right_arithmetic3A_614 : i32 to vector<16xi32>
    %shift_right_arithmetic3A_616 = arith.shrsi %get3A_613, %shift_right_arithmetic3A_615 : vector<16xi32>
    %swap3A_617 = arith.constant 1 : i32
    %swap3A_618 = arith.index_cast %swap3A_617 : i32 to index
    %swap3A_619 = arith.constant 64 : index
    %swap3A_620 = tpu.vector_load %arg12[%swap3A_618, %swap3A_619] {strides = array<i32>} : memref<2x128xi32, #tpu.memory_space<vmem>>, vector<16xi32>,
    tpu.vector_store %arg12[%swap3A_618, %swap3A_619], %shift_right_arithmetic3A_616 {strides = array<i32>} : memref<2x128xi32, #tpu.memory_space<vmem>>, vector<16xi32>,
    %get3A_621 = arith.constant 464 : index
    %get3A_622 = tpu.vector_load %arg13[%get3A_621] {strides = array<i32>} : memref<512xi32, #tpu.memory_space<vmem>>, vector<16xi32>,
    %shift_right_arithmetic3A_623 = arith.constant 2 : i32
    %shift_right_arithmetic3A_624 = vector.broadcast %shift_right_arithmetic3A_623 : i32 to vector<16xi32>
    %shift_right_arithmetic3A_625 = arith.shrsi %get3A_622, %shift_right_arithmetic3A_624 : vector<16xi32>
    %swap3A_626 = arith.constant 1 : i32
    %swap3A_627 = arith.index_cast %swap3A_626 : i32 to index
    %swap3A_628 = arith.constant 80 : index
    %swap3A_629 = tpu.vector_load %arg11[%swap3A_627, %swap3A_628] {strides = array<i32>} : memref<2x128xi32, #tpu.memory_space<vmem>>, vector<16xi32>,
    tpu.vector_store %arg11[%swap3A_627, %swap3A_628], %shift_right_arithmetic3A_625 {strides = array<i32>} : memref<2x128xi32, #tpu.memory_space<vmem>>, vector<16xi32>,
    %get3A_630 = arith.constant 464 : index
    %get3A_631 = tpu.vector_load %arg14[%get3A_630] {strides = array<i32>} : memref<512xi32, #tpu.memory_space<vmem>>, vector<16xi32>,
    %shift_right_arithmetic3A_632 = arith.constant 2 : i32
    %shift_right_arithmetic3A_633 = vector.broadcast %shift_right_arithmetic3A_632 : i32 to vector<16xi32>
    %shift_right_arithmetic3A_634 = arith.shrsi %get3A_631, %shift_right_arithmetic3A_633 : vector<16xi32>
    %swap3A_635 = arith.constant 1 : i32
    %swap3A_636 = arith.index_cast %swap3A_635 : i32 to index
    %swap3A_637 = arith.constant 80 : index
    %swap3A_638 = tpu.vector_load %arg12[%swap3A_636, %swap3A_637] {strides = array<i32>} : memref<2x128xi32, #tpu.memory_space<vmem>>, vector<16xi32>,
    tpu.vector_store %arg12[%swap3A_636, %swap3A_637], %shift_right_arithmetic3A_634 {strides = array<i32>} : memref<2x128xi32, #tpu.memory_space<vmem>>, vector<16xi32>,
    %get3A_639 = arith.constant 480 : index
    %get3A_640 = tpu.vector_load %arg13[%get3A_639] {strides = array<i32>} : memref<512xi32, #tpu.memory_space<vmem>>, vector<16xi32>,
    %shift_right_arithmetic3A_641 = arith.constant 2 : i32
    %shift_right_arithmetic3A_642 = vector.broadcast %shift_right_arithmetic3A_641 : i32 to vector<16xi32>
    %shift_right_arithmetic3A_643 = arith.shrsi %get3A_640, %shift_right_arithmetic3A_642 : vector<16xi32>
    %swap3A_644 = arith.constant 1 : i32
    %swap3A_645 = arith.index_cast %swap3A_644 : i32 to index
    %swap3A_646 = arith.constant 96 : index
    %swap3A_647 = tpu.vector_load %arg11[%swap3A_645, %swap3A_646] {strides = array<i32>} : memref<2x128xi32, #tpu.memory_space<vmem>>, vector<16xi32>,
    tpu.vector_store %arg11[%swap3A_645, %swap3A_646], %shift_right_arithmetic3A_643 {strides = array<i32>} : memref<2x128xi32, #tpu.memory_space<vmem>>, vector<16xi32>,
    %get3A_648 = arith.constant 480 : index
    %get3A_649 = tpu.vector_load %arg14[%get3A_648] {strides = array<i32>} : memref<512xi32, #tpu.memory_space<vmem>>, vector<16xi32>,
    %shift_right_arithmetic3A_650 = arith.constant 2 : i32
    %shift_right_arithmetic3A_651 = vector.broadcast %shift_right_arithmetic3A_650 : i32 to vector<16xi32>
    %shift_right_arithmetic3A_652 = arith.shrsi %get3A_649, %shift_right_arithmetic3A_651 : vector<16xi32>
    %swap3A_653 = arith.constant 1 : i32
    %swap3A_654 = arith.index_cast %swap3A_653 : i32 to index
    %swap3A_655 = arith.constant 96 : index
    %swap3A_656 = tpu.vector_load %arg12[%swap3A_654, %swap3A_655] {strides = array<i32>} : memref<2x128xi32, #tpu.memory_space<vmem>>, vector<16xi32>,
    tpu.vector_store %arg12[%swap3A_654, %swap3A_655], %shift_right_arithmetic3A_652 {strides = array<i32>} : memref<2x128xi32, #tpu.memory_space<vmem>>, vector<16xi32>,
    %get3A_657 = arith.constant 496 : index
    %get3A_658 = tpu.vector_load %arg13[%get3A_657] {strides = array<i32>} : memref<512xi32, #tpu.memory_space<vmem>>, vector<16xi32>,
    %shift_right_arithmetic3A_659 = arith.constant 2 : i32
    %shift_right_arithmetic3A_660 = vector.broadcast %shift_right_arithmetic3A_659 : i32 to vector<16xi32>
    %shift_right_arithmetic3A_661 = arith.shrsi %get3A_658, %shift_right_arithmetic3A_660 : vector<16xi32>
    %swap3A_662 = arith.constant 1 : i32
    %swap3A_663 = arith.index_cast %swap3A_662 : i32 to index
    %swap3A_664 = arith.constant 112 : index
    %swap3A_665 = tpu.vector_load %arg11[%swap3A_663, %swap3A_664] {strides = array<i32>} : memref<2x128xi32, #tpu.memory_space<vmem>>, vector<16xi32>,
    tpu.vector_store %arg11[%swap3A_663, %swap3A_664], %shift_right_arithmetic3A_661 {strides = array<i32>} : memref<2x128xi32, #tpu.memory_space<vmem>>, vector<16xi32>,
    %get3A_666 = arith.constant 496 : index
    %get3A_667 = tpu.vector_load %arg14[%get3A_666] {strides = array<i32>} : memref<512xi32, #tpu.memory_space<vmem>>, vector<16xi32>,
    %shift_right_arithmetic3A_668 = arith.constant 2 : i32
    %shift_right_arithmetic3A_669 = vector.broadcast %shift_right_arithmetic3A_668 : i32 to vector<16xi32>
    %shift_right_arithmetic3A_670 = arith.shrsi %get3A_667, %shift_right_arithmetic3A_669 : vector<16xi32>
    %swap3A_671 = arith.constant 1 : i32
    %swap3A_672 = arith.index_cast %swap3A_671 : i32 to index
    %swap3A_673 = arith.constant 112 : index
    %swap3A_674 = tpu.vector_load %arg12[%swap3A_672, %swap3A_673] {strides = array<i32>} : memref<2x128xi32, #tpu.memory_space<vmem>>, vector<16xi32>,
    tpu.vector_store %arg12[%swap3A_672, %swap3A_673], %shift_right_arithmetic3A_670 {strides = array<i32>} : memref<2x128xi32, #tpu.memory_space<vmem>>, vector<16xi32>,
    %dma_start3A_675 = arith.constant 0 : i32
    %dma_start3A_676 = arith.constant 0 : i32
    %dma_start3A_677 = arith.constant 0 : i32
    %dma_start3A_678 = tpu.memref_slice %arg16[%dma_start3A_676, %dma_start3A_677] : memref<256x128xf32, #tpu.memory_space<vmem>> -> memref<128x128xf32, #tpu.memory_space<vmem>>
    %dma_start3A_679 = arith.constant 0 : i32
    %dma_start3A_680 = tpu.memref_slice %arg11[%dma_start3A_675, %dma_start3A_679] : memref<2x128xi32, #tpu.memory_space<vmem>> -> memref<1x128xi32, #tpu.memory_space<vmem>>
    %dma_start3A_681 = tpu.memref_squeeze %dma_start3A_680 : memref<1x128xi32, #tpu.memory_space<vmem>> -> memref<128xi32, #tpu.memory_space<vmem>>
    %dma_start3A_682 = arith.constant 0 : i32
    %dma_start3A_683 = arith.constant 0 : i32
    %dma_start3A_684 = tpu.memref_slice %arg5[%dma_start3A_682, %dma_start3A_683] : memref<250000x128xf32, #tpu.memory_space<hbm>> -> memref<250000x128xf32, #tpu.memory_space<hbm>>
    tpu.enqueue_indirect_dma source(%dma_start3A_684 : memref<250000x128xf32, #tpu.memory_space<hbm>>) target(%dma_start3A_678 : memref<128x128xf32, #tpu.memory_space<vmem>>) offsets(%dma_start3A_681 : memref<128xi32, #tpu.memory_space<vmem>>) semaphore(%arg22 : memref<!tpu.dma_semaphore, #tpu.memory_space<semaphore_mem>>)
    %dma_start3A_685 = arith.constant 0 : i32
    %dma_start3A_686 = arith.constant 0 : i32
    %dma_start3A_687 = arith.constant 0 : i32
    %dma_start3A_688 = tpu.memref_slice %arg17[%dma_start3A_686, %dma_start3A_687] : memref<256x128xf32, #tpu.memory_space<vmem>> -> memref<128x128xf32, #tpu.memory_space<vmem>>
    %dma_start3A_689 = arith.constant 0 : i32
    %dma_start3A_690 = tpu.memref_slice %arg12[%dma_start3A_685, %dma_start3A_689] : memref<2x128xi32, #tpu.memory_space<vmem>> -> memref<1x128xi32, #tpu.memory_space<vmem>>
    %dma_start3A_691 = tpu.memref_squeeze %dma_start3A_690 : memref<1x128xi32, #tpu.memory_space<vmem>> -> memref<128xi32, #tpu.memory_space<vmem>>
    %dma_start3A_692 = arith.constant 0 : i32
    %dma_start3A_693 = arith.constant 0 : i32
    %dma_start3A_694 = tpu.memref_slice %arg6[%dma_start3A_692, %dma_start3A_693] : memref<25000x128xf32, #tpu.memory_space<hbm>> -> memref<25000x128xf32, #tpu.memory_space<hbm>>
    tpu.enqueue_indirect_dma source(%dma_start3A_694 : memref<25000x128xf32, #tpu.memory_space<hbm>>) target(%dma_start3A_688 : memref<128x128xf32, #tpu.memory_space<vmem>>) offsets(%dma_start3A_691 : memref<128xi32, #tpu.memory_space<vmem>>) semaphore(%arg22 : memref<!tpu.dma_semaphore, #tpu.memory_space<semaphore_mem>>)
    %dma_start3A_695 = arith.constant 1 : i32
    %dma_start3A_696 = arith.constant 128 : i32
    %dma_start3A_697 = arith.constant 0 : i32
    %dma_start3A_698 = tpu.memref_slice %arg16[%dma_start3A_696, %dma_start3A_697] : memref<256x128xf32, #tpu.memory_space<vmem>> -> memref<128x128xf32, #tpu.memory_space<vmem>>
    %dma_start3A_699 = arith.constant 0 : i32
    %dma_start3A_700 = tpu.memref_slice %arg11[%dma_start3A_695, %dma_start3A_699] : memref<2x128xi32, #tpu.memory_space<vmem>> -> memref<1x128xi32, #tpu.memory_space<vmem>>
    %dma_start3A_701 = tpu.memref_squeeze %dma_start3A_700 : memref<1x128xi32, #tpu.memory_space<vmem>> -> memref<128xi32, #tpu.memory_space<vmem>>
    %dma_start3A_702 = arith.constant 0 : i32
    %dma_start3A_703 = arith.constant 0 : i32
    %dma_start3A_704 = tpu.memref_slice %arg5[%dma_start3A_702, %dma_start3A_703] : memref<250000x128xf32, #tpu.memory_space<hbm>> -> memref<250000x128xf32, #tpu.memory_space<hbm>>
    tpu.enqueue_indirect_dma source(%dma_start3A_704 : memref<250000x128xf32, #tpu.memory_space<hbm>>) target(%dma_start3A_698 : memref<128x128xf32, #tpu.memory_space<vmem>>) offsets(%dma_start3A_701 : memref<128xi32, #tpu.memory_space<vmem>>) semaphore(%arg22 : memref<!tpu.dma_semaphore, #tpu.memory_space<semaphore_mem>>)
    %dma_start3A_705 = arith.constant 1 : i32
    %dma_start3A_706 = arith.constant 128 : i32
    %dma_start3A_707 = arith.constant 0 : i32
    %dma_start3A_708 = tpu.memref_slice %arg17[%dma_start3A_706, %dma_start3A_707] : memref<256x128xf32, #tpu.memory_space<vmem>> -> memref<128x128xf32, #tpu.memory_space<vmem>>
    %dma_start3A_709 = arith.constant 0 : i32
    %dma_start3A_710 = tpu.memref_slice %arg12[%dma_start3A_705, %dma_start3A_709] : memref<2x128xi32, #tpu.memory_space<vmem>> -> memref<1x128xi32, #tpu.memory_space<vmem>>
    %dma_start3A_711 = tpu.memref_squeeze %dma_start3A_710 : memref<1x128xi32, #tpu.memory_space<vmem>> -> memref<128xi32, #tpu.memory_space<vmem>>
    %dma_start3A_712 = arith.constant 0 : i32
    %dma_start3A_713 = arith.constant 0 : i32
    %dma_start3A_714 = tpu.memref_slice %arg6[%dma_start3A_712, %dma_start3A_713] : memref<25000x128xf32, #tpu.memory_space<hbm>> -> memref<25000x128xf32, #tpu.memory_space<hbm>>
    tpu.enqueue_indirect_dma source(%dma_start3A_714 : memref<25000x128xf32, #tpu.memory_space<hbm>>) target(%dma_start3A_708 : memref<128x128xf32, #tpu.memory_space<vmem>>) offsets(%dma_start3A_711 : memref<128xi32, #tpu.memory_space<vmem>>) semaphore(%arg22 : memref<!tpu.dma_semaphore, #tpu.memory_space<semaphore_mem>>)
    %dma_wait3A_715 = arith.constant 0 : i32
    %dma_wait3A_716 = arith.constant 0 : i32
    %dma_wait3A_717 = arith.constant 0 : i32
    %dma_wait3A_718 = tpu.memref_slice %arg16[%dma_wait3A_716, %dma_wait3A_717] : memref<256x128xf32, #tpu.memory_space<vmem>> -> memref<128x128xf32, #tpu.memory_space<vmem>>
    %dma_wait3A_719 = arith.constant 0 : i32
    %dma_wait3A_720 = tpu.memref_slice %arg11[%dma_wait3A_715, %dma_wait3A_719] : memref<2x128xi32, #tpu.memory_space<vmem>> -> memref<1x128xi32, #tpu.memory_space<vmem>>
    %dma_wait3A_721 = tpu.memref_squeeze %dma_wait3A_720 : memref<1x128xi32, #tpu.memory_space<vmem>> -> memref<128xi32, #tpu.memory_space<vmem>>
    %dma_wait3A_722 = arith.constant 0 : i32
    %dma_wait3A_723 = arith.constant 0 : i32
    %dma_wait3A_724 = tpu.memref_slice %arg5[%dma_wait3A_722, %dma_wait3A_723] : memref<250000x128xf32, #tpu.memory_space<hbm>> -> memref<250000x128xf32, #tpu.memory_space<hbm>>
    tpu.wait_indirect_dma semaphore(%arg22 : memref<!tpu.dma_semaphore, #tpu.memory_space<semaphore_mem>>) src(%dma_wait3A_724 : memref<250000x128xf32, #tpu.memory_space<hbm>>) dst(%dma_wait3A_718 : memref<128x128xf32, #tpu.memory_space<vmem>>)
    %dma_wait3A_725 = arith.constant 0 : i32
    %dma_wait3A_726 = arith.constant 0 : i32
    %dma_wait3A_727 = arith.constant 0 : i32
    %dma_wait3A_728 = tpu.memref_slice %arg17[%dma_wait3A_726, %dma_wait3A_727] : memref<256x128xf32, #tpu.memory_space<vmem>> -> memref<128x128xf32, #tpu.memory_space<vmem>>
    %dma_wait3A_729 = arith.constant 0 : i32
    %dma_wait3A_730 = tpu.memref_slice %arg12[%dma_wait3A_725, %dma_wait3A_729] : memref<2x128xi32, #tpu.memory_space<vmem>> -> memref<1x128xi32, #tpu.memory_space<vmem>>
    %dma_wait3A_731 = tpu.memref_squeeze %dma_wait3A_730 : memref<1x128xi32, #tpu.memory_space<vmem>> -> memref<128xi32, #tpu.memory_space<vmem>>
    %dma_wait3A_732 = arith.constant 0 : i32
    %dma_wait3A_733 = arith.constant 0 : i32
    %dma_wait3A_734 = tpu.memref_slice %arg6[%dma_wait3A_732, %dma_wait3A_733] : memref<25000x128xf32, #tpu.memory_space<hbm>> -> memref<25000x128xf32, #tpu.memory_space<hbm>>
    tpu.wait_indirect_dma semaphore(%arg22 : memref<!tpu.dma_semaphore, #tpu.memory_space<semaphore_mem>>) src(%dma_wait3A_734 : memref<25000x128xf32, #tpu.memory_space<hbm>>) dst(%dma_wait3A_728 : memref<128x128xf32, #tpu.memory_space<vmem>>)
    %dma_wait3A_735 = arith.constant 1 : i32
    %dma_wait3A_736 = arith.constant 128 : i32
    %dma_wait3A_737 = arith.constant 0 : i32
    %dma_wait3A_738 = tpu.memref_slice %arg16[%dma_wait3A_736, %dma_wait3A_737] : memref<256x128xf32, #tpu.memory_space<vmem>> -> memref<128x128xf32, #tpu.memory_space<vmem>>
    %dma_wait3A_739 = arith.constant 0 : i32
    %dma_wait3A_740 = tpu.memref_slice %arg11[%dma_wait3A_735, %dma_wait3A_739] : memref<2x128xi32, #tpu.memory_space<vmem>> -> memref<1x128xi32, #tpu.memory_space<vmem>>
    %dma_wait3A_741 = tpu.memref_squeeze %dma_wait3A_740 : memref<1x128xi32, #tpu.memory_space<vmem>> -> memref<128xi32, #tpu.memory_space<vmem>>
    %dma_wait3A_742 = arith.constant 0 : i32
    %dma_wait3A_743 = arith.constant 0 : i32
    %dma_wait3A_744 = tpu.memref_slice %arg5[%dma_wait3A_742, %dma_wait3A_743] : memref<250000x128xf32, #tpu.memory_space<hbm>> -> memref<250000x128xf32, #tpu.memory_space<hbm>>
    tpu.wait_indirect_dma semaphore(%arg22 : memref<!tpu.dma_semaphore, #tpu.memory_space<semaphore_mem>>) src(%dma_wait3A_744 : memref<250000x128xf32, #tpu.memory_space<hbm>>) dst(%dma_wait3A_738 : memref<128x128xf32, #tpu.memory_space<vmem>>)
    %dma_wait3A_745 = arith.constant 1 : i32
    %dma_wait3A_746 = arith.constant 128 : i32
    %dma_wait3A_747 = arith.constant 0 : i32
    %dma_wait3A_748 = tpu.memref_slice %arg17[%dma_wait3A_746, %dma_wait3A_747] : memref<256x128xf32, #tpu.memory_space<vmem>> -> memref<128x128xf32, #tpu.memory_space<vmem>>
    %dma_wait3A_749 = arith.constant 0 : i32
    %dma_wait3A_750 = tpu.memref_slice %arg12[%dma_wait3A_745, %dma_wait3A_749] : memref<2x128xi32, #tpu.memory_space<vmem>> -> memref<1x128xi32, #tpu.memory_space<vmem>>
    %dma_wait3A_751 = tpu.memref_squeeze %dma_wait3A_750 : memref<1x128xi32, #tpu.memory_space<vmem>> -> memref<128xi32, #tpu.memory_space<vmem>>
    %dma_wait3A_752 = arith.constant 0 : i32
    %dma_wait3A_753 = arith.constant 0 : i32
    %dma_wait3A_754 = tpu.memref_slice %arg6[%dma_wait3A_752, %dma_wait3A_753] : memref<25000x128xf32, #tpu.memory_space<hbm>> -> memref<25000x128xf32, #tpu.memory_space<hbm>>
    tpu.wait_indirect_dma semaphore(%arg22 : memref<!tpu.dma_semaphore, #tpu.memory_space<semaphore_mem>>) src(%dma_wait3A_754 : memref<25000x128xf32, #tpu.memory_space<hbm>>) dst(%dma_wait3A_748 : memref<128x128xf32, #tpu.memory_space<vmem>>)
    %scan3A_755 = arith.constant 0 : i32
    %scan3A_756 = arith.constant 0 : i32
    %scan3A_757 = arith.constant 16 : i32
    %scan3A_758 = arith.addi %scan3A_756, %scan3A_757 : i32
    %scan3A_759 = arith.constant 1 : i32
    scf.for %scan3A_761 = %scan3A_756 to %scan3A_758 step %scan3A_759  : i32 {
      %mul3A_762 = arith.constant 16 : i32
      %mul3A_763 = arith.muli %scan3A_761, %mul3A_762 : i32
      %add3A_764 = arith.constant 256 : i32
      %add3A_765 = arith.addi %add3A_764, %mul3A_763 : i32
      %add3A_766 = vector.broadcast %add3A_765 : i32 to vector<16xi32>
      %add3A_767 = arith.addi %add3A_766, %iota3A : vector<16xi32>
      %mul3A_768 = arith.constant 16 : i32
      %mul3A_769 = arith.muli %scan3A_761, %mul3A_768 : i32
      %add3A_770 = vector.broadcast %mul3A_769 : i32 to vector<16xi32>
      %add3A_771 = arith.addi %add3A_770, %iota3A : vector<16xi32>
      %gather3A = tpu.vector_load_idx %arg15[%add3A_767] : memref<512xi32, #tpu.memory_space<vmem>>[vector<16xi32>], vector<16xi32>,
      %mul3A_772 = arith.constant 32 : i32
      %mul3A_773 = vector.broadcast %mul3A_772 : i32 to vector<16xi32>
      %mul3A_774 = arith.muli %gather3A, %mul3A_773 : vector<16xi32>
      %gather3A_775 = tpu.vector_load_idx %arg13[%add3A_767] : memref<512xi32, #tpu.memory_space<vmem>>[vector<16xi32>], vector<16xi32>,
      %and3A = arith.constant 3 : i32
      %and3A_776 = vector.broadcast %and3A : i32 to vector<16xi32>
      %and3A_777 = arith.andi %gather3A_775, %and3A_776 : vector<16xi32>
      %mul3A_778 = arith.constant 32 : i32
      %mul3A_779 = vector.broadcast %mul3A_778 : i32 to vector<16xi32>
      %mul3A_780 = arith.muli %and3A_777, %mul3A_779 : vector<16xi32>
      %gather3A_781 = tpu.vector_load_idx %arg14[%add3A_767] : memref<512xi32, #tpu.memory_space<vmem>>[vector<16xi32>], vector<16xi32>,
      %and3A_782 = arith.constant 3 : i32
      %and3A_783 = vector.broadcast %and3A_782 : i32 to vector<16xi32>
      %and3A_784 = arith.andi %gather3A_781, %and3A_783 : vector<16xi32>
      %mul3A_785 = arith.constant 32 : i32
      %mul3A_786 = vector.broadcast %mul3A_785 : i32 to vector<16xi32>
      %mul3A_787 = arith.muli %and3A_784, %mul3A_786 : vector<16xi32>
      %broadcast_in_dim3A = arith.constant 0.000000e+00 : f32
      %broadcast_in_dim3A_788 = vector.broadcast %broadcast_in_dim3A : f32 to vector<16xf32>
      %broadcast_in_dim3A_789 = arith.constant 0.000000e+00 : f32
      %broadcast_in_dim3A_790 = vector.broadcast %broadcast_in_dim3A_789 : f32 to vector<16xf32>
      %add3A_791 = arith.constant 0 : i32
      %add3A_792 = vector.broadcast %add3A_791 : i32 to vector<16xi32>
      %add3A_793 = arith.addi %mul3A_780, %add3A_792 : vector<16xi32>
      %gather3A_794 = tpu.vector_load_idx %arg16[%add3A_771, %add3A_793] : memref<256x128xf32, #tpu.memory_space<vmem>>[vector<16xi32>, vector<16xi32>], vector<16xf32>,
      %add3A_795 = arith.constant 0 : i32
      %add3A_796 = vector.broadcast %add3A_795 : i32 to vector<16xi32>
      %add3A_797 = arith.addi %mul3A_787, %add3A_796 : vector<16xi32>
      %gather3A_798 = tpu.vector_load_idx %arg17[%add3A_771, %add3A_797] : memref<256x128xf32, #tpu.memory_space<vmem>>[vector<16xi32>, vector<16xi32>], vector<16xf32>,
      %add3A_799 = arith.constant 0 : i32
      %add3A_800 = vector.broadcast %add3A_799 : i32 to vector<16xi32>
      %add3A_801 = arith.addi %mul3A_774, %add3A_800 : vector<16xi32>
      %gather3A_802 = tpu.vector_load_idx %arg18[%add3A_801] : memref<672xf32, #tpu.memory_space<vmem>>[vector<16xi32>], vector<16xf32>,
      %add3A_803 = arith.addf %gather3A_798, %gather3A_802 : vector<16xf32>
      %mul3A_804 = arith.mulf %gather3A_794, %add3A_803 : vector<16xf32>
      %add3A_805 = arith.addf %broadcast_in_dim3A_788, %mul3A_804 : vector<16xf32>
      %add3A_806 = arith.addf %broadcast_in_dim3A_790, %gather3A_798 : vector<16xf32>
      %add3A_807 = arith.constant 1 : i32
      %add3A_808 = vector.broadcast %add3A_807 : i32 to vector<16xi32>
      %add3A_809 = arith.addi %mul3A_780, %add3A_808 : vector<16xi32>
      %gather3A_810 = tpu.vector_load_idx %arg16[%add3A_771, %add3A_809] : memref<256x128xf32, #tpu.memory_space<vmem>>[vector<16xi32>, vector<16xi32>], vector<16xf32>,
      %add3A_811 = arith.constant 1 : i32
      %add3A_812 = vector.broadcast %add3A_811 : i32 to vector<16xi32>
      %add3A_813 = arith.addi %mul3A_787, %add3A_812 : vector<16xi32>
      %gather3A_814 = tpu.vector_load_idx %arg17[%add3A_771, %add3A_813] : memref<256x128xf32, #tpu.memory_space<vmem>>[vector<16xi32>, vector<16xi32>], vector<16xf32>,
      %add3A_815 = arith.constant 1 : i32
      %add3A_816 = vector.broadcast %add3A_815 : i32 to vector<16xi32>
      %add3A_817 = arith.addi %mul3A_774, %add3A_816 : vector<16xi32>
      %gather3A_818 = tpu.vector_load_idx %arg18[%add3A_817] : memref<672xf32, #tpu.memory_space<vmem>>[vector<16xi32>], vector<16xf32>,
      %add3A_819 = arith.addf %gather3A_814, %gather3A_818 : vector<16xf32>
      %mul3A_820 = arith.mulf %gather3A_810, %add3A_819 : vector<16xf32>
      %add3A_821 = arith.addf %add3A_805, %mul3A_820 : vector<16xf32>
      %add3A_822 = arith.addf %add3A_806, %gather3A_814 : vector<16xf32>
      %add3A_823 = arith.constant 2 : i32
      %add3A_824 = vector.broadcast %add3A_823 : i32 to vector<16xi32>
      %add3A_825 = arith.addi %mul3A_780, %add3A_824 : vector<16xi32>
      %gather3A_826 = tpu.vector_load_idx %arg16[%add3A_771, %add3A_825] : memref<256x128xf32, #tpu.memory_space<vmem>>[vector<16xi32>, vector<16xi32>], vector<16xf32>,
      %add3A_827 = arith.constant 2 : i32
      %add3A_828 = vector.broadcast %add3A_827 : i32 to vector<16xi32>
      %add3A_829 = arith.addi %mul3A_787, %add3A_828 : vector<16xi32>
      %gather3A_830 = tpu.vector_load_idx %arg17[%add3A_771, %add3A_829] : memref<256x128xf32, #tpu.memory_space<vmem>>[vector<16xi32>, vector<16xi32>], vector<16xf32>,
      %add3A_831 = arith.constant 2 : i32
      %add3A_832 = vector.broadcast %add3A_831 : i32 to vector<16xi32>
      %add3A_833 = arith.addi %mul3A_774, %add3A_832 : vector<16xi32>
      %gather3A_834 = tpu.vector_load_idx %arg18[%add3A_833] : memref<672xf32, #tpu.memory_space<vmem>>[vector<16xi32>], vector<16xf32>,
      %add3A_835 = arith.addf %gather3A_830, %gather3A_834 : vector<16xf32>
      %mul3A_836 = arith.mulf %gather3A_826, %add3A_835 : vector<16xf32>
      %add3A_837 = arith.addf %add3A_821, %mul3A_836 : vector<16xf32>
      %add3A_838 = arith.addf %add3A_822, %gather3A_830 : vector<16xf32>
      %add3A_839 = arith.constant 3 : i32
      %add3A_840 = vector.broadcast %add3A_839 : i32 to vector<16xi32>
      %add3A_841 = arith.addi %mul3A_780, %add3A_840 : vector<16xi32>
      %gather3A_842 = tpu.vector_load_idx %arg16[%add3A_771, %add3A_841] : memref<256x128xf32, #tpu.memory_space<vmem>>[vector<16xi32>, vector<16xi32>], vector<16xf32>,
      %add3A_843 = arith.constant 3 : i32
      %add3A_844 = vector.broadcast %add3A_843 : i32 to vector<16xi32>
      %add3A_845 = arith.addi %mul3A_787, %add3A_844 : vector<16xi32>
      %gather3A_846 = tpu.vector_load_idx %arg17[%add3A_771, %add3A_845] : memref<256x128xf32, #tpu.memory_space<vmem>>[vector<16xi32>, vector<16xi32>], vector<16xf32>,
      %add3A_847 = arith.constant 3 : i32
      %add3A_848 = vector.broadcast %add3A_847 : i32 to vector<16xi32>
      %add3A_849 = arith.addi %mul3A_774, %add3A_848 : vector<16xi32>
      %gather3A_850 = tpu.vector_load_idx %arg18[%add3A_849] : memref<672xf32, #tpu.memory_space<vmem>>[vector<16xi32>], vector<16xf32>,
      %add3A_851 = arith.addf %gather3A_846, %gather3A_850 : vector<16xf32>
      %mul3A_852 = arith.mulf %gather3A_842, %add3A_851 : vector<16xf32>
      %add3A_853 = arith.addf %add3A_837, %mul3A_852 : vector<16xf32>
      %add3A_854 = arith.addf %add3A_838, %gather3A_846 : vector<16xf32>
      %add3A_855 = arith.constant 4 : i32
      %add3A_856 = vector.broadcast %add3A_855 : i32 to vector<16xi32>
      %add3A_857 = arith.addi %mul3A_780, %add3A_856 : vector<16xi32>
      %gather3A_858 = tpu.vector_load_idx %arg16[%add3A_771, %add3A_857] : memref<256x128xf32, #tpu.memory_space<vmem>>[vector<16xi32>, vector<16xi32>], vector<16xf32>,
      %add3A_859 = arith.constant 4 : i32
      %add3A_860 = vector.broadcast %add3A_859 : i32 to vector<16xi32>
      %add3A_861 = arith.addi %mul3A_787, %add3A_860 : vector<16xi32>
      %gather3A_862 = tpu.vector_load_idx %arg17[%add3A_771, %add3A_861] : memref<256x128xf32, #tpu.memory_space<vmem>>[vector<16xi32>, vector<16xi32>], vector<16xf32>,
      %add3A_863 = arith.constant 4 : i32
      %add3A_864 = vector.broadcast %add3A_863 : i32 to vector<16xi32>
      %add3A_865 = arith.addi %mul3A_774, %add3A_864 : vector<16xi32>
      %gather3A_866 = tpu.vector_load_idx %arg18[%add3A_865] : memref<672xf32, #tpu.memory_space<vmem>>[vector<16xi32>], vector<16xf32>,
      %add3A_867 = arith.addf %gather3A_862, %gather3A_866 : vector<16xf32>
      %mul3A_868 = arith.mulf %gather3A_858, %add3A_867 : vector<16xf32>
      %add3A_869 = arith.addf %add3A_853, %mul3A_868 : vector<16xf32>
      %add3A_870 = arith.addf %add3A_854, %gather3A_862 : vector<16xf32>
      %add3A_871 = arith.constant 5 : i32
      %add3A_872 = vector.broadcast %add3A_871 : i32 to vector<16xi32>
      %add3A_873 = arith.addi %mul3A_780, %add3A_872 : vector<16xi32>
      %gather3A_874 = tpu.vector_load_idx %arg16[%add3A_771, %add3A_873] : memref<256x128xf32, #tpu.memory_space<vmem>>[vector<16xi32>, vector<16xi32>], vector<16xf32>,
      %add3A_875 = arith.constant 5 : i32
      %add3A_876 = vector.broadcast %add3A_875 : i32 to vector<16xi32>
      %add3A_877 = arith.addi %mul3A_787, %add3A_876 : vector<16xi32>
      %gather3A_878 = tpu.vector_load_idx %arg17[%add3A_771, %add3A_877] : memref<256x128xf32, #tpu.memory_space<vmem>>[vector<16xi32>, vector<16xi32>], vector<16xf32>,
      %add3A_879 = arith.constant 5 : i32
      %add3A_880 = vector.broadcast %add3A_879 : i32 to vector<16xi32>
      %add3A_881 = arith.addi %mul3A_774, %add3A_880 : vector<16xi32>
      %gather3A_882 = tpu.vector_load_idx %arg18[%add3A_881] : memref<672xf32, #tpu.memory_space<vmem>>[vector<16xi32>], vector<16xf32>,
      %add3A_883 = arith.addf %gather3A_878, %gather3A_882 : vector<16xf32>
      %mul3A_884 = arith.mulf %gather3A_874, %add3A_883 : vector<16xf32>
      %add3A_885 = arith.addf %add3A_869, %mul3A_884 : vector<16xf32>
      %add3A_886 = arith.addf %add3A_870, %gather3A_878 : vector<16xf32>
      %add3A_887 = arith.constant 6 : i32
      %add3A_888 = vector.broadcast %add3A_887 : i32 to vector<16xi32>
      %add3A_889 = arith.addi %mul3A_780, %add3A_888 : vector<16xi32>
      %gather3A_890 = tpu.vector_load_idx %arg16[%add3A_771, %add3A_889] : memref<256x128xf32, #tpu.memory_space<vmem>>[vector<16xi32>, vector<16xi32>], vector<16xf32>,
      %add3A_891 = arith.constant 6 : i32
      %add3A_892 = vector.broadcast %add3A_891 : i32 to vector<16xi32>
      %add3A_893 = arith.addi %mul3A_787, %add3A_892 : vector<16xi32>
      %gather3A_894 = tpu.vector_load_idx %arg17[%add3A_771, %add3A_893] : memref<256x128xf32, #tpu.memory_space<vmem>>[vector<16xi32>, vector<16xi32>], vector<16xf32>,
      %add3A_895 = arith.constant 6 : i32
      %add3A_896 = vector.broadcast %add3A_895 : i32 to vector<16xi32>
      %add3A_897 = arith.addi %mul3A_774, %add3A_896 : vector<16xi32>
      %gather3A_898 = tpu.vector_load_idx %arg18[%add3A_897] : memref<672xf32, #tpu.memory_space<vmem>>[vector<16xi32>], vector<16xf32>,
      %add3A_899 = arith.addf %gather3A_894, %gather3A_898 : vector<16xf32>
      %mul3A_900 = arith.mulf %gather3A_890, %add3A_899 : vector<16xf32>
      %add3A_901 = arith.addf %add3A_885, %mul3A_900 : vector<16xf32>
      %add3A_902 = arith.addf %add3A_886, %gather3A_894 : vector<16xf32>
      %add3A_903 = arith.constant 7 : i32
      %add3A_904 = vector.broadcast %add3A_903 : i32 to vector<16xi32>
      %add3A_905 = arith.addi %mul3A_780, %add3A_904 : vector<16xi32>
      %gather3A_906 = tpu.vector_load_idx %arg16[%add3A_771, %add3A_905] : memref<256x128xf32, #tpu.memory_space<vmem>>[vector<16xi32>, vector<16xi32>], vector<16xf32>,
      %add3A_907 = arith.constant 7 : i32
      %add3A_908 = vector.broadcast %add3A_907 : i32 to vector<16xi32>
      %add3A_909 = arith.addi %mul3A_787, %add3A_908 : vector<16xi32>
      %gather3A_910 = tpu.vector_load_idx %arg17[%add3A_771, %add3A_909] : memref<256x128xf32, #tpu.memory_space<vmem>>[vector<16xi32>, vector<16xi32>], vector<16xf32>,
      %add3A_911 = arith.constant 7 : i32
      %add3A_912 = vector.broadcast %add3A_911 : i32 to vector<16xi32>
      %add3A_913 = arith.addi %mul3A_774, %add3A_912 : vector<16xi32>
      %gather3A_914 = tpu.vector_load_idx %arg18[%add3A_913] : memref<672xf32, #tpu.memory_space<vmem>>[vector<16xi32>], vector<16xf32>,
      %add3A_915 = arith.addf %gather3A_910, %gather3A_914 : vector<16xf32>
      %mul3A_916 = arith.mulf %gather3A_906, %add3A_915 : vector<16xf32>
      %add3A_917 = arith.addf %add3A_901, %mul3A_916 : vector<16xf32>
      %add3A_918 = arith.addf %add3A_902, %gather3A_910 : vector<16xf32>
      %add3A_919 = arith.constant 8 : i32
      %add3A_920 = vector.broadcast %add3A_919 : i32 to vector<16xi32>
      %add3A_921 = arith.addi %mul3A_780, %add3A_920 : vector<16xi32>
      %gather3A_922 = tpu.vector_load_idx %arg16[%add3A_771, %add3A_921] : memref<256x128xf32, #tpu.memory_space<vmem>>[vector<16xi32>, vector<16xi32>], vector<16xf32>,
      %add3A_923 = arith.constant 8 : i32
      %add3A_924 = vector.broadcast %add3A_923 : i32 to vector<16xi32>
      %add3A_925 = arith.addi %mul3A_787, %add3A_924 : vector<16xi32>
      %gather3A_926 = tpu.vector_load_idx %arg17[%add3A_771, %add3A_925] : memref<256x128xf32, #tpu.memory_space<vmem>>[vector<16xi32>, vector<16xi32>], vector<16xf32>,
      %add3A_927 = arith.constant 8 : i32
      %add3A_928 = vector.broadcast %add3A_927 : i32 to vector<16xi32>
      %add3A_929 = arith.addi %mul3A_774, %add3A_928 : vector<16xi32>
      %gather3A_930 = tpu.vector_load_idx %arg18[%add3A_929] : memref<672xf32, #tpu.memory_space<vmem>>[vector<16xi32>], vector<16xf32>,
      %add3A_931 = arith.addf %gather3A_926, %gather3A_930 : vector<16xf32>
      %mul3A_932 = arith.mulf %gather3A_922, %add3A_931 : vector<16xf32>
      %add3A_933 = arith.addf %add3A_917, %mul3A_932 : vector<16xf32>
      %add3A_934 = arith.addf %add3A_918, %gather3A_926 : vector<16xf32>
      %add3A_935 = arith.constant 9 : i32
      %add3A_936 = vector.broadcast %add3A_935 : i32 to vector<16xi32>
      %add3A_937 = arith.addi %mul3A_780, %add3A_936 : vector<16xi32>
      %gather3A_938 = tpu.vector_load_idx %arg16[%add3A_771, %add3A_937] : memref<256x128xf32, #tpu.memory_space<vmem>>[vector<16xi32>, vector<16xi32>], vector<16xf32>,
      %add3A_939 = arith.constant 9 : i32
      %add3A_940 = vector.broadcast %add3A_939 : i32 to vector<16xi32>
      %add3A_941 = arith.addi %mul3A_787, %add3A_940 : vector<16xi32>
      %gather3A_942 = tpu.vector_load_idx %arg17[%add3A_771, %add3A_941] : memref<256x128xf32, #tpu.memory_space<vmem>>[vector<16xi32>, vector<16xi32>], vector<16xf32>,
      %add3A_943 = arith.constant 9 : i32
      %add3A_944 = vector.broadcast %add3A_943 : i32 to vector<16xi32>
      %add3A_945 = arith.addi %mul3A_774, %add3A_944 : vector<16xi32>
      %gather3A_946 = tpu.vector_load_idx %arg18[%add3A_945] : memref<672xf32, #tpu.memory_space<vmem>>[vector<16xi32>], vector<16xf32>,
      %add3A_947 = arith.addf %gather3A_942, %gather3A_946 : vector<16xf32>
      %mul3A_948 = arith.mulf %gather3A_938, %add3A_947 : vector<16xf32>
      %add3A_949 = arith.addf %add3A_933, %mul3A_948 : vector<16xf32>
      %add3A_950 = arith.addf %add3A_934, %gather3A_942 : vector<16xf32>
      %add3A_951 = arith.constant 10 : i32
      %add3A_952 = vector.broadcast %add3A_951 : i32 to vector<16xi32>
      %add3A_953 = arith.addi %mul3A_780, %add3A_952 : vector<16xi32>
      %gather3A_954 = tpu.vector_load_idx %arg16[%add3A_771, %add3A_953] : memref<256x128xf32, #tpu.memory_space<vmem>>[vector<16xi32>, vector<16xi32>], vector<16xf32>,
      %add3A_955 = arith.constant 10 : i32
      %add3A_956 = vector.broadcast %add3A_955 : i32 to vector<16xi32>
      %add3A_957 = arith.addi %mul3A_787, %add3A_956 : vector<16xi32>
      %gather3A_958 = tpu.vector_load_idx %arg17[%add3A_771, %add3A_957] : memref<256x128xf32, #tpu.memory_space<vmem>>[vector<16xi32>, vector<16xi32>], vector<16xf32>,
      %add3A_959 = arith.constant 10 : i32
      %add3A_960 = vector.broadcast %add3A_959 : i32 to vector<16xi32>
      %add3A_961 = arith.addi %mul3A_774, %add3A_960 : vector<16xi32>
      %gather3A_962 = tpu.vector_load_idx %arg18[%add3A_961] : memref<672xf32, #tpu.memory_space<vmem>>[vector<16xi32>], vector<16xf32>,
      %add3A_963 = arith.addf %gather3A_958, %gather3A_962 : vector<16xf32>
      %mul3A_964 = arith.mulf %gather3A_954, %add3A_963 : vector<16xf32>
      %add3A_965 = arith.addf %add3A_949, %mul3A_964 : vector<16xf32>
      %add3A_966 = arith.addf %add3A_950, %gather3A_958 : vector<16xf32>
      %add3A_967 = arith.constant 11 : i32
      %add3A_968 = vector.broadcast %add3A_967 : i32 to vector<16xi32>
      %add3A_969 = arith.addi %mul3A_780, %add3A_968 : vector<16xi32>
      %gather3A_970 = tpu.vector_load_idx %arg16[%add3A_771, %add3A_969] : memref<256x128xf32, #tpu.memory_space<vmem>>[vector<16xi32>, vector<16xi32>], vector<16xf32>,
      %add3A_971 = arith.constant 11 : i32
      %add3A_972 = vector.broadcast %add3A_971 : i32 to vector<16xi32>
      %add3A_973 = arith.addi %mul3A_787, %add3A_972 : vector<16xi32>
      %gather3A_974 = tpu.vector_load_idx %arg17[%add3A_771, %add3A_973] : memref<256x128xf32, #tpu.memory_space<vmem>>[vector<16xi32>, vector<16xi32>], vector<16xf32>,
      %add3A_975 = arith.constant 11 : i32
      %add3A_976 = vector.broadcast %add3A_975 : i32 to vector<16xi32>
      %add3A_977 = arith.addi %mul3A_774, %add3A_976 : vector<16xi32>
      %gather3A_978 = tpu.vector_load_idx %arg18[%add3A_977] : memref<672xf32, #tpu.memory_space<vmem>>[vector<16xi32>], vector<16xf32>,
      %add3A_979 = arith.addf %gather3A_974, %gather3A_978 : vector<16xf32>
      %mul3A_980 = arith.mulf %gather3A_970, %add3A_979 : vector<16xf32>
      %add3A_981 = arith.addf %add3A_965, %mul3A_980 : vector<16xf32>
      %add3A_982 = arith.addf %add3A_966, %gather3A_974 : vector<16xf32>
      %add3A_983 = arith.constant 12 : i32
      %add3A_984 = vector.broadcast %add3A_983 : i32 to vector<16xi32>
      %add3A_985 = arith.addi %mul3A_780, %add3A_984 : vector<16xi32>
      %gather3A_986 = tpu.vector_load_idx %arg16[%add3A_771, %add3A_985] : memref<256x128xf32, #tpu.memory_space<vmem>>[vector<16xi32>, vector<16xi32>], vector<16xf32>,
      %add3A_987 = arith.constant 12 : i32
      %add3A_988 = vector.broadcast %add3A_987 : i32 to vector<16xi32>
      %add3A_989 = arith.addi %mul3A_787, %add3A_988 : vector<16xi32>
      %gather3A_990 = tpu.vector_load_idx %arg17[%add3A_771, %add3A_989] : memref<256x128xf32, #tpu.memory_space<vmem>>[vector<16xi32>, vector<16xi32>], vector<16xf32>,
      %add3A_991 = arith.constant 12 : i32
      %add3A_992 = vector.broadcast %add3A_991 : i32 to vector<16xi32>
      %add3A_993 = arith.addi %mul3A_774, %add3A_992 : vector<16xi32>
      %gather3A_994 = tpu.vector_load_idx %arg18[%add3A_993] : memref<672xf32, #tpu.memory_space<vmem>>[vector<16xi32>], vector<16xf32>,
      %add3A_995 = arith.addf %gather3A_990, %gather3A_994 : vector<16xf32>
      %mul3A_996 = arith.mulf %gather3A_986, %add3A_995 : vector<16xf32>
      %add3A_997 = arith.addf %add3A_981, %mul3A_996 : vector<16xf32>
      %add3A_998 = arith.addf %add3A_982, %gather3A_990 : vector<16xf32>
      %add3A_999 = arith.constant 13 : i32
      %add3A_1000 = vector.broadcast %add3A_999 : i32 to vector<16xi32>
      %add3A_1001 = arith.addi %mul3A_780, %add3A_1000 : vector<16xi32>
      %gather3A_1002 = tpu.vector_load_idx %arg16[%add3A_771, %add3A_1001] : memref<256x128xf32, #tpu.memory_space<vmem>>[vector<16xi32>, vector<16xi32>], vector<16xf32>,
      %add3A_1003 = arith.constant 13 : i32
      %add3A_1004 = vector.broadcast %add3A_1003 : i32 to vector<16xi32>
      %add3A_1005 = arith.addi %mul3A_787, %add3A_1004 : vector<16xi32>
      %gather3A_1006 = tpu.vector_load_idx %arg17[%add3A_771, %add3A_1005] : memref<256x128xf32, #tpu.memory_space<vmem>>[vector<16xi32>, vector<16xi32>], vector<16xf32>,
      %add3A_1007 = arith.constant 13 : i32
      %add3A_1008 = vector.broadcast %add3A_1007 : i32 to vector<16xi32>
      %add3A_1009 = arith.addi %mul3A_774, %add3A_1008 : vector<16xi32>
      %gather3A_1010 = tpu.vector_load_idx %arg18[%add3A_1009] : memref<672xf32, #tpu.memory_space<vmem>>[vector<16xi32>], vector<16xf32>,
      %add3A_1011 = arith.addf %gather3A_1006, %gather3A_1010 : vector<16xf32>
      %mul3A_1012 = arith.mulf %gather3A_1002, %add3A_1011 : vector<16xf32>
      %add3A_1013 = arith.addf %add3A_997, %mul3A_1012 : vector<16xf32>
      %add3A_1014 = arith.addf %add3A_998, %gather3A_1006 : vector<16xf32>
      %add3A_1015 = arith.constant 14 : i32
      %add3A_1016 = vector.broadcast %add3A_1015 : i32 to vector<16xi32>
      %add3A_1017 = arith.addi %mul3A_780, %add3A_1016 : vector<16xi32>
      %gather3A_1018 = tpu.vector_load_idx %arg16[%add3A_771, %add3A_1017] : memref<256x128xf32, #tpu.memory_space<vmem>>[vector<16xi32>, vector<16xi32>], vector<16xf32>,
      %add3A_1019 = arith.constant 14 : i32
      %add3A_1020 = vector.broadcast %add3A_1019 : i32 to vector<16xi32>
      %add3A_1021 = arith.addi %mul3A_787, %add3A_1020 : vector<16xi32>
      %gather3A_1022 = tpu.vector_load_idx %arg17[%add3A_771, %add3A_1021] : memref<256x128xf32, #tpu.memory_space<vmem>>[vector<16xi32>, vector<16xi32>], vector<16xf32>,
      %add3A_1023 = arith.constant 14 : i32
      %add3A_1024 = vector.broadcast %add3A_1023 : i32 to vector<16xi32>
      %add3A_1025 = arith.addi %mul3A_774, %add3A_1024 : vector<16xi32>
      %gather3A_1026 = tpu.vector_load_idx %arg18[%add3A_1025] : memref<672xf32, #tpu.memory_space<vmem>>[vector<16xi32>], vector<16xf32>,
      %add3A_1027 = arith.addf %gather3A_1022, %gather3A_1026 : vector<16xf32>
      %mul3A_1028 = arith.mulf %gather3A_1018, %add3A_1027 : vector<16xf32>
      %add3A_1029 = arith.addf %add3A_1013, %mul3A_1028 : vector<16xf32>
      %add3A_1030 = arith.addf %add3A_1014, %gather3A_1022 : vector<16xf32>
      %add3A_1031 = arith.constant 15 : i32
      %add3A_1032 = vector.broadcast %add3A_1031 : i32 to vector<16xi32>
      %add3A_1033 = arith.addi %mul3A_780, %add3A_1032 : vector<16xi32>
      %gather3A_1034 = tpu.vector_load_idx %arg16[%add3A_771, %add3A_1033] : memref<256x128xf32, #tpu.memory_space<vmem>>[vector<16xi32>, vector<16xi32>], vector<16xf32>,
      %add3A_1035 = arith.constant 15 : i32
      %add3A_1036 = vector.broadcast %add3A_1035 : i32 to vector<16xi32>
      %add3A_1037 = arith.addi %mul3A_787, %add3A_1036 : vector<16xi32>
      %gather3A_1038 = tpu.vector_load_idx %arg17[%add3A_771, %add3A_1037] : memref<256x128xf32, #tpu.memory_space<vmem>>[vector<16xi32>, vector<16xi32>], vector<16xf32>,
      %add3A_1039 = arith.constant 15 : i32
      %add3A_1040 = vector.broadcast %add3A_1039 : i32 to vector<16xi32>
      %add3A_1041 = arith.addi %mul3A_774, %add3A_1040 : vector<16xi32>
      %gather3A_1042 = tpu.vector_load_idx %arg18[%add3A_1041] : memref<672xf32, #tpu.memory_space<vmem>>[vector<16xi32>], vector<16xf32>,
      %add3A_1043 = arith.addf %gather3A_1038, %gather3A_1042 : vector<16xf32>
      %mul3A_1044 = arith.mulf %gather3A_1034, %add3A_1043 : vector<16xf32>
      %add3A_1045 = arith.addf %add3A_1029, %mul3A_1044 : vector<16xf32>
      %add3A_1046 = arith.addf %add3A_1030, %gather3A_1038 : vector<16xf32>
      %add3A_1047 = arith.constant 16 : i32
      %add3A_1048 = vector.broadcast %add3A_1047 : i32 to vector<16xi32>
      %add3A_1049 = arith.addi %mul3A_780, %add3A_1048 : vector<16xi32>
      %gather3A_1050 = tpu.vector_load_idx %arg16[%add3A_771, %add3A_1049] : memref<256x128xf32, #tpu.memory_space<vmem>>[vector<16xi32>, vector<16xi32>], vector<16xf32>,
      %add3A_1051 = arith.constant 16 : i32
      %add3A_1052 = vector.broadcast %add3A_1051 : i32 to vector<16xi32>
      %add3A_1053 = arith.addi %mul3A_787, %add3A_1052 : vector<16xi32>
      %gather3A_1054 = tpu.vector_load_idx %arg17[%add3A_771, %add3A_1053] : memref<256x128xf32, #tpu.memory_space<vmem>>[vector<16xi32>, vector<16xi32>], vector<16xf32>,
      %add3A_1055 = arith.constant 16 : i32
      %add3A_1056 = vector.broadcast %add3A_1055 : i32 to vector<16xi32>
      %add3A_1057 = arith.addi %mul3A_774, %add3A_1056 : vector<16xi32>
      %gather3A_1058 = tpu.vector_load_idx %arg18[%add3A_1057] : memref<672xf32, #tpu.memory_space<vmem>>[vector<16xi32>], vector<16xf32>,
      %add3A_1059 = arith.addf %gather3A_1054, %gather3A_1058 : vector<16xf32>
      %mul3A_1060 = arith.mulf %gather3A_1050, %add3A_1059 : vector<16xf32>
      %add3A_1061 = arith.addf %add3A_1045, %mul3A_1060 : vector<16xf32>
      %add3A_1062 = arith.addf %add3A_1046, %gather3A_1054 : vector<16xf32>
      %add3A_1063 = arith.constant 17 : i32
      %add3A_1064 = vector.broadcast %add3A_1063 : i32 to vector<16xi32>
      %add3A_1065 = arith.addi %mul3A_780, %add3A_1064 : vector<16xi32>
      %gather3A_1066 = tpu.vector_load_idx %arg16[%add3A_771, %add3A_1065] : memref<256x128xf32, #tpu.memory_space<vmem>>[vector<16xi32>, vector<16xi32>], vector<16xf32>,
      %add3A_1067 = arith.constant 17 : i32
      %add3A_1068 = vector.broadcast %add3A_1067 : i32 to vector<16xi32>
      %add3A_1069 = arith.addi %mul3A_787, %add3A_1068 : vector<16xi32>
      %gather3A_1070 = tpu.vector_load_idx %arg17[%add3A_771, %add3A_1069] : memref<256x128xf32, #tpu.memory_space<vmem>>[vector<16xi32>, vector<16xi32>], vector<16xf32>,
      %add3A_1071 = arith.constant 17 : i32
      %add3A_1072 = vector.broadcast %add3A_1071 : i32 to vector<16xi32>
      %add3A_1073 = arith.addi %mul3A_774, %add3A_1072 : vector<16xi32>
      %gather3A_1074 = tpu.vector_load_idx %arg18[%add3A_1073] : memref<672xf32, #tpu.memory_space<vmem>>[vector<16xi32>], vector<16xf32>,
      %add3A_1075 = arith.addf %gather3A_1070, %gather3A_1074 : vector<16xf32>
      %mul3A_1076 = arith.mulf %gather3A_1066, %add3A_1075 : vector<16xf32>
      %add3A_1077 = arith.addf %add3A_1061, %mul3A_1076 : vector<16xf32>
      %add3A_1078 = arith.addf %add3A_1062, %gather3A_1070 : vector<16xf32>
      %add3A_1079 = arith.constant 18 : i32
      %add3A_1080 = vector.broadcast %add3A_1079 : i32 to vector<16xi32>
      %add3A_1081 = arith.addi %mul3A_780, %add3A_1080 : vector<16xi32>
      %gather3A_1082 = tpu.vector_load_idx %arg16[%add3A_771, %add3A_1081] : memref<256x128xf32, #tpu.memory_space<vmem>>[vector<16xi32>, vector<16xi32>], vector<16xf32>,
      %add3A_1083 = arith.constant 18 : i32
      %add3A_1084 = vector.broadcast %add3A_1083 : i32 to vector<16xi32>
      %add3A_1085 = arith.addi %mul3A_787, %add3A_1084 : vector<16xi32>
      %gather3A_1086 = tpu.vector_load_idx %arg17[%add3A_771, %add3A_1085] : memref<256x128xf32, #tpu.memory_space<vmem>>[vector<16xi32>, vector<16xi32>], vector<16xf32>,
      %add3A_1087 = arith.constant 18 : i32
      %add3A_1088 = vector.broadcast %add3A_1087 : i32 to vector<16xi32>
      %add3A_1089 = arith.addi %mul3A_774, %add3A_1088 : vector<16xi32>
      %gather3A_1090 = tpu.vector_load_idx %arg18[%add3A_1089] : memref<672xf32, #tpu.memory_space<vmem>>[vector<16xi32>], vector<16xf32>,
      %add3A_1091 = arith.addf %gather3A_1086, %gather3A_1090 : vector<16xf32>
      %mul3A_1092 = arith.mulf %gather3A_1082, %add3A_1091 : vector<16xf32>
      %add3A_1093 = arith.addf %add3A_1077, %mul3A_1092 : vector<16xf32>
      %add3A_1094 = arith.addf %add3A_1078, %gather3A_1086 : vector<16xf32>
      %add3A_1095 = arith.constant 19 : i32
      %add3A_1096 = vector.broadcast %add3A_1095 : i32 to vector<16xi32>
      %add3A_1097 = arith.addi %mul3A_780, %add3A_1096 : vector<16xi32>
      %gather3A_1098 = tpu.vector_load_idx %arg16[%add3A_771, %add3A_1097] : memref<256x128xf32, #tpu.memory_space<vmem>>[vector<16xi32>, vector<16xi32>], vector<16xf32>,
      %add3A_1099 = arith.constant 19 : i32
      %add3A_1100 = vector.broadcast %add3A_1099 : i32 to vector<16xi32>
      %add3A_1101 = arith.addi %mul3A_787, %add3A_1100 : vector<16xi32>
      %gather3A_1102 = tpu.vector_load_idx %arg17[%add3A_771, %add3A_1101] : memref<256x128xf32, #tpu.memory_space<vmem>>[vector<16xi32>, vector<16xi32>], vector<16xf32>,
      %add3A_1103 = arith.constant 19 : i32
      %add3A_1104 = vector.broadcast %add3A_1103 : i32 to vector<16xi32>
      %add3A_1105 = arith.addi %mul3A_774, %add3A_1104 : vector<16xi32>
      %gather3A_1106 = tpu.vector_load_idx %arg18[%add3A_1105] : memref<672xf32, #tpu.memory_space<vmem>>[vector<16xi32>], vector<16xf32>,
      %add3A_1107 = arith.addf %gather3A_1102, %gather3A_1106 : vector<16xf32>
      %mul3A_1108 = arith.mulf %gather3A_1098, %add3A_1107 : vector<16xf32>
      %add3A_1109 = arith.addf %add3A_1093, %mul3A_1108 : vector<16xf32>
      %add3A_1110 = arith.addf %add3A_1094, %gather3A_1102 : vector<16xf32>
      %add3A_1111 = arith.constant 20 : i32
      %add3A_1112 = vector.broadcast %add3A_1111 : i32 to vector<16xi32>
      %add3A_1113 = arith.addi %mul3A_780, %add3A_1112 : vector<16xi32>
      %gather3A_1114 = tpu.vector_load_idx %arg16[%add3A_771, %add3A_1113] : memref<256x128xf32, #tpu.memory_space<vmem>>[vector<16xi32>, vector<16xi32>], vector<16xf32>,
      %add3A_1115 = arith.constant 20 : i32
      %add3A_1116 = vector.broadcast %add3A_1115 : i32 to vector<16xi32>
      %add3A_1117 = arith.addi %mul3A_787, %add3A_1116 : vector<16xi32>
      %gather3A_1118 = tpu.vector_load_idx %arg17[%add3A_771, %add3A_1117] : memref<256x128xf32, #tpu.memory_space<vmem>>[vector<16xi32>, vector<16xi32>], vector<16xf32>,
      %add3A_1119 = arith.constant 20 : i32
      %add3A_1120 = vector.broadcast %add3A_1119 : i32 to vector<16xi32>
      %add3A_1121 = arith.addi %mul3A_774, %add3A_1120 : vector<16xi32>
      %gather3A_1122 = tpu.vector_load_idx %arg18[%add3A_1121] : memref<672xf32, #tpu.memory_space<vmem>>[vector<16xi32>], vector<16xf32>,
      %add3A_1123 = arith.addf %gather3A_1118, %gather3A_1122 : vector<16xf32>
      %mul3A_1124 = arith.mulf %gather3A_1114, %add3A_1123 : vector<16xf32>
      %add3A_1125 = arith.addf %add3A_1109, %mul3A_1124 : vector<16xf32>
      %add3A_1126 = arith.addf %add3A_1110, %gather3A_1118 : vector<16xf32>
      %add3A_1127 = arith.constant 21 : i32
      %add3A_1128 = vector.broadcast %add3A_1127 : i32 to vector<16xi32>
      %add3A_1129 = arith.addi %mul3A_780, %add3A_1128 : vector<16xi32>
      %gather3A_1130 = tpu.vector_load_idx %arg16[%add3A_771, %add3A_1129] : memref<256x128xf32, #tpu.memory_space<vmem>>[vector<16xi32>, vector<16xi32>], vector<16xf32>,
      %add3A_1131 = arith.constant 21 : i32
      %add3A_1132 = vector.broadcast %add3A_1131 : i32 to vector<16xi32>
      %add3A_1133 = arith.addi %mul3A_787, %add3A_1132 : vector<16xi32>
      %gather3A_1134 = tpu.vector_load_idx %arg17[%add3A_771, %add3A_1133] : memref<256x128xf32, #tpu.memory_space<vmem>>[vector<16xi32>, vector<16xi32>], vector<16xf32>,
      %add3A_1135 = arith.constant 21 : i32
      %add3A_1136 = vector.broadcast %add3A_1135 : i32 to vector<16xi32>
      %add3A_1137 = arith.addi %mul3A_774, %add3A_1136 : vector<16xi32>
      %gather3A_1138 = tpu.vector_load_idx %arg18[%add3A_1137] : memref<672xf32, #tpu.memory_space<vmem>>[vector<16xi32>], vector<16xf32>,
      %add3A_1139 = arith.addf %gather3A_1134, %gather3A_1138 : vector<16xf32>
      %mul3A_1140 = arith.mulf %gather3A_1130, %add3A_1139 : vector<16xf32>
      %add3A_1141 = arith.addf %add3A_1125, %mul3A_1140 : vector<16xf32>
      %add3A_1142 = arith.addf %add3A_1126, %gather3A_1134 : vector<16xf32>
      %add3A_1143 = arith.constant 22 : i32
      %add3A_1144 = vector.broadcast %add3A_1143 : i32 to vector<16xi32>
      %add3A_1145 = arith.addi %mul3A_780, %add3A_1144 : vector<16xi32>
      %gather3A_1146 = tpu.vector_load_idx %arg16[%add3A_771, %add3A_1145] : memref<256x128xf32, #tpu.memory_space<vmem>>[vector<16xi32>, vector<16xi32>], vector<16xf32>,
      %add3A_1147 = arith.constant 22 : i32
      %add3A_1148 = vector.broadcast %add3A_1147 : i32 to vector<16xi32>
      %add3A_1149 = arith.addi %mul3A_787, %add3A_1148 : vector<16xi32>
      %gather3A_1150 = tpu.vector_load_idx %arg17[%add3A_771, %add3A_1149] : memref<256x128xf32, #tpu.memory_space<vmem>>[vector<16xi32>, vector<16xi32>], vector<16xf32>,
      %add3A_1151 = arith.constant 22 : i32
      %add3A_1152 = vector.broadcast %add3A_1151 : i32 to vector<16xi32>
      %add3A_1153 = arith.addi %mul3A_774, %add3A_1152 : vector<16xi32>
      %gather3A_1154 = tpu.vector_load_idx %arg18[%add3A_1153] : memref<672xf32, #tpu.memory_space<vmem>>[vector<16xi32>], vector<16xf32>,
      %add3A_1155 = arith.addf %gather3A_1150, %gather3A_1154 : vector<16xf32>
      %mul3A_1156 = arith.mulf %gather3A_1146, %add3A_1155 : vector<16xf32>
      %add3A_1157 = arith.addf %add3A_1141, %mul3A_1156 : vector<16xf32>
      %add3A_1158 = arith.addf %add3A_1142, %gather3A_1150 : vector<16xf32>
      %add3A_1159 = arith.constant 23 : i32
      %add3A_1160 = vector.broadcast %add3A_1159 : i32 to vector<16xi32>
      %add3A_1161 = arith.addi %mul3A_780, %add3A_1160 : vector<16xi32>
      %gather3A_1162 = tpu.vector_load_idx %arg16[%add3A_771, %add3A_1161] : memref<256x128xf32, #tpu.memory_space<vmem>>[vector<16xi32>, vector<16xi32>], vector<16xf32>,
      %add3A_1163 = arith.constant 23 : i32
      %add3A_1164 = vector.broadcast %add3A_1163 : i32 to vector<16xi32>
      %add3A_1165 = arith.addi %mul3A_787, %add3A_1164 : vector<16xi32>
      %gather3A_1166 = tpu.vector_load_idx %arg17[%add3A_771, %add3A_1165] : memref<256x128xf32, #tpu.memory_space<vmem>>[vector<16xi32>, vector<16xi32>], vector<16xf32>,
      %add3A_1167 = arith.constant 23 : i32
      %add3A_1168 = vector.broadcast %add3A_1167 : i32 to vector<16xi32>
      %add3A_1169 = arith.addi %mul3A_774, %add3A_1168 : vector<16xi32>
      %gather3A_1170 = tpu.vector_load_idx %arg18[%add3A_1169] : memref<672xf32, #tpu.memory_space<vmem>>[vector<16xi32>], vector<16xf32>,
      %add3A_1171 = arith.addf %gather3A_1166, %gather3A_1170 : vector<16xf32>
      %mul3A_1172 = arith.mulf %gather3A_1162, %add3A_1171 : vector<16xf32>
      %add3A_1173 = arith.addf %add3A_1157, %mul3A_1172 : vector<16xf32>
      %add3A_1174 = arith.addf %add3A_1158, %gather3A_1166 : vector<16xf32>
      %add3A_1175 = arith.constant 24 : i32
      %add3A_1176 = vector.broadcast %add3A_1175 : i32 to vector<16xi32>
      %add3A_1177 = arith.addi %mul3A_780, %add3A_1176 : vector<16xi32>
      %gather3A_1178 = tpu.vector_load_idx %arg16[%add3A_771, %add3A_1177] : memref<256x128xf32, #tpu.memory_space<vmem>>[vector<16xi32>, vector<16xi32>], vector<16xf32>,
      %add3A_1179 = arith.constant 24 : i32
      %add3A_1180 = vector.broadcast %add3A_1179 : i32 to vector<16xi32>
      %add3A_1181 = arith.addi %mul3A_787, %add3A_1180 : vector<16xi32>
      %gather3A_1182 = tpu.vector_load_idx %arg17[%add3A_771, %add3A_1181] : memref<256x128xf32, #tpu.memory_space<vmem>>[vector<16xi32>, vector<16xi32>], vector<16xf32>,
      %add3A_1183 = arith.constant 24 : i32
      %add3A_1184 = vector.broadcast %add3A_1183 : i32 to vector<16xi32>
      %add3A_1185 = arith.addi %mul3A_774, %add3A_1184 : vector<16xi32>
      %gather3A_1186 = tpu.vector_load_idx %arg18[%add3A_1185] : memref<672xf32, #tpu.memory_space<vmem>>[vector<16xi32>], vector<16xf32>,
      %add3A_1187 = arith.addf %gather3A_1182, %gather3A_1186 : vector<16xf32>
      %mul3A_1188 = arith.mulf %gather3A_1178, %add3A_1187 : vector<16xf32>
      %add3A_1189 = arith.addf %add3A_1173, %mul3A_1188 : vector<16xf32>
      %add3A_1190 = arith.addf %add3A_1174, %gather3A_1182 : vector<16xf32>
      %add3A_1191 = arith.constant 25 : i32
      %add3A_1192 = vector.broadcast %add3A_1191 : i32 to vector<16xi32>
      %add3A_1193 = arith.addi %mul3A_780, %add3A_1192 : vector<16xi32>
      %gather3A_1194 = tpu.vector_load_idx %arg16[%add3A_771, %add3A_1193] : memref<256x128xf32, #tpu.memory_space<vmem>>[vector<16xi32>, vector<16xi32>], vector<16xf32>,
      %add3A_1195 = arith.constant 25 : i32
      %add3A_1196 = vector.broadcast %add3A_1195 : i32 to vector<16xi32>
      %add3A_1197 = arith.addi %mul3A_787, %add3A_1196 : vector<16xi32>
      %gather3A_1198 = tpu.vector_load_idx %arg17[%add3A_771, %add3A_1197] : memref<256x128xf32, #tpu.memory_space<vmem>>[vector<16xi32>, vector<16xi32>], vector<16xf32>,
      %add3A_1199 = arith.constant 25 : i32
      %add3A_1200 = vector.broadcast %add3A_1199 : i32 to vector<16xi32>
      %add3A_1201 = arith.addi %mul3A_774, %add3A_1200 : vector<16xi32>
      %gather3A_1202 = tpu.vector_load_idx %arg18[%add3A_1201] : memref<672xf32, #tpu.memory_space<vmem>>[vector<16xi32>], vector<16xf32>,
      %add3A_1203 = arith.addf %gather3A_1198, %gather3A_1202 : vector<16xf32>
      %mul3A_1204 = arith.mulf %gather3A_1194, %add3A_1203 : vector<16xf32>
      %add3A_1205 = arith.addf %add3A_1189, %mul3A_1204 : vector<16xf32>
      %add3A_1206 = arith.addf %add3A_1190, %gather3A_1198 : vector<16xf32>
      %add3A_1207 = arith.constant 26 : i32
      %add3A_1208 = vector.broadcast %add3A_1207 : i32 to vector<16xi32>
      %add3A_1209 = arith.addi %mul3A_780, %add3A_1208 : vector<16xi32>
      %gather3A_1210 = tpu.vector_load_idx %arg16[%add3A_771, %add3A_1209] : memref<256x128xf32, #tpu.memory_space<vmem>>[vector<16xi32>, vector<16xi32>], vector<16xf32>,
      %add3A_1211 = arith.constant 26 : i32
      %add3A_1212 = vector.broadcast %add3A_1211 : i32 to vector<16xi32>
      %add3A_1213 = arith.addi %mul3A_787, %add3A_1212 : vector<16xi32>
      %gather3A_1214 = tpu.vector_load_idx %arg17[%add3A_771, %add3A_1213] : memref<256x128xf32, #tpu.memory_space<vmem>>[vector<16xi32>, vector<16xi32>], vector<16xf32>,
      %add3A_1215 = arith.constant 26 : i32
      %add3A_1216 = vector.broadcast %add3A_1215 : i32 to vector<16xi32>
      %add3A_1217 = arith.addi %mul3A_774, %add3A_1216 : vector<16xi32>
      %gather3A_1218 = tpu.vector_load_idx %arg18[%add3A_1217] : memref<672xf32, #tpu.memory_space<vmem>>[vector<16xi32>], vector<16xf32>,
      %add3A_1219 = arith.addf %gather3A_1214, %gather3A_1218 : vector<16xf32>
      %mul3A_1220 = arith.mulf %gather3A_1210, %add3A_1219 : vector<16xf32>
      %add3A_1221 = arith.addf %add3A_1205, %mul3A_1220 : vector<16xf32>
      %add3A_1222 = arith.addf %add3A_1206, %gather3A_1214 : vector<16xf32>
      %add3A_1223 = arith.constant 27 : i32
      %add3A_1224 = vector.broadcast %add3A_1223 : i32 to vector<16xi32>
      %add3A_1225 = arith.addi %mul3A_780, %add3A_1224 : vector<16xi32>
      %gather3A_1226 = tpu.vector_load_idx %arg16[%add3A_771, %add3A_1225] : memref<256x128xf32, #tpu.memory_space<vmem>>[vector<16xi32>, vector<16xi32>], vector<16xf32>,
      %add3A_1227 = arith.constant 27 : i32
      %add3A_1228 = vector.broadcast %add3A_1227 : i32 to vector<16xi32>
      %add3A_1229 = arith.addi %mul3A_787, %add3A_1228 : vector<16xi32>
      %gather3A_1230 = tpu.vector_load_idx %arg17[%add3A_771, %add3A_1229] : memref<256x128xf32, #tpu.memory_space<vmem>>[vector<16xi32>, vector<16xi32>], vector<16xf32>,
      %add3A_1231 = arith.constant 27 : i32
      %add3A_1232 = vector.broadcast %add3A_1231 : i32 to vector<16xi32>
      %add3A_1233 = arith.addi %mul3A_774, %add3A_1232 : vector<16xi32>
      %gather3A_1234 = tpu.vector_load_idx %arg18[%add3A_1233] : memref<672xf32, #tpu.memory_space<vmem>>[vector<16xi32>], vector<16xf32>,
      %add3A_1235 = arith.addf %gather3A_1230, %gather3A_1234 : vector<16xf32>
      %mul3A_1236 = arith.mulf %gather3A_1226, %add3A_1235 : vector<16xf32>
      %add3A_1237 = arith.addf %add3A_1221, %mul3A_1236 : vector<16xf32>
      %add3A_1238 = arith.addf %add3A_1222, %gather3A_1230 : vector<16xf32>
      %add3A_1239 = arith.constant 28 : i32
      %add3A_1240 = vector.broadcast %add3A_1239 : i32 to vector<16xi32>
      %add3A_1241 = arith.addi %mul3A_780, %add3A_1240 : vector<16xi32>
      %gather3A_1242 = tpu.vector_load_idx %arg16[%add3A_771, %add3A_1241] : memref<256x128xf32, #tpu.memory_space<vmem>>[vector<16xi32>, vector<16xi32>], vector<16xf32>,
      %add3A_1243 = arith.constant 28 : i32
      %add3A_1244 = vector.broadcast %add3A_1243 : i32 to vector<16xi32>
      %add3A_1245 = arith.addi %mul3A_787, %add3A_1244 : vector<16xi32>
      %gather3A_1246 = tpu.vector_load_idx %arg17[%add3A_771, %add3A_1245] : memref<256x128xf32, #tpu.memory_space<vmem>>[vector<16xi32>, vector<16xi32>], vector<16xf32>,
      %add3A_1247 = arith.constant 28 : i32
      %add3A_1248 = vector.broadcast %add3A_1247 : i32 to vector<16xi32>
      %add3A_1249 = arith.addi %mul3A_774, %add3A_1248 : vector<16xi32>
      %gather3A_1250 = tpu.vector_load_idx %arg18[%add3A_1249] : memref<672xf32, #tpu.memory_space<vmem>>[vector<16xi32>], vector<16xf32>,
      %add3A_1251 = arith.addf %gather3A_1246, %gather3A_1250 : vector<16xf32>
      %mul3A_1252 = arith.mulf %gather3A_1242, %add3A_1251 : vector<16xf32>
      %add3A_1253 = arith.addf %add3A_1237, %mul3A_1252 : vector<16xf32>
      %add3A_1254 = arith.addf %add3A_1238, %gather3A_1246 : vector<16xf32>
      %add3A_1255 = arith.constant 29 : i32
      %add3A_1256 = vector.broadcast %add3A_1255 : i32 to vector<16xi32>
      %add3A_1257 = arith.addi %mul3A_780, %add3A_1256 : vector<16xi32>
      %gather3A_1258 = tpu.vector_load_idx %arg16[%add3A_771, %add3A_1257] : memref<256x128xf32, #tpu.memory_space<vmem>>[vector<16xi32>, vector<16xi32>], vector<16xf32>,
      %add3A_1259 = arith.constant 29 : i32
      %add3A_1260 = vector.broadcast %add3A_1259 : i32 to vector<16xi32>
      %add3A_1261 = arith.addi %mul3A_787, %add3A_1260 : vector<16xi32>
      %gather3A_1262 = tpu.vector_load_idx %arg17[%add3A_771, %add3A_1261] : memref<256x128xf32, #tpu.memory_space<vmem>>[vector<16xi32>, vector<16xi32>], vector<16xf32>,
      %add3A_1263 = arith.constant 29 : i32
      %add3A_1264 = vector.broadcast %add3A_1263 : i32 to vector<16xi32>
      %add3A_1265 = arith.addi %mul3A_774, %add3A_1264 : vector<16xi32>
      %gather3A_1266 = tpu.vector_load_idx %arg18[%add3A_1265] : memref<672xf32, #tpu.memory_space<vmem>>[vector<16xi32>], vector<16xf32>,
      %add3A_1267 = arith.addf %gather3A_1262, %gather3A_1266 : vector<16xf32>
      %mul3A_1268 = arith.mulf %gather3A_1258, %add3A_1267 : vector<16xf32>
      %add3A_1269 = arith.addf %add3A_1253, %mul3A_1268 : vector<16xf32>
      %add3A_1270 = arith.addf %add3A_1254, %gather3A_1262 : vector<16xf32>
      %add3A_1271 = arith.constant 30 : i32
      %add3A_1272 = vector.broadcast %add3A_1271 : i32 to vector<16xi32>
      %add3A_1273 = arith.addi %mul3A_780, %add3A_1272 : vector<16xi32>
      %gather3A_1274 = tpu.vector_load_idx %arg16[%add3A_771, %add3A_1273] : memref<256x128xf32, #tpu.memory_space<vmem>>[vector<16xi32>, vector<16xi32>], vector<16xf32>,
      %add3A_1275 = arith.constant 30 : i32
      %add3A_1276 = vector.broadcast %add3A_1275 : i32 to vector<16xi32>
      %add3A_1277 = arith.addi %mul3A_787, %add3A_1276 : vector<16xi32>
      %gather3A_1278 = tpu.vector_load_idx %arg17[%add3A_771, %add3A_1277] : memref<256x128xf32, #tpu.memory_space<vmem>>[vector<16xi32>, vector<16xi32>], vector<16xf32>,
      %add3A_1279 = arith.constant 30 : i32
      %add3A_1280 = vector.broadcast %add3A_1279 : i32 to vector<16xi32>
      %add3A_1281 = arith.addi %mul3A_774, %add3A_1280 : vector<16xi32>
      %gather3A_1282 = tpu.vector_load_idx %arg18[%add3A_1281] : memref<672xf32, #tpu.memory_space<vmem>>[vector<16xi32>], vector<16xf32>,
      %add3A_1283 = arith.addf %gather3A_1278, %gather3A_1282 : vector<16xf32>
      %mul3A_1284 = arith.mulf %gather3A_1274, %add3A_1283 : vector<16xf32>
      %add3A_1285 = arith.addf %add3A_1269, %mul3A_1284 : vector<16xf32>
      %add3A_1286 = arith.addf %add3A_1270, %gather3A_1278 : vector<16xf32>
      %add3A_1287 = arith.constant 31 : i32
      %add3A_1288 = vector.broadcast %add3A_1287 : i32 to vector<16xi32>
      %add3A_1289 = arith.addi %mul3A_780, %add3A_1288 : vector<16xi32>
      %gather3A_1290 = tpu.vector_load_idx %arg16[%add3A_771, %add3A_1289] : memref<256x128xf32, #tpu.memory_space<vmem>>[vector<16xi32>, vector<16xi32>], vector<16xf32>,
      %add3A_1291 = arith.constant 31 : i32
      %add3A_1292 = vector.broadcast %add3A_1291 : i32 to vector<16xi32>
      %add3A_1293 = arith.addi %mul3A_787, %add3A_1292 : vector<16xi32>
      %gather3A_1294 = tpu.vector_load_idx %arg17[%add3A_771, %add3A_1293] : memref<256x128xf32, #tpu.memory_space<vmem>>[vector<16xi32>, vector<16xi32>], vector<16xf32>,
      %add3A_1295 = arith.constant 31 : i32
      %add3A_1296 = vector.broadcast %add3A_1295 : i32 to vector<16xi32>
      %add3A_1297 = arith.addi %mul3A_774, %add3A_1296 : vector<16xi32>
      %gather3A_1298 = tpu.vector_load_idx %arg18[%add3A_1297] : memref<672xf32, #tpu.memory_space<vmem>>[vector<16xi32>], vector<16xf32>,
      %add3A_1299 = arith.addf %gather3A_1294, %gather3A_1298 : vector<16xf32>
      %mul3A_1300 = arith.mulf %gather3A_1290, %add3A_1299 : vector<16xf32>
      %add3A_1301 = arith.addf %add3A_1285, %mul3A_1300 : vector<16xf32>
      %add3A_1302 = arith.addf %add3A_1286, %gather3A_1294 : vector<16xf32>
      %gather3A_1303 = tpu.vector_load_idx %arg20[%add3A_767] : memref<512xf32, #tpu.memory_space<vmem>>[vector<16xi32>], vector<16xf32>,
      %gather3A_1304 = tpu.vector_load_idx %arg19[%add3A_767] : memref<512xf32, #tpu.memory_space<vmem>>[vector<16xi32>], vector<16xf32>,
      %mul3A_1305 = arith.mulf %gather3A_1303, %add3A_1302 : vector<16xf32>
      %add3A_1306 = arith.addf %add3A_1301, %mul3A_1305 : vector<16xf32>
      %add3A_1307 = arith.addf %add3A_1306, %gather3A_1304 : vector<16xf32>
      tpu.vector_store_idx %arg21[%add3A_767], %add3A_1307 : memref<512xf32, #tpu.memory_space<vmem>>[vector<16xi32>], vector<16xf32>,
    }
    %scan3A_760 = arith.constant 16 : i32
    "tpu.region"() ({
      %run_scoped3A = tpu.sem_alloc : memref<!tpu.dma_semaphore, #tpu.memory_space<semaphore_mem>>
      %dma_start3A_761 = tpu.memref_slice %arg10[%mul3A_2] : memref<16384xf32, #tpu.memory_space<hbm>> -> memref<512xf32, #tpu.memory_space<hbm>>
      %dma_start3A_762 = tpu.memref_slice %arg10[%mul3A_2] : memref<16384xf32, #tpu.memory_space<hbm>> -> memref<512xf32, #tpu.memory_space<hbm>>
      tpu.enqueue_dma source(%arg21 : memref<512xf32, #tpu.memory_space<vmem>>) target(%dma_start3A_762 : memref<512xf32, #tpu.memory_space<hbm>>) target_semaphore(%run_scoped3A : memref<!tpu.dma_semaphore, #tpu.memory_space<semaphore_mem>>)
      %dma_wait3A_763 = tpu.memref_slice %arg10[%mul3A_2] : memref<16384xf32, #tpu.memory_space<hbm>> -> memref<512xf32, #tpu.memory_space<hbm>>
      %dma_wait3A_764 = tpu.memref_slice %arg10[%mul3A_2] : memref<16384xf32, #tpu.memory_space<hbm>> -> memref<512xf32, #tpu.memory_space<hbm>>
      tpu.wait_dma2 semaphore(%run_scoped3A : memref<!tpu.dma_semaphore, #tpu.memory_space<semaphore_mem>>) src(%arg21 : memref<512xf32, #tpu.memory_space<vmem>>) dst(%dma_wait3A_764 : memref<512xf32, #tpu.memory_space<hbm>>)
      tpu.yield
    }) : () -> ()
    return
  }
}

</mosaic_0001>

<sc_bundles>
// kernel: kernel.4.cloned.1.call-start
scs
__scs_entry_jumppad:
0x0: {  	(pc) =	sbr.rel $0x88, $3  }
0x1: {  	(tag) =	ssettag $0x0;
	lr =	simm.s32 $0x1  }
0x2: {  	[smem:$0x3F95] =	sst lr;
	_ =	strace $0xD0000000  }
0x3: {  	_ = 	snop  }
0x4: {  	_ = 	snop  }
0x5: {  	_ = 	snop  }
0x6: {  	_ = 	snop  }
0x7: {  	_ = 	snop  }
__scs_overlays_trampoline_lowered:
0x8: {  	[smem:$0x3FA4] =	sst s0  }
0x9: {  	[smem:$0x3FA5] =	sst s1  }
0xa: {  	[smem:$0x3FA6] =	sst s2  }
0xb: {  	[smem:$0x3FA7] =	sst s3  }
0xc: {  	[smem:$0x3FA8] =	sst s4  }
0xd: {  	[smem:$0x3FA9] =	sst s5  }
0xe: {  	[smem:$0x3FAA] =	sst s6  }
0xf: {  	[smem:$0x3FAB] =	sst s7  }
0x10: {  	[smem:$0x3FAC] =	sst s8  }
0x11: {  	[smem:$0x3FAD] =	sst s9;
	s0 =	simm.s32 @!p0 $0x0  }
0x12: {  	s1 =	sld [smem:$0x3F93];
	s0 =	simm.s32 @p0 $0x1  }
0x13: {  	[smem:$0x3FAE] =	sst s0;
	s0 =	simm.s32 @!p1 $0x0  }
0x14: {  	s2 =	sld [smem:$0x3F92];
	s0 =	simm.s32 @p1 $0x1  }
0x15: {  	[smem:$0x3FAF] =	sst s0;
	s0 =	simm.s32 @!p2 $0x0  }
0x16: {  	s3 =	sld [smem:$0x3FDB];
	s0 =	simm.s32 @p2 $0x1  }
0x17: {  	s4 =	simm.s32 $0x1BF5;
	[smem:$0x3FB1] =	sst s0  }
0x18: {  	s0 =	sld [smem:$0x3F94];
	_ =	swait.ge [sflag:s4], $0x0  }
0x19: {  	s7 =	sld [smem:$0x3F95]  }
0x1a: {  	s8 =	sadd.s32 $0xFFFFE003, lr  }
0x1b: {  	s9 =	sadd.s32 $0xFFFFFEF7, lr;
	s5 =	simm.s32 $0xFFFFFFFF;
	p2 =	slt.u32 s8, $0xFFFFF086  }
0x1c: {  	p1 =	slt.u32 s9, $0xF7A;
	s5 =	simm.s32 @!p2 $0x0  }
0x1d: {  	s5 =	simm.s32 @p1 $0x1;
	p0 =	seq.s32 s7, s2  }
0x1e: {  	s7 =	smul.u32 @!p0 $0xF7A, s2;
	p2 =	seq.s32 @!p0 s5, $0x0  }
0x1f: {  	s9 =	smul.u32 $0xF7A, s1;
	s8 =	simm.s32 @!p0 $0x1BF5;
	p2 =	por !p2, p0  }
0x20: {  	[sflag:s8] =	ssyncset.s32 @!p0 $0xFFFFF086;
	s6 =	sadd.s32 @!p0 s3, s7;
	s7 =	simm.s32 @!p0 $0x108  }
0x21: {  	s3 =	sadd.s32 s3, s9;
	s6 =	sadd.s32 @!p0 $0x88, s6;
	s7 =	simm.s32 @p2 $0x1082  }
0x22: {  	[simem:s7], [sflag:s8] =	dma.local @!p0 [hbm:s6], $0xF7A  }
0x23: {  	s9 =	sor.u32 $0xD0000000, s2;
	s6 =	simm.s32 $0x108;
	_ =	swait.ge @!p0 [sflag:s8], $0x0  }
0x24: {  	s3 =	sadd.s32 $0x88, s3;
	s6 =	simm.s32 @!p1 $0x1082;
	[sflag:s4] =	ssyncset.s32 $0xFFFFF086  }
0x25: {  	[simem:s6], [sflag:s4] =	dma.local [hbm:s3], $0xF7A  }
0x26: {  	[smem:$0x3F95] =	sst s1;
	(tag) =	ssettag s2;
	_ =	strace s9  }
0x27: {  	s1 =	sld [smem:$0x3FA5]  }
0x28: {  	s2 =	sld [smem:$0x3FA6]  }
0x29: {  	s4 =	sld [smem:$0x3FA8]  }
0x2a: {  	p0 =	seq.s32 s5, $0x0;
	s5 =	sld [smem:$0x3FA9]  }
0x2b: {  	s6 =	sld [smem:$0x3FAA]  }
0x2c: {  	s7 =	sld [smem:$0x3FAB]  }
0x2d: {  	s3 =	simm.s32 $0x108;
	s8 =	sld [smem:$0x3FAC]  }
0x2e: {  	s3 =	simm.s32 @!p0 $0x1082;
	s9 =	sld [smem:$0x3FAD]  }
0x2f: {  	lr =	sadd.s32 s0, s3;
	s0 =	sld [smem:$0x3FA4]  }
0x30: {  	s3 =	sld [smem:$0x3FA7]  }
0x31: {  	[smem:$0x3FB0] =	sst s10  }
0x32: {  	s10 =	sld [smem:$0x3FAE];
	_ =	sdelay $0x3  }
0x33: {  	p0 =	seq.s32 s10, $0x1;
	s10 =	sld [smem:$0x3FB0];
	_ =	sdelay $0x3  }
0x34: {  	[smem:$0x3FB0] =	sst s10  }
0x35: {  	s10 =	sld [smem:$0x3FAF];
	_ =	sdelay $0x3  }
0x36: {  	p1 =	seq.s32 s10, $0x1;
	s10 =	sld [smem:$0x3FB0];
	_ =	sdelay $0x3  }
0x37: {  	[smem:$0x3FB0] =	sst s10  }
0x38: {  	s10 =	sld [smem:$0x3FB1]  }
0x39: {  	_ = 	snop;
	(pc) =	sbr.ind lr, $3  }
0x3a: {  	_ = 	snop  }
0x3b: {  	_ = 	snop  }
0x3c: {  	p2 =	seq.s32 s10, $0x1;
	s10 =	sld [smem:$0x3FB0]  }
0x3d: {  	_ =	shalt  }
0x3e: {  	_ =	shalt  }
0x3f: {  	_ =	shalt  }
0x40: {  	_ =	shalt  }
0x41: {  	_ =	shalt  }
0x42: {  	_ =	shalt  }
0x43: {  	_ =	shalt  }
0x44: {  	_ =	shalt  }
0x45: {  	_ =	shalt  }
0x46: {  	_ =	shalt  }
0x47: {  	_ =	shalt  }
0x48: {  	_ =	shalt  }
0x49: {  	_ =	shalt  }
0x4a: {  	_ =	shalt  }
0x4b: {  	_ =	shalt  }
0x4c: {  	_ =	shalt  }
0x4d: {  	_ =	shalt  }
0x4e: {  	_ =	shalt  }
0x4f: {  	_ =	shalt  }
0x50: {  	_ =	shalt  }
0x51: {  	_ =	shalt  }
0x52: {  	_ =	shalt  }
0x53: {  	_ =	shalt  }
0x54: {  	_ =	shalt  }
0x55: {  	_ =	shalt  }
0x56: {  	_ =	shalt  }
0x57: {  	_ =	shalt  }
0x58: {  	_ =	shalt  }
0x59: {  	_ =	shalt  }
0x5a: {  	_ =	shalt  }
0x5b: {  	_ =	shalt  }
0x5c: {  	_ =	shalt  }
0x5d: {  	_ =	shalt  }
0x5e: {  	_ =	shalt  }
0x5f: {  	_ =	shalt  }
0x60: {  	_ =	shalt  }
0x61: {  	_ =	shalt  }
0x62: {  	_ =	shalt  }
0x63: {  	_ =	shalt  }
0x64: {  	_ =	shalt  }
0x65: {  	_ =	shalt  }
0x66: {  	_ =	shalt  }
0x67: {  	_ =	shalt  }
0x68: {  	_ =	shalt  }
0x69: {  	_ =	shalt  }
0x6a: {  	_ =	shalt  }
0x6b: {  	_ =	shalt  }
0x6c: {  	_ =	shalt  }
0x6d: {  	_ =	shalt  }
0x6e: {  	_ =	shalt  }
0x6f: {  	_ =	shalt  }
0x70: {  	_ =	shalt  }
0x71: {  	_ =	shalt  }
0x72: {  	_ =	shalt  }
0x73: {  	_ =	shalt  }
0x74: {  	_ =	shalt  }
0x75: {  	_ =	shalt  }
0x76: {  	_ =	shalt  }
0x77: {  	_ =	shalt  }
0x78: {  	_ =	shalt  }
0x79: {  	_ =	shalt  }
0x7a: {  	_ =	shalt  }
0x7b: {  	_ =	shalt  }
0x7c: {  	_ =	shalt  }
0x7d: {  	_ =	shalt  }
0x7e: {  	_ =	shalt  }
0x7f: {  	_ =	shalt  }
0x80: {  	_ =	shalt  }
0x81: {  	_ =	shalt  }
0x82: {  	_ =	shalt  }
0x83: {  	_ =	shalt  }
0x84: {  	_ =	shalt  }
0x85: {  	_ =	shalt  }
0x86: {  	_ =	shalt  }
0x87: {  	_ =	shalt  }
.Lfunc_end0:
.L_simem_size_0:
called_computation_lowered:
.L_overlay_start_0:
0x88: {  	s2 =	sld [smem:$0x3FD9]  }
0x89: {  	s3 =	sld [smem:$0x3FFE];
	_ =	sdelay $0x1  }
0x8a: {  	s1 =	srdreg.scid  }
0x8b: {  	s0 =	sand.u32 $0x1, s1  }
0x8c: {  	s17 =	sshll.u32 s0, $0xA;
	s2 =	sadd.s32 s3, s2  }
0x8d: {  	s2 =	sadd.s32 s2, s17  }
0x8e: {  	[smem:$0x3FBC] =	sst s2  }
0x8f: {  	_ = 	snop  }
0x90: {  	s2 =	sld [smem:$0x3FC9]  }
0x91: {  	s18 =	sld [smem:$0x3FC8]  }
0x92: {  	s4 =	sld [smem:$0x3FC7]  }
0x93: {  	s5 =	sld [smem:$0x3FC0]  }
0x94: {  	s6 =	sld [smem:$0x3FD0];
	(tm) =	ssettm $0x1  }
0x95: {  	s7 =	sld [smem:$0x3FFB];
	_ =	sdelay $0x3  }
0x96: {  	_ =	strace s7  }
0x97: {  	s7 =	sld [smem:$0x3FFC];
	_ =	sdelay $0x3  }
0x98: {  	_ =	strace s7  }
0x99: {  	s7 =	sld [smem:$0x3FFD];
	_ =	sdelay $0x3  }
0x9a: {  	_ =	strace s7  }
0x9b: {  	_ =	strace $0x8FFFFFFF  }
0x9c: {  	s19 =	sld [smem:$0x3FDB];
	_ =	sdelay $0x1  }
0x9d: {  	s8 =	simm.s32 $_scs_section_size  }
0x9e: {  	s9 =	simm.s32 $_size__tile_overlayer_lowered;
	s10 =	simm.s32 $_tile_overlayer_lowered  }
0x9f: {  	s22 =	simm.s32 $0x1BFF;
	s21 =	sshll.u32 s10, $0x1;
	s7 =	sadd.s32 s8, s19  }
0xa0: {  	s11 =	simm.s32 $0x0;
	s20 =	sshll.u32 s9, $0x1;
	s9 =	sadd.s32 s21, s7  }
0xa1: {  	[timem:s11], [sflag:s22] =	dma.local [hbm:s9], s20  }
0xa2: {  	_ =	swait.ge [sflag:s22], s20  }
0xa3: {  	s8 =	ssub.s32 $0x0, s20;
	[sflag:s22] =	ssyncset.done $0x0  }
0xa4: {  	[sflag:s22] =	ssyncadd.s32 s8;
	_ =	sdelay $0x1  }
0xa5: {  	s23 =	simm.s32 $0x1B8B  }
0xa6: {  	_ =	swait.ge [sflag:s23], $0x1  }
0xa7: {  	[sflag:s23] =	ssyncset.done $0x0  }
0xa8: {  	s25 =	simm.s32 $0x1B8E;
	s24 =	sld [smem:$0x3FFE];
	[sflag:s23] =	ssyncadd.s32 $0xFFFFFFFF  }
0xa9: {  	s26 =	simm.s32 $execute0_lowered;
	[smem:$0x3FD2] =	sst s25  }
0xaa: {  	s9 =	sshll.u32 s26, $0x1;
	_ =	strace $0x80000046;
	[dreg:$0x1] =	wrdreg $0xFFFFFFFF  }
0xab: {  	s28 =	simm.s32 $_size_execute0_lowered;
	s7 =	sadd.s32 s7, s9;
	[dreg:$0x0] =	wrdreg $0x0  }
0xac: {  	s9 =	sshll.u32 s28, $0x1;
	[dreg:$0x2] =	wrdreg s7  }
0xad: {  	[dreg:$0x3] =	wrdreg s9  }
0xae: {  	[dreg:$0x4] =	wrdreg $0xC0  }
0xaf: {  	_ =	task [dreg:s11], $0x5FFFF  }
0xb0: {  	[dreg:$0x1] =	wrdreg $0xFFFFFFFF  }
0xb1: {  	[dreg:$0x0] =	wrdreg $0x60  }
0xb2: {  	[dreg:$0x2] =	wrdreg s2  }
0xb3: {  	[dreg:$0x3] =	wrdreg s18  }
0xb4: {  	[dreg:$0x4] =	wrdreg s4  }
0xb5: {  	[dreg:$0x5] =	wrdreg s24  }
0xb6: {  	[dreg:$0x6] =	wrdreg s5  }
0xb7: {  	[dreg:$0x7] =	wrdreg s6  }
0xb8: {  	[dreg:$0x8] =	wrdreg $0x9  }
0xb9: {  	_ =	task.clear_ibuf [dreg:s11], $0x9FFFF;
	_ =	strace $0x90000046  }
0xba: {  	s29 =	simm.s32 $0x9;
	_ =	strace $0x80000048  }
0xbb: {  	_ =	swait.ge [sflag:s29], $0x1  }
0xbc: {  	[sflag:s29] =	ssyncadd.s32 $0xFFFFFFFF  }
0xbd: {  	_ =	strace $0x90000048  }
0xbe: {  	_ =	sfence  }
0xbf: {  	s30 =	sld [smem:$0x0];
	_ =	sdelay $0x2  }
0xc0: {  	s31 =	sshll.u32 s1, $0xD;
	s1 =	sshrl.u32 s1, $0x2  }
0xc1: {  	s3 =	sand.u32 $0x4000, s31;
	s1 =	sadd.s32 s1, s30  }
0xc2: {  	s0 =	sor.u32 s3, s0;
	s1 =	sshll.u32 s1, $0x11  }
0xc3: {  	s0 =	sor.u32 s1, s0  }
0xc4: {  	s0 =	sadd.s32 $0x8F2B, s0  }
0xc5: {  	[sflag:s0] =	ssyncadd.remote.s32 $0x1  }
0xc6: {  	_ =	sfence.sel $0xFFFF  }
0xc7: {  	[dreg:$0x0] =	wrdreg $0xFFFFFFFF;
	(pc) =	sbr.abs _section_cstart, $3  }
0xc8: {  	[dreg:$0x1] =	wrdreg $0xFFFFFFFF  }
0xc9: {  	_ =	task.clear_ibuf [dreg:s11], $0x2FFFF;
	_ =	strace $0x9FFFFFFF  }
0xca: {  	(tm) =	ssettm $0x7FFFFFFF  }
0xcb: {  	_ =	shalt  }
tec
execute0_lowered:
.L_overlay_start_1:
0x0: {  	(tag) =	ssettag $0x1  }
0x1: {  	v61 =	vlaneseq.u32;
	v2 =	vimm.s32 $0x260;
	vm2 =	vcmask $0x300  }
0x2: {  	vm1 =	vcmask $0x704;
	v3 =	vimm.s32 $0x261;
	v2 =	vsel vm2, $0x200, v2  }
0x3: {  	vm0 =	vcmask $0xB08;
	v0 =	vmul.u32 $0x20, v61;
	v2 =	vsel vm1, $0x220, v2  }
0x4: {  	v3 =	vsel vm2, $0x201, v3;
	v1 =	vsel vm0, $0x240, v2  }
0x5: {  	v54 =	vsel vm1, $0x221, v3;
	v55 =	vor.u32 $0x1, v0;
	[tilespmem:$0x1FC00] =	vst v1  }
0x6: {  	v56 =	vsel vm0, $0x241, v54;
	[tilespmem:$0x1FC10] =	vst v55  }
0x7: {  	v4 =	vimm.s32 $0x264;
	v58 =	vor.u32 $0x2, v0;
	[tilespmem:$0x1FC20] =	vst v56  }
0x8: {  	v63 =	vsel vm2, $0x204, v4;
	v6 =	vor.u32 $0x3, v0;
	[tilespmem:$0x1FC30] =	vst v58  }
0x9: {  	v8 =	vsel vm1, $0x224, v63;
	v9 =	vor.u32 $0x4, v0;
	[tilespmem:$0x1FC50] =	vst v6  }
0xa: {  	v10 =	vsel vm0, $0x244, v8;
	[tilespmem:$0x1FC70] =	vst v9  }
0xb: {  	v14 =	vimm.s32 $0x267;
	v12 =	vor.u32 $0x5, v0;
	[tilespmem:$0x1FC80] =	vst v10  }
0xc: {  	v17 =	vsel vm2, $0x207, v14;
	v18 =	vor.u32 $0x6, v0;
	[tilespmem:$0x1FC90] =	vst v12  }
0xd: {  	v20 =	vsel vm1, $0x227, v17;
	v21 =	vor.u32 $0x7, v0;
	[tilespmem:$0x1FCB0] =	vst v18  }
0xe: {  	v22 =	vsel vm0, $0x247, v20;
	[tilespmem:$0x1FCD0] =	vst v21  }
0xf: {  	v26 =	vimm.s32 $0x26A;
	v24 =	vor.u32 $0x8, v0;
	[tilespmem:$0x1FCE0] =	vst v22  }
0x10: {  	v29 =	vsel vm2, $0x20A, v26;
	v30 =	vor.u32 $0x9, v0;
	[tilespmem:$0x1FCF0] =	vst v24  }
0x11: {  	v32 =	vsel vm1, $0x22A, v29;
	v33 =	vor.u32 $0xA, v0;
	[tilespmem:$0x1FD10] =	vst v30  }
0x12: {  	v34 =	vsel vm0, $0x24A, v32;
	[tilespmem:$0x1FD30] =	vst v33  }
0x13: {  	v38 =	vimm.s32 $0x26D;
	v36 =	vor.u32 $0xB, v0;
	[tilespmem:$0x1FD40] =	vst v34  }
0x14: {  	v41 =	vsel vm2, $0x20D, v38;
	v42 =	vor.u32 $0xC, v0;
	[tilespmem:$0x1FD50] =	vst v36  }
0x15: {  	v44 =	vsel vm1, $0x22D, v41;
	v45 =	vor.u32 $0xD, v0;
	[tilespmem:$0x1FD70] =	vst v42  }
0x16: {  	v46 =	vsel vm0, $0x24D, v44;
	[tilespmem:$0x1FD90] =	vst v45  }
0x17: {  	v57 =	vimm.s32 $0x262;
	v59 =	vimm.s32 $0x263;
	v48 =	vor.u32 $0xE, v0;
	[tilespmem:$0x1FDA0] =	vst v46  }
0x18: {  	v11 =	vimm.s32 $0x265;
	v13 =	vimm.s32 $0x266;
	v54 =	vor.u32 $0xF, v0;
	[tilespmem:$0x1FDB0] =	vst v48  }
0x19: {  	v23 =	vimm.s32 $0x268;
	v2 =	vsel vm2, $0x202, v57;
	v57 =	vor.u32 $0x10, v0;
	[tilespmem:$0x1FDD0] =	vst v54  }
0x1a: {  	v25 =	vimm.s32 $0x269;
	v35 =	vimm.s32 $0x26B;
	v14 =	vor.u32 $0x13, v0;
	[tilespmem:$0x1FDF0] =	vst v57  }
0x1b: {  	v37 =	vimm.s32 $0x26C;
	v47 =	vimm.s32 $0x26E;
	v17 =	vor.u32 $0x14, v0;
	[tilespmem:$0x1FE50] =	vst v14  }
0x1c: {  	v49 =	vimm.s32 $0x26F;
	v50 =	vimm.s32 $0x270;
	v26 =	vor.u32 $0x16, v0;
	[tilespmem:$0x1FE70] =	vst v17  }
0x1d: {  	v53 =	vsel vm2, $0x210, v50;
	v3 =	vsel vm2, $0x203, v59;
	v29 =	vor.u32 $0x17, v0;
	[tilespmem:$0x1FEB0] =	vst v26  }
0x1e: {  	v59 =	vimm.s32 $0x271;
	v63 =	vimm.s32 $0x273;
	v38 =	vor.u32 $0x19, v0;
	[tilespmem:$0x1FED0] =	vst v29  }
0x1f: {  	v62 =	vsel vm1, $0x223, v3;
	v3 =	vsel vm2, $0x206, v13;
	v41 =	vor.u32 $0x1A, v0;
	[tilespmem:$0x1FF10] =	vst v38  }
0x20: {  	v2 =	vsel vm1, $0x222, v2;
	v7 =	vsel vm0, $0x243, v62;
	v16 =	vsel vm1, $0x226, v3;
	[tilespmem:$0x1FF30] =	vst v41  }
0x21: {  	v3 =	vsel vm2, $0x209, v25;
	v56 =	vsel vm1, $0x230, v53;
	v60 =	vsel vm0, $0x242, v2;
	[tilespmem:$0x1FC60] =	vst v7  }
0x22: {  	v62 =	vimm.s32 $0x272;
	v10 =	vsel vm2, $0x213, v63;
	v19 =	vsel vm0, $0x246, v16;
	[tilespmem:$0x1FC40] =	vst v60  }
0x23: {  	v18 =	vimm.s32 $0x275;
	v30 =	vimm.s32 $0x278;
	v58 =	vsel vm0, $0x250, v56;
	[tilespmem:$0x1FCC0] =	vst v19  }
0x24: {  	v2 =	vsel vm2, $0x205, v11;
	v28 =	vsel vm1, $0x229, v3;
	v11 =	vor.u32 $0x12, v0;
	[tilespmem:$0x1FE00] =	vst v58  }
0x25: {  	v3 =	vsel vm2, $0x20C, v37;
	v13 =	vsel vm1, $0x233, v10;
	v31 =	vsel vm0, $0x249, v28;
	[tilespmem:$0x1FE30] =	vst v11  }
0x26: {  	v16 =	vimm.s32 $0x274;
	v2 =	vsel vm1, $0x225, v2;
	v60 =	vor.u32 $0x11, v0;
	[tilespmem:$0x1FD20] =	vst v31  }
0x27: {  	v40 =	vsel vm1, $0x22C, v3;
	v3 =	vsel vm2, $0x20F, v49;
	v15 =	vsel vm0, $0x245, v2;
	[tilespmem:$0x1FE10] =	vst v60  }
0x28: {  	v19 =	vimm.s32 $0x276;
	v2 =	vsel vm2, $0x208, v23;
	v43 =	vsel vm0, $0x24C, v40;
	[tilespmem:$0x1FCA0] =	vst v15  }
0x29: {  	v52 =	vsel vm1, $0x22F, v3;
	v3 =	vsel vm2, $0x212, v62;
	v23 =	vor.u32 $0x15, v0;
	[tilespmem:$0x1FD80] =	vst v43  }
0x2a: {  	v22 =	vsel vm2, $0x216, v19;
	v31 =	vimm.s32 $0x279;
	v55 =	vsel vm0, $0x24F, v52;
	[tilespmem:$0x1FE90] =	vst v23  }
0x2b: {  	v2 =	vsel vm1, $0x228, v2;
	v9 =	vsel vm1, $0x232, v3;
	v15 =	vsel vm0, $0x253, v13;
	[tilespmem:$0x1FDE0] =	vst v55  }
0x2c: {  	v3 =	vsel vm2, $0x215, v18;
	v25 =	vsel vm1, $0x236, v22;
	v27 =	vsel vm0, $0x248, v2;
	[tilespmem:$0x1FE60] =	vst v15  }
0x2d: {  	v34 =	vsel vm2, $0x219, v31;
	v2 =	vsel vm2, $0x20B, v35;
	v12 =	vsel vm0, $0x252, v9;
	[tilespmem:$0x1FD00] =	vst v27  }
0x2e: {  	v21 =	vsel vm1, $0x235, v3;
	v35 =	vor.u32 $0x18, v0;
	v2 =	vsel vm1, $0x22B, v2;
	[tilespmem:$0x1FE40] =	vst v12  }
0x2f: {  	v24 =	vsel vm0, $0x255, v21;
	[tilespmem:$0x1FEF0] =	vst v35;
	v39 =	vsel vm0, $0x24B, v2;
	v2 =	vsel vm2, $0x20E, v47  }
0x30: {  	v3 =	vsel vm2, $0x218, v30;
	v27 =	vsel vm0, $0x256, v25;
	[tilespmem:$0x1FEA0] =	vst v24;
	v2 =	vsel vm1, $0x22E, v2  }
0x31: {  	v33 =	vsel vm1, $0x238, v3;
	[tilespmem:$0x1FEC0] =	vst v27;
	v51 =	vsel vm0, $0x24E, v2;
	v2 =	vsel vm2, $0x211, v59  }
0x32: {  	v37 =	vsel vm1, $0x239, v34;
	v36 =	vsel vm0, $0x258, v33;
	[tilespmem:$0x1FD60] =	vst v39;
	v2 =	vsel vm1, $0x231, v2  }
0x33: {  	s0 =	rddreg [dreg:$0x0];
	[tilespmem:$0x1FF00] =	vst v36;
	v39 =	vsel vm0, $0x259, v37;
	v8 =	vsel vm0, $0x251, v2;
	v2 =	vsel vm2, $0x214, v16  }
0x34: {  	s1 =	rddreg [dreg:$0x1];
	vm3 =	vcmask $0xB10;
	v28 =	vimm.s32 $0x277;
	[tilespmem:$0x1FF20] =	vst v39;
	v2 =	vsel vm1, $0x234, v2  }
0x35: {  	s2 =	rddreg [dreg:$0x2];
	vm4 =	vcmask $0xF14;
	[tilespmem:$0x1FDC0] =	vst v51;
	v20 =	vsel vm0, $0x254, v2;
	v2 =	vsel vm2, $0x217, v28  }
0x36: {  	s4 =	srdreg.scid;
	s16 =	simm.s32 $0x200;
	s17 =	simm.s32 $0x400;
	vm5 =	vcmask $0x1318;
	v42 =	vimm.s32 $0x27B;
	[tilespmem:$0x1FE20] =	vst v8;
	v2 =	vsel vm1, $0x237, v2  }
0x37: {  	s18 =	simm.s32 $0x600;
	vm6 =	vcmask $0x171C;
	s7 =	sand.u32 $0x1, s4;
	s4 =	simm.s32 $0x0;
	v3 =	vsel vm2, $0x21B, v42;
	[tilespmem:$0x1FE80] =	vst v20;
	v32 =	vsel vm0, $0x257, v2  }
0x38: {  	s19 =	simm.s32 $0x3A00;
	[smem:$0x7FF] =	sst s4;
	v43 =	vimm.s32 $0x27C;
	v45 =	vsel vm1, $0x23B, v3;
	v47 =	vor.u32 $0x1B, v0;
	[tilespmem:$0x1FEE0] =	vst v32  }
0x39: {  	s3 =	rddreg [dreg:$0x3];
	s5 =	stileid.u32;
	vm7 =	vcmask $0x1B20;
	v46 =	vsel vm2, $0x21C, v43;
	v48 =	vsel vm0, $0x25B, v45;
	_ =	strace $0x80000047;
	[tilespmem:$0x1FF50] =	vst v47  }
0x3a: {  	s15 =	simm.s32 $0x2;
	s20 =	simm.s32 $0x3A18;
	s23 =	simm.s32 $0x3600;
	vm8 =	vcmask $0x1F24;
	v50 =	vor.u32 $0x1C, v0;
	v49 =	vsel vm1, $0x23C, v46;
	[tilespmem:$0x1FF60] =	vst v48  }
0x3b: {  	s22 =	simm.s32 $0x80;
	s24 =	simm.s32 $0x3800;
	vm9 =	vcmask $0x2328;
	s21 =	simm.s32 $0x3980;
	v54 =	vimm.s32 $0x27E;
	v51 =	vsel vm0, $0x25C, v49;
	[tilespmem:$0x1FF70] =	vst v50  }
0x3c: {  	s25 =	simm.s32 $0x1;
	s28 =	simm.s32 $0x3CB8;
	s29 =	simm.s32 $0x0;
	v53 =	vor.u32 $0x1D, v0;
	v55 =	vimm.s32 $0x27F;
	v3 =	vsel vm2, $0x21E, v54;
	[tilespmem:$0x1FF80] =	vst v51  }
0x3d: {  	s26 =	sshll.u32 s5, $0x1;
	s5 =	sadd.s32 $0xCE00, s3;
	s6 =	sadd.s32 $0x2B800, s3;
	v58 =	vsel vm2, $0x21F, v55;
	v57 =	vsel vm1, $0x23E, v3;
	v59 =	vor.u32 $0x1E, v0;
	[tilespmem:$0x1FF90] =	vst v53  }
0x3e: {  	s8 =	sor.u32 s7, s26;
	s31 =	ssub.s32 $0x2, s7;
	s7 =	sadd.s32 $0x2EA00, s3;
	v40 =	vimm.s32 $0x27A;
	v62 =	vsel vm1, $0x23F, v58;
	v60 =	vsel vm0, $0x25E, v57;
	[tilespmem:$0x1FFB0] =	vst v59  }
0x3f: {  	vm10 =	vcmask $0x272C;
	s26 =	simm.s32 $0x3EB8;
	s10 =	sshll.u32 s8, $0x6;
	s9 =	sshrl.u32 s31, $0x1;
	v63 =	vsel vm0, $0x25F, v62;
	v2 =	vsel vm2, $0x21A, v40;
	[tilespmem:$0x1FFC0] =	vst v60  }
0x40: {  	vm11 =	vcmask $0x2B30;
	s30 =	smul.u32 $0x600, s8;
	s14 =	ssub.s32 s31, s9;
	s8 =	sadd.s32 s0, s10;
	v52 =	vimm.s32 $0x27D;
	v2 =	vsel vm1, $0x23A, v2;
	[tilespmem:$0x1FFD0] =	vst v63  }
0x41: {  	vm12 =	vcmask $0x2F34;
	s9 =	sadd.s32 s1, s10;
	s0 =	simm.s32 $0x180;
	s1 =	simm.s32 $0x3780;
	v44 =	vsel vm0, $0x25A, v2;
	v2 =	vsel vm2, $0x21D, v52;
	[tilespmem:$0x1FFE0] =	vst v0  }
0x42: {  	vm13 =	vcmask $0x3338;
	s11 =	sadd.s32 s30, s3;
	s3 =	sadd.s32 s10, s3;
	s10 =	sadd.s32 s2, s10;
	v0 =	vor.u32 $0x1F, v0;
	[tilespmem:$0x1FF40] =	vst v44;
	v2 =	vsel vm1, $0x23D, v2  }
0x43: {  	vm14 =	vcmask $0x373C;
	vm15 =	vmmov $0x7fff;
	s14 =	smax.u32 s14, $0x1;
	s2 =	simm.s32 $0x3900;
	s11 =	sadd.s32 $0xE00, s11;
	[tilespmem:$0x1FFF0] =	vst v0;
	v56 =	vsel vm0, $0x25D, v2  }
0x44: {  	s12 =	sadd.s32 $0x2EC00, s3;
	s13 =	sadd.s32 $0x2F400, s3;
	s3 =	simm.s32 $0x380;
	vm2 =	vcmask $0x70C;
	vm1 =	vcmask $0x308;
	vm0 =	vmmov $0x1;
	[tilespmem:$0x1FFA0] =	vst v56  }
.LBB2_1:
0x45: {  	[tilespmem:s4], [sflag:$0x2] =	stream.linear.gather [hbm4b:s8+s4], $0x200, $0x38;
	[tilespmem:$0x40B8] =	vst v63  }
0x46: {  	_ =	swait.ge [sflag:s15], $0x200  }
0x47: {  	[sflag:s15] =	ssyncset.done $0x0  }
0x48: {  	[sflag:s15] =	ssyncadd.s32 $0xFFFFFE00  }
0x49: {  	[tilespmem:s16], [sflag:$0x2] =	stream.linear.gather [hbm4b:s9+s4], $0x200, $0x38;
	[tilespmem:$0x40B8] =	vst v63  }
0x4a: {  	_ =	swait.ge [sflag:s15], $0x200  }
0x4b: {  	[sflag:s15] =	ssyncset.done $0x0  }
0x4c: {  	[sflag:s15] =	ssyncadd.s32 $0xFFFFFE00  }
0x4d: {  	[tilespmem:s17], [sflag:$0x2] =	stream.linear.gather [hbm4b:s10+s4], $0x200, $0x38;
	[tilespmem:$0x40B8] =	vst v63  }
0x4e: {  	_ =	swait.ge [sflag:s15], $0x200  }
0x4f: {  	[sflag:s15] =	ssyncset.done $0x0  }
0x50: {  	[sflag:s15] =	ssyncadd.s32 $0xFFFFFE00  }
0x51: {  	[tilespmem:s18], [sflag:$0x2] =	stream.linear.gather [hbm4b:s11+s4], $0x3000, $0x38;
	[tilespmem:$0x40B8] =	vst v63  }
0x52: {  	_ =	swait.ge [sflag:s15], $0x3000  }
0x53: {  	[sflag:s15] =	ssyncset.done $0x0  }
0x54: {  	[sflag:s15] =	ssyncadd.s32 $0xFFFFD000  }
0x55: {  	s30 =	rddreg [dreg:$0x4]  }
0x56: {  	[tilespmem:s19], [sflag:$0x2] =	stream.linear.gather [hbm4b:s30+s4], $0x18, $0x38;
	[tilespmem:$0x40B8] =	vst v63  }
0x57: {  	_ =	swait.ge [sflag:s15], $0x18  }
0x58: {  	[sflag:s15] =	ssyncset.done $0x0  }
0x59: {  	[sflag:s15] =	ssyncadd.s32 $0xFFFFFFE8  }
0x5a: {  	s30 =	rddreg [dreg:$0x5]  }
0x5b: {  	[tilespmem:s20], [sflag:$0x2] =	stream.linear.gather [hbm4b:s30+s4], $0x280, $0x38;
	[tilespmem:$0x40B8] =	vst v63  }
0x5c: {  	_ =	swait.ge [sflag:s15], $0x280  }
0x5d: {  	[sflag:s15] =	ssyncset.done $0x0  }
0x5e: {  	s30 =	simm.s32 $0x3C98;
	[sflag:s15] =	ssyncadd.s32 $0xFFFFFD80  }
0x5f: {  	[tilespmem:s30], [sflag:$0x2] =	stream.linear.gather [hbm4b:s7+s4], $0x20, $0x38;
	[tilespmem:$0x40B8] =	vst v63  }
0x60: {  	_ =	swait.ge [sflag:s15], $0x20  }
0x61: {  	v0 =	vld [tilespmem:$0x1FFE0]  }
0x62: {  	v58 =	vld [tilespmem:$0x1FC10]  }
0x63: {  	v59 =	vld [tilespmem:$0x1FC30]  }
0x64: {  	v60 =	vld [tilespmem:$0x1FC50]  }
0x65: {  	v62 =	vld [tilespmem:$0x1FC70]  }
0x66: {  	v63 =	vld [tilespmem:$0x1FC90]  }
0x67: {  	v32 =	vld [tilespmem:$0x1FCB0]  }
0x68: {  	v33 =	vld [tilespmem:$0x1FCD0]  }
0x69: {  	v34 =	vld [tilespmem:$0x1FCF0]  }
0x6a: {  	v35 =	vld [tilespmem:$0x1FD10]  }
0x6b: {  	v36 =	vld [tilespmem:$0x1FD30]  }
0x6c: {  	v37 =	vld [tilespmem:$0x1FD50]  }
0x6d: {  	v38 =	vld [tilespmem:$0x1FD70]  }
0x6e: {  	v39 =	vld [tilespmem:$0x1FD90]  }
0x6f: {  	v40 =	vld [tilespmem:$0x1FDB0]  }
0x70: {  	[sflag:s15] =	ssyncset.done $0x0;
	v41 =	vld [tilespmem:$0x1FDD0]  }
0x71: {  	v42 =	vld [tilespmem:$0x1FC00];
	[sflag:s15] =	ssyncadd.s32 $0xFFFFFFE0  }
0x72: {  	v43 =	vld [tilespmem:$0x1FDF0];
	[tilespmem:s23], [sflag:$0x1] =	stream.indirect.gather [hbm4b:s5+s22], $0x1, s4, s22, $0xb8  }
0x73: {  	v44 =	vld [tilespmem:$0x1FC20]  }
0x74: {  	v45 =	vld [tilespmem:$0x1FE10];
	[tilespmem:s24], [sflag:$0x1] =	stream.indirect.gather [hbm4b:s6+s22], $0x1, s16, s22, $0xb8  }
0x75: {  	s30 =	simm.s32 $0x3680;
	v46 =	vld [tilespmem:$0x1FC40]  }
0x76: {  	v47 =	vld [tilespmem:$0x1FE30];
	[tilespmem:s30], [sflag:$0x1] =	stream.indirect.gather [hbm4b:s5+s22], $0x1, s22, s22, $0xb8  }
0x77: {  	s31 =	simm.s32 $0x3880;
	v48 =	vld [tilespmem:$0x1FC60];
	s30 =	simm.s32 $0x280  }
0x78: {  	v49 =	vld [tilespmem:$0x1FE50];
	[tilespmem:s31], [sflag:$0x1] =	stream.indirect.gather [hbm4b:s6+s22], $0x1, s30, s22, $0xb8  }
0x79: {  	v50 =	vld [tilespmem:$0x1FC80];
	s30 =	simm.s32 $0x100;
	s31 =	simm.s32 $0x3700  }
0x7a: {  	v51 =	vld [tilespmem:$0x1FE70];
	[tilespmem:s31], [sflag:$0x1] =	stream.indirect.gather [hbm4b:s5+s22], $0x1, s30, s22, $0xb8  }
0x7b: {  	v52 =	vld [tilespmem:$0x1FCA0];
	s30 =	simm.s32 $0x300  }
0x7c: {  	v53 =	vld [tilespmem:$0x1FE90];
	[tilespmem:s2], [sflag:$0x1] =	stream.indirect.gather [hbm4b:s6+s22], $0x1, s30, s22, $0xb8  }
0x7d: {  	v54 =	vld [tilespmem:$0x1FCC0]  }
0x7e: {  	v55 =	vld [tilespmem:$0x1FEB0];
	[tilespmem:s1], [sflag:$0x1] =	stream.indirect.gather [hbm4b:s5+s22], $0x1, s0, s22, $0xb8  }
0x7f: {  	v56 =	vld [tilespmem:$0x1FCE0]  }
0x80: {  	v57 =	vld [tilespmem:$0x1FED0];
	[tilespmem:s21], [sflag:$0x1] =	stream.indirect.gather [hbm4b:s6+s22], $0x1, s3, s22, $0xb8  }
0x81: {  	v3 =	vld.idx.msk [tilespmem:v0+s20+$0x0], $0xffff  }
0x82: {  	v4 =	vld.idx.msk [tilespmem:v58+s20+$0x0], $0xffff  }
0x83: {  	v5 =	vld.idx.msk [tilespmem:v59+s20+$0x0], $0xffff  }
0x84: {  	v6 =	vld.idx.msk [tilespmem:v60+s20+$0x0], $0xffff  }
0x85: {  	v7 =	vld.idx.msk [tilespmem:v42+s20+$0x0], $0xffff  }
0x86: {  	v8 =	vld.idx.msk [tilespmem:v44+s20+$0x0], $0xffff  }
0x87: {  	v9 =	vld.idx.msk [tilespmem:v46+s20+$0x0], $0xffff  }
0x88: {  	v10 =	vld.idx.msk [tilespmem:v48+s20+$0x0], $0xffff  }
0x89: {  	v58 =	vld [tilespmem:$0x1FD00]  }
0x8a: {  	v59 =	vld [tilespmem:$0x1FEF0]  }
0x8b: {  	v60 =	vld [tilespmem:$0x1FD20]  }
0x8c: {  	v42 =	vld [tilespmem:$0x1FFF0];
	v3 =	vadd.f32 $0.0e+00, v3  }
0x8d: {  	v44 =	vld [tilespmem:$0x1FE20]  }
0x8e: {  	v46 =	vld [tilespmem:$0x1FE60];
	v3 =	vadd.f32 v4, v3  }
0x8f: {  	v4 =	vld.idx.msk [tilespmem:v62+s20+$0x0], $0xffff  }
0x90: {  	v48 =	vld [tilespmem:$0x1FEA0];
	v7 =	vadd.f32 $0.0e+00, v7;
	v3 =	vadd.f32 v5, v3  }
0x91: {  	v5 =	vld.idx.msk [tilespmem:v63+s20+$0x0], $0xffff  }
0x92: {  	v7 =	vadd.f32 v8, v7;
	v8 =	vld.idx.msk [tilespmem:v50+s20+$0x0], $0xffff;
	v3 =	vadd.f32 v6, v3  }
0x93: {  	v6 =	vld.idx.msk [tilespmem:v32+s20+$0x0], $0xffff  }
0x94: {  	v62 =	vld [tilespmem:$0x1FF10];
	v3 =	vadd.f32 v4, v3  }
0x95: {  	v4 =	vld.idx.msk [tilespmem:v33+s20+$0x0], $0xffff  }
0x96: {  	v7 =	vadd.f32 v9, v7;
	v9 =	vld.idx.msk [tilespmem:v52+s20+$0x0], $0xffff;
	v3 =	vadd.f32 v5, v3  }
0x97: {  	v5 =	vld.idx.msk [tilespmem:v34+s20+$0x0], $0xffff  }
0x98: {  	v63 =	vld [tilespmem:$0x1FD40];
	v3 =	vadd.f32 v6, v3  }
0x99: {  	v6 =	vld.idx.msk [tilespmem:v35+s20+$0x0], $0xffff  }
0x9a: {  	v7 =	vadd.f32 v10, v7;
	v10 =	vld.idx.msk [tilespmem:v54+s20+$0x0], $0xffff;
	v3 =	vadd.f32 v4, v3  }
0x9b: {  	v4 =	vld.idx.msk [tilespmem:v36+s20+$0x0], $0xffff  }
0x9c: {  	v32 =	vld [tilespmem:$0x1FF30];
	v3 =	vadd.f32 v5, v3  }
0x9d: {  	v5 =	vld.idx.msk [tilespmem:v37+s20+$0x0], $0xffff  }
0x9e: {  	v7 =	vadd.f32 v8, v7;
	v8 =	vld.idx.msk [tilespmem:v56+s20+$0x0], $0xffff;
	v3 =	vadd.f32 v6, v3  }
0x9f: {  	v6 =	vld.idx.msk [tilespmem:v38+s20+$0x0], $0xffff  }
0xa0: {  	v33 =	vld [tilespmem:$0x1FD60];
	v3 =	vadd.f32 v4, v3  }
0xa1: {  	v4 =	vld.idx.msk [tilespmem:v39+s20+$0x0], $0xffff  }
0xa2: {  	v7 =	vadd.f32 v9, v7;
	v9 =	vld.idx.msk [tilespmem:v58+s20+$0x0], $0xffff;
	v3 =	vadd.f32 v5, v3  }
0xa3: {  	v5 =	vld.idx.msk [tilespmem:v40+s20+$0x0], $0xffff  }
0xa4: {  	v34 =	vld [tilespmem:$0x1FF50];
	v3 =	vadd.f32 v6, v3  }
0xa5: {  	v6 =	vld.idx.msk [tilespmem:v41+s20+$0x0], $0xffff  }
0xa6: {  	v7 =	vadd.f32 v10, v7;
	v10 =	vld.idx.msk [tilespmem:v60+s20+$0x0], $0xffff;
	v3 =	vadd.f32 v4, v3  }
0xa7: {  	v4 =	vld.idx.msk [tilespmem:v43+s20+$0x0], $0xffff  }
0xa8: {  	v35 =	vld [tilespmem:$0x1FD80];
	v3 =	vadd.f32 v5, v3  }
0xa9: {  	v5 =	vld.idx.msk [tilespmem:v45+s20+$0x0], $0xffff  }
0xaa: {  	v7 =	vadd.f32 v8, v7;
	v8 =	vld.idx.msk [tilespmem:v63+s20+$0x0], $0xffff;
	v3 =	vadd.f32 v6, v3  }
0xab: {  	v6 =	vld.idx.msk [tilespmem:v47+s20+$0x0], $0xffff  }
0xac: {  	v36 =	vld [tilespmem:$0x1FF70];
	v3 =	vadd.f32 v4, v3  }
0xad: {  	v4 =	vld.idx.msk [tilespmem:v49+s20+$0x0], $0xffff  }
0xae: {  	v7 =	vadd.f32 v9, v7;
	v9 =	vld.idx.msk [tilespmem:v33+s20+$0x0], $0xffff;
	v3 =	vadd.f32 v5, v3  }
0xaf: {  	v5 =	vld.idx.msk [tilespmem:v51+s20+$0x0], $0xffff  }
0xb0: {  	v37 =	vld [tilespmem:$0x1FDA0];
	v3 =	vadd.f32 v6, v3  }
0xb1: {  	v6 =	vld.idx.msk [tilespmem:v53+s20+$0x0], $0xffff  }
0xb2: {  	v38 =	vld [tilespmem:$0x1FF90];
	v3 =	vadd.f32 v4, v3  }
0xb3: {  	v4 =	vld.idx.msk [tilespmem:v55+s20+$0x0], $0xffff  }
0xb4: {  	v7 =	vadd.f32 v10, v7;
	v10 =	vld.idx.msk [tilespmem:v35+s20+$0x0], $0xffff;
	v3 =	vadd.f32 v5, v3  }
0xb5: {  	v5 =	vld.idx.msk [tilespmem:v57+s20+$0x0], $0xffff  }
0xb6: {  	v39 =	vld [tilespmem:$0x1FDC0];
	v3 =	vadd.f32 v6, v3  }
0xb7: {  	v6 =	vld.idx.msk [tilespmem:v59+s20+$0x0], $0xffff  }
0xb8: {  	v40 =	vld [tilespmem:$0x1FFB0];
	v3 =	vadd.f32 v4, v3  }
0xb9: {  	v4 =	vld.idx.msk [tilespmem:v62+s20+$0x0], $0xffff  }
0xba: {  	v7 =	vadd.f32 v8, v7;
	v8 =	vld.idx.msk [tilespmem:v37+s20+$0x0], $0xffff;
	v3 =	vadd.f32 v5, v3  }
0xbb: {  	v5 =	vld.idx.msk [tilespmem:v32+s20+$0x0], $0xffff  }
0xbc: {  	v41 =	vld [tilespmem:$0x1FDE0];
	v3 =	vadd.f32 v6, v3  }
0xbd: {  	v6 =	vld.idx.msk [tilespmem:v34+s20+$0x0], $0xffff  }
0xbe: {  	v43 =	vld [tilespmem:$0x1FE00];
	v3 =	vadd.f32 v4, v3  }
0xbf: {  	v4 =	vld.idx.msk [tilespmem:v36+s20+$0x0], $0xffff  }
0xc0: {  	v7 =	vadd.f32 v9, v7;
	v9 =	vld.idx.msk [tilespmem:v39+s20+$0x0], $0xffff;
	v3 =	vadd.f32 v5, v3  }
0xc1: {  	v5 =	vld.idx.msk [tilespmem:v38+s20+$0x0], $0xffff  }
0xc2: {  	v45 =	vld [tilespmem:$0x1FE40];
	v3 =	vadd.f32 v6, v3  }
0xc3: {  	v6 =	vld.idx.msk [tilespmem:v40+s20+$0x0], $0xffff  }
0xc4: {  	v7 =	vadd.f32 v10, v7;
	v10 =	vld.idx.msk [tilespmem:v41+s20+$0x0], $0xffff;
	v3 =	vadd.f32 v4, v3  }
0xc5: {  	v4 =	vld.idx.msk [tilespmem:v42+s20+$0x0], $0xffff  }
0xc6: {  	v7 =	vadd.f32 v8, v7;
	v47 =	vld [tilespmem:$0x1FE80];
	v3 =	vadd.f32 v5, v3  }
0xc7: {  	v5 =	vld.idx.msk [tilespmem:v43+s20+$0x0], $0xffff  }
0xc8: {  	v8 =	vld [tilespmem:$0x3C98];
	v7 =	vadd.f32 v9, v7;
	v3 =	vadd.f32 v6, v3  }
0xc9: {  	v6 =	vld.idx.msk [tilespmem:v44+s20+$0x0], $0xffff  }
0xca: {  	v7 =	vadd.f32 v10, v7;
	v9 =	vadd.f32 v4, v3  }
0xcb: {  	v3 =	vld.idx.msk [tilespmem:v45+s20+$0x0], $0xffff  }
0xcc: {  	v49 =	vld [tilespmem:$0x1FEC0];
	v4 =	vadd.f32 v5, v7;
	v5 =	vnsel vm0, $0x0, v9  }
0xcd: {  	v7 =	vld.idx.msk [tilespmem:v46+s20+$0x0], $0xffff;
	(xrf2) =	vadd.scan.msk.f32 $0xffff, v5;
	v5 =	vnsel vm0, $0x0, v8  }
0xce: {  	v50 =	vld [tilespmem:$0x1FEE0];
	v4 =	vadd.f32 v6, v4;
	(xrf2) =	vadd.scan.msk.f32 $0xffff, v5;
	v5 =	vsel vm1, $0x0, v9  }
0xcf: {  	v6 =	vld.idx.msk [tilespmem:v47+s20+$0x0], $0xffff;
	(xrf2) =	vadd.scan.msk.f32 $0xffff, v5;
	v5 =	vsel vm1, $0x0, v8  }
0xd0: {  	v51 =	vld [tilespmem:$0x1FF00];
	v3 =	vadd.f32 v3, v4;
	v4 =	vsel vm2, $0x0, v9;
	(xrf2) =	vadd.scan.msk.f32 $0xffff, v5  }
0xd1: {  	v5 =	vld.idx.msk [tilespmem:v48+s20+$0x0], $0xffff;
	(xrf2) =	vadd.scan.msk.f32 $0xffff, v4;
	v4 =	vsel vm2, $0x0, v8  }
0xd2: {  	v52 =	vld [tilespmem:$0x1FF20];
	v3 =	vadd.f32 v7, v3;
	(xrf2) =	vadd.scan.msk.f32 $0xffff, v4;
	v4 =	vsel vm3, $0x0, v9  }
0xd3: {  	v53 =	vld [tilespmem:$0x1FF40];
	(xrf2) =	vadd.scan.msk.f32 $0xffff, v4;
	v4 =	vsel vm3, $0x0, v8  }
0xd4: {  	v7 =	vld.idx.msk [tilespmem:v49+s20+$0x0], $0xffff;
	v3 =	vadd.f32 v6, v3;
	(xrf2) =	vadd.scan.msk.f32 $0xffff, v4;
	v4 =	vsel vm4, $0x0, v9  }
0xd5: {  	v54 =	vld [tilespmem:$0x1FF60];
	(xrf2) =	vadd.scan.msk.f32 $0xffff, v4;
	v4 =	vsel vm4, $0x0, v8  }
0xd6: {  	v6 =	vld.idx.msk [tilespmem:v50+s20+$0x0], $0xffff;
	v5 =	vadd.f32 v5, v3;
	(xrf2) =	vadd.scan.msk.f32 $0xffff, v4;
	v4 =	vsel vm5, $0x0, v9  }
0xd7: {  	v55 =	vld [tilespmem:$0x1FF80]  }
0xd8: {  	v11 =	vsel vm5, $0x0, v8;
	v10 =	vld.idx.msk [tilespmem:v51+s20+$0x0], $0xffff;
	v3, _, _ =	vpop (xrf2);
	(xrf2) =	vadd.scan.msk.f32 $0xffff, v4  }
0xd9: {  	v56 =	vld [tilespmem:$0x1FFA0];
	v7 =	vadd.f32 v7, v5;
	v4, _, _ =	vpop (xrf2);
	(xrf2) =	vadd.scan.msk.f32 $0xffff, v11;
	v11 =	vsel vm6, $0x0, v9  }
0xda: {  	v12 =	vld.idx.msk [tilespmem:v52+s20+$0x0], $0xffff;
	v5, _, _ =	vpop (xrf2);
	(xrf2) =	vadd.scan.msk.f32 $0xffff, v11;
	v11 =	vsel vm6, $0x0, v8  }
0xdb: {  	v57 =	vld [tilespmem:$0x1FFC0];
	v7 =	vadd.f32 v6, v7;
	v6, _, _ =	vpop (xrf2);
	(xrf2) =	vadd.scan.msk.f32 $0xffff, v11;
	v11 =	vsel vm7, $0x0, v9  }
0xdc: {  	v13 =	vld.idx.msk [tilespmem:v53+s20+$0x0], $0xffff;
	v14, _, _ =	vpop (xrf2);
	(xrf2) =	vadd.scan.msk.f32 $0xffff, v11;
	v11 =	vsel vm7, $0x0, v8  }
0xdd: {  	v58 =	vld [tilespmem:$0x1FFD0];
	v7 =	vadd.f32 v10, v7;
	v10, _, _ =	vpop (xrf2);
	(xrf2) =	vadd.scan.msk.f32 $0xffff, v11;
	v11 =	vsel vm8, $0x0, v9  }
0xde: {  	v15 =	vld.idx.msk [tilespmem:v54+s20+$0x0], $0xffff;
	v16, _, _ =	vpop (xrf2);
	(xrf2) =	vadd.scan.msk.f32 $0xffff, v11;
	v11 =	vsel vm8, $0x0, v8  }
0xdf: {  	v7 =	vadd.f32 v12, v7;
	v12, _, _ =	vpop (xrf2);
	(xrf2) =	vadd.scan.msk.f32 $0xffff, v11;
	v11 =	vsel vm9, $0x0, v9  }
0xe0: {  	v17 =	vld.idx.msk [tilespmem:v55+s20+$0x0], $0xffff;
	v18, _, _ =	vpop (xrf2);
	(xrf2) =	vadd.scan.msk.f32 $0xffff, v11;
	v11 =	vsel vm9, $0x0, v8  }
0xe1: {  	v7 =	vadd.f32 v13, v7;
	v13, _, _ =	vpop (xrf2);
	(xrf2) =	vadd.scan.msk.f32 $0xffff, v11;
	v11 =	vsel vm10, $0x0, v9  }
0xe2: {  	v19 =	vld.idx.msk [tilespmem:v56+s20+$0x0], $0xffff;
	v45, _, _ =	vpop (xrf2);
	(xrf2) =	vadd.scan.msk.f32 $0xffff, v11;
	v11 =	vsel vm10, $0x0, v8  }
0xe3: {  	v7 =	vadd.f32 v15, v7;
	v15, _, _ =	vpop (xrf2);
	(xrf2) =	vadd.scan.msk.f32 $0xffff, v11;
	v11 =	vsel vm11, $0x0, v9  }
0xe4: {  	v20 =	vld.idx.msk [tilespmem:v57+s20+$0x0], $0xffff;
	v46, _, _ =	vpop (xrf2);
	(xrf2) =	vadd.scan.msk.f32 $0xffff, v11;
	v11 =	vsel vm11, $0x0, v8  }
0xe5: {  	v7 =	vadd.f32 v17, v7;
	v47, _, _ =	vpop (xrf2);
	(xrf2) =	vadd.scan.msk.f32 $0xffff, v11;
	v11 =	vsel vm12, $0x0, v9  }
0xe6: {  	v17 =	vld.idx.msk [tilespmem:v58+s20+$0x0], $0xffff;
	v48, _, _ =	vpop (xrf2);
	(xrf2) =	vadd.scan.msk.f32 $0xffff, v11;
	v11 =	vsel vm12, $0x0, v8  }
0xe7: {  	v7 =	vadd.f32 v19, v7;
	v49, _, _ =	vpop (xrf2);
	(xrf2) =	vadd.scan.msk.f32 $0xffff, v11;
	v11 =	vsel vm13, $0x0, v9  }
0xe8: {  	v50, _, _ =	vpop (xrf2);
	(xrf2) =	vadd.scan.msk.f32 $0xffff, v11;
	v11 =	vsel vm13, $0x0, v8  }
0xe9: {  	v19 =	vld [tilespmem:$0x3CA8];
	v7 =	vadd.f32 v20, v7;
	v51, _, _ =	vpop (xrf2);
	(xrf2) =	vadd.scan.msk.f32 $0xffff, v11;
	v11 =	vsel vm14, $0x0, v9  }
0xea: {  	v52, _, _ =	vpop (xrf2);
	(xrf2) =	vadd.scan.msk.f32 $0xffff, v11;
	v11 =	vsel vm14, $0x0, v8  }
0xeb: {  	v7 =	vadd.f32 v17, v7;
	v9 =	vsel vm15, $0x0, v9;
	v53, _, _ =	vpop (xrf2);
	(xrf2) =	vadd.scan.msk.f32 $0xffff, v11  }
0xec: {  	v8 =	vsel vm15, $0x0, v8;
	v54, _, _ =	vpop (xrf2);
	(xrf2) =	vadd.scan.msk.f32 $0xffff, v9  }
0xed: {  	v55, _, _ =	vpop (xrf2);
	(xrf2) =	vadd.scan.msk.f32 $0xffff, v8;
	v8 =	vnsel vm0, $0x0, v7  }
0xee: {  	v56, _, _ =	vpop (xrf2);
	(xrf2) =	vadd.scan.msk.f32 $0xffff, v8;
	v8 =	vnsel vm0, $0x0, v19  }
0xef: {  	v57, _, _ =	vpop (xrf2);
	(xrf2) =	vadd.scan.msk.f32 $0xffff, v8;
	v8 =	vsel vm1, $0x0, v7  }
0xf0: {  	v58, _, _ =	vpop (xrf2);
	(xrf2) =	vadd.scan.msk.f32 $0xffff, v8;
	v8 =	vsel vm1, $0x0, v19  }
0xf1: {  	v28, _, _ =	vpop (xrf2);
	(xrf2) =	vadd.scan.msk.f32 $0xffff, v8;
	v8 =	vsel vm2, $0x0, v7  }
0xf2: {  	v29, _, _ =	vpop (xrf2);
	(xrf2) =	vadd.scan.msk.f32 $0xffff, v8;
	v8 =	vsel vm2, $0x0, v19  }
0xf3: {  	v7 =	vsel vm3, $0x0, v7;
	v30, _, _ =	vpop (xrf2);
	(xrf2) =	vadd.scan.msk.f32 $0xffff, v8  }
0xf4: {  	v31, _, _ =	vpop (xrf2);
	(xrf2) =	vadd.scan.msk.f32 $0xffff, v7;
	v7 =	vsel vm3, $0x0, v19  }
0xf5: {  	v32, _, _ =	vpop (xrf2);
	(xrf2) =	vadd.scan.msk.f32 $0xffff, v7  }
0xf6: {  	v34, _, _ =	vpop (xrf2)  }
0xf7: {  	v33, _, _ =	vpop (xrf2)  }
0xf8: {  	v35, _, _ =	vpop (xrf2)  }
0xf9: {  	v36, _, _ =	vpop (xrf2)  }
0xfa: {  	v37, _, _ =	vpop (xrf2)  }
0xfb: {  	v38, _, _ =	vpop (xrf2)  }
0xfc: {  	v39, _, _ =	vpop (xrf2)  }
0xfd: {  	v40, _, _ =	vpop (xrf2)  }
0xfe: {  	v41, _, _ =	vpop (xrf2)  }
0xff: {  	v42, _, _ =	vpop (xrf2)  }
0x100: {  	_ =	swait.ge [sflag:s25], $0x80  }
0x101: {  	[sflag:s25] =	ssyncset.done $0x0  }
0x102: {  	[sflag:s25] =	ssyncadd.s32 $0xFFFFFF80  }
0x103: {  	_ =	swait.ge [sflag:s25], $0x80  }
0x104: {  	[sflag:s25] =	ssyncset.done $0x0  }
0x105: {  	[sflag:s25] =	ssyncadd.s32 $0xFFFFFF80  }
0x106: {  	_ =	swait.ge [sflag:s25], $0x80  }
0x107: {  	[sflag:s25] =	ssyncset.done $0x0  }
0x108: {  	[sflag:s25] =	ssyncadd.s32 $0xFFFFFF80  }
0x109: {  	_ =	swait.ge [sflag:s25], $0x80  }
0x10a: {  	[sflag:s25] =	ssyncset.done $0x0  }
0x10b: {  	[sflag:s25] =	ssyncadd.s32 $0xFFFFFF80  }
0x10c: {  	_ =	swait.ge [sflag:s25], $0x80  }
0x10d: {  	[sflag:s25] =	ssyncset.done $0x0  }
0x10e: {  	[sflag:s25] =	ssyncadd.s32 $0xFFFFFF80  }
0x10f: {  	v26 =	vbroadcast v3, $0xF;
	_ =	swait.ge [sflag:s25], $0x80  }
0x110: {  	v25 =	vbroadcast v4, $0xF;
	v24 =	vbroadcast v5, $0xF;
	[sflag:s25] =	ssyncset.done $0x0  }
0x111: {  	v44 =	vor.u32 s4, v61;
	v23 =	vbroadcast v6, $0xF;
	v22 =	vbroadcast v14, $0xF;
	[sflag:s25] =	ssyncadd.s32 $0xFFFFFF80  }
0x112: {  	v43 =	vmul.u32 $0x18, v44;
	v21 =	vbroadcast v10, $0xF;
	v14 =	vbroadcast v45, $0xF;
	_ =	swait.ge [sflag:s25], $0x80  }
0x113: {  	v20 =	vbroadcast v16, $0xF;
	v16 =	vbroadcast v13, $0xF;
	[sflag:s25] =	ssyncset.done $0x0  }
0x114: {  	v3 =	vor.u32 $0x1, v43;
	v13 =	vbroadcast v15, $0xF;
	v10 =	vbroadcast v48, $0xF;
	[sflag:s25] =	ssyncadd.s32 $0xFFFFFF80  }
0x115: {  	v4 =	vor.u32 $0x2, v43;
	v17 =	vbroadcast v18, $0xF;
	v11 =	vbroadcast v47, $0xF;
	_ =	swait.ge [sflag:s25], $0x80  }
0x116: {  	v59 =	vor.u32 $0x3, v43;
	v6 =	vbroadcast v52, $0xF;
	v9 =	vbroadcast v49, $0xF;
	[sflag:s25] =	ssyncset.done $0x0  }
0x117: {  	v60 =	vor.u32 $0x4, v43;
	v5 =	vbroadcast v53, $0xF;
	v2 =	vbroadcast v55, $0xF;
	[sflag:s25] =	ssyncadd.s32 $0xFFFFFF80  }
0x118: {  	v63 =	vor.u32 $0x5, v43;
	v0 =	vbroadcast v56, $0xF;
	v19 =	vbroadcast v12, $0xF;
	v45 =	vld.idx.msk [tilespmem:v43+s18+$0x0], $0xffff  }
0x119: {  	v12 =	vbroadcast v46, $0xF;
	v7 =	vbroadcast v51, $0xF;
	v51 =	vor.u32 $0x6, v43;
	v46 =	vld.idx.msk [tilespmem:v3+s18+$0x0], $0xffff  }
0x11a: {  	v1 =	vbroadcast v57, $0xF;
	v28 =	vbroadcast v28, $0xF;
	v62 =	vld.idx.msk [tilespmem:v4+s18+$0x0], $0xffff  }
0x11b: {  	v8 =	vbroadcast v50, $0xF;
	v29 =	vbroadcast v29, $0xF;
	v47 =	vld.idx.msk [tilespmem:v59+s18+$0x0], $0xffff  }
0x11c: {  	v30 =	vbroadcast v30, $0xF;
	v31 =	vbroadcast v31, $0xF;
	v48 =	vld.idx.msk [tilespmem:v60+s18+$0x0], $0xffff  }
0x11d: {  	v32 =	vbroadcast v32, $0xF;
	v34 =	vbroadcast v34, $0xF;
	v50 =	vld.idx.msk [tilespmem:v63+s18+$0x0], $0xffff  }
0x11e: {  	v33 =	vbroadcast v33, $0xF;
	v3 =	vbroadcast v54, $0xF;
	v51 =	vld.idx.msk [tilespmem:v51+s18+$0x0], $0xffff  }
0x11f: {  	v45 =	vcvt.s32.f32 v45;
	v46 =	vcvt.s32.f32 v46  }
0x120: {  	v52 =	vor.u32 $0x7, v43;
	v49 =	vcvt.s32.f32 v62;
	v47 =	vcvt.s32.f32 v47  }
0x121: {  	v55 =	vadd.s32 $0x8, v43;
	v48 =	vcvt.s32.f32 v48;
	v59 =	vmul.f32 v45, v26  }
0x122: {  	v50 =	vcvt.s32.f32 v50;
	v60 =	vadd.f32 v46, v45;
	v45 =	vmul.f32 v45, v25  }
0x123: {  	v51 =	vcvt.s32.f32 v51;
	v62 =	vmul.f32 v46, v24;
	v53 =	vadd.f32 $0.0e+00, v59  }
0x124: {  	v46 =	vmul.f32 v46, v23;
	v54 =	vadd.f32 v49, v60;
	v45 =	vadd.f32 $0.0e+00, v45  }
0x125: {  	v63 =	vmul.f32 v49, v22;
	v49 =	vmul.f32 v49, v21;
	v53 =	vadd.f32 v62, v53  }
0x126: {  	v60 =	vmul.f32 v47, v20;
	v45 =	vadd.f32 v46, v45;
	v54 =	vadd.f32 v47, v54;
	v62 =	vld.idx.msk [tilespmem:v52+s18+$0x0], $0xffff  }
0x127: {  	v46 =	vadd.s32 $0x9, v43;
	v47 =	vmul.f32 v47, v19;
	v53 =	vadd.f32 v63, v53  }
0x128: {  	v52 =	vadd.s32 $0xA, v43;
	v45 =	vadd.f32 v49, v45;
	v54 =	vadd.f32 v48, v54  }
0x129: {  	v63 =	vmul.f32 v48, v17;
	v48 =	vmul.f32 v48, v16;
	v53 =	vadd.f32 v60, v53  }
0x12a: {  	v45 =	vadd.f32 v47, v45;
	v47 =	vld.idx.msk [tilespmem:v55+s18+$0x0], $0xffff;
	v55 =	vadd.s32 $0xB, v43;
	v60 =	vmul.f32 v50, v14  }
0x12b: {  	v54 =	vadd.f32 v50, v54;
	v50 =	vmul.f32 v50, v13;
	v49 =	vcvt.s32.f32 v62  }
0x12c: {  	v46 =	vld.idx.msk [tilespmem:v46+s18+$0x0], $0xffff;
	v62 =	vmul.f32 v51, v12;
	v53 =	vadd.f32 v63, v53;
	v45 =	vadd.f32 v48, v45  }
0x12d: {  	v48 =	vadd.s32 $0xC, v43;
	v54 =	vadd.f32 v51, v54;
	v63 =	vmul.f32 v51, v11  }
0x12e: {  	v52 =	vld.idx.msk [tilespmem:v52+s18+$0x0], $0xffff;
	v51 =	vadd.s32 $0xD, v43;
	v53 =	vadd.f32 v60, v53;
	v45 =	vadd.f32 v50, v45  }
0x12f: {  	v54 =	vadd.f32 v49, v54;
	v60 =	vmul.f32 v49, v10;
	v47 =	vcvt.s32.f32 v47  }
0x130: {  	v49 =	vmul.f32 v49, v9;
	v55 =	vld.idx.msk [tilespmem:v55+s18+$0x0], $0xffff;
	v53 =	vadd.f32 v62, v53;
	v45 =	vadd.f32 v63, v45  }
0x131: {  	v62 =	vadd.s32 $0xE, v43;
	v46 =	vcvt.s32.f32 v46;
	v54 =	vadd.f32 v47, v54  }
0x132: {  	v63 =	vmul.f32 v47, v8;
	v48 =	vld.idx.msk [tilespmem:v48+s18+$0x0], $0xffff;
	v47 =	vmul.f32 v47, v7;
	v45 =	vadd.f32 v49, v45  }
0x133: {  	v52 =	vcvt.s32.f32 v52;
	v49 =	vadd.s32 $0xF, v43;
	v54 =	vadd.f32 v46, v54  }
0x134: {  	v35 =	vbroadcast v35, $0xF;
	v51 =	vld.idx.msk [tilespmem:v51+s18+$0x0], $0xffff;
	v53 =	vadd.f32 v60, v53;
	v45 =	vadd.f32 v47, v45  }
0x135: {  	v47 =	vadd.s32 $0x10, v43;
	v55 =	vcvt.s32.f32 v55;
	v54 =	vadd.f32 v52, v54  }
0x136: {  	v36 =	vbroadcast v36, $0xF;
	v37 =	vbroadcast v37, $0xF;
	v53 =	vadd.f32 v63, v53;
	v50 =	vld.idx.msk [tilespmem:v62+s18+$0x0], $0xffff  }
0x137: {  	v63 =	vadd.s32 $0x11, v43;
	v48 =	vcvt.s32.f32 v48;
	v54 =	vadd.f32 v55, v54  }
0x138: {  	v18 =	vmov v16;
	v38 =	vbroadcast v38, $0xF;
	v60 =	vmul.f32 v46, v6;
	v49 =	vld.idx.msk [tilespmem:v49+s18+$0x0], $0xffff  }
0x139: {  	v15 =	vmovc v12;
	v39 =	vbroadcast v39, $0xF;
	[tilespmem:$0x1FBF0] =	vst v19;
	v4 =	vmovc v0;
	v51 =	vcvt.s32.f32 v51;
	v54 =	vadd.f32 v48, v54  }
0x13a: {  	v19 =	vmovc v17;
	v46 =	vmul.f32 v46, v5;
	v53 =	vadd.f32 v60, v53;
	v60 =	vadd.s32 $0x12, v43;
	v47 =	vld.idx.msk [tilespmem:v47+s18+$0x0], $0xffff  }
0x13b: {  	v17 =	vmovc v14;
	v16 =	vmovc v13;
	v14 =	vmov v11;
	v50 =	vcvt.s32.f32 v50;
	v54 =	vadd.f32 v51, v54  }
0x13c: {  	v13 =	vmovc v10;
	v62 =	vmul.f32 v52, v3;
	v45 =	vadd.f32 v46, v45;
	v43 =	vadd.s32 $0x13, v43;
	v46 =	vld.idx.msk [tilespmem:v63+s18+$0x0], $0xffff  }
0x13d: {  	v12 =	vmovc v9;
	v11 =	vmovc v8;
	v10 =	vmov v7;
	v49 =	vcvt.s32.f32 v49;
	v54 =	vadd.f32 v50, v54  }
0x13e: {  	v9 =	vmovc v6;
	v7 =	vmovc v3;
	v3 =	vbroadcast v58, $0xF;
	v52 =	vmul.f32 v52, v2;
	v53 =	vadd.f32 v62, v53  }
0x13f: {  	v8 =	vmovc v5;
	v62 =	vmul.f32 v55, v0;
	v0 =	vld.idx.msk [tilespmem:v60+s18+$0x0], $0xffff;
	v47 =	vcvt.s32.f32 v47;
	v57 =	vadd.f32 v49, v54  }
0x140: {  	v5 =	vmovc v1;
	v45 =	vadd.f32 v52, v45;
	v63 =	vmul.f32 v55, v1;
	v1 =	vmul.f32 v48, v3  }
0x141: {  	v6 =	vmovc v2;
	v52 =	vadd.f32 v62, v53;
	v2 =	vld.idx.msk [tilespmem:v43+s18+$0x0], $0xffff;
	v46 =	vcvt.s32.f32 v46;
	v43 =	vadd.f32 v47, v57  }
0x142: {  	v58 =	vmul.f32 v51, v29;
	v48 =	vmul.f32 v48, v28;
	v45 =	vadd.f32 v63, v45  }
0x143: {  	v52 =	vadd.f32 v1, v52;
	v59 =	vadd.f32 v46, v43;
	v43 =	vor.u32 $0xFFFFFFF8, v61  }
0x144: {  	v51 =	vmul.f32 v51, v30;
	v53 =	vcvt.s32.f32 v0;
	v44 =	vand.u32 v43, v44  }
0x145: {  	v60 =	vmul.f32 v50, v31;
	v45 =	vadd.f32 v48, v45;
	v48 =	vadd.f32 v58, v52  }
0x146: {  	v50 =	vmul.f32 v50, v32;
	v52 =	vcvt.s32.f32 v2;
	v54 =	vadd.f32 v53, v59  }
0x147: {  	v62 =	vmul.f32 v49, v34;
	v45 =	vadd.f32 v51, v45;
	v48 =	vadd.f32 v60, v48  }
0x148: {  	v40 =	vbroadcast v40, $0xF;
	v49 =	vmul.f32 v49, v33;
	v54 =	vadd.f32 v52, v54  }
0x149: {  	v63 =	vmul.f32 v47, v35;
	v45 =	vadd.f32 v50, v45;
	v48 =	vadd.f32 v62, v48;
	v51 =	vld.idx.msk [tilespmem:v44+s17+$0x0], $0xffff  }
0x14a: {  	v0 =	vmul.f32 v46, v37;
	(erf) = vrcp.f32 v54  }
0x14b: {  	v47 =	vmul.f32 v47, v36;
	v45 =	vadd.f32 v49, v45;
	v48 =	vadd.f32 v63, v48  }
0x14c: {  	v41 =	vbroadcast v41, $0xF;
	v57 =	vmul.f32 v53, v39  }
0x14d: {  	v46 =	vmul.f32 v46, v38;
	v45 =	vadd.f32 v47, v45;
	v2 =	vadd.f32 v0, v48  }
0x14e: {  	v42 =	vbroadcast v42, $0xF;
	v60 =	vmul.f32 v52, v41;
	v1 =	vld.idx.msk [tilespmem:v44+s24+$0x0], $0xffff  }
0x14f: {  	v59 =	vmul.f32 v53, v40;
	v45 =	vadd.f32 v46, v45;
	v47 =	vadd.f32 v57, v2;
	v58 =	vld.idx.msk [tilespmem:v44+s23+$0x0], $0xffff;
	_ =	sdelay $0x1  }
0x150: {  	v62 =	vmul.f32 v52, v42;
	v45 =	vadd.f32 v59, v45;
	v63 =	vadd.f32 v60, v47;
	v47 =	vld.idx.msk [tilespmem:v51+s19+$0x0], $0xffff  }
0x151: {  	s30 =	simm.s32 $0x10;
	v27 =	vmovc v26;
	v26 =	vmovc v25;
	v25 =	vmov v24;
	v24 =	vmov v23;
	v23 =	vmov v22  }
0x152: {  	v22 =	vmov v21;
	v46 =	vor.u32 s30, v61;
	v48 =	vadd.f32 v62, v45;
	v49 =	vpop (erf)  }
0x153: {  	v21 =	vmovc v20;
	v20 =	vmovc v3;
	s30 =	simm.s32 $0x20;
	v45 =	vmul.u32 $0x18, v46;
	v50 =	vadd.f32 v1, v58;
	v51 =	vmul.f32 v49, v63  }
.LBB2_2:
0x154: {  	_ = 	snop  }
0x155: {  	v52 =	vor.u32 $0x1, v45;
	v48 =	vmul.f32 v49, v48;
	v47 =	vadd.f32 v47, v50  }
0x156: {  	v57 =	vmul.f32 $3.125000000e-02, v51  }
0x157: {  	v47 =	vadd.f32 v48, v47  }
0x158: {  	v58 =	vor.u32 $0x2, v45;
	[tilespmem:v44+s26+$0x0] =	vst.idx.msk $0xffff, v57  }
0x159: {  	[tilespmem:v44+s28+$0x0] =	vst.idx.msk $0xffff, v47  }
0x15a: {  	v59 =	vor.u32 $0x3, v45;
	v44 =	vld.idx.msk [tilespmem:v52+s18+$0x0], $0xffff  }
0x15b: {  	v60 =	vor.u32 $0x4, v45;
	v49 =	vld.idx.msk [tilespmem:v45+s18+$0x0], $0xffff;
	_ =	sdelay $0x1  }
0x15c: {  	v61 =	vor.u32 $0x5, v45;
	v48 =	vld.idx.msk [tilespmem:v58+s18+$0x0], $0xffff;
	_ =	sdelay $0x1  }
0x15d: {  	v62 =	vor.u32 $0x6, v45;
	v47 =	vld.idx.msk [tilespmem:v59+s18+$0x0], $0xffff  }
0x15e: {  	v56 =	vadd.s32 $0x8, v45;
	v50 =	vld.idx.msk [tilespmem:v60+s18+$0x0], $0xffff;
	v49 =	vcvt.s32.f32 v49;
	v53 =	vcvt.s32.f32 v44  }
0x15f: {  	v54 =	vor.u32 $0x7, v45;
	v63 =	vadd.s32 $0xB, v45;
	v2 =	vadd.s32 $0xD, v45  }
0x160: {  	v1 =	vadd.s32 $0xE, v45;
	v51 =	vld.idx.msk [tilespmem:v61+s18+$0x0], $0xffff;
	v48 =	vcvt.s32.f32 v48;
	v55 =	vadd.f32 v53, v49  }
0x161: {  	v57 =	vadd.s32 $0x13, v45;
	v52 =	vadd.s32 $0x12, v45;
	v58 =	vadd.s32 $0x9, v45  }
0x162: {  	v44 =	vand.u32 v43, v46;
	v46 =	vld.idx.msk [tilespmem:v62+s18+$0x0], $0xffff;
	v47 =	vcvt.s32.f32 v47;
	v55 =	vadd.f32 v48, v55  }
0x163: {  	v59 =	vadd.s32 $0xF, v45;
	v60 =	vadd.s32 $0x10, v45;
	v56 =	vld.idx.msk [tilespmem:v56+s18+$0x0], $0xffff;
	v50 =	vcvt.s32.f32 v50  }
0x164: {  	v0 =	vmul.f32 v49, v27;
	v49 =	vmul.f32 v49, v26;
	v55 =	vadd.f32 v47, v55  }
0x165: {  	v54 =	vld.idx.msk [tilespmem:v54+s18+$0x0], $0xffff;
	v62 =	vadd.s32 $0xA, v45;
	v51 =	vcvt.s32.f32 v51;
	v3 =	vmul.f32 v53, v25  }
0x166: {  	v53 =	vmul.f32 v53, v24;
	v49 =	vadd.f32 $0.0e+00, v49;
	v55 =	vadd.f32 v50, v55  }
0x167: {  	v61 =	vadd.s32 $0x11, v45;
	v58 =	vld.idx.msk [tilespmem:v58+s18+$0x0], $0xffff;
	v0 =	vadd.f32 $0.0e+00, v0;
	v46 =	vcvt.s32.f32 v46  }
0x168: {  	v49 =	vadd.f32 v53, v49;
	v53 =	vcvt.s32.f32 v56;
	v56 =	vld.idx.msk [tilespmem:v63+s18+$0x0], $0xffff;
	v55 =	vadd.f32 v51, v55  }
0x169: {  	v45 =	vadd.s32 $0xC, v45;
	v0 =	vadd.f32 v3, v0;
	v3 =	vmul.f32 v48, v23;
	v63 =	vld [tilespmem:$0x1FBF0]  }
0x16a: {  	v54 =	vcvt.s32.f32 v54;
	v55 =	vadd.f32 v46, v55  }
0x16b: {  	v62 =	vld.idx.msk [tilespmem:v62+s18+$0x0], $0xffff;
	v48 =	vmul.f32 v48, v22;
	v0 =	vadd.f32 v3, v0;
	v3 =	vmul.f32 v47, v21  }
0x16c: {  	v55 =	vadd.f32 v54, v55  }
0x16d: {  	v48 =	vadd.f32 v48, v49;
	v0 =	vadd.f32 v3, v0;
	v3 =	vmul.f32 v50, v19  }
0x16e: {  	v45 =	vld.idx.msk [tilespmem:v45+s18+$0x0], $0xffff;
	v49 =	vcvt.s32.f32 v58;
	v47 =	vmul.f32 v47, v63;
	v55 =	vadd.f32 v53, v55  }
0x16f: {  	v58 =	vmul.f32 v50, v18;
	v0 =	vadd.f32 v3, v0;
	v3 =	vmul.f32 v51, v17  }
0x170: {  	v2 =	vld.idx.msk [tilespmem:v2+s18+$0x0], $0xffff;
	v50 =	vcvt.s32.f32 v62;
	v47 =	vadd.f32 v47, v48;
	v55 =	vadd.f32 v49, v55  }
0x171: {  	v62 =	vmul.f32 v51, v16;
	v0 =	vadd.f32 v3, v0;
	v3 =	vmul.f32 v46, v15  }
0x172: {  	v1 =	vld.idx.msk [tilespmem:v1+s18+$0x0], $0xffff;
	v51 =	vcvt.s32.f32 v56;
	v47 =	vadd.f32 v58, v47;
	v55 =	vadd.f32 v50, v55  }
0x173: {  	v45 =	vcvt.s32.f32 v45;
	v0 =	vadd.f32 v3, v0;
	v3 =	vmul.f32 v54, v13  }
0x174: {  	v46 =	vmul.f32 v46, v14;
	v47 =	vadd.f32 v62, v47;
	v55 =	vadd.f32 v51, v55  }
0x175: {  	v2 =	vcvt.s32.f32 v2;
	v48 =	vld.idx.msk [tilespmem:v59+s18+$0x0], $0xffff;
	v0 =	vadd.f32 v3, v0;
	v3 =	vmul.f32 v53, v11  }
0x176: {  	v63 =	vmul.f32 v54, v12;
	v46 =	vadd.f32 v46, v47;
	v55 =	vadd.f32 v45, v55  }
0x177: {  	v1 =	vcvt.s32.f32 v1;
	v58 =	vld.idx.msk [tilespmem:v60+s18+$0x0], $0xffff;
	v0 =	vadd.f32 v3, v0;
	v3 =	vmul.f32 v49, v9  }
0x178: {  	v59 =	vmul.f32 v53, v10;
	v46 =	vadd.f32 v63, v46;
	v55 =	vadd.f32 v2, v55  }
0x179: {  	v60 =	vmul.f32 v49, v8;
	v53 =	vld.idx.msk [tilespmem:v61+s18+$0x0], $0xffff;
	v0 =	vadd.f32 v3, v0;
	v3 =	vmul.f32 v50, v7  }
0x17a: {  	v48 =	vcvt.s32.f32 v48;
	v49 =	vld.idx.msk [tilespmem:v52+s18+$0x0], $0xffff;
	v46 =	vadd.f32 v59, v46;
	v62 =	vadd.f32 v1, v55  }
0x17b: {  	v63 =	vmul.f32 v50, v6;
	v0 =	vadd.f32 v3, v0;
	v3 =	vmul.f32 v51, v4  }
0x17c: {  	v50 =	vcvt.s32.f32 v58;
	v46 =	vadd.f32 v60, v46;
	v52 =	vadd.f32 v48, v62  }
0x17d: {  	v58 =	vld.idx.msk [tilespmem:v57+s18+$0x0], $0xffff;
	v59 =	vmul.f32 v51, v5;
	v0 =	vadd.f32 v3, v0;
	v3 =	vmul.f32 v45, v20  }
0x17e: {  	v60 =	vcvt.s32.f32 v53;
	v46 =	vadd.f32 v63, v46;
	v52 =	vadd.f32 v50, v52  }
0x17f: {  	v47 =	vcvt.s32.f32 v49;
	v0 =	vadd.f32 v3, v0;
	v3 =	vmul.f32 v2, v29  }
0x180: {  	v45 =	vmul.f32 v45, v28;
	v46 =	vadd.f32 v59, v46;
	v62 =	vadd.f32 v60, v52  }
0x181: {  	v2 =	vmul.f32 v2, v30;
	v0 =	vadd.f32 v3, v0;
	v3 =	vmul.f32 v1, v31  }
0x182: {  	v45 =	vadd.f32 v45, v46;
	v46 =	vcvt.s32.f32 v58;
	v49 =	vadd.f32 v47, v62  }
0x183: {  	v0 =	vadd.f32 v3, v0;
	v3 =	vmul.f32 v48, v34  }
0x184: {  	v1 =	vmul.f32 v1, v32;
	v2 =	vadd.f32 v2, v45;
	v55 =	vadd.f32 v46, v49  }
0x185: {  	v56 =	vmul.f32 v48, v33;
	v63 =	vld.idx.msk [tilespmem:v44+s17+$0x0], $0xffff;
	v0 =	vadd.f32 v3, v0  }
0x186: {  	v3 =	vmul.f32 v50, v35;
	v1 =	vadd.f32 v1, v2;
	(erf) = vrcp.f32 v55  }
0x187: {  	v57 =	vmul.f32 v50, v36  }
0x188: {  	v0 =	vadd.f32 v3, v0;
	v3 =	vmul.f32 v60, v37;
	v1 =	vadd.f32 v56, v1  }
0x189: {  	v59 =	vmul.f32 v60, v38  }
0x18a: {  	v58 =	vld.idx.msk [tilespmem:v44+s24+$0x0], $0xffff;
	v0 =	vadd.f32 v3, v0;
	v3 =	vmul.f32 v47, v39;
	v1 =	vadd.f32 v57, v1  }
0x18b: {  	p0 =	sne.s32 s30, $0x1F0;
	v60 =	vld.idx.msk [tilespmem:v44+s23+$0x0], $0xffff;
	v62 =	vmul.f32 v47, v40  }
.Ltmp0:
0x18c: {  	v0 =	vadd.f32 v3, v0;
	v3 =	vmul.f32 v46, v41;
	v1 =	vadd.f32 v59, v1;
	(pc) =	sbr.rel @p0 .LBB2_2-.Ltmp0, $4  }
0x18d: {  	v61 =	vlaneseq.u32;
	v47 =	vld.idx.msk [tilespmem:v63+s19+$0x0], $0xffff;
	v63 =	vmul.f32 v46, v42  }
0x18e: {  	v46 =	vor.u32 s30, v61;
	v0 =	vadd.f32 v3, v0;
	v1 =	vadd.f32 v62, v1  }
0x18f: {  	v45 =	vmul.u32 $0x18, v46;
	v49 =	vpop (erf)  }
0x190: {  	s30 =	sadd.s32 $0x10, s30;
	v50 =	vadd.f32 v58, v60;
	v48 =	vadd.f32 v63, v1;
	v51 =	vmul.f32 v49, v0  }
0x191: {  	_ = 	snop  }
0x192: {  	v0 =	vor.u32 $0x1, v45;
	v1 =	vadd.f32 v47, v50;
	v2 =	vmul.f32 v49, v48  }
0x193: {  	v3 =	vmul.f32 $3.125000000e-02, v51  }
0x194: {  	v1 =	vadd.f32 v2, v1  }
0x195: {  	v56 =	vor.u32 $0x2, v45;
	[tilespmem:v44+s26+$0x0] =	vst.idx.msk $0xffff, v3  }
0x196: {  	[tilespmem:v44+s28+$0x0] =	vst.idx.msk $0xffff, v1  }
0x197: {  	v57 =	vor.u32 $0x3, v45;
	v0 =	vld.idx.msk [tilespmem:v0+s18+$0x0], $0xffff  }
0x198: {  	v3 =	vld.idx.msk [tilespmem:v45+s18+$0x0], $0xffff  }
0x199: {  	v58 =	vor.u32 $0x4, v45  }
0x19a: {  	v59 =	vor.u32 $0x5, v45;
	v2 =	vld.idx.msk [tilespmem:v56+s18+$0x0], $0xffff  }
0x19b: {  	v60 =	vor.u32 $0x6, v45  }
0x19c: {  	v51 =	vadd.s32 $0x8, v45;
	v1 =	vld.idx.msk [tilespmem:v57+s18+$0x0], $0xffff  }
0x19d: {  	v62 =	vor.u32 $0x7, v45;
	v3 =	vcvt.s32.f32 v3;
	v0 =	vcvt.s32.f32 v0  }
0x19e: {  	v43 =	vand.u32 v43, v46;
	v44 =	vld.idx.msk [tilespmem:v58+s18+$0x0], $0xffff  }
0x19f: {  	v46 =	vadd.s32 $0x12, v45;
	v47 =	vld.idx.msk [tilespmem:v59+s18+$0x0], $0xffff;
	v2 =	vcvt.s32.f32 v2;
	v63 =	vadd.f32 v0, v3  }
0x1a0: {  	v52 =	vadd.s32 $0x13, v45;
	v53 =	vadd.s32 $0x9, v45;
	v54 =	vadd.s32 $0xF, v45;
	v48 =	vld.idx.msk [tilespmem:v60+s18+$0x0], $0xffff  }
0x1a1: {  	v58 =	vadd.s32 $0xB, v45;
	v51 =	vld.idx.msk [tilespmem:v51+s18+$0x0], $0xffff;
	v1 =	vcvt.s32.f32 v1;
	v50 =	vadd.f32 v2, v63  }
0x1a2: {  	v55 =	vadd.s32 $0x10, v45;
	v49 =	vld.idx.msk [tilespmem:v62+s18+$0x0], $0xffff;
	v62 =	vmul.f32 v3, v27;
	v3 =	vmul.f32 v3, v26  }
0x1a3: {  	v57 =	vadd.s32 $0xA, v45;
	v44 =	vcvt.s32.f32 v44;
	v50 =	vadd.f32 v1, v50  }
0x1a4: {  	v27 =	vmul.f32 v0, v25;
	v0 =	vmul.f32 v0, v24;
	v3 =	vadd.f32 $0.0e+00, v3  }
0x1a5: {  	v56 =	vadd.s32 $0x11, v45;
	v47 =	vcvt.s32.f32 v47;
	v50 =	vadd.f32 v44, v50  }
0x1a6: {  	v59 =	vadd.s32 $0xD, v45;
	v0 =	vadd.f32 v0, v3;
	v3 =	vcvt.s32.f32 v51;
	v51 =	vld.idx.msk [tilespmem:v58+s18+$0x0], $0xffff  }
0x1a7: {  	v63 =	vcvt.s32.f32 v48;
	v26 =	vadd.f32 $0.0e+00, v62;
	v58 =	vld [tilespmem:$0x1FBF0];
	v50 =	vadd.f32 v47, v50  }
0x1a8: {  	v60 =	vadd.s32 $0xE, v45;
	v45 =	vadd.s32 $0xC, v45;
	v23 =	vmul.f32 v2, v23;
	v48 =	vld.idx.msk [tilespmem:v53+s18+$0x0], $0xffff  }
0x1a9: {  	v62 =	vcvt.s32.f32 v49;
	v49 =	vld.idx.msk [tilespmem:v57+s18+$0x0], $0xffff;
	v24 =	vadd.f32 v27, v26;
	v57 =	vadd.f32 v63, v50  }
0x1aa: {  	v2 =	vmul.f32 v2, v22  }
0x1ab: {  	v53 =	vmul.f32 v1, v21;
	v22 =	vadd.f32 v23, v24;
	v57 =	vadd.f32 v62, v57  }
0x1ac: {  	v19 =	vmul.f32 v44, v19;
	v0 =	vadd.f32 v2, v0;
	v1 =	vmul.f32 v1, v58  }
0x1ad: {  	v2 =	vcvt.s32.f32 v48;
	v21 =	vadd.f32 v53, v22;
	v50 =	vadd.f32 v3, v57  }
0x1ae: {  	v48 =	vld.idx.msk [tilespmem:v45+s18+$0x0], $0xffff;
	v45 =	vcvt.s32.f32 v49;
	v53 =	vmul.f32 v44, v18;
	v0 =	vadd.f32 v1, v0  }
0x1af: {  	v24 =	vld.idx.msk [tilespmem:v59+s18+$0x0], $0xffff;
	v58 =	vmul.f32 v47, v17;
	v57 =	vadd.f32 v19, v21;
	v59 =	vadd.f32 v2, v50  }
0x1b0: {  	v47 =	vmul.f32 v47, v16;
	v26 =	vcvt.s32.f32 v51;
	v0 =	vadd.f32 v53, v0  }
0x1b1: {  	v49 =	vld.idx.msk [tilespmem:v60+s18+$0x0], $0xffff;
	v51 =	vmul.f32 v63, v15;
	v50 =	vadd.f32 v58, v57;
	v53 =	vadd.f32 v45, v59  }
0x1b2: {  	v13 =	vmul.f32 v62, v13;
	v0 =	vadd.f32 v47, v0;
	v57 =	vmul.f32 v63, v14  }
0x1b3: {  	v25 =	vcvt.s32.f32 v48;
	v58 =	vld.idx.msk [tilespmem:v54+s18+$0x0], $0xffff;
	v59 =	vadd.f32 v51, v50;
	v60 =	vadd.f32 v26, v53  }
0x1b4: {  	v27 =	vmul.f32 v3, v11;
	v62 =	vmul.f32 v62, v12;
	v0 =	vadd.f32 v57, v0  }
0x1b5: {  	v23 =	vcvt.s32.f32 v24;
	v24 =	vadd.f32 v13, v59;
	v44 =	vadd.f32 v25, v60  }
0x1b6: {  	v48 =	vcvt.s32.f32 v49;
	v47 =	vmul.f32 v3, v10;
	v63 =	vld.idx.msk [tilespmem:v55+s18+$0x0], $0xffff;
	v0 =	vadd.f32 v62, v0  }
0x1b7: {  	v49 =	vld.idx.msk [tilespmem:v56+s18+$0x0], $0xffff;
	v51 =	vmul.f32 v2, v9;
	v50 =	vadd.f32 v27, v24;
	v53 =	vadd.f32 v23, v44  }
0x1b8: {  	v54 =	vmul.f32 v2, v8;
	v55 =	vcvt.s32.f32 v58;
	v0 =	vadd.f32 v47, v0  }
0x1b9: {  	v58 =	vmul.f32 v45, v7;
	v57 =	vadd.f32 v51, v50;
	v59 =	vadd.f32 v48, v53  }
0x1ba: {  	v18 =	vmul.f32 v26, v4;
	v56 =	vld.idx.msk [tilespmem:v46+s18+$0x0], $0xffff;
	v60 =	vmul.f32 v45, v6;
	v0 =	vadd.f32 v54, v0  }
0x1bb: {  	v62 =	vcvt.s32.f32 v63;
	v17 =	vadd.f32 v58, v57;
	v10 =	vadd.f32 v55, v59  }
0x1bc: {  	v21 =	vmul.f32 v26, v5;
	v22 =	vcvt.s32.f32 v49;
	v63 =	vld.idx.msk [tilespmem:v52+s18+$0x0], $0xffff;
	v0 =	vadd.f32 v60, v0  }
0x1bd: {  	v24 =	vmul.f32 v25, v20;
	v6 =	vadd.f32 v18, v17;
	v26 =	vadd.f32 v62, v10  }
0x1be: {  	v29 =	vmul.f32 v23, v29;
	v27 =	vmul.f32 v25, v28;
	v0 =	vadd.f32 v21, v0  }
0x1bf: {  	v28 =	vcvt.s32.f32 v56;
	v6 =	vadd.f32 v24, v6;
	v9 =	vadd.f32 v22, v26  }
0x1c0: {  	v30 =	vmul.f32 v23, v30;
	v45 =	vmul.f32 v48, v31;
	v0 =	vadd.f32 v27, v0  }
0x1c1: {  	v44 =	vcvt.s32.f32 v63;
	v6 =	vadd.f32 v29, v6;
	v9 =	vadd.f32 v28, v9  }
0x1c2: {  	v46 =	vmul.f32 v48, v32;
	v0 =	vadd.f32 v30, v0  }
0x1c3: {  	v47 =	vld.idx.msk [tilespmem:v43+s17+$0x0], $0xffff;
	v48 =	vmul.f32 v55, v34;
	v6 =	vadd.f32 v45, v6;
	v9 =	vadd.f32 v44, v9  }
0x1c4: {  	v49 =	vmul.f32 v55, v33;
	v0 =	vadd.f32 v46, v0  }
0x1c5: {  	v51 =	vmul.f32 v62, v35;
	v50 =	vadd.f32 v48, v6;
	(erf) = vrcp.f32 v9  }
0x1c6: {  	v52 =	vmul.f32 v62, v36;
	v0 =	vadd.f32 v49, v0  }
0x1c7: {  	v53 =	vmul.f32 v22, v37;
	v2 =	vadd.f32 v51, v50  }
0x1c8: {  	v56 =	vld.idx.msk [tilespmem:v43+s23+$0x0], $0xffff;
	v55 =	vmul.f32 v22, v38;
	v0 =	vadd.f32 v52, v0  }
0x1c9: {  	v54 =	vld.idx.msk [tilespmem:v43+s24+$0x0], $0xffff;
	v57 =	vmul.f32 v28, v39;
	v2 =	vadd.f32 v53, v2  }
0x1ca: {  	v58 =	vmul.f32 v28, v40;
	v0 =	vadd.f32 v55, v0  }
0x1cb: {  	v59 =	vmul.f32 v44, v41;
	v3 =	vld.idx.msk [tilespmem:v47+s19+$0x0], $0xffff;
	v2 =	vadd.f32 v57, v2  }
0x1cc: {  	v60 =	vmul.f32 v44, v42;
	v0 =	vadd.f32 v58, v0  }
0x1cd: {  	v2 =	vadd.f32 v59, v2  }
0x1ce: {  	v62 =	vadd.f32 v54, v56;
	v0 =	vadd.f32 v60, v0;
	v63 =	vpop (erf)  }
0x1cf: {  	v2 =	vmul.f32 v63, v2  }
0x1d0: {  	v1 =	vadd.f32 v3, v62;
	v0 =	vmul.f32 v63, v0  }
0x1d1: {  	v2 =	vmul.f32 $3.125000000e-02, v2  }
0x1d2: {  	v0 =	vadd.f32 v0, v1  }
0x1d3: {  	[tilespmem:v43+s26+$0x0] =	vst.idx.msk $0xffff, v2  }
0x1d4: {  	[tilespmem:v43+s28+$0x0] =	vst.idx.msk $0xffff, v0  }
0x1d5: {  	[hbm4b:s12+s4] =	stream.linear.scatter [tilespmem:s28], [sflag:$0x2], $0x200, $0x38;
	[tilespmem:$0x40B8] =	vst v63  }
0x1d6: {  	s29 =	sadd.s32 $0x1, s29;
	_ =	swait.ge [sflag:s15], $0x200  }
0x1d7: {  	p0 =	sne.s32 s29, s14;
	[sflag:s15] =	ssyncset.done $0x0  }
.Ltmp1:
0x1d8: {  	[sflag:s15] =	ssyncadd.s32 $0xFFFFFE00;
	(pc) =	sbr.rel @p0 .LBB2_1-.Ltmp1, $4  }
0x1d9: {  	[hbm4b:s13+s4] =	stream.linear.scatter [tilespmem:s26], [sflag:$0x2], $0x200, $0x38;
	[tilespmem:$0x40B8] =	vst v63  }
0x1da: {  	_ =	swait.ge [sflag:s15], $0x200  }
0x1db: {  	[sflag:s15] =	ssyncset.done $0x0  }
0x1dc: {  	[sflag:s15] =	ssyncadd.s32 $0xFFFFFE00  }
0x1dd: {  	_ =	sfence.sel $0x180000  }
0x1de: {  	[bflag:$0x0] =	sbarrier.arrive $0xFFFF  }
0x1df: {  	_ =	strace $0x90000047  }
0x1e0: {  	s0 =	stileid.u32;
	[bflag:$0x2] =	sbarrier.arrive $0xFFFF  }
0x1e1: {  	p0 =	sne.s32 s0, $0x0;
	s0 =	rddreg [dreg:$0x6]  }
0x1e2: {  	s0 =	sadd.s32 @!p0 $0x100000, s0  }
0x1e3: {  	[sflag:s0] =	ssyncadd.tile.s32 @!p0 $0x1;
	_ =	shalt  }
.Lfunc_end2:
_tile_overlayer_lowered:
.L_overlay_start_2:
0x1e4: {  	(tag) =	ssettag $0x2  }
0x1e5: {  	s0 =	rddreg [dreg:$0x0];
	s2 =	stileid.u32  }
0x1e6: {  	s1 =	rddreg [dreg:$0x1];
	p0 =	sne.s32 s2, $0x0  }
0x1e7: {  	s3 =	rddreg [dreg:$0x2];
	[bflag:$0x3] =	sbarrier.arrive $0xFFFF;
	s2 =	simm.s32 @!p0 $0x1C02  }
0x1e8: {  	[timem:s3], [sflag:s2] =	dma.local @!p0 [hbm:s0], s1  }
0x1e9: {  	s0 =	simm.s32 @!p0 $0x2  }
0x1ea: {  	_ =	swait.ge @!p0 [sflag:s0], s1  }
0x1eb: {  	s1 =	ssub.s32 @!p0 $0x0, s1;
	[sflag:s0] =	ssyncset.done @!p0 $0x0  }
0x1ec: {  	[sflag:s0] =	ssyncadd.s32 @!p0 s1  }
0x1ed: {  	[bflag:$0x3] =	sbarrier.arrive $0xFFFF  }
0x1ee: {  	_ =	shalt  }

// kernel: kernel.7.cloned.1.call-start
scs
__scs_entry_jumppad:
0x0: {  	(pc) =	sbr.rel $0x88, $3  }
0x1: {  	(tag) =	ssettag $0x0;
	lr =	simm.s32 $0x1  }
0x2: {  	[smem:$0x3F95] =	sst lr;
	_ =	strace $0xD0000000  }
0x3: {  	_ = 	snop  }
0x4: {  	_ = 	snop  }
0x5: {  	_ = 	snop  }
0x6: {  	_ = 	snop  }
0x7: {  	_ = 	snop  }
__scs_overlays_trampoline_lowered:
0x8: {  	[smem:$0x3FA4] =	sst s0  }
0x9: {  	[smem:$0x3FA5] =	sst s1  }
0xa: {  	[smem:$0x3FA6] =	sst s2  }
0xb: {  	[smem:$0x3FA7] =	sst s3  }
0xc: {  	[smem:$0x3FA8] =	sst s4  }
0xd: {  	[smem:$0x3FA9] =	sst s5  }
0xe: {  	[smem:$0x3FAA] =	sst s6  }
0xf: {  	[smem:$0x3FAB] =	sst s7  }
0x10: {  	[smem:$0x3FAC] =	sst s8  }
0x11: {  	[smem:$0x3FAD] =	sst s9;
	s0 =	simm.s32 @!p0 $0x0  }
0x12: {  	s1 =	sld [smem:$0x3F93];
	s0 =	simm.s32 @p0 $0x1  }
0x13: {  	[smem:$0x3FAE] =	sst s0;
	s0 =	simm.s32 @!p1 $0x0  }
0x14: {  	s2 =	sld [smem:$0x3F92];
	s0 =	simm.s32 @p1 $0x1  }
0x15: {  	[smem:$0x3FAF] =	sst s0;
	s0 =	simm.s32 @!p2 $0x0  }
0x16: {  	s3 =	sld [smem:$0x3FDB];
	s0 =	simm.s32 @p2 $0x1  }
0x17: {  	s4 =	simm.s32 $0x1BF5;
	[smem:$0x3FB1] =	sst s0  }
0x18: {  	s0 =	sld [smem:$0x3F94];
	_ =	swait.ge [sflag:s4], $0x0  }
0x19: {  	s7 =	sld [smem:$0x3F95]  }
0x1a: {  	s8 =	sadd.s32 $0xFFFFE003, lr  }
0x1b: {  	s9 =	sadd.s32 $0xFFFFFEF7, lr;
	s5 =	simm.s32 $0xFFFFFFFF;
	p2 =	slt.u32 s8, $0xFFFFF086  }
0x1c: {  	p1 =	slt.u32 s9, $0xF7A;
	s5 =	simm.s32 @!p2 $0x0  }
0x1d: {  	s5 =	simm.s32 @p1 $0x1;
	p0 =	seq.s32 s7, s2  }
0x1e: {  	s7 =	smul.u32 @!p0 $0xF7A, s2;
	p2 =	seq.s32 @!p0 s5, $0x0  }
0x1f: {  	s9 =	smul.u32 $0xF7A, s1;
	s8 =	simm.s32 @!p0 $0x1BF5;
	p2 =	por !p2, p0  }
0x20: {  	[sflag:s8] =	ssyncset.s32 @!p0 $0xFFFFF086;
	s6 =	sadd.s32 @!p0 s3, s7;
	s7 =	simm.s32 @!p0 $0x108  }
0x21: {  	s3 =	sadd.s32 s3, s9;
	s6 =	sadd.s32 @!p0 $0x88, s6;
	s7 =	simm.s32 @p2 $0x1082  }
0x22: {  	[simem:s7], [sflag:s8] =	dma.local @!p0 [hbm:s6], $0xF7A  }
0x23: {  	s9 =	sor.u32 $0xD0000000, s2;
	s6 =	simm.s32 $0x108;
	_ =	swait.ge @!p0 [sflag:s8], $0x0  }
0x24: {  	s3 =	sadd.s32 $0x88, s3;
	s6 =	simm.s32 @!p1 $0x1082;
	[sflag:s4] =	ssyncset.s32 $0xFFFFF086  }
0x25: {  	[simem:s6], [sflag:s4] =	dma.local [hbm:s3], $0xF7A  }
0x26: {  	[smem:$0x3F95] =	sst s1;
	(tag) =	ssettag s2;
	_ =	strace s9  }
0x27: {  	s1 =	sld [smem:$0x3FA5]  }
0x28: {  	s2 =	sld [smem:$0x3FA6]  }
0x29: {  	s4 =	sld [smem:$0x3FA8]  }
0x2a: {  	p0 =	seq.s32 s5, $0x0;
	s5 =	sld [smem:$0x3FA9]  }
0x2b: {  	s6 =	sld [smem:$0x3FAA]  }
0x2c: {  	s7 =	sld [smem:$0x3FAB]  }
0x2d: {  	s3 =	simm.s32 $0x108;
	s8 =	sld [smem:$0x3FAC]  }
0x2e: {  	s3 =	simm.s32 @!p0 $0x1082;
	s9 =	sld [smem:$0x3FAD]  }
0x2f: {  	lr =	sadd.s32 s0, s3;
	s0 =	sld [smem:$0x3FA4]  }
0x30: {  	s3 =	sld [smem:$0x3FA7]  }
0x31: {  	[smem:$0x3FB0] =	sst s10  }
0x32: {  	s10 =	sld [smem:$0x3FAE];
	_ =	sdelay $0x3  }
0x33: {  	p0 =	seq.s32 s10, $0x1;
	s10 =	sld [smem:$0x3FB0];
	_ =	sdelay $0x3  }
0x34: {  	[smem:$0x3FB0] =	sst s10  }
0x35: {  	s10 =	sld [smem:$0x3FAF];
	_ =	sdelay $0x3  }
0x36: {  	p1 =	seq.s32 s10, $0x1;
	s10 =	sld [smem:$0x3FB0];
	_ =	sdelay $0x3  }
0x37: {  	[smem:$0x3FB0] =	sst s10  }
0x38: {  	s10 =	sld [smem:$0x3FB1]  }
0x39: {  	_ = 	snop;
	(pc) =	sbr.ind lr, $3  }
0x3a: {  	_ = 	snop  }
0x3b: {  	_ = 	snop  }
0x3c: {  	p2 =	seq.s32 s10, $0x1;
	s10 =	sld [smem:$0x3FB0]  }
0x3d: {  	_ =	shalt  }
0x3e: {  	_ =	shalt  }
0x3f: {  	_ =	shalt  }
0x40: {  	_ =	shalt  }
0x41: {  	_ =	shalt  }
0x42: {  	_ =	shalt  }
0x43: {  	_ =	shalt  }
0x44: {  	_ =	shalt  }
0x45: {  	_ =	shalt  }
0x46: {  	_ =	shalt  }
0x47: {  	_ =	shalt  }
0x48: {  	_ =	shalt  }
0x49: {  	_ =	shalt  }
0x4a: {  	_ =	shalt  }
0x4b: {  	_ =	shalt  }
0x4c: {  	_ =	shalt  }
0x4d: {  	_ =	shalt  }
0x4e: {  	_ =	shalt  }
0x4f: {  	_ =	shalt  }
0x50: {  	_ =	shalt  }
0x51: {  	_ =	shalt  }
0x52: {  	_ =	shalt  }
0x53: {  	_ =	shalt  }
0x54: {  	_ =	shalt  }
0x55: {  	_ =	shalt  }
0x56: {  	_ =	shalt  }
0x57: {  	_ =	shalt  }
0x58: {  	_ =	shalt  }
0x59: {  	_ =	shalt  }
0x5a: {  	_ =	shalt  }
0x5b: {  	_ =	shalt  }
0x5c: {  	_ =	shalt  }
0x5d: {  	_ =	shalt  }
0x5e: {  	_ =	shalt  }
0x5f: {  	_ =	shalt  }
0x60: {  	_ =	shalt  }
0x61: {  	_ =	shalt  }
0x62: {  	_ =	shalt  }
0x63: {  	_ =	shalt  }
0x64: {  	_ =	shalt  }
0x65: {  	_ =	shalt  }
0x66: {  	_ =	shalt  }
0x67: {  	_ =	shalt  }
0x68: {  	_ =	shalt  }
0x69: {  	_ =	shalt  }
0x6a: {  	_ =	shalt  }
0x6b: {  	_ =	shalt  }
0x6c: {  	_ =	shalt  }
0x6d: {  	_ =	shalt  }
0x6e: {  	_ =	shalt  }
0x6f: {  	_ =	shalt  }
0x70: {  	_ =	shalt  }
0x71: {  	_ =	shalt  }
0x72: {  	_ =	shalt  }
0x73: {  	_ =	shalt  }
0x74: {  	_ =	shalt  }
0x75: {  	_ =	shalt  }
0x76: {  	_ =	shalt  }
0x77: {  	_ =	shalt  }
0x78: {  	_ =	shalt  }
0x79: {  	_ =	shalt  }
0x7a: {  	_ =	shalt  }
0x7b: {  	_ =	shalt  }
0x7c: {  	_ =	shalt  }
0x7d: {  	_ =	shalt  }
0x7e: {  	_ =	shalt  }
0x7f: {  	_ =	shalt  }
0x80: {  	_ =	shalt  }
0x81: {  	_ =	shalt  }
0x82: {  	_ =	shalt  }
0x83: {  	_ =	shalt  }
0x84: {  	_ =	shalt  }
0x85: {  	_ =	shalt  }
0x86: {  	_ =	shalt  }
0x87: {  	_ =	shalt  }
.Lfunc_end0:
.L_simem_size_0:
called_computation.1_lowered:
.L_overlay_start_0:
0x88: {  	s2 =	sld [smem:$0x3FD9]  }
0x89: {  	s3 =	sld [smem:$0x3FFE];
	_ =	sdelay $0x1  }
0x8a: {  	s1 =	srdreg.scid  }
0x8b: {  	s0 =	sand.u32 $0x1, s1  }
0x8c: {  	s17 =	sshll.u32 s0, $0xA;
	s2 =	sadd.s32 s3, s2  }
0x8d: {  	s2 =	sadd.s32 s2, s17  }
0x8e: {  	[smem:$0x3FBC] =	sst s2  }
0x8f: {  	_ = 	snop  }
0x90: {  	s2 =	sld [smem:$0x3FC9]  }
0x91: {  	s18 =	sld [smem:$0x3FC8]  }
0x92: {  	s4 =	sld [smem:$0x3FC7]  }
0x93: {  	s5 =	sld [smem:$0x3FD0];
	(tm) =	ssettm $0x1  }
0x94: {  	s6 =	sld [smem:$0x3FFB];
	_ =	sdelay $0x3  }
0x95: {  	_ =	strace s6  }
0x96: {  	s6 =	sld [smem:$0x3FFC];
	_ =	sdelay $0x3  }
0x97: {  	_ =	strace s6  }
0x98: {  	s6 =	sld [smem:$0x3FFD];
	_ =	sdelay $0x3  }
0x99: {  	_ =	strace s6  }
0x9a: {  	_ =	strace $0x8FFFFFFF  }
0x9b: {  	s19 =	sld [smem:$0x3FDB];
	_ =	sdelay $0x1  }
0x9c: {  	s7 =	simm.s32 $_scs_section_size  }
0x9d: {  	s8 =	simm.s32 $_size__tile_overlayer_lowered;
	s9 =	simm.s32 $_tile_overlayer_lowered  }
0x9e: {  	s22 =	simm.s32 $0x1BFF;
	s21 =	sshll.u32 s9, $0x1;
	s6 =	sadd.s32 s7, s19  }
0x9f: {  	s10 =	simm.s32 $0x0;
	s20 =	sshll.u32 s8, $0x1;
	s8 =	sadd.s32 s21, s6  }
0xa0: {  	[timem:s10], [sflag:s22] =	dma.local [hbm:s8], s20  }
0xa1: {  	_ =	swait.ge [sflag:s22], s20  }
0xa2: {  	s7 =	ssub.s32 $0x0, s20;
	[sflag:s22] =	ssyncset.done $0x0  }
0xa3: {  	[sflag:s22] =	ssyncadd.s32 s7;
	_ =	sdelay $0x1  }
0xa4: {  	s23 =	simm.s32 $0x1B8B  }
0xa5: {  	_ =	swait.ge [sflag:s23], $0x1  }
0xa6: {  	[sflag:s23] =	ssyncset.done $0x0  }
0xa7: {  	s25 =	simm.s32 $0x1B8E;
	s24 =	sld [smem:$0x3FFE];
	[sflag:s23] =	ssyncadd.s32 $0xFFFFFFFF  }
0xa8: {  	s26 =	simm.s32 $execute0_lowered;
	[smem:$0x3FD2] =	sst s25  }
0xa9: {  	s8 =	sshll.u32 s26, $0x1;
	_ =	strace $0x80000049;
	[dreg:$0x1] =	wrdreg $0xFFFFFFFF  }
0xaa: {  	s28 =	simm.s32 $_size_execute0_lowered;
	s6 =	sadd.s32 s6, s8;
	[dreg:$0x0] =	wrdreg $0x0  }
0xab: {  	s8 =	sshll.u32 s28, $0x1;
	[dreg:$0x2] =	wrdreg s6  }
0xac: {  	[dreg:$0x3] =	wrdreg s8  }
0xad: {  	[dreg:$0x4] =	wrdreg $0xC0  }
0xae: {  	_ =	task [dreg:s10], $0x5FFFF  }
0xaf: {  	[dreg:$0x1] =	wrdreg $0xFFFFFFFF  }
0xb0: {  	[dreg:$0x0] =	wrdreg $0x60  }
0xb1: {  	[dreg:$0x2] =	wrdreg s2  }
0xb2: {  	[dreg:$0x3] =	wrdreg s18  }
0xb3: {  	[dreg:$0x4] =	wrdreg s4  }
0xb4: {  	[dreg:$0x5] =	wrdreg s24  }
0xb5: {  	[dreg:$0x6] =	wrdreg s5  }
0xb6: {  	[dreg:$0x7] =	wrdreg $0x9  }
0xb7: {  	_ =	task.clear_ibuf [dreg:s10], $0x8FFFF;
	_ =	strace $0x90000049  }
0xb8: {  	s29 =	simm.s32 $0x9;
	_ =	strace $0x8000004B  }
0xb9: {  	_ =	swait.ge [sflag:s29], $0x1  }
0xba: {  	[sflag:s29] =	ssyncadd.s32 $0xFFFFFFFF  }
0xbb: {  	_ =	strace $0x9000004B  }
0xbc: {  	_ =	sfence  }
0xbd: {  	s30 =	sld [smem:$0x0];
	_ =	sdelay $0x2  }
0xbe: {  	s31 =	sshll.u32 s1, $0xD;
	s1 =	sshrl.u32 s1, $0x2  }
0xbf: {  	s3 =	sand.u32 $0x4000, s31;
	s1 =	sadd.s32 s1, s30  }
0xc0: {  	s0 =	sor.u32 s3, s0;
	s1 =	sshll.u32 s1, $0x11  }
0xc1: {  	s0 =	sor.u32 s1, s0  }
0xc2: {  	s0 =	sadd.s32 $0x8F2B, s0  }
0xc3: {  	[sflag:s0] =	ssyncadd.remote.s32 $0x1  }
0xc4: {  	_ =	sfence.sel $0xFFFF  }
0xc5: {  	[dreg:$0x0] =	wrdreg $0xFFFFFFFF;
	(pc) =	sbr.abs _section_cstart, $3  }
0xc6: {  	[dreg:$0x1] =	wrdreg $0xFFFFFFFF  }
0xc7: {  	_ =	task.clear_ibuf [dreg:s10], $0x2FFFF;
	_ =	strace $0x9FFFFFFF  }
0xc8: {  	(tm) =	ssettm $0x7FFFFFFF  }
0xc9: {  	_ =	shalt  }
tec
execute0_lowered:
.L_overlay_start_1:
0x0: {  	(tag) =	ssettag $0x1  }
0x1: {  	s0 =	rddreg [dreg:$0x0]  }
0x2: {  	s2 =	rddreg [dreg:$0x1]  }
0x3: {  	s5 =	rddreg [dreg:$0x2]  }
0x4: {  	s6 =	rddreg [dreg:$0x3]  }
0x5: {  	s7 =	rddreg [dreg:$0x4]  }
0x6: {  	s1 =	simm.s32 $0x0;
	s4 =	srdreg.scid;
	s8 =	stileid.u32  }
0x7: {  	s19 =	simm.s32 $0x200;
	s20 =	simm.s32 $0x2;
	s29 =	simm.s32 $0x600  }
0x8: {  	s30 =	simm.s32 $0x10800;
	s31 =	simm.s32 $0x10B00;
	s28 =	simm.s32 $0xC800  }
0x9: {  	[smem:$0x7FF] =	sst s1;
	s3 =	sadd.s32 $0xF72000, s6;
	s4 =	sand.u32 $0x1, s4  }
0xa: {  	s8 =	sshll.u32 s8, $0x7;
	s11 =	sadd.s32 $0x2FC00, s6;
	_ =	strace $0x8000004A  }
0xb: {  	s9 =	sshll.u32 s4, $0x6;
	s10 =	ssub.s32 $0x2, s4;
	s4 =	sadd.s32 $0x1B6600, s6  }
0xc: {  	[dreg:$0x6] =	wrdreg s11;
	s8 =	sor.u32 s9, s8;
	s21 =	sshrl.u32 s10, $0x1  }
0xd: {  	s6 =	sadd.s32 s8, s6;
	s18 =	ssub.s32 s10, s21;
	s22 =	sadd.s32 s0, s8  }
0xe: {  	s23 =	sadd.s32 s2, s8;
	s24 =	sor.u32 $0x10, s8;
	s26 =	sor.u32 $0x20, s8  }
0xf: {  	s13 =	sor.u32 $0x30, s8;
	s14 =	sadd.s32 s5, s8;
	s17 =	sadd.s32 s7, s8  }
0x10: {  	s21 =	simm.s32 $0x400;
	s5 =	simm.s32 $0x1;
	[dreg:$0x7] =	wrdreg s22  }
0x11: {  	s7 =	simm.s32 $0x0;
	[dreg:$0x8] =	wrdreg s23;
	s25 =	sadd.s32 s0, s24  }
0x12: {  	s9 =	sadd.s32 s2, s24;
	s10 =	sadd.s32 s0, s26;
	s11 =	sadd.s32 s2, s26  }
0x13: {  	s12 =	sadd.s32 s0, s13;
	s13 =	sadd.s32 s2, s13;
	s15 =	sadd.s32 $0x2EC00, s6  }
0x14: {  	s16 =	sadd.s32 $0x2F400, s6;
	s18 =	smax.u32 s18, $0x1;
	s0 =	simm.s32 $0x10D00  }
0x15: {  	s2 =	simm.s32 $0x80;
	s22 =	simm.s32 $0x800;
	s23 =	simm.s32 $0x100  }
0x16: {  	v0 =	vlaneseq.u32;
	s24 =	simm.s32 $0x8800;
	s26 =	simm.s32 $0x180;
	[dreg:$0x9] =	wrdreg s25  }
0x17: {  	v1 =	vmul.u32 $0x80, v0;
	s6 =	simm.s32 $0x10F00;
	[dreg:$0xa] =	wrdreg s9;
	s25 =	simm.s32 $0x4800  }
.LBB2_1:
0x18: {  	s8 =	rddreg [dreg:$0x7]  }
0x19: {  	[tilespmem:s19], [sflag:$0x2] =	stream.linear.gather [hbm4b:s8+s1], $0x80, $0x38;
	[tilespmem:$0x11100] =	vst v63  }
0x1a: {  	_ =	swait.ge [sflag:s20], $0x80  }
0x1b: {  	[sflag:s20] =	ssyncset.done $0x0  }
0x1c: {  	s9 =	rddreg [dreg:$0x8];
	[sflag:s20] =	ssyncadd.s32 $0xFFFFFF80  }
0x1d: {  	[tilespmem:s21], [sflag:$0x2] =	stream.linear.gather [hbm4b:s9+s1], $0x80, $0x38;
	[tilespmem:$0x11100] =	vst v63  }
0x1e: {  	_ =	swait.ge [sflag:s20], $0x80  }
0x1f: {  	[sflag:s20] =	ssyncset.done $0x0  }
0x20: {  	s9 =	simm.s32 $0x280;
	s8 =	rddreg [dreg:$0x9];
	[sflag:s20] =	ssyncadd.s32 $0xFFFFFF80  }
0x21: {  	[tilespmem:s9], [sflag:$0x2] =	stream.linear.gather [hbm4b:s8+s1], $0x80, $0x38;
	[tilespmem:$0x11100] =	vst v63  }
0x22: {  	_ =	swait.ge [sflag:s20], $0x80  }
0x23: {  	[sflag:s20] =	ssyncset.done $0x0  }
0x24: {  	s9 =	simm.s32 $0x480;
	s8 =	rddreg [dreg:$0xa];
	[sflag:s20] =	ssyncadd.s32 $0xFFFFFF80  }
0x25: {  	[tilespmem:s9], [sflag:$0x2] =	stream.linear.gather [hbm4b:s8+s1], $0x80, $0x38;
	[tilespmem:$0x11100] =	vst v63  }
0x26: {  	_ =	swait.ge [sflag:s20], $0x80  }
0x27: {  	[sflag:s20] =	ssyncset.done $0x0  }
0x28: {  	s9 =	simm.s32 $0x300;
	[sflag:s20] =	ssyncadd.s32 $0xFFFFFF80  }
0x29: {  	[tilespmem:s9], [sflag:$0x2] =	stream.linear.gather [hbm4b:s10+s1], $0x80, $0x38;
	[tilespmem:$0x11100] =	vst v63  }
0x2a: {  	_ =	swait.ge [sflag:s20], $0x80  }
0x2b: {  	[sflag:s20] =	ssyncset.done $0x0  }
0x2c: {  	s9 =	simm.s32 $0x500;
	[sflag:s20] =	ssyncadd.s32 $0xFFFFFF80  }
0x2d: {  	[tilespmem:s9], [sflag:$0x2] =	stream.linear.gather [hbm4b:s11+s1], $0x80, $0x38;
	[tilespmem:$0x11100] =	vst v63  }
0x2e: {  	_ =	swait.ge [sflag:s20], $0x80  }
0x2f: {  	[sflag:s20] =	ssyncset.done $0x0  }
0x30: {  	s9 =	simm.s32 $0x380;
	[sflag:s20] =	ssyncadd.s32 $0xFFFFFF80  }
0x31: {  	[tilespmem:s9], [sflag:$0x2] =	stream.linear.gather [hbm4b:s12+s1], $0x80, $0x38;
	[tilespmem:$0x11100] =	vst v63  }
0x32: {  	_ =	swait.ge [sflag:s20], $0x80  }
0x33: {  	[sflag:s20] =	ssyncset.done $0x0  }
0x34: {  	s9 =	simm.s32 $0x580;
	[sflag:s20] =	ssyncadd.s32 $0xFFFFFF80  }
0x35: {  	[tilespmem:s9], [sflag:$0x2] =	stream.linear.gather [hbm4b:s13+s1], $0x80, $0x38;
	[tilespmem:$0x11100] =	vst v63  }
0x36: {  	_ =	swait.ge [sflag:s20], $0x80  }
0x37: {  	[sflag:s20] =	ssyncset.done $0x0  }
0x38: {  	[sflag:s20] =	ssyncadd.s32 $0xFFFFFF80  }
0x39: {  	[tilespmem:s29], [sflag:$0x2] =	stream.linear.gather [hbm4b:s14+s1], $0x200, $0x38;
	[tilespmem:$0x11100] =	vst v63  }
0x3a: {  	_ =	swait.ge [sflag:s20], $0x200  }
0x3b: {  	[sflag:s20] =	ssyncset.done $0x0  }
0x3c: {  	s9 =	rddreg [dreg:$0x6];
	[sflag:s20] =	ssyncadd.s32 $0xFFFFFE00  }
0x3d: {  	[tilespmem:s30], [sflag:$0x2] =	stream.linear.gather [hbm4b:s9+s1], $0x300, $0x38;
	[tilespmem:$0x11100] =	vst v63  }
0x3e: {  	_ =	swait.ge [sflag:s20], $0x300  }
0x3f: {  	[sflag:s20] =	ssyncset.done $0x0  }
0x40: {  	[sflag:s20] =	ssyncadd.s32 $0xFFFFFD00  }
0x41: {  	[tilespmem:s31], [sflag:$0x2] =	stream.linear.gather [hbm4b:s15+s1], $0x200, $0x38;
	[tilespmem:$0x11100] =	vst v63  }
0x42: {  	_ =	swait.ge [sflag:s20], $0x200  }
0x43: {  	[sflag:s20] =	ssyncset.done $0x0  }
0x44: {  	[sflag:s20] =	ssyncadd.s32 $0xFFFFFE00  }
0x45: {  	[tilespmem:s0], [sflag:$0x2] =	stream.linear.gather [hbm4b:s16+s1], $0x200, $0x38;
	[tilespmem:$0x11100] =	vst v63  }
0x46: {  	_ =	swait.ge [sflag:s20], $0x200  }
0x47: {  	[sflag:s20] =	ssyncset.done $0x0  }
0x48: {  	[sflag:s20] =	ssyncadd.s32 $0xFFFFFE00  }
0x49: {  	v2 =	vld [tilespmem:$0x200]  }
0x4a: {  	v3 =	vld [tilespmem:$0x400]  }
0x4b: {  	v4 =	vld [tilespmem:$0x210]  }
0x4c: {  	v5 =	vld [tilespmem:$0x410]  }
0x4d: {  	v6 =	vld [tilespmem:$0x220]  }
0x4e: {  	v7 =	vld [tilespmem:$0x420];
	v2 =	vshra.s32 v2, $0x2  }
0x4f: {  	[tilespmem:$0x0] =	vst v2;
	v2 =	vshra.s32 v3, $0x2;
	v3 =	vld [tilespmem:$0x230]  }
0x50: {  	v44 =	vld [tilespmem:$0x430];
	[tilespmem:$0x100] =	vst v2;
	v2 =	vshra.s32 v4, $0x2  }
0x51: {  	v45 =	vld [tilespmem:$0x240];
	[tilespmem:$0x10] =	vst v2;
	v2 =	vshra.s32 v5, $0x2  }
0x52: {  	v46 =	vld [tilespmem:$0x440];
	[tilespmem:$0x110] =	vst v2;
	v2 =	vshra.s32 v6, $0x2  }
0x53: {  	v47 =	vld [tilespmem:$0x250];
	[tilespmem:$0x20] =	vst v2;
	v2 =	vshra.s32 v7, $0x2  }
0x54: {  	[tilespmem:$0x120] =	vst v2;
	v2 =	vshra.s32 v3, $0x2;
	v3 =	vld [tilespmem:$0x450]  }
0x55: {  	v48 =	vld [tilespmem:$0x260];
	[tilespmem:$0x30] =	vst v2;
	v2 =	vshra.s32 v44, $0x2  }
0x56: {  	v49 =	vld [tilespmem:$0x460];
	[tilespmem:$0x130] =	vst v2;
	v2 =	vshra.s32 v45, $0x2  }
0x57: {  	v50 =	vld [tilespmem:$0x270];
	[tilespmem:$0x40] =	vst v2;
	v2 =	vshra.s32 v46, $0x2  }
0x58: {  	v51 =	vld [tilespmem:$0x470];
	[tilespmem:$0x140] =	vst v2;
	v2 =	vshra.s32 v47, $0x2  }
0x59: {  	[tilespmem:$0x50] =	vst v2;
	v2 =	vshra.s32 v3, $0x2;
	v3 =	vld [tilespmem:$0x280]  }
0x5a: {  	v52 =	vld [tilespmem:$0x480];
	[tilespmem:$0x150] =	vst v2;
	v2 =	vshra.s32 v48, $0x2  }
0x5b: {  	v53 =	vld [tilespmem:$0x290];
	[tilespmem:$0x60] =	vst v2;
	v2 =	vshra.s32 v49, $0x2  }
0x5c: {  	v54 =	vld [tilespmem:$0x490];
	[tilespmem:$0x160] =	vst v2;
	v2 =	vshra.s32 v50, $0x2  }
0x5d: {  	v55 =	vld [tilespmem:$0x2A0];
	[tilespmem:$0x70] =	vst v2;
	v2 =	vshra.s32 v51, $0x2  }
0x5e: {  	[tilespmem:$0x170] =	vst v2;
	v2 =	vshra.s32 v3, $0x2;
	v3 =	vld [tilespmem:$0x4A0]  }
0x5f: {  	v56 =	vld [tilespmem:$0x2B0];
	[tilespmem:$0x80] =	vst v2;
	v2 =	vshra.s32 v52, $0x2  }
0x60: {  	v57 =	vld [tilespmem:$0x4B0];
	[tilespmem:$0x180] =	vst v2;
	v2 =	vshra.s32 v53, $0x2  }
0x61: {  	v58 =	vld [tilespmem:$0x2C0];
	[tilespmem:$0x90] =	vst v2;
	v2 =	vshra.s32 v54, $0x2  }
0x62: {  	v59 =	vld [tilespmem:$0x4C0];
	[tilespmem:$0x190] =	vst v2;
	v2 =	vshra.s32 v55, $0x2  }
0x63: {  	[tilespmem:$0xA0] =	vst v2;
	v2 =	vshra.s32 v3, $0x2;
	v3 =	vld [tilespmem:$0x2D0]  }
0x64: {  	v60 =	vld [tilespmem:$0x4D0];
	[tilespmem:$0x1A0] =	vst v2;
	v2 =	vshra.s32 v56, $0x2  }
0x65: {  	v61 =	vld [tilespmem:$0x2E0];
	[tilespmem:$0xB0] =	vst v2;
	v2 =	vshra.s32 v57, $0x2  }
0x66: {  	v62 =	vld [tilespmem:$0x4E0];
	[tilespmem:$0x1B0] =	vst v2;
	v2 =	vshra.s32 v58, $0x2  }
0x67: {  	v63 =	vld [tilespmem:$0x2F0];
	[tilespmem:$0xC0] =	vst v2;
	v2 =	vshra.s32 v59, $0x2  }
0x68: {  	[tilespmem:$0x1C0] =	vst v2;
	v2 =	vshra.s32 v3, $0x2;
	v3 =	vld [tilespmem:$0x4F0]  }
0x69: {  	[tilespmem:$0xD0] =	vst v2;
	v2 =	vshra.s32 v60, $0x2  }
0x6a: {  	[tilespmem:$0x1D0] =	vst v2;
	v2 =	vshra.s32 v61, $0x2  }
0x6b: {  	[tilespmem:$0xE0] =	vst v2;
	v2 =	vshra.s32 v62, $0x2  }
0x6c: {  	[tilespmem:$0x1E0] =	vst v2;
	v2 =	vshra.s32 v63, $0x2  }
0x6d: {  	[tilespmem:$0xF0] =	vst v2;
	v2 =	vshra.s32 v3, $0x2  }
0x6e: {  	[tilespmem:$0x1F0] =	vst v2  }
0x6f: {  	[tilespmem:s22], [sflag:$0x1] =	stream.indirect.gather [hbm4b:s3+s2], $0x80, s1, s2, $0xb8;
	[tilespmem:$0x11100] =	vst v63  }
0x70: {  	_ = 	snop  }
0x71: {  	[tilespmem:s24], [sflag:$0x1] =	stream.indirect.gather [hbm4b:s4+s2], $0x80, s23, s2, $0xb8;
	[tilespmem:$0x11100] =	vst v63  }
0x72: {  	_ = 	snop  }
0x73: {  	[tilespmem:s25], [sflag:$0x1] =	stream.indirect.gather [hbm4b:s3+s2], $0x80, s2, s2, $0xb8;
	[tilespmem:$0x11100] =	vst v63  }
0x74: {  	_ = 	snop  }
0x75: {  	[tilespmem:s28], [sflag:$0x1] =	stream.indirect.gather [hbm4b:s4+s2], $0x80, s26, s2, $0xb8;
	[tilespmem:$0x11100] =	vst v63  }
0x76: {  	_ =	swait.ge [sflag:s5], $0x4000  }
0x77: {  	[sflag:s5] =	ssyncset.done $0x0  }
0x78: {  	[sflag:s5] =	ssyncadd.s32 $0xFFFFC000  }
0x79: {  	_ =	swait.ge [sflag:s5], $0x4000  }
0x7a: {  	[sflag:s5] =	ssyncset.done $0x0  }
0x7b: {  	[sflag:s5] =	ssyncadd.s32 $0xFFFFC000  }
0x7c: {  	_ =	swait.ge [sflag:s5], $0x4000  }
0x7d: {  	[sflag:s5] =	ssyncset.done $0x0  }
0x7e: {  	[sflag:s5] =	ssyncadd.s32 $0xFFFFC000  }
0x7f: {  	_ =	swait.ge [sflag:s5], $0x4000  }
0x80: {  	[sflag:s5] =	ssyncset.done $0x0  }
0x81: {  	s8 =	simm.s32 $0x0;
	[sflag:s5] =	ssyncadd.s32 $0xFFFFC000  }
.LBB2_2:
0x82: {  	v2 =	vor.u32 s8, v0;
	_ =	sdelay $0x4  }
0x83: {  	v3 =	vld.idx.msk [tilespmem:v2+s19+$0x0], $0xffff  }
0x84: {  	v4 =	vld.idx.msk [tilespmem:v2+s21+$0x0], $0xffff;
	_ =	sdelay $0x2  }
0x85: {  	v6 =	vld.idx.msk [tilespmem:v2+s29+$0x0], $0xffff  }
0x86: {  	v3 =	vshll.u32 v3, $0x5  }
0x87: {  	v5 =	vshll.u32 v2, $0x7;
	v4 =	vshll.u32 v4, $0x5;
	v3 =	vand.u32 $0x60, v3  }
0x88: {  	v4 =	vand.u32 $0x60, v4;
	v3 =	vor.u32 v5, v3  }
0x89: {  	v5 =	vor.u32 v5, v4  }
0x8a: {  	v4 =	vshll.u32 v6, $0x5  }
0x8b: {  	v55 =	vor.u32 $0x1, v3  }
0x8c: {  	v7 =	vor.u32 $0x1, v5  }
0x8d: {  	v9 =	vor.u32 $0x1, v4;
	v8 =	vld.idx.msk [tilespmem:v3+s22+$0x0], $0xffff  }
0x8e: {  	v11 =	vor.u32 $0x2, v3;
	v10 =	vld.idx.msk [tilespmem:v5+s24+$0x0], $0xffff  }
0x8f: {  	v13 =	vor.u32 $0x2, v5;
	v12 =	vld.idx.msk [tilespmem:v4+s30+$0x0], $0xffff  }
0x90: {  	v14 =	vor.u32 $0x2, v4;
	v6 =	vld.idx.msk [tilespmem:v55+s22+$0x0], $0xffff  }
0x91: {  	v15 =	vor.u32 $0x3, v3;
	v7 =	vld.idx.msk [tilespmem:v7+s24+$0x0], $0xffff  }
0x92: {  	v16 =	vor.u32 $0x3, v5;
	v9 =	vld.idx.msk [tilespmem:v9+s30+$0x0], $0xffff  }
0x93: {  	v17 =	vor.u32 $0x3, v4;
	v11 =	vld.idx.msk [tilespmem:v11+s22+$0x0], $0xffff  }
0x94: {  	v18 =	vor.u32 $0x4, v3;
	v13 =	vld.idx.msk [tilespmem:v13+s24+$0x0], $0xffff  }
0x95: {  	v19 =	vor.u32 $0x4, v5;
	v14 =	vld.idx.msk [tilespmem:v14+s30+$0x0], $0xffff  }
0x96: {  	v20 =	vor.u32 $0x4, v4;
	v15 =	vld.idx.msk [tilespmem:v15+s22+$0x0], $0xffff  }
0x97: {  	v21 =	vor.u32 $0x5, v3;
	v16 =	vld.idx.msk [tilespmem:v16+s24+$0x0], $0xffff  }
0x98: {  	v22 =	vor.u32 $0x5, v5;
	v17 =	vld.idx.msk [tilespmem:v17+s30+$0x0], $0xffff  }
0x99: {  	v23 =	vor.u32 $0x5, v4;
	v18 =	vld.idx.msk [tilespmem:v18+s22+$0x0], $0xffff  }
0x9a: {  	v24 =	vor.u32 $0x6, v3;
	v19 =	vld.idx.msk [tilespmem:v19+s24+$0x0], $0xffff  }
0x9b: {  	v25 =	vor.u32 $0x6, v5;
	v20 =	vld.idx.msk [tilespmem:v20+s30+$0x0], $0xffff  }
0x9c: {  	v26 =	vor.u32 $0x6, v4;
	v21 =	vld.idx.msk [tilespmem:v21+s22+$0x0], $0xffff  }
0x9d: {  	v27 =	vor.u32 $0x7, v3;
	v22 =	vld.idx.msk [tilespmem:v22+s24+$0x0], $0xffff  }
0x9e: {  	v28 =	vor.u32 $0x7, v5;
	v23 =	vld.idx.msk [tilespmem:v23+s30+$0x0], $0xffff  }
0x9f: {  	v29 =	vor.u32 $0x7, v4;
	v24 =	vld.idx.msk [tilespmem:v24+s22+$0x0], $0xffff  }
0xa0: {  	v30 =	vor.u32 $0x8, v3;
	v25 =	vld.idx.msk [tilespmem:v25+s24+$0x0], $0xffff  }
0xa1: {  	v32 =	vor.u32 $0x8, v4;
	v26 =	vld.idx.msk [tilespmem:v26+s30+$0x0], $0xffff  }
0xa2: {  	v60 =	vor.u32 $0xB, v4;
	v27 =	vld.idx.msk [tilespmem:v27+s22+$0x0], $0xffff  }
0xa3: {  	v34 =	vor.u32 $0x9, v5;
	v28 =	vld.idx.msk [tilespmem:v28+s24+$0x0], $0xffff  }
0xa4: {  	v40 =	vor.u32 $0xC, v4;
	v29 =	vld.idx.msk [tilespmem:v29+s30+$0x0], $0xffff  }
0xa5: {  	v45 =	vor.u32 $0xD, v4;
	v30 =	vld.idx.msk [tilespmem:v30+s22+$0x0], $0xffff  }
0xa6: {  	v56 =	vor.u32 $0xA, v3;
	v32 =	vld.idx.msk [tilespmem:v32+s30+$0x0], $0xffff  }
0xa7: {  	v43 =	vld.idx.msk [tilespmem:v60+s30+$0x0], $0xffff;
	v60 =	vor.u32 $0x10, v3  }
0xa8: {  	v31 =	vor.u32 $0x8, v5;
	v34 =	vld.idx.msk [tilespmem:v34+s24+$0x0], $0xffff  }
0xa9: {  	v36 =	vor.u32 $0xA, v5;
	v49 =	vld.idx.msk [tilespmem:v40+s30+$0x0], $0xffff  }
0xaa: {  	v55 =	vld.idx.msk [tilespmem:v45+s30+$0x0], $0xffff;
	v40 =	vor.u32 $0x11, v4  }
0xab: {  	v33 =	vor.u32 $0x9, v3;
	v12 =	vadd.f32 v12, v10;
	v59 =	vadd.f32 v17, v16;
	v17 =	vld.idx.msk [tilespmem:v56+s22+$0x0], $0xffff  }
0xac: {  	v57 =	vor.u32 $0xA, v4;
	v10 =	vadd.f32 $0.0e+00, v10;
	v39 =	vld.idx.msk [tilespmem:v60+s22+$0x0], $0xffff  }
0xad: {  	v37 =	vor.u32 $0xB, v3;
	v8 =	vmul.f32 v12, v8;
	v12 =	vld.idx.msk [tilespmem:v31+s24+$0x0], $0xffff  }
0xae: {  	v63 =	vor.u32 $0xC, v5;
	v9 =	vadd.f32 v9, v7;
	v7 =	vadd.f32 v7, v10;
	v10 =	vld.idx.msk [tilespmem:v36+s24+$0x0], $0xffff  }
0xaf: {  	v44 =	vor.u32 $0xD, v5;
	v14 =	vadd.f32 v14, v13;
	v31 =	vld.idx.msk [tilespmem:v40+s30+$0x0], $0xffff  }
0xb0: {  	v47 =	vor.u32 $0xE, v3;
	v6 =	vmul.f32 v9, v6;
	v9 =	vld.idx.msk [tilespmem:v33+s22+$0x0], $0xffff  }
0xb1: {  	v54 =	vor.u32 $0xF, v3;
	v11 =	vmul.f32 v14, v11;
	v14 =	vld.idx.msk [tilespmem:v57+s30+$0x0], $0xffff  }
0xb2: {  	v41 =	vor.u32 $0xD, v3;
	v48 =	vadd.f32 v26, v25;
	v33 =	vld.idx.msk [tilespmem:v37+s22+$0x0], $0xffff  }
0xb3: {  	v35 =	vor.u32 $0x9, v4;
	v20 =	vadd.f32 v20, v19;
	v62 =	vmul.f32 v59, v15;
	v15 =	vld.idx.msk [tilespmem:v63+s24+$0x0], $0xffff  }
0xb4: {  	v61 =	vor.u32 $0xC, v3;
	v53 =	vadd.f32 v29, v28;
	v52 =	vmul.f32 v48, v24;
	v24 =	vld.idx.msk [tilespmem:v44+s24+$0x0], $0xffff  }
0xb5: {  	v50 =	vor.u32 $0xE, v5;
	v18 =	vmul.f32 v20, v18;
	v20 =	vld.idx.msk [tilespmem:v47+s22+$0x0], $0xffff  }
0xb6: {  	v36 =	vor.u32 $0x11, v3;
	v57 =	vmul.f32 v53, v27;
	v27 =	vld.idx.msk [tilespmem:v54+s22+$0x0], $0xffff;
	v8 =	vadd.f32 $0.0e+00, v8  }
0xb7: {  	v58 =	vor.u32 $0xB, v5;
	v7 =	vadd.f32 v13, v7;
	v13 =	vld.idx.msk [tilespmem:v41+s22+$0x0], $0xffff  }
0xb8: {  	v41 =	vor.u32 $0x12, v3;
	v6 =	vadd.f32 v6, v8;
	v8 =	vld.idx.msk [tilespmem:v35+s30+$0x0], $0xffff  }
0xb9: {  	v38 =	vor.u32 $0x11, v5;
	v42 =	vadd.f32 v23, v22;
	v7 =	vadd.f32 v16, v7;
	v16 =	vld.idx.msk [tilespmem:v61+s22+$0x0], $0xffff  }
0xba: {  	v44 =	vor.u32 $0x12, v5;
	v59 =	vadd.f32 v32, v12;
	v32 =	vld.idx.msk [tilespmem:v50+s24+$0x0], $0xffff;
	v6 =	vadd.f32 v11, v6  }
0xbb: {  	v51 =	vor.u32 $0xE, v4;
	v46 =	vmul.f32 v42, v21;
	v45 =	vld.idx.msk [tilespmem:v36+s22+$0x0], $0xffff;
	v7 =	vadd.f32 v19, v7  }
0xbc: {  	v11 =	vld.idx.msk [tilespmem:v58+s24+$0x0], $0xffff;
	v58 =	vor.u32 $0xF, v4;
	v14 =	vadd.f32 v14, v10;
	v6 =	vadd.f32 v62, v6  }
0xbd: {  	v63 =	vor.u32 $0x10, v4;
	v26 =	vadd.f32 v49, v15;
	v49 =	vor.u32 $0x13, v5;
	v50 =	vld.idx.msk [tilespmem:v41+s22+$0x0], $0xffff  }
0xbe: {  	v7 =	vadd.f32 v22, v7;
	v14 =	vmul.f32 v14, v17;
	v17 =	vld.idx.msk [tilespmem:v38+s24+$0x0], $0xffff;
	v6 =	vadd.f32 v18, v6  }
0xbf: {  	v56 =	vor.u32 $0xF, v5;
	v62 =	vmul.f32 v59, v30;
	v22 =	vld.idx.msk [tilespmem:v44+s24+$0x0], $0xffff  }
0xc0: {  	v59 =	vor.u32 $0x15, v3;
	v7 =	vadd.f32 v25, v7;
	v18 =	vld.idx.msk [tilespmem:v51+s30+$0x0], $0xffff;
	v6 =	vadd.f32 v46, v6  }
0xc1: {  	v35 =	vor.u32 $0x16, v5;
	v37 =	vld.idx.msk [tilespmem:v58+s30+$0x0], $0xffff;
	v42 =	vadd.f32 v43, v11  }
0xc2: {  	v51 =	vor.u32 $0x13, v4;
	v43 =	vld.idx.msk [tilespmem:v63+s30+$0x0], $0xffff;
	v7 =	vadd.f32 v28, v7;
	v6 =	vadd.f32 v52, v6  }
0xc3: {  	v48 =	vor.u32 $0x13, v3;
	v8 =	vadd.f32 v8, v34;
	v21 =	vld.idx.msk [tilespmem:v49+s24+$0x0], $0xffff  }
0xc4: {  	v58 =	vor.u32 $0x14, v4;
	v28 =	vld.idx.msk [tilespmem:v56+s24+$0x0], $0xffff;
	v7 =	vadd.f32 v12, v7;
	v6 =	vadd.f32 v57, v6  }
0xc5: {  	v8 =	vmul.f32 v8, v9;
	v46 =	vor.u32 $0x12, v4;
	v56 =	vor.u32 $0x14, v5;
	v36 =	vld.idx.msk [tilespmem:v59+s22+$0x0], $0xffff  }
0xc6: {  	v52 =	vmul.f32 v26, v16;
	v16 =	vld.idx.msk [tilespmem:v35+s24+$0x0], $0xffff;
	v7 =	vadd.f32 v34, v7;
	v6 =	vadd.f32 v62, v6  }
0xc7: {  	v60 =	vor.u32 $0x15, v5;
	v40 =	vor.u32 $0x17, v5;
	v61 =	vor.u32 $0x10, v5;
	v12 =	vld.idx.msk [tilespmem:v51+s30+$0x0], $0xffff  }
0xc8: {  	v54 =	vor.u32 $0x14, v3;
	v57 =	vld.idx.msk [tilespmem:v48+s22+$0x0], $0xffff;
	v7 =	vadd.f32 v10, v7;
	v6 =	vadd.f32 v8, v6  }
0xc9: {  	v53 =	vadd.f32 v55, v24;
	v41 =	vor.u32 $0x17, v4;
	v63 =	vor.u32 $0x15, v4;
	v34 =	vld.idx.msk [tilespmem:v58+s30+$0x0], $0xffff  }
0xca: {  	v47 =	vmul.f32 v42, v33;
	v55 =	vld.idx.msk [tilespmem:v46+s30+$0x0], $0xffff;
	v7 =	vadd.f32 v11, v7;
	v6 =	vadd.f32 v14, v6  }
0xcb: {  	v13 =	vmul.f32 v53, v13;
	v9 =	vadd.f32 v37, v28;
	v23 =	vld.idx.msk [tilespmem:v56+s24+$0x0], $0xffff;
	v37 =	vor.u32 $0x16, v4  }
0xcc: {  	v44 =	vor.u32 $0x18, v5;
	v8 =	vld.idx.msk [tilespmem:v61+s24+$0x0], $0xffff;
	v7 =	vadd.f32 v15, v7;
	v6 =	vadd.f32 v47, v6  }
0xcd: {  	v38 =	vor.u32 $0x17, v3;
	v18 =	vadd.f32 v18, v32;
	v48 =	vld.idx.msk [tilespmem:v40+s24+$0x0], $0xffff;
	v56 =	vor.u32 $0x1A, v3  }
0xce: {  	v62 =	vld.idx.msk [tilespmem:v54+s22+$0x0], $0xffff;
	v54 =	vor.u32 $0x19, v4;
	v7 =	vadd.f32 v24, v7;
	v6 =	vadd.f32 v52, v6  }
0xcf: {  	v33 =	vor.u32 $0x16, v3;
	v61 =	vmul.f32 v18, v20;
	v20 =	vld.idx.msk [tilespmem:v63+s30+$0x0], $0xffff;
	v11 =	vadd.f32 v55, v22  }
0xd0: {  	v9 =	vmul.f32 v9, v27;
	v27 =	vld.idx.msk [tilespmem:v37+s30+$0x0], $0xffff;
	v7 =	vadd.f32 v32, v7;
	v6 =	vadd.f32 v13, v6  }
0xd1: {  	v58 =	vor.u32 $0x1A, v5;
	v15 =	vadd.f32 v34, v23;
	v55 =	vld.idx.msk [tilespmem:v44+s24+$0x0], $0xffff;
	v19 =	vadd.f32 v43, v8  }
0xd2: {  	v46 =	vor.u32 $0x18, v4;
	v34 =	vld.idx.msk [tilespmem:v56+s22+$0x0], $0xffff;
	v7 =	vadd.f32 v28, v7;
	v6 =	vadd.f32 v61, v6  }
0xd3: {  	v14 =	vld.idx.msk [tilespmem:v54+s30+$0x0], $0xffff;
	v47 =	vadd.f32 v12, v21;
	v19 =	vmul.f32 v19, v39;
	v39 =	vadd.f32 v31, v17  }
0xd4: {  	v24 =	vld.idx.msk [tilespmem:v33+s22+$0x0], $0xffff;
	v10 =	vmul.f32 v11, v50;
	v7 =	vadd.f32 v8, v7;
	v6 =	vadd.f32 v9, v6  }
0xd5: {  	v50 =	vld.idx.msk [tilespmem:v41+s30+$0x0], $0xffff;
	v15 =	vmul.f32 v15, v62;
	v62 =	vor.u32 $0x1B, v3;
	v43 =	vor.u32 $0x18, v3  }
0xd6: {  	v42 =	vmul.f32 v39, v45;
	v9 =	vld.idx.msk [tilespmem:v60+s24+$0x0], $0xffff;
	v7 =	vadd.f32 v17, v7;
	v6 =	vadd.f32 v19, v6  }
0xd7: {  	v51 =	vor.u32 $0x19, v5;
	v52 =	vmul.f32 v47, v57;
	v57 =	vld.idx.msk [tilespmem:v46+s30+$0x0], $0xffff  }
0xd8: {  	v35 =	vor.u32 $0x1B, v4;
	v13 =	vld.idx.msk [tilespmem:v58+s24+$0x0], $0xffff;
	v7 =	vadd.f32 v22, v7;
	v6 =	vadd.f32 v42, v6  }
0xd9: {  	v49 =	vor.u32 $0x19, v3;
	v32 =	vor.u32 $0x1B, v5;
	v45 =	vld.idx.msk [tilespmem:v38+s22+$0x0], $0xffff  }
0xda: {  	v40 =	vor.u32 $0x1C, v4;
	v39 =	vld.idx.msk [tilespmem:v62+s22+$0x0], $0xffff;
	v7 =	vadd.f32 v21, v7;
	v6 =	vadd.f32 v10, v6  }
0xdb: {  	v46 =	vor.u32 $0x1D, v4;
	v53 =	vld.idx.msk [tilespmem:v43+s22+$0x0], $0xffff;
	v60 =	vor.u32 $0x1A, v4;
	v59 =	vadd.f32 v20, v9  }
0xdc: {  	v38 =	vor.u32 $0x1C, v5;
	v61 =	vld.idx.msk [tilespmem:v51+s24+$0x0], $0xffff;
	v7 =	vadd.f32 v23, v7;
	v6 =	vadd.f32 v52, v6  }
0xdd: {  	v33 =	vadd.f32 v27, v16;
	v43 =	vld.idx.msk [tilespmem:v35+s30+$0x0], $0xffff;
	v51 =	vor.u32 $0x1E, v4;
	v4 =	vor.u32 $0x1F, v4  }
0xde: {  	v41 =	vld.idx.msk [tilespmem:v32+s24+$0x0], $0xffff;
	v63 =	vmul.f32 v59, v36;
	v7 =	vadd.f32 v9, v7;
	v6 =	vadd.f32 v15, v6  }
0xdf: {  	v44 =	vor.u32 $0x1D, v5;
	v17 =	vadd.f32 v50, v48;
	v19 =	vld.idx.msk [tilespmem:v49+s22+$0x0], $0xffff  }
0xe0: {  	v37 =	vmul.f32 v33, v24;
	v20 =	vld.idx.msk [tilespmem:v60+s30+$0x0], $0xffff;
	v7 =	vadd.f32 v16, v7;
	v6 =	vadd.f32 v63, v6  }
0xe1: {  	v8 =	vmul.f32 v17, v45;
	v47 =	vld.idx.msk [tilespmem:v38+s24+$0x0], $0xffff;
	v10 =	vadd.f32 v57, v55  }
0xe2: {  	v22 =	vld.idx.msk [tilespmem:v40+s30+$0x0], $0xffff;
	v36 =	vor.u32 $0x1C, v3;
	v7 =	vadd.f32 v48, v7;
	v6 =	vadd.f32 v37, v6  }
0xe3: {  	v49 =	vor.u32 $0x1E, v5;
	v14 =	vadd.f32 v14, v61;
	v42 =	vor.u32 $0x1D, v3;
	v4 =	vld.idx.msk [tilespmem:v4+s30+$0x0], $0xffff  }
0xe4: {  	v57 =	vld.idx.msk [tilespmem:v51+s30+$0x0], $0xffff;
	v10 =	vmul.f32 v10, v53;
	v7 =	vadd.f32 v55, v7;
	v6 =	vadd.f32 v8, v6  }
0xe5: {  	v5 =	vor.u32 $0x1F, v5;
	v14 =	vmul.f32 v14, v19;
	v53 =	vld.idx.msk [tilespmem:v44+s24+$0x0], $0xffff;
	v52 =	vadd.f32 v20, v13  }
0xe6: {  	v15 =	vld.idx.msk [tilespmem:v46+s30+$0x0], $0xffff;
	v48 =	vor.u32 $0x1E, v3;
	v7 =	vadd.f32 v61, v7;
	v6 =	vadd.f32 v10, v6  }
0xe7: {  	v16 =	vadd.f32 v43, v41;
	v45 =	vld.idx.msk [tilespmem:v36+s22+$0x0], $0xffff;
	v54 =	vmul.f32 v52, v34  }
0xe8: {  	v3 =	vor.u32 $0x1F, v3;
	v55 =	vld.idx.msk [tilespmem:v49+s24+$0x0], $0xffff;
	v7 =	vadd.f32 v13, v7;
	v6 =	vadd.f32 v14, v6  }
0xe9: {  	v56 =	vadd.f32 v22, v47;
	v50 =	vld.idx.msk [tilespmem:v42+s22+$0x0], $0xffff  }
0xea: {  	v5 =	vld.idx.msk [tilespmem:v5+s24+$0x0], $0xffff;
	v9 =	vmul.f32 v16, v39;
	v7 =	vadd.f32 v41, v7;
	v6 =	vadd.f32 v54, v6  }
0xeb: {  	v58 =	vadd.f32 v15, v53;
	v12 =	vld.idx.msk [tilespmem:v48+s22+$0x0], $0xffff  }
0xec: {  	v8 =	vmul.f32 v56, v45;
	v7 =	vadd.f32 v47, v7;
	v6 =	vadd.f32 v9, v6  }
0xed: {  	v3 =	vld.idx.msk [tilespmem:v3+s22+$0x0], $0xffff;
	v60 =	vadd.f32 v57, v55  }
0xee: {  	v59 =	vmul.f32 v58, v50;
	v7 =	vadd.f32 v53, v7;
	v6 =	vadd.f32 v8, v6  }
0xef: {  	v4 =	vadd.f32 v4, v5;
	v61 =	vld.idx.msk [tilespmem:v2+s0+$0x0], $0xffff  }
0xf0: {  	v9 =	vmul.f32 v60, v12;
	v7 =	vadd.f32 v55, v7;
	v6 =	vadd.f32 v59, v6;
	_ =	sdelay $0x1  }
0xf1: {  	v3 =	vmul.f32 v4, v3;
	v62 =	vadd.f32 v5, v7;
	v6 =	vadd.f32 v9, v6  }
0xf2: {  	v63 =	vld.idx.msk [tilespmem:v2+s31+$0x0], $0xffff  }
0xf3: {  	v4 =	vmul.f32 v61, v62;
	v3 =	vadd.f32 v3, v6  }
0xf4: {  	p0 =	sne.s32 s8, $0xF0  }
.Ltmp0:
0xf5: {  	v3 =	vadd.f32 v3, v4;
	(pc) =	sbr.rel @p0 .LBB2_2-.Ltmp0, $3  }
0xf6: {  	_ = 	snop  }
0xf7: {  	v3 =	vadd.f32 v3, v63;
	_ =	sdelay $0x1  }
0xf8: {  	s8 =	sadd.s32 $0x10, s8;
	[tilespmem:v2+s6+$0x0] =	vst.idx.msk $0xffff, v3  }
0xf9: {  	v2 =	vld [tilespmem:$0x300]  }
0xfa: {  	v3 =	vld [tilespmem:$0x500]  }
0xfb: {  	v4 =	vld [tilespmem:$0x310]  }
0xfc: {  	v5 =	vld [tilespmem:$0x510]  }
0xfd: {  	v6 =	vld [tilespmem:$0x320]  }
0xfe: {  	v7 =	vld [tilespmem:$0x520];
	v2 =	vshra.s32 v2, $0x2  }
0xff: {  	[tilespmem:$0x0] =	vst v2;
	v2 =	vshra.s32 v3, $0x2;
	v3 =	vld [tilespmem:$0x330]  }
0x100: {  	v44 =	vld [tilespmem:$0x530];
	[tilespmem:$0x100] =	vst v2;
	v2 =	vshra.s32 v4, $0x2  }
0x101: {  	v45 =	vld [tilespmem:$0x340];
	[tilespmem:$0x10] =	vst v2;
	v2 =	vshra.s32 v5, $0x2  }
0x102: {  	v46 =	vld [tilespmem:$0x540];
	[tilespmem:$0x110] =	vst v2;
	v2 =	vshra.s32 v6, $0x2  }
0x103: {  	v47 =	vld [tilespmem:$0x350];
	[tilespmem:$0x20] =	vst v2;
	v2 =	vshra.s32 v7, $0x2  }
0x104: {  	[tilespmem:$0x120] =	vst v2;
	v2 =	vshra.s32 v3, $0x2;
	v3 =	vld [tilespmem:$0x550]  }
0x105: {  	v48 =	vld [tilespmem:$0x360];
	[tilespmem:$0x30] =	vst v2;
	v2 =	vshra.s32 v44, $0x2  }
0x106: {  	v49 =	vld [tilespmem:$0x560];
	[tilespmem:$0x130] =	vst v2;
	v2 =	vshra.s32 v45, $0x2  }
0x107: {  	v50 =	vld [tilespmem:$0x370];
	[tilespmem:$0x40] =	vst v2;
	v2 =	vshra.s32 v46, $0x2  }
0x108: {  	v51 =	vld [tilespmem:$0x570];
	[tilespmem:$0x140] =	vst v2;
	v2 =	vshra.s32 v47, $0x2  }
0x109: {  	[tilespmem:$0x50] =	vst v2;
	v2 =	vshra.s32 v3, $0x2;
	v3 =	vld [tilespmem:$0x380]  }
0x10a: {  	v52 =	vld [tilespmem:$0x580];
	[tilespmem:$0x150] =	vst v2;
	v2 =	vshra.s32 v48, $0x2  }
0x10b: {  	v53 =	vld [tilespmem:$0x390];
	[tilespmem:$0x60] =	vst v2;
	v2 =	vshra.s32 v49, $0x2  }
0x10c: {  	v54 =	vld [tilespmem:$0x590];
	[tilespmem:$0x160] =	vst v2;
	v2 =	vshra.s32 v50, $0x2  }
0x10d: {  	v55 =	vld [tilespmem:$0x3A0];
	[tilespmem:$0x70] =	vst v2;
	v2 =	vshra.s32 v51, $0x2  }
0x10e: {  	[tilespmem:$0x170] =	vst v2;
	v2 =	vshra.s32 v3, $0x2;
	v3 =	vld [tilespmem:$0x5A0]  }
0x10f: {  	v56 =	vld [tilespmem:$0x3B0];
	[tilespmem:$0x80] =	vst v2;
	v2 =	vshra.s32 v52, $0x2  }
0x110: {  	v57 =	vld [tilespmem:$0x5B0];
	[tilespmem:$0x180] =	vst v2;
	v2 =	vshra.s32 v53, $0x2  }
0x111: {  	v58 =	vld [tilespmem:$0x3C0];
	[tilespmem:$0x90] =	vst v2;
	v2 =	vshra.s32 v54, $0x2  }
0x112: {  	v59 =	vld [tilespmem:$0x5C0];
	[tilespmem:$0x190] =	vst v2;
	v2 =	vshra.s32 v55, $0x2  }
0x113: {  	[tilespmem:$0xA0] =	vst v2;
	v2 =	vshra.s32 v3, $0x2;
	v3 =	vld [tilespmem:$0x3D0]  }
0x114: {  	v60 =	vld [tilespmem:$0x5D0];
	[tilespmem:$0x1A0] =	vst v2;
	v2 =	vshra.s32 v56, $0x2  }
0x115: {  	v61 =	vld [tilespmem:$0x3E0];
	[tilespmem:$0xB0] =	vst v2;
	v2 =	vshra.s32 v57, $0x2  }
0x116: {  	v62 =	vld [tilespmem:$0x5E0];
	[tilespmem:$0x1B0] =	vst v2;
	v2 =	vshra.s32 v58, $0x2  }
0x117: {  	v63 =	vld [tilespmem:$0x3F0];
	[tilespmem:$0xC0] =	vst v2;
	v2 =	vshra.s32 v59, $0x2  }
0x118: {  	[tilespmem:$0x1C0] =	vst v2;
	v2 =	vshra.s32 v3, $0x2;
	v3 =	vld [tilespmem:$0x5F0]  }
0x119: {  	[tilespmem:$0xD0] =	vst v2;
	v2 =	vshra.s32 v60, $0x2  }
0x11a: {  	[tilespmem:$0x1D0] =	vst v2;
	v2 =	vshra.s32 v61, $0x2  }
0x11b: {  	[tilespmem:$0xE0] =	vst v2;
	v2 =	vshra.s32 v62, $0x2  }
0x11c: {  	[tilespmem:$0x1E0] =	vst v2;
	v2 =	vshra.s32 v63, $0x2  }
0x11d: {  	[tilespmem:$0xF0] =	vst v2;
	v2 =	vshra.s32 v3, $0x2  }
0x11e: {  	s8 =	simm.s32 $0x0;
	[tilespmem:$0x1F0] =	vst v2  }
0x11f: {  	[tilespmem:s22], [sflag:$0x1] =	stream.indirect.gather [hbm4b:s3+s2], $0x80, s8, s2, $0xb8;
	[tilespmem:$0x11100] =	vst v63  }
0x120: {  	_ = 	snop  }
0x121: {  	[tilespmem:s24], [sflag:$0x1] =	stream.indirect.gather [hbm4b:s4+s2], $0x80, s23, s2, $0xb8;
	[tilespmem:$0x11100] =	vst v63  }
0x122: {  	_ = 	snop  }
0x123: {  	[tilespmem:s25], [sflag:$0x1] =	stream.indirect.gather [hbm4b:s3+s2], $0x80, s2, s2, $0xb8;
	[tilespmem:$0x11100] =	vst v63  }
0x124: {  	_ = 	snop  }
0x125: {  	[tilespmem:s28], [sflag:$0x1] =	stream.indirect.gather [hbm4b:s4+s2], $0x80, s26, s2, $0xb8;
	[tilespmem:$0x11100] =	vst v63  }
0x126: {  	_ =	swait.ge [sflag:s5], $0x4000  }
0x127: {  	[sflag:s5] =	ssyncset.done $0x0  }
0x128: {  	[sflag:s5] =	ssyncadd.s32 $0xFFFFC000  }
0x129: {  	_ =	swait.ge [sflag:s5], $0x4000  }
0x12a: {  	[sflag:s5] =	ssyncset.done $0x0  }
0x12b: {  	[sflag:s5] =	ssyncadd.s32 $0xFFFFC000  }
0x12c: {  	_ =	swait.ge [sflag:s5], $0x4000  }
0x12d: {  	[sflag:s5] =	ssyncset.done $0x0  }
0x12e: {  	[sflag:s5] =	ssyncadd.s32 $0xFFFFC000  }
0x12f: {  	_ =	swait.ge [sflag:s5], $0x4000  }
0x130: {  	[sflag:s5] =	ssyncset.done $0x0  }
0x131: {  	[sflag:s5] =	ssyncadd.s32 $0xFFFFC000  }
.LBB2_4:
0x132: {  	s9 =	sadd.s32 $0x100, s8  }
0x133: {  	v2 =	vor.u32 s9, v0;
	_ =	sdelay $0x4  }
0x134: {  	v3 =	vld.idx.msk [tilespmem:v2+s19+$0x0], $0xffff  }
0x135: {  	v4 =	vld.idx.msk [tilespmem:v2+s21+$0x0], $0xffff;
	_ =	sdelay $0x2  }
0x136: {  	v5 =	vmov s8;
	v6 =	vld.idx.msk [tilespmem:v2+s29+$0x0], $0xffff  }
0x137: {  	v5 =	vshll.u32 v5, $0x7;
	v3 =	vshll.u32 v3, $0x5  }
0x138: {  	v5 =	vor.u32 v1, v5;
	v4 =	vshll.u32 v4, $0x5;
	v3 =	vand.u32 $0x60, v3  }
0x139: {  	v4 =	vand.u32 $0x60, v4;
	v3 =	vor.u32 v5, v3  }
0x13a: {  	v5 =	vor.u32 v5, v4  }
0x13b: {  	v4 =	vshll.u32 v6, $0x5  }
0x13c: {  	v55 =	vor.u32 $0x1, v3  }
0x13d: {  	v7 =	vor.u32 $0x1, v5  }
0x13e: {  	v9 =	vor.u32 $0x1, v4;
	v8 =	vld.idx.msk [tilespmem:v3+s22+$0x0], $0xffff  }
0x13f: {  	v11 =	vor.u32 $0x2, v3;
	v10 =	vld.idx.msk [tilespmem:v5+s24+$0x0], $0xffff  }
0x140: {  	v13 =	vor.u32 $0x2, v5;
	v12 =	vld.idx.msk [tilespmem:v4+s30+$0x0], $0xffff  }
0x141: {  	v14 =	vor.u32 $0x2, v4;
	v6 =	vld.idx.msk [tilespmem:v55+s22+$0x0], $0xffff  }
0x142: {  	v15 =	vor.u32 $0x3, v3;
	v7 =	vld.idx.msk [tilespmem:v7+s24+$0x0], $0xffff  }
0x143: {  	v16 =	vor.u32 $0x3, v5;
	v9 =	vld.idx.msk [tilespmem:v9+s30+$0x0], $0xffff  }
0x144: {  	v17 =	vor.u32 $0x3, v4;
	v11 =	vld.idx.msk [tilespmem:v11+s22+$0x0], $0xffff  }
0x145: {  	v18 =	vor.u32 $0x4, v3;
	v13 =	vld.idx.msk [tilespmem:v13+s24+$0x0], $0xffff  }
0x146: {  	v19 =	vor.u32 $0x4, v5;
	v14 =	vld.idx.msk [tilespmem:v14+s30+$0x0], $0xffff  }
0x147: {  	v20 =	vor.u32 $0x4, v4;
	v15 =	vld.idx.msk [tilespmem:v15+s22+$0x0], $0xffff  }
0x148: {  	v21 =	vor.u32 $0x5, v3;
	v16 =	vld.idx.msk [tilespmem:v16+s24+$0x0], $0xffff  }
0x149: {  	v22 =	vor.u32 $0x5, v5;
	v17 =	vld.idx.msk [tilespmem:v17+s30+$0x0], $0xffff  }
0x14a: {  	v23 =	vor.u32 $0x5, v4;
	v18 =	vld.idx.msk [tilespmem:v18+s22+$0x0], $0xffff  }
0x14b: {  	v24 =	vor.u32 $0x6, v3;
	v19 =	vld.idx.msk [tilespmem:v19+s24+$0x0], $0xffff  }
0x14c: {  	v25 =	vor.u32 $0x6, v5;
	v20 =	vld.idx.msk [tilespmem:v20+s30+$0x0], $0xffff  }
0x14d: {  	v26 =	vor.u32 $0x6, v4;
	v21 =	vld.idx.msk [tilespmem:v21+s22+$0x0], $0xffff  }
0x14e: {  	v27 =	vor.u32 $0x7, v3;
	v22 =	vld.idx.msk [tilespmem:v22+s24+$0x0], $0xffff  }
0x14f: {  	v28 =	vor.u32 $0x7, v5;
	v23 =	vld.idx.msk [tilespmem:v23+s30+$0x0], $0xffff  }
0x150: {  	v29 =	vor.u32 $0x7, v4;
	v24 =	vld.idx.msk [tilespmem:v24+s22+$0x0], $0xffff  }
0x151: {  	v30 =	vor.u32 $0x8, v3;
	v25 =	vld.idx.msk [tilespmem:v25+s24+$0x0], $0xffff  }
0x152: {  	v32 =	vor.u32 $0x8, v4;
	v26 =	vld.idx.msk [tilespmem:v26+s30+$0x0], $0xffff  }
0x153: {  	v60 =	vor.u32 $0xB, v4;
	v27 =	vld.idx.msk [tilespmem:v27+s22+$0x0], $0xffff  }
0x154: {  	v34 =	vor.u32 $0x9, v5;
	v28 =	vld.idx.msk [tilespmem:v28+s24+$0x0], $0xffff  }
0x155: {  	v40 =	vor.u32 $0xC, v4;
	v29 =	vld.idx.msk [tilespmem:v29+s30+$0x0], $0xffff  }
0x156: {  	v45 =	vor.u32 $0xD, v4;
	v30 =	vld.idx.msk [tilespmem:v30+s22+$0x0], $0xffff  }
0x157: {  	v56 =	vor.u32 $0xA, v3;
	v32 =	vld.idx.msk [tilespmem:v32+s30+$0x0], $0xffff  }
0x158: {  	v43 =	vld.idx.msk [tilespmem:v60+s30+$0x0], $0xffff;
	v60 =	vor.u32 $0x10, v3  }
0x159: {  	v31 =	vor.u32 $0x8, v5;
	v34 =	vld.idx.msk [tilespmem:v34+s24+$0x0], $0xffff  }
0x15a: {  	v36 =	vor.u32 $0xA, v5;
	v49 =	vld.idx.msk [tilespmem:v40+s30+$0x0], $0xffff  }
0x15b: {  	v55 =	vld.idx.msk [tilespmem:v45+s30+$0x0], $0xffff;
	v40 =	vor.u32 $0x11, v4  }
0x15c: {  	v33 =	vor.u32 $0x9, v3;
	v12 =	vadd.f32 v12, v10;
	v59 =	vadd.f32 v17, v16;
	v17 =	vld.idx.msk [tilespmem:v56+s22+$0x0], $0xffff  }
0x15d: {  	v57 =	vor.u32 $0xA, v4;
	v10 =	vadd.f32 $0.0e+00, v10;
	v39 =	vld.idx.msk [tilespmem:v60+s22+$0x0], $0xffff  }
0x15e: {  	v37 =	vor.u32 $0xB, v3;
	v8 =	vmul.f32 v12, v8;
	v12 =	vld.idx.msk [tilespmem:v31+s24+$0x0], $0xffff  }
0x15f: {  	v63 =	vor.u32 $0xC, v5;
	v9 =	vadd.f32 v9, v7;
	v7 =	vadd.f32 v7, v10;
	v10 =	vld.idx.msk [tilespmem:v36+s24+$0x0], $0xffff  }
0x160: {  	v44 =	vor.u32 $0xD, v5;
	v14 =	vadd.f32 v14, v13;
	v31 =	vld.idx.msk [tilespmem:v40+s30+$0x0], $0xffff  }
0x161: {  	v47 =	vor.u32 $0xE, v3;
	v6 =	vmul.f32 v9, v6;
	v9 =	vld.idx.msk [tilespmem:v33+s22+$0x0], $0xffff  }
0x162: {  	v54 =	vor.u32 $0xF, v3;
	v11 =	vmul.f32 v14, v11;
	v14 =	vld.idx.msk [tilespmem:v57+s30+$0x0], $0xffff  }
0x163: {  	v41 =	vor.u32 $0xD, v3;
	v48 =	vadd.f32 v26, v25;
	v33 =	vld.idx.msk [tilespmem:v37+s22+$0x0], $0xffff  }
0x164: {  	v35 =	vor.u32 $0x9, v4;
	v20 =	vadd.f32 v20, v19;
	v62 =	vmul.f32 v59, v15;
	v15 =	vld.idx.msk [tilespmem:v63+s24+$0x0], $0xffff  }
0x165: {  	v61 =	vor.u32 $0xC, v3;
	v53 =	vadd.f32 v29, v28;
	v52 =	vmul.f32 v48, v24;
	v24 =	vld.idx.msk [tilespmem:v44+s24+$0x0], $0xffff  }
0x166: {  	v50 =	vor.u32 $0xE, v5;
	v18 =	vmul.f32 v20, v18;
	v20 =	vld.idx.msk [tilespmem:v47+s22+$0x0], $0xffff  }
0x167: {  	v36 =	vor.u32 $0x11, v3;
	v57 =	vmul.f32 v53, v27;
	v27 =	vld.idx.msk [tilespmem:v54+s22+$0x0], $0xffff;
	v8 =	vadd.f32 $0.0e+00, v8  }
0x168: {  	v58 =	vor.u32 $0xB, v5;
	v7 =	vadd.f32 v13, v7;
	v13 =	vld.idx.msk [tilespmem:v41+s22+$0x0], $0xffff  }
0x169: {  	v41 =	vor.u32 $0x12, v3;
	v6 =	vadd.f32 v6, v8;
	v8 =	vld.idx.msk [tilespmem:v35+s30+$0x0], $0xffff  }
0x16a: {  	v38 =	vor.u32 $0x11, v5;
	v42 =	vadd.f32 v23, v22;
	v7 =	vadd.f32 v16, v7;
	v16 =	vld.idx.msk [tilespmem:v61+s22+$0x0], $0xffff  }
0x16b: {  	v44 =	vor.u32 $0x12, v5;
	v59 =	vadd.f32 v32, v12;
	v32 =	vld.idx.msk [tilespmem:v50+s24+$0x0], $0xffff;
	v6 =	vadd.f32 v11, v6  }
0x16c: {  	v51 =	vor.u32 $0xE, v4;
	v46 =	vmul.f32 v42, v21;
	v45 =	vld.idx.msk [tilespmem:v36+s22+$0x0], $0xffff;
	v7 =	vadd.f32 v19, v7  }
0x16d: {  	v11 =	vld.idx.msk [tilespmem:v58+s24+$0x0], $0xffff;
	v58 =	vor.u32 $0xF, v4;
	v14 =	vadd.f32 v14, v10;
	v6 =	vadd.f32 v62, v6  }
0x16e: {  	v63 =	vor.u32 $0x10, v4;
	v26 =	vadd.f32 v49, v15;
	v49 =	vor.u32 $0x13, v5;
	v50 =	vld.idx.msk [tilespmem:v41+s22+$0x0], $0xffff  }
0x16f: {  	v7 =	vadd.f32 v22, v7;
	v14 =	vmul.f32 v14, v17;
	v17 =	vld.idx.msk [tilespmem:v38+s24+$0x0], $0xffff;
	v6 =	vadd.f32 v18, v6  }
0x170: {  	v56 =	vor.u32 $0xF, v5;
	v62 =	vmul.f32 v59, v30;
	v22 =	vld.idx.msk [tilespmem:v44+s24+$0x0], $0xffff  }
0x171: {  	v59 =	vor.u32 $0x15, v3;
	v7 =	vadd.f32 v25, v7;
	v18 =	vld.idx.msk [tilespmem:v51+s30+$0x0], $0xffff;
	v6 =	vadd.f32 v46, v6  }
0x172: {  	v35 =	vor.u32 $0x16, v5;
	v37 =	vld.idx.msk [tilespmem:v58+s30+$0x0], $0xffff;
	v42 =	vadd.f32 v43, v11  }
0x173: {  	v51 =	vor.u32 $0x13, v4;
	v43 =	vld.idx.msk [tilespmem:v63+s30+$0x0], $0xffff;
	v7 =	vadd.f32 v28, v7;
	v6 =	vadd.f32 v52, v6  }
0x174: {  	v48 =	vor.u32 $0x13, v3;
	v8 =	vadd.f32 v8, v34;
	v21 =	vld.idx.msk [tilespmem:v49+s24+$0x0], $0xffff  }
0x175: {  	v58 =	vor.u32 $0x14, v4;
	v28 =	vld.idx.msk [tilespmem:v56+s24+$0x0], $0xffff;
	v7 =	vadd.f32 v12, v7;
	v6 =	vadd.f32 v57, v6  }
0x176: {  	v8 =	vmul.f32 v8, v9;
	v46 =	vor.u32 $0x12, v4;
	v56 =	vor.u32 $0x14, v5;
	v36 =	vld.idx.msk [tilespmem:v59+s22+$0x0], $0xffff  }
0x177: {  	v52 =	vmul.f32 v26, v16;
	v16 =	vld.idx.msk [tilespmem:v35+s24+$0x0], $0xffff;
	v7 =	vadd.f32 v34, v7;
	v6 =	vadd.f32 v62, v6  }
0x178: {  	v60 =	vor.u32 $0x15, v5;
	v40 =	vor.u32 $0x17, v5;
	v61 =	vor.u32 $0x10, v5;
	v12 =	vld.idx.msk [tilespmem:v51+s30+$0x0], $0xffff  }
0x179: {  	v54 =	vor.u32 $0x14, v3;
	v57 =	vld.idx.msk [tilespmem:v48+s22+$0x0], $0xffff;
	v7 =	vadd.f32 v10, v7;
	v6 =	vadd.f32 v8, v6  }
0x17a: {  	v53 =	vadd.f32 v55, v24;
	v41 =	vor.u32 $0x17, v4;
	v63 =	vor.u32 $0x15, v4;
	v34 =	vld.idx.msk [tilespmem:v58+s30+$0x0], $0xffff  }
0x17b: {  	v47 =	vmul.f32 v42, v33;
	v55 =	vld.idx.msk [tilespmem:v46+s30+$0x0], $0xffff;
	v7 =	vadd.f32 v11, v7;
	v6 =	vadd.f32 v14, v6  }
0x17c: {  	v13 =	vmul.f32 v53, v13;
	v9 =	vadd.f32 v37, v28;
	v23 =	vld.idx.msk [tilespmem:v56+s24+$0x0], $0xffff;
	v37 =	vor.u32 $0x16, v4  }
0x17d: {  	v44 =	vor.u32 $0x18, v5;
	v8 =	vld.idx.msk [tilespmem:v61+s24+$0x0], $0xffff;
	v7 =	vadd.f32 v15, v7;
	v6 =	vadd.f32 v47, v6  }
0x17e: {  	v38 =	vor.u32 $0x17, v3;
	v18 =	vadd.f32 v18, v32;
	v48 =	vld.idx.msk [tilespmem:v40+s24+$0x0], $0xffff;
	v56 =	vor.u32 $0x1A, v3  }
0x17f: {  	v62 =	vld.idx.msk [tilespmem:v54+s22+$0x0], $0xffff;
	v54 =	vor.u32 $0x19, v4;
	v7 =	vadd.f32 v24, v7;
	v6 =	vadd.f32 v52, v6  }
0x180: {  	v33 =	vor.u32 $0x16, v3;
	v61 =	vmul.f32 v18, v20;
	v20 =	vld.idx.msk [tilespmem:v63+s30+$0x0], $0xffff;
	v11 =	vadd.f32 v55, v22  }
0x181: {  	v9 =	vmul.f32 v9, v27;
	v27 =	vld.idx.msk [tilespmem:v37+s30+$0x0], $0xffff;
	v7 =	vadd.f32 v32, v7;
	v6 =	vadd.f32 v13, v6  }
0x182: {  	v58 =	vor.u32 $0x1A, v5;
	v15 =	vadd.f32 v34, v23;
	v55 =	vld.idx.msk [tilespmem:v44+s24+$0x0], $0xffff;
	v19 =	vadd.f32 v43, v8  }
0x183: {  	v46 =	vor.u32 $0x18, v4;
	v34 =	vld.idx.msk [tilespmem:v56+s22+$0x0], $0xffff;
	v7 =	vadd.f32 v28, v7;
	v6 =	vadd.f32 v61, v6  }
0x184: {  	v14 =	vld.idx.msk [tilespmem:v54+s30+$0x0], $0xffff;
	v47 =	vadd.f32 v12, v21;
	v19 =	vmul.f32 v19, v39;
	v39 =	vadd.f32 v31, v17  }
0x185: {  	v24 =	vld.idx.msk [tilespmem:v33+s22+$0x0], $0xffff;
	v10 =	vmul.f32 v11, v50;
	v7 =	vadd.f32 v8, v7;
	v6 =	vadd.f32 v9, v6  }
0x186: {  	v50 =	vld.idx.msk [tilespmem:v41+s30+$0x0], $0xffff;
	v15 =	vmul.f32 v15, v62;
	v62 =	vor.u32 $0x1B, v3;
	v43 =	vor.u32 $0x18, v3  }
0x187: {  	v42 =	vmul.f32 v39, v45;
	v9 =	vld.idx.msk [tilespmem:v60+s24+$0x0], $0xffff;
	v7 =	vadd.f32 v17, v7;
	v6 =	vadd.f32 v19, v6  }
0x188: {  	v51 =	vor.u32 $0x19, v5;
	v52 =	vmul.f32 v47, v57;
	v57 =	vld.idx.msk [tilespmem:v46+s30+$0x0], $0xffff  }
0x189: {  	v35 =	vor.u32 $0x1B, v4;
	v13 =	vld.idx.msk [tilespmem:v58+s24+$0x0], $0xffff;
	v7 =	vadd.f32 v22, v7;
	v6 =	vadd.f32 v42, v6  }
0x18a: {  	v49 =	vor.u32 $0x19, v3;
	v32 =	vor.u32 $0x1B, v5;
	v45 =	vld.idx.msk [tilespmem:v38+s22+$0x0], $0xffff  }
0x18b: {  	v40 =	vor.u32 $0x1C, v4;
	v39 =	vld.idx.msk [tilespmem:v62+s22+$0x0], $0xffff;
	v7 =	vadd.f32 v21, v7;
	v6 =	vadd.f32 v10, v6  }
0x18c: {  	v46 =	vor.u32 $0x1D, v4;
	v53 =	vld.idx.msk [tilespmem:v43+s22+$0x0], $0xffff;
	v60 =	vor.u32 $0x1A, v4;
	v59 =	vadd.f32 v20, v9  }
0x18d: {  	v38 =	vor.u32 $0x1C, v5;
	v61 =	vld.idx.msk [tilespmem:v51+s24+$0x0], $0xffff;
	v7 =	vadd.f32 v23, v7;
	v6 =	vadd.f32 v52, v6  }
0x18e: {  	v33 =	vadd.f32 v27, v16;
	v43 =	vld.idx.msk [tilespmem:v35+s30+$0x0], $0xffff;
	v51 =	vor.u32 $0x1E, v4;
	v4 =	vor.u32 $0x1F, v4  }
0x18f: {  	v41 =	vld.idx.msk [tilespmem:v32+s24+$0x0], $0xffff;
	v63 =	vmul.f32 v59, v36;
	v7 =	vadd.f32 v9, v7;
	v6 =	vadd.f32 v15, v6  }
0x190: {  	v44 =	vor.u32 $0x1D, v5;
	v17 =	vadd.f32 v50, v48;
	v19 =	vld.idx.msk [tilespmem:v49+s22+$0x0], $0xffff  }
0x191: {  	v37 =	vmul.f32 v33, v24;
	v20 =	vld.idx.msk [tilespmem:v60+s30+$0x0], $0xffff;
	v7 =	vadd.f32 v16, v7;
	v6 =	vadd.f32 v63, v6  }
0x192: {  	v8 =	vmul.f32 v17, v45;
	v47 =	vld.idx.msk [tilespmem:v38+s24+$0x0], $0xffff;
	v10 =	vadd.f32 v57, v55  }
0x193: {  	v22 =	vld.idx.msk [tilespmem:v40+s30+$0x0], $0xffff;
	v36 =	vor.u32 $0x1C, v3;
	v7 =	vadd.f32 v48, v7;
	v6 =	vadd.f32 v37, v6  }
0x194: {  	v49 =	vor.u32 $0x1E, v5;
	v14 =	vadd.f32 v14, v61;
	v42 =	vor.u32 $0x1D, v3;
	v4 =	vld.idx.msk [tilespmem:v4+s30+$0x0], $0xffff  }
0x195: {  	v57 =	vld.idx.msk [tilespmem:v51+s30+$0x0], $0xffff;
	v10 =	vmul.f32 v10, v53;
	v7 =	vadd.f32 v55, v7;
	v6 =	vadd.f32 v8, v6  }
0x196: {  	v5 =	vor.u32 $0x1F, v5;
	v14 =	vmul.f32 v14, v19;
	v53 =	vld.idx.msk [tilespmem:v44+s24+$0x0], $0xffff;
	v52 =	vadd.f32 v20, v13  }
0x197: {  	v15 =	vld.idx.msk [tilespmem:v46+s30+$0x0], $0xffff;
	v48 =	vor.u32 $0x1E, v3;
	v7 =	vadd.f32 v61, v7;
	v6 =	vadd.f32 v10, v6  }
0x198: {  	v16 =	vadd.f32 v43, v41;
	v45 =	vld.idx.msk [tilespmem:v36+s22+$0x0], $0xffff;
	v54 =	vmul.f32 v52, v34  }
0x199: {  	v3 =	vor.u32 $0x1F, v3;
	v55 =	vld.idx.msk [tilespmem:v49+s24+$0x0], $0xffff;
	v7 =	vadd.f32 v13, v7;
	v6 =	vadd.f32 v14, v6  }
0x19a: {  	v56 =	vadd.f32 v22, v47;
	v50 =	vld.idx.msk [tilespmem:v42+s22+$0x0], $0xffff  }
0x19b: {  	v5 =	vld.idx.msk [tilespmem:v5+s24+$0x0], $0xffff;
	v9 =	vmul.f32 v16, v39;
	v7 =	vadd.f32 v41, v7;
	v6 =	vadd.f32 v54, v6  }
0x19c: {  	v58 =	vadd.f32 v15, v53;
	v12 =	vld.idx.msk [tilespmem:v48+s22+$0x0], $0xffff  }
0x19d: {  	v8 =	vmul.f32 v56, v45;
	v7 =	vadd.f32 v47, v7;
	v6 =	vadd.f32 v9, v6  }
0x19e: {  	v3 =	vld.idx.msk [tilespmem:v3+s22+$0x0], $0xffff;
	v60 =	vadd.f32 v57, v55  }
0x19f: {  	v59 =	vmul.f32 v58, v50;
	v7 =	vadd.f32 v53, v7;
	v6 =	vadd.f32 v8, v6  }
0x1a0: {  	v4 =	vadd.f32 v4, v5;
	v61 =	vld.idx.msk [tilespmem:v2+s0+$0x0], $0xffff  }
0x1a1: {  	v9 =	vmul.f32 v60, v12;
	v7 =	vadd.f32 v55, v7;
	v6 =	vadd.f32 v59, v6;
	_ =	sdelay $0x1  }
0x1a2: {  	v3 =	vmul.f32 v4, v3;
	v62 =	vadd.f32 v5, v7;
	v6 =	vadd.f32 v9, v6  }
0x1a3: {  	v63 =	vld.idx.msk [tilespmem:v2+s31+$0x0], $0xffff  }
0x1a4: {  	v4 =	vmul.f32 v61, v62;
	v3 =	vadd.f32 v3, v6  }
0x1a5: {  	p0 =	sne.s32 s8, $0xF0  }
.Ltmp1:
0x1a6: {  	v3 =	vadd.f32 v3, v4;
	(pc) =	sbr.rel @p0 .LBB2_4-.Ltmp1, $3  }
0x1a7: {  	_ = 	snop  }
0x1a8: {  	v3 =	vadd.f32 v3, v63;
	_ =	sdelay $0x1  }
0x1a9: {  	s8 =	sadd.s32 $0x10, s8;
	[tilespmem:v2+s6+$0x0] =	vst.idx.msk $0xffff, v3  }
0x1aa: {  	s7 =	sadd.s32 $0x1, s7  }
0x1ab: {  	p0 =	sne.s32 s7, s18  }
.Ltmp2:
0x1ac: {  	_ = 	snop;
	(pc) =	sbr.rel @p0 .LBB2_1-.Ltmp2, $4  }
0x1ad: {  	[hbm4b:s17+s1] =	stream.linear.scatter [tilespmem:s6], [sflag:$0x2], $0x200, $0x38;
	[tilespmem:$0x11100] =	vst v63  }
0x1ae: {  	_ =	swait.ge [sflag:s20], $0x200  }
0x1af: {  	[sflag:s20] =	ssyncset.done $0x0  }
0x1b0: {  	[sflag:s20] =	ssyncadd.s32 $0xFFFFFE00  }
0x1b1: {  	_ =	sfence.sel $0x180000  }
0x1b2: {  	[bflag:$0x0] =	sbarrier.arrive $0xFFFF  }
0x1b3: {  	_ =	strace $0x9000004A  }
0x1b4: {  	s0 =	stileid.u32;
	[bflag:$0x2] =	sbarrier.arrive $0xFFFF  }
0x1b5: {  	p0 =	sne.s32 s0, $0x0;
	s0 =	rddreg [dreg:$0x5]  }
0x1b6: {  	s0 =	sadd.s32 @!p0 $0x100000, s0  }
0x1b7: {  	[sflag:s0] =	ssyncadd.tile.s32 @!p0 $0x1;
	_ =	shalt  }
.Lfunc_end2:
_tile_overlayer_lowered:
.L_overlay_start_2:
0x1b8: {  	(tag) =	ssettag $0x2  }
0x1b9: {  	s0 =	rddreg [dreg:$0x0];
	s2 =	stileid.u32  }
0x1ba: {  	s1 =	rddreg [dreg:$0x1];
	p0 =	sne.s32 s2, $0x0  }
0x1bb: {  	s3 =	rddreg [dreg:$0x2];
	[bflag:$0x3] =	sbarrier.arrive $0xFFFF;
	s2 =	simm.s32 @!p0 $0x1C02  }
0x1bc: {  	[timem:s3], [sflag:s2] =	dma.local @!p0 [hbm:s0], s1  }
0x1bd: {  	s0 =	simm.s32 @!p0 $0x2  }
0x1be: {  	_ =	swait.ge @!p0 [sflag:s0], s1  }
0x1bf: {  	s1 =	ssub.s32 @!p0 $0x0, s1;
	[sflag:s0] =	ssyncset.done @!p0 $0x0  }
0x1c0: {  	[sflag:s0] =	ssyncadd.s32 @!p0 s1  }
0x1c1: {  	[bflag:$0x3] =	sbarrier.arrive $0xFFFF  }
0x1c2: {  	_ =	shalt  }

</sc_bundles>
